<compile_context>
chip_gen: v7x
topology: tpu7x:2x2x1
jax: 0.10.2.dev20260603
libtpu: 0.0.44.dev20260713+nightly
codegen_flags: <defaults>
</compile_context>

<pallas_src>
import functools

import jax
import jax.numpy as jnp
from jax import lax
from jax.experimental import pallas as pl
from jax.experimental.pallas import tpu as pltpu
from jax.experimental.pallas import tpu_sc as plsc

N = 10000
NPAD = 10240
E = 320000
IN_DIM = 128
HID = 256
LAT = 64

CHUNK = 128
NW = 32
NSUP = -(-E // (CHUNK * NW))
NSUP += NSUP % 2
E_PAD = NSUP * CHUNK * NW
RPS = NPAD // 16

_BLK = 1000

_mesh = plsc.VectorSubcoreMesh(core_axis_name="c", subcore_axis_name="s")



@functools.partial(
    pl.kernel,
    out_type=jax.ShapeDtypeStruct((2, NPAD), jnp.float32),
    mesh=_mesh,
    scratch_types=[
        pltpu.VMEM((NSUP, CHUNK), jnp.int32),
        pltpu.VMEM((CHUNK,), jnp.float32),
        pltpu.VMEM_SHARED((NPAD,), jnp.float32),
        pltpu.SemaphoreType.DMA,
    ],
)
def _deg_kernel(dst_hbm, zer_hbm, out_hbm, idx_d, ones_v, acc, sem):
    c = lax.axis_index("c")
    s = lax.axis_index("s")
    w = s * 2 + c
    for k in range(CHUNK // 16):
        ones_v[pl.ds(k * 16, 16)] = jnp.ones((16,), jnp.float32)
    pltpu.sync_copy(dst_hbm.at[pl.ds(w * NSUP, NSUP)], idx_d)
    pltpu.sync_copy(zer_hbm.at[pl.ds(s * RPS, RPS)], acc.at[pl.ds(s * RPS, RPS)])
    plsc.subcore_barrier()

    def body(i, carry):
        pltpu.async_copy(ones_v, acc.at[idx_d.at[i]], sem, add=True)

        @pl.when(i >= 8)
        def _():
            pltpu.make_async_copy(ones_v, acc.at[idx_d.at[i]], sem).wait()

        return carry

    lax.fori_loop(0, NSUP, body, 0)
    for _ in range(8):
        pltpu.make_async_copy(ones_v, acc.at[idx_d.at[0]], sem).wait()
    plsc.subcore_barrier()
    pltpu.sync_copy(acc.at[pl.ds(s * RPS, RPS)], out_hbm.at[c, pl.ds(s * RPS, RPS)])


@functools.partial(
    pl.kernel,
    out_type=jax.ShapeDtypeStruct((2, NPAD, IN_DIM), jnp.float32),
    mesh=_mesh,
    scratch_types=[
        pltpu.VMEM((NSUP, CHUNK), jnp.int32),
        pltpu.VMEM((2, 8, CHUNK), jnp.int32),
        pltpu.VMEM((2, CHUNK, IN_DIM), jnp.float32),
        pltpu.VMEM_SHARED((NPAD, IN_DIM), jnp.float32),
        pltpu.SemaphoreType.DMA,
        pltpu.SemaphoreType.DMA,
        pltpu.SemaphoreType.DMA,
        pltpu.SemaphoreType.DMA,
    ],
)
def _agg_kernel(feat_hbm, src_hbm, dst_hbm, zer_hbm, out_hbm,
                idx_s, idx_d, rows, acc, g0, g1, s0, s1):
    c = lax.axis_index("c")
    ss = lax.axis_index("s")
    w = ss * 2 + c
    gsem = (g0, g1)
    ssem = (s0, s1)
    base = w * NSUP

    pltpu.sync_copy(src_hbm.at[pl.ds(base, NSUP)], idx_s)
    pltpu.sync_copy(dst_hbm.at[pl.ds(base, 8)], idx_d.at[0])
    pltpu.sync_copy(zer_hbm.at[pl.ds(ss * RPS, RPS)], acc.at[pl.ds(ss * RPS, RPS)])
    plsc.subcore_barrier()

    pltpu.async_copy(feat_hbm.at[idx_s.at[0]], rows.at[0], g0)

    def body(i, carry):
        for kk in range(16):
            k = i * 16 + kk
            sl = kk % 2
            osl = (kk + 1) % 2
            p = kk // 8

            @pl.when(k >= 1)
            def _():
                pltpu.make_async_copy(rows.at[osl], acc.at[idx_d.at[p, 0]],
                                      ssem[osl]).wait()

            @pl.when(k + 1 <= NSUP - 1)
            def _():
                pltpu.async_copy(feat_hbm.at[idx_s.at[k + 1]],
                                 rows.at[osl], gsem[osl])

            pltpu.make_async_copy(feat_hbm.at[idx_s.at[k]],
                                  rows.at[sl], gsem[sl]).wait()
            pltpu.async_copy(rows.at[sl], acc.at[idx_d.at[p, kk % 8]],
                             ssem[sl], add=True)

            if kk == 0:
                pltpu.sync_copy(dst_hbm.at[pl.ds(base + i * 16 + 8, 8)],
                                idx_d.at[1])
            if kk == 8:
                @pl.when(i < NSUP // 16 - 1)
                def _():
                    pltpu.sync_copy(dst_hbm.at[pl.ds(base + i * 16 + 16, 8)],
                                    idx_d.at[0])
        return carry

    lax.fori_loop(0, NSUP // 16, body, 0)
    pltpu.make_async_copy(rows.at[1], acc.at[idx_d.at[0, 0]], ssem[1]).wait()
    plsc.subcore_barrier()
    pltpu.sync_copy(acc.at[pl.ds(ss * RPS, RPS)],
                    out_hbm.at[c, pl.ds(ss * RPS, RPS)])



def _tc1_body(deg_ref, x_ref, y1_ref):
    dinv = lax.rsqrt(deg_ref[0] + deg_ref[1] + 1.0)
    y1_ref[...] = x_ref[...] * dinv


def _tc2_body(deg_ref, agg_ref, y1_ref, w1_ref, b1_ref, wc_ref, y2_ref):
    dinv = lax.rsqrt(deg_ref[0] + deg_ref[1] + 1.0)
    t = (agg_ref[0] + agg_ref[1] + y1_ref[...]) * dinv
    h = jnp.dot(t, w1_ref[...], preferred_element_type=jnp.float32) + b1_ref[...]
    u = jnp.dot(h, wc_ref[...], preferred_element_type=jnp.float32)
    y2_ref[...] = u * dinv


def _tc3_body(deg_ref, agg_ref, y2_ref, bm_ref, blv_ref, noise_ref,
              z_ref, mean_ref, lv_ref):
    dinv = lax.rsqrt(deg_ref[0] + deg_ref[1] + 1.0)
    v = (agg_ref[0] + agg_ref[1] + y2_ref[...]) * dinv
    mean = v[:, :LAT] + bm_ref[...]
    lv = v[:, LAT:] + blv_ref[...]
    mean_ref[...] = mean
    lv_ref[...] = lv
    z_ref[...] = noise_ref[...] * jnp.exp(0.5 * lv) + mean


def _deg_spec():
    return pl.BlockSpec((2, _BLK, 1), lambda i: (0, i, 0))


def _agg_spec():
    return pl.BlockSpec((2, _BLK, IN_DIM), lambda i: (0, i, 0))


def _row_spec(d):
    return pl.BlockSpec((_BLK, d), lambda i: (i, 0))


def _full_spec(r, c):
    return pl.BlockSpec((r, c), lambda i: (0, 0))



def kernel(x, edge_index, W1, b1, Wm, bm, Wlv, blv):
    src = edge_index[0].astype(jnp.int32)
    dst = edge_index[1].astype(jnp.int32)
    npad_e = E_PAD - E
    pad_src = (jnp.arange(npad_e, dtype=jnp.int32) * 37) % N
    pad_dst = N + (jnp.arange(npad_e, dtype=jnp.int32) % (NPAD - N))
    src2 = jnp.concatenate([src, pad_src]).reshape(E_PAD // CHUNK, CHUNK)
    dst2 = jnp.concatenate([dst, pad_dst]).reshape(E_PAD // CHUNK, CHUNK)

    zer1 = jnp.zeros((NPAD,), jnp.float32)
    zer2 = jnp.zeros((NPAD, IN_DIM), jnp.float32)
    Wcat = jnp.concatenate([Wm, Wlv], axis=1)
    noise = jax.random.normal(jax.random.key(42), (N, LAT), dtype=x.dtype)

    degp = _deg_kernel(dst2, zer1)
    deg3 = degp.reshape(2, NPAD, 1)

    grid = (N // _BLK,)
    y1 = pl.pallas_call(
        _tc1_body,
        grid=grid,
        in_specs=[_deg_spec(), _row_spec(IN_DIM)],
        out_specs=_row_spec(IN_DIM),
        out_shape=jax.ShapeDtypeStruct((N, IN_DIM), jnp.float32),
    )(deg3, x)

    agg1 = _agg_kernel(y1, src2, dst2, zer2)

    y2 = pl.pallas_call(
        _tc2_body,
        grid=grid,
        in_specs=[_deg_spec(), _agg_spec(), _row_spec(IN_DIM),
                  _full_spec(IN_DIM, HID), _full_spec(1, HID),
                  _full_spec(HID, IN_DIM)],
        out_specs=_row_spec(IN_DIM),
        out_shape=jax.ShapeDtypeStruct((N, IN_DIM), jnp.float32),
    )(deg3, agg1, y1, W1, b1.reshape(1, HID), Wcat)

    agg2 = _agg_kernel(y2, src2, dst2, zer2)

    z, mean, lv = pl.pallas_call(
        _tc3_body,
        grid=grid,
        in_specs=[_deg_spec(), _agg_spec(), _row_spec(IN_DIM),
                  _full_spec(1, LAT), _full_spec(1, LAT), _row_spec(LAT)],
        out_specs=[_row_spec(LAT), _row_spec(LAT), _row_spec(LAT)],
        out_shape=[jax.ShapeDtypeStruct((N, LAT), jnp.float32)] * 3,
    )(deg3, agg2, y2, bm.reshape(1, LAT), blv.reshape(1, LAT), noise)

    return (z, mean, lv)

# --- scband reference (transcript-rebuilt; emitter-appended) ---
"""Pipeline reference for scband-separate-hidden-encoder-26800595927059 (READ-ONLY COPY).

The authoritative reference and input builder live on the scoring server;
editing this copy changes nothing except your own understanding.
"""

import jax, jax.numpy as jnp
import numpy as np

N_NODES = 10000
IN_DIM = 128
HID_DIM = 256
LAT_DIM = 64
N_EDGES = 320000


def gcn_conv(x, edge_index, W, b, n_nodes, add_self_loops=True):
    src = edge_index[0]
    dst = edge_index[1]
    if add_self_loops:
        loop = jnp.arange(n_nodes, dtype=edge_index.dtype)
        src = jnp.concatenate([src, loop])
        dst = jnp.concatenate([dst, loop])
    deg = jnp.zeros((n_nodes,), dtype=x.dtype).at[dst].add(1.0)
    deg_inv_sqrt = jnp.where(deg > 0, jax.lax.rsqrt(jnp.maximum(deg, 1e-12)), 0.0)
    norm = deg_inv_sqrt[src] * deg_inv_sqrt[dst]
    h = x @ W
    msg = h[src] * norm[:, None]
    out = jnp.zeros((n_nodes, W.shape[1]), dtype=x.dtype).at[dst].add(msg)
    return out + b


def setup_inputs(seed: int = 0) -> dict:
    key = jax.random.key(seed)
    k_x, k_e, k1, k2, k3 = jax.random.split(key, 5)
    x = jax.random.normal(k_x, (N_NODES, IN_DIM), dtype=jnp.float32)
    edge_index = jax.random.randint(k_e, (2, N_EDGES), 0, N_NODES, dtype=jnp.int64)
    W1 = jax.random.normal(k1, (IN_DIM, HID_DIM), dtype=jnp.float32) * (1.0 / np.sqrt(IN_DIM))
    b1 = jnp.zeros((HID_DIM,), dtype=jnp.float32)
    Wm = jax.random.normal(k2, (HID_DIM, LAT_DIM), dtype=jnp.float32) * (1.0 / np.sqrt(HID_DIM))
    bm = jnp.zeros((LAT_DIM,), dtype=jnp.float32)
    Wlv = jax.random.normal(k3, (HID_DIM, LAT_DIM), dtype=jnp.float32) * (1.0 / np.sqrt(HID_DIM))
    blv = jnp.zeros((LAT_DIM,), dtype=jnp.float32)
    return {"x": x, "edge_index": edge_index, "W1": W1, "b1": b1, "Wm": Wm, "bm": bm, "Wlv": Wlv, "blv": blv}


def reference(x, edge_index, W1, b1, Wm, bm, Wlv, blv):
    n = x.shape[0]
    h = gcn_conv(x, edge_index, W1, b1, n, add_self_loops=True)
    mean = gcn_conv(h, edge_index, Wm, bm, n, add_self_loops=True)
    logvar = gcn_conv(h, edge_index, Wlv, blv, n, add_self_loops=True)
    noise = jax.random.normal(jax.random.key(42), (n, logvar.shape[1]), dtype=x.dtype)
    z = noise * jnp.exp(0.5 * logvar) + mean
    return (z, mean, logvar)

if __name__ == "__main__":
    import jax
    _d = setup_inputs()
    print(jax.jit(kernel)(*tuple(_d.values())))

</pallas_src>

<mosaic_0001>
#map = affine_map<(d0, d1) -> (0, 0)>
#map1 = affine_map<(d0, d1) -> (0, 0, 0)>
module attributes {stable_mosaic.version = 14 : i64} {
  func.func @_agg_kernel(%arg0: i32, %arg1: i32, %arg2: memref<10000x128xf32, #tpu.memory_space<hbm>>, %arg3: memref<2560x128xi32, #tpu.memory_space<hbm>>, %arg4: memref<2560x128xi32, #tpu.memory_space<hbm>>, %arg5: memref<10240x128xf32, #tpu.memory_space<hbm>>, %arg6: memref<2x10240x128xf32, #tpu.memory_space<hbm>>, %arg7: memref<80x128xi32, #tpu.memory_space<vmem>>, %arg8: memref<2x8x128xi32, #tpu.memory_space<vmem>>, %arg9: memref<2x128x128xf32, #tpu.memory_space<vmem>>, %arg10: memref<10240x128xf32, #tpu.memory_space<vmem_shared>>, %arg11: memref<!tpu.dma_semaphore, #tpu.memory_space<semaphore_mem>>, %arg12: memref<!tpu.dma_semaphore, #tpu.memory_space<semaphore_mem>>, %arg13: memref<!tpu.dma_semaphore, #tpu.memory_space<semaphore_mem>>, %arg14: memref<!tpu.dma_semaphore, #tpu.memory_space<semaphore_mem>>) attributes {dimension_semantics = [#tpu.dimension_semantics<core_parallel>, #tpu.dimension_semantics<subcore_parallel>], iteration_bounds = array<i64: 2, 16>, scalar_prefetch = 0 : i64, scratch_operands = 8 : i64, tpu.core_type = #tpu.core_type<sc_vector_subcore>, window_params = [{transform_indices = #map}, {transform_indices = #map}, {transform_indices = #map}, {transform_indices = #map}, {transform_indices = #map1}]} {
    %mul3A = arith.constant 2 : i32
    %mul3A_0 = arith.muli %arg1, %mul3A : i32
    %add3A = arith.addi %mul3A_0, %arg0 : i32
    %mul3A_1 = arith.constant 80 : i32
    %mul3A_2 = arith.muli %add3A, %mul3A_1 : i32
    "tpu.region"() ({
      %run_scoped3A_40 = tpu.sem_alloc : memref<!tpu.dma_semaphore, #tpu.memory_space<semaphore_mem>>
      %dma_start3A_41 = arith.constant 0 : i32
      %dma_start3A_42 = tpu.memref_slice %arg3[%mul3A_2, %dma_start3A_41] : memref<2560x128xi32, #tpu.memory_space<hbm>> -> memref<80x128xi32, #tpu.memory_space<hbm>>
      %dma_start3A_43 = arith.constant 0 : i32
      %dma_start3A_44 = tpu.memref_slice %arg3[%mul3A_2, %dma_start3A_43] : memref<2560x128xi32, #tpu.memory_space<hbm>> -> memref<80x128xi32, #tpu.memory_space<hbm>>
      tpu.enqueue_dma source(%dma_start3A_44 : memref<80x128xi32, #tpu.memory_space<hbm>>) target(%arg7 : memref<80x128xi32, #tpu.memory_space<vmem>>) target_semaphore(%run_scoped3A_40 : memref<!tpu.dma_semaphore, #tpu.memory_space<semaphore_mem>>)
      %dma_wait3A_45 = arith.constant 0 : i32
      %dma_wait3A_46 = tpu.memref_slice %arg3[%mul3A_2, %dma_wait3A_45] : memref<2560x128xi32, #tpu.memory_space<hbm>> -> memref<80x128xi32, #tpu.memory_space<hbm>>
      %dma_wait3A_47 = arith.constant 0 : i32
      %dma_wait3A_48 = tpu.memref_slice %arg3[%mul3A_2, %dma_wait3A_47] : memref<2560x128xi32, #tpu.memory_space<hbm>> -> memref<80x128xi32, #tpu.memory_space<hbm>>
      tpu.wait_dma2 semaphore(%run_scoped3A_40 : memref<!tpu.dma_semaphore, #tpu.memory_space<semaphore_mem>>) src(%dma_wait3A_48 : memref<80x128xi32, #tpu.memory_space<hbm>>) dst(%arg7 : memref<80x128xi32, #tpu.memory_space<vmem>>)
      tpu.yield
    }) : () -> ()
    %run_scoped3A = arith.constant 0 : i32
    "tpu.region"() ({
      %run_scoped3A_40 = tpu.sem_alloc : memref<!tpu.dma_semaphore, #tpu.memory_space<semaphore_mem>>
      %dma_start3A_41 = arith.constant 0 : i32
      %dma_start3A_42 = arith.constant 0 : i32
      %dma_start3A_43 = tpu.memref_slice %arg8[%run_scoped3A, %dma_start3A_41, %dma_start3A_42] : memref<2x8x128xi32, #tpu.memory_space<vmem>> -> memref<1x8x128xi32, #tpu.memory_space<vmem>>
      %dma_start3A_44 = tpu.memref_squeeze %dma_start3A_43 : memref<1x8x128xi32, #tpu.memory_space<vmem>> -> memref<8x128xi32, #tpu.memory_space<vmem>>
      %dma_start3A_45 = arith.constant 0 : i32
      %dma_start3A_46 = tpu.memref_slice %arg4[%mul3A_2, %dma_start3A_45] : memref<2560x128xi32, #tpu.memory_space<hbm>> -> memref<8x128xi32, #tpu.memory_space<hbm>>
      %dma_start3A_47 = arith.constant 0 : i32
      %dma_start3A_48 = arith.constant 0 : i32
      %dma_start3A_49 = tpu.memref_slice %arg8[%run_scoped3A, %dma_start3A_47, %dma_start3A_48] : memref<2x8x128xi32, #tpu.memory_space<vmem>> -> memref<1x8x128xi32, #tpu.memory_space<vmem>>
      %dma_start3A_50 = tpu.memref_squeeze %dma_start3A_49 : memref<1x8x128xi32, #tpu.memory_space<vmem>> -> memref<8x128xi32, #tpu.memory_space<vmem>>
      %dma_start3A_51 = arith.constant 0 : i32
      %dma_start3A_52 = tpu.memref_slice %arg4[%mul3A_2, %dma_start3A_51] : memref<2560x128xi32, #tpu.memory_space<hbm>> -> memref<8x128xi32, #tpu.memory_space<hbm>>
      tpu.enqueue_dma source(%dma_start3A_52 : memref<8x128xi32, #tpu.memory_space<hbm>>) target(%dma_start3A_50 : memref<8x128xi32, #tpu.memory_space<vmem>>) target_semaphore(%run_scoped3A_40 : memref<!tpu.dma_semaphore, #tpu.memory_space<semaphore_mem>>)
      %dma_wait3A_53 = arith.constant 0 : i32
      %dma_wait3A_54 = arith.constant 0 : i32
      %dma_wait3A_55 = tpu.memref_slice %arg8[%run_scoped3A, %dma_wait3A_53, %dma_wait3A_54] : memref<2x8x128xi32, #tpu.memory_space<vmem>> -> memref<1x8x128xi32, #tpu.memory_space<vmem>>
      %dma_wait3A_56 = tpu.memref_squeeze %dma_wait3A_55 : memref<1x8x128xi32, #tpu.memory_space<vmem>> -> memref<8x128xi32, #tpu.memory_space<vmem>>
      %dma_wait3A_57 = arith.constant 0 : i32
      %dma_wait3A_58 = tpu.memref_slice %arg4[%mul3A_2, %dma_wait3A_57] : memref<2560x128xi32, #tpu.memory_space<hbm>> -> memref<8x128xi32, #tpu.memory_space<hbm>>
      %dma_wait3A_59 = arith.constant 0 : i32
      %dma_wait3A_60 = arith.constant 0 : i32
      %dma_wait3A_61 = tpu.memref_slice %arg8[%run_scoped3A, %dma_wait3A_59, %dma_wait3A_60] : memref<2x8x128xi32, #tpu.memory_space<vmem>> -> memref<1x8x128xi32, #tpu.memory_space<vmem>>
      %dma_wait3A_62 = tpu.memref_squeeze %dma_wait3A_61 : memref<1x8x128xi32, #tpu.memory_space<vmem>> -> memref<8x128xi32, #tpu.memory_space<vmem>>
      %dma_wait3A_63 = arith.constant 0 : i32
      %dma_wait3A_64 = tpu.memref_slice %arg4[%mul3A_2, %dma_wait3A_63] : memref<2560x128xi32, #tpu.memory_space<hbm>> -> memref<8x128xi32, #tpu.memory_space<hbm>>
      tpu.wait_dma2 semaphore(%run_scoped3A_40 : memref<!tpu.dma_semaphore, #tpu.memory_space<semaphore_mem>>) src(%dma_wait3A_64 : memref<8x128xi32, #tpu.memory_space<hbm>>) dst(%dma_wait3A_62 : memref<8x128xi32, #tpu.memory_space<vmem>>)
      tpu.yield
    }) : () -> ()
    %mul3A_3 = arith.constant 640 : i32
    %mul3A_4 = arith.muli %arg1, %mul3A_3 : i32
    %mul3A_5 = arith.constant 640 : i32
    %mul3A_6 = arith.muli %arg1, %mul3A_5 : i32
    "tpu.region"() ({
      %run_scoped3A_40 = tpu.sem_alloc : memref<!tpu.dma_semaphore, #tpu.memory_space<semaphore_mem>>
      %dma_start3A_41 = arith.constant 0 : i32
      %dma_start3A_42 = tpu.memref_slice %arg10[%mul3A_6, %dma_start3A_41] : memref<10240x128xf32, #tpu.memory_space<vmem_shared>> -> memref<640x128xf32, #tpu.memory_space<vmem_shared>>
      %dma_start3A_43 = arith.constant 0 : i32
      %dma_start3A_44 = tpu.memref_slice %arg5[%mul3A_4, %dma_start3A_43] : memref<10240x128xf32, #tpu.memory_space<hbm>> -> memref<640x128xf32, #tpu.memory_space<hbm>>
      tpu.enqueue_dma source(%dma_start3A_44 : memref<640x128xf32, #tpu.memory_space<hbm>>) target(%dma_start3A_42 : memref<640x128xf32, #tpu.memory_space<vmem_shared>>) target_semaphore(%run_scoped3A_40 : memref<!tpu.dma_semaphore, #tpu.memory_space<semaphore_mem>>)
      %dma_wait3A_45 = arith.constant 0 : i32
      %dma_wait3A_46 = tpu.memref_slice %arg10[%mul3A_6, %dma_wait3A_45] : memref<10240x128xf32, #tpu.memory_space<vmem_shared>> -> memref<640x128xf32, #tpu.memory_space<vmem_shared>>
      %dma_wait3A_47 = arith.constant 0 : i32
      %dma_wait3A_48 = tpu.memref_slice %arg5[%mul3A_4, %dma_wait3A_47] : memref<10240x128xf32, #tpu.memory_space<hbm>> -> memref<640x128xf32, #tpu.memory_space<hbm>>
      tpu.wait_dma2 semaphore(%run_scoped3A_40 : memref<!tpu.dma_semaphore, #tpu.memory_space<semaphore_mem>>) src(%dma_wait3A_48 : memref<640x128xf32, #tpu.memory_space<hbm>>) dst(%dma_wait3A_46 : memref<640x128xf32, #tpu.memory_space<vmem_shared>>)
      tpu.yield
    }) : () -> ()
    %barrier3A = arith.constant 0 : index
    tpu.barrier barrier_id(%barrier3A)
    %dma_start3A = arith.constant 0 : i32
    %dma_start3A_7 = arith.constant 0 : i32
    %dma_start3A_8 = arith.constant 0 : i32
    %dma_start3A_9 = arith.constant 0 : i32
    %dma_start3A_10 = tpu.memref_slice %arg9[%dma_start3A_7, %dma_start3A_8, %dma_start3A_9] : memref<2x128x128xf32, #tpu.memory_space<vmem>> -> memref<1x128x128xf32, #tpu.memory_space<vmem>>
    %dma_start3A_11 = tpu.memref_squeeze %dma_start3A_10 : memref<1x128x128xf32, #tpu.memory_space<vmem>> -> memref<128x128xf32, #tpu.memory_space<vmem>>
    %dma_start3A_12 = arith.constant 0 : i32
    %dma_start3A_13 = tpu.memref_slice %arg7[%dma_start3A, %dma_start3A_12] : memref<80x128xi32, #tpu.memory_space<vmem>> -> memref<1x128xi32, #tpu.memory_space<vmem>>
    %dma_start3A_14 = tpu.memref_squeeze %dma_start3A_13 : memref<1x128xi32, #tpu.memory_space<vmem>> -> memref<128xi32, #tpu.memory_space<vmem>>
    %dma_start3A_15 = arith.constant 0 : i32
    %dma_start3A_16 = arith.constant 0 : i32
    %dma_start3A_17 = tpu.memref_slice %arg2[%dma_start3A_15, %dma_start3A_16] : memref<10000x128xf32, #tpu.memory_space<hbm>> -> memref<10000x128xf32, #tpu.memory_space<hbm>>
    tpu.enqueue_indirect_dma source(%dma_start3A_17 : memref<10000x128xf32, #tpu.memory_space<hbm>>) target(%dma_start3A_11 : memref<128x128xf32, #tpu.memory_space<vmem>>) offsets(%dma_start3A_14 : memref<128xi32, #tpu.memory_space<vmem>>) semaphore(%arg11 : memref<!tpu.dma_semaphore, #tpu.memory_space<semaphore_mem>>)
    %scan3A = arith.constant 0 : i32
    %scan3A_18 = arith.constant 0 : i32
    %scan3A_19 = arith.constant 5 : i32
    %scan3A_20 = arith.addi %scan3A_18, %scan3A_19 : i32
    %scan3A_21 = arith.constant 1 : i32
    scf.for %scan3A_40 = %scan3A_18 to %scan3A_20 step %scan3A_21  : i32 {
      %mul3A_41 = arith.constant 16 : i32
      %mul3A_42 = arith.muli %scan3A_40, %mul3A_41 : i32
      %add3A_43 = arith.constant 0 : i32
      %add3A_44 = arith.addi %mul3A_42, %add3A_43 : i32
      %ge3A = arith.constant 1 : i32
      %ge3A_45 = arith.cmpi sge, %add3A_44, %ge3A : i32
      %convert_element_type3A = arith.extui %ge3A_45 : i1 to i32
      %cond3A = arith.constant 0 : i32
      %cond3A_46 = arith.cmpi ne, %convert_element_type3A, %cond3A : i32
      scf.if %cond3A_46 {
        %dma_wait3A_687 = arith.constant 1 : i32
        %dma_wait3A_688 = arith.constant 0 : i32
        %dma_wait3A_689 = arith.constant 0 : i32
        %dma_wait3A_690 = arith.constant 0 : i32
        %dma_wait3A_691 = arith.constant 0 : i32
        %dma_wait3A_692 = tpu.memref_slice %arg9[%dma_wait3A_687, %dma_wait3A_690, %dma_wait3A_691] : memref<2x128x128xf32, #tpu.memory_space<vmem>> -> memref<1x128x128xf32, #tpu.memory_space<vmem>>
        %dma_wait3A_693 = tpu.memref_squeeze %dma_wait3A_692 : memref<1x128x128xf32, #tpu.memory_space<vmem>> -> memref<128x128xf32, #tpu.memory_space<vmem>>
        %dma_wait3A_694 = arith.constant 0 : i32
        %dma_wait3A_695 = tpu.memref_slice %arg8[%dma_wait3A_688, %dma_wait3A_689, %dma_wait3A_694] : memref<2x8x128xi32, #tpu.memory_space<vmem>> -> memref<1x1x128xi32, #tpu.memory_space<vmem>>
        %dma_wait3A_696 = tpu.memref_squeeze %dma_wait3A_695 : memref<1x1x128xi32, #tpu.memory_space<vmem>> -> memref<128xi32, #tpu.memory_space<vmem>>
        %dma_wait3A_697 = arith.constant 0 : i32
        %dma_wait3A_698 = arith.constant 0 : i32
        %dma_wait3A_699 = tpu.memref_slice %arg10[%dma_wait3A_697, %dma_wait3A_698] : memref<10240x128xf32, #tpu.memory_space<vmem_shared>> -> memref<10240x128xf32, #tpu.memory_space<vmem_shared>>
        tpu.wait_indirect_dma semaphore(%arg14 : memref<!tpu.dma_semaphore, #tpu.memory_space<semaphore_mem>>) src(%dma_wait3A_693 : memref<128x128xf32, #tpu.memory_space<vmem>>) dst(%dma_wait3A_699 : memref<10240x128xf32, #tpu.memory_space<vmem_shared>>)
      } else {
      }
      %add3A_47 = arith.constant 1 : i32
      %add3A_48 = arith.addi %add3A_44, %add3A_47 : i32
      %le3A = arith.constant 79 : i32
      %le3A_49 = arith.cmpi sle, %add3A_48, %le3A : i32
      %convert_element_type3A_50 = arith.extui %le3A_49 : i1 to i32
      %cond3A_51 = arith.constant 0 : i32
      %cond3A_52 = arith.cmpi ne, %convert_element_type3A_50, %cond3A_51 : i32
      scf.if %cond3A_52 {
        %add3A_687 = arith.constant 1 : i32
        %add3A_688 = arith.addi %add3A_44, %add3A_687 : i32
        %dma_start3A_689 = arith.constant 1 : i32
        %dma_start3A_690 = arith.constant 0 : i32
        %dma_start3A_691 = arith.constant 0 : i32
        %dma_start3A_692 = tpu.memref_slice %arg9[%dma_start3A_689, %dma_start3A_690, %dma_start3A_691] : memref<2x128x128xf32, #tpu.memory_space<vmem>> -> memref<1x128x128xf32, #tpu.memory_space<vmem>>
        %dma_start3A_693 = tpu.memref_squeeze %dma_start3A_692 : memref<1x128x128xf32, #tpu.memory_space<vmem>> -> memref<128x128xf32, #tpu.memory_space<vmem>>
        %dma_start3A_694 = arith.constant 0 : i32
        %dma_start3A_695 = tpu.memref_slice %arg7[%add3A_688, %dma_start3A_694] : memref<80x128xi32, #tpu.memory_space<vmem>> -> memref<1x128xi32, #tpu.memory_space<vmem>>
        %dma_start3A_696 = tpu.memref_squeeze %dma_start3A_695 : memref<1x128xi32, #tpu.memory_space<vmem>> -> memref<128xi32, #tpu.memory_space<vmem>>
        %dma_start3A_697 = arith.constant 0 : i32
        %dma_start3A_698 = arith.constant 0 : i32
        %dma_start3A_699 = tpu.memref_slice %arg2[%dma_start3A_697, %dma_start3A_698] : memref<10000x128xf32, #tpu.memory_space<hbm>> -> memref<10000x128xf32, #tpu.memory_space<hbm>>
        tpu.enqueue_indirect_dma source(%dma_start3A_699 : memref<10000x128xf32, #tpu.memory_space<hbm>>) target(%dma_start3A_693 : memref<128x128xf32, #tpu.memory_space<vmem>>) offsets(%dma_start3A_696 : memref<128xi32, #tpu.memory_space<vmem>>) semaphore(%arg12 : memref<!tpu.dma_semaphore, #tpu.memory_space<semaphore_mem>>)
      } else {
      }
      %dma_wait3A_53 = arith.constant 0 : i32
      %dma_wait3A_54 = arith.constant 0 : i32
      %dma_wait3A_55 = arith.constant 0 : i32
      %dma_wait3A_56 = tpu.memref_slice %arg9[%dma_wait3A_53, %dma_wait3A_54, %dma_wait3A_55] : memref<2x128x128xf32, #tpu.memory_space<vmem>> -> memref<1x128x128xf32, #tpu.memory_space<vmem>>
      %dma_wait3A_57 = tpu.memref_squeeze %dma_wait3A_56 : memref<1x128x128xf32, #tpu.memory_space<vmem>> -> memref<128x128xf32, #tpu.memory_space<vmem>>
      %dma_wait3A_58 = arith.constant 0 : i32
      %dma_wait3A_59 = tpu.memref_slice %arg7[%add3A_44, %dma_wait3A_58] : memref<80x128xi32, #tpu.memory_space<vmem>> -> memref<1x128xi32, #tpu.memory_space<vmem>>
      %dma_wait3A_60 = tpu.memref_squeeze %dma_wait3A_59 : memref<1x128xi32, #tpu.memory_space<vmem>> -> memref<128xi32, #tpu.memory_space<vmem>>
      %dma_wait3A_61 = arith.constant 0 : i32
      %dma_wait3A_62 = arith.constant 0 : i32
      %dma_wait3A_63 = tpu.memref_slice %arg2[%dma_wait3A_61, %dma_wait3A_62] : memref<10000x128xf32, #tpu.memory_space<hbm>> -> memref<10000x128xf32, #tpu.memory_space<hbm>>
      tpu.wait_indirect_dma semaphore(%arg11 : memref<!tpu.dma_semaphore, #tpu.memory_space<semaphore_mem>>) src(%dma_wait3A_63 : memref<10000x128xf32, #tpu.memory_space<hbm>>) dst(%dma_wait3A_57 : memref<128x128xf32, #tpu.memory_space<vmem>>)
      %dma_start3A_64 = arith.constant 0 : i32
      %dma_start3A_65 = arith.constant 0 : i32
      %dma_start3A_66 = arith.constant 0 : i32
      %dma_start3A_67 = arith.constant 0 : i32
      %dma_start3A_68 = arith.constant 0 : i32
      %dma_start3A_69 = tpu.memref_slice %arg9[%dma_start3A_64, %dma_start3A_67, %dma_start3A_68] : memref<2x128x128xf32, #tpu.memory_space<vmem>> -> memref<1x128x128xf32, #tpu.memory_space<vmem>>
      %dma_start3A_70 = tpu.memref_squeeze %dma_start3A_69 : memref<1x128x128xf32, #tpu.memory_space<vmem>> -> memref<128x128xf32, #tpu.memory_space<vmem>>
      %dma_start3A_71 = arith.constant 0 : i32
      %dma_start3A_72 = tpu.memref_slice %arg8[%dma_start3A_65, %dma_start3A_66, %dma_start3A_71] : memref<2x8x128xi32, #tpu.memory_space<vmem>> -> memref<1x1x128xi32, #tpu.memory_space<vmem>>
      %dma_start3A_73 = tpu.memref_squeeze %dma_start3A_72 : memref<1x1x128xi32, #tpu.memory_space<vmem>> -> memref<128xi32, #tpu.memory_space<vmem>>
      %dma_start3A_74 = arith.constant 0 : i32
      %dma_start3A_75 = arith.constant 0 : i32
      %dma_start3A_76 = tpu.memref_slice %arg10[%dma_start3A_74, %dma_start3A_75] : memref<10240x128xf32, #tpu.memory_space<vmem_shared>> -> memref<10240x128xf32, #tpu.memory_space<vmem_shared>>
      tpu.enqueue_indirect_dma source(%dma_start3A_70 : memref<128x128xf32, #tpu.memory_space<vmem>>) target(%dma_start3A_76 : memref<10240x128xf32, #tpu.memory_space<vmem_shared>>) offsets(%dma_start3A_73 : memref<128xi32, #tpu.memory_space<vmem>>) semaphore(%arg13 : memref<!tpu.dma_semaphore, #tpu.memory_space<semaphore_mem>>) {add = true}
      %mul3A_77 = arith.constant 16 : i32
      %mul3A_78 = arith.muli %scan3A_40, %mul3A_77 : i32
      %add3A_79 = arith.addi %mul3A_2, %mul3A_78 : i32
      %add3A_80 = arith.constant 8 : i32
      %add3A_81 = arith.addi %add3A_79, %add3A_80 : i32
      %run_scoped3A_82 = arith.constant 1 : i32
      "tpu.region"() ({
        %run_scoped3A_687 = tpu.sem_alloc : memref<!tpu.dma_semaphore, #tpu.memory_space<semaphore_mem>>
        %dma_start3A_688 = arith.constant 0 : i32
        %dma_start3A_689 = arith.constant 0 : i32
        %dma_start3A_690 = tpu.memref_slice %arg8[%run_scoped3A_82, %dma_start3A_688, %dma_start3A_689] : memref<2x8x128xi32, #tpu.memory_space<vmem>> -> memref<1x8x128xi32, #tpu.memory_space<vmem>>
        %dma_start3A_691 = tpu.memref_squeeze %dma_start3A_690 : memref<1x8x128xi32, #tpu.memory_space<vmem>> -> memref<8x128xi32, #tpu.memory_space<vmem>>
        %dma_start3A_692 = arith.constant 0 : i32
        %dma_start3A_693 = tpu.memref_slice %arg4[%add3A_81, %dma_start3A_692] : memref<2560x128xi32, #tpu.memory_space<hbm>> -> memref<8x128xi32, #tpu.memory_space<hbm>>
        %dma_start3A_694 = arith.constant 0 : i32
        %dma_start3A_695 = arith.constant 0 : i32
        %dma_start3A_696 = tpu.memref_slice %arg8[%run_scoped3A_82, %dma_start3A_694, %dma_start3A_695] : memref<2x8x128xi32, #tpu.memory_space<vmem>> -> memref<1x8x128xi32, #tpu.memory_space<vmem>>
        %dma_start3A_697 = tpu.memref_squeeze %dma_start3A_696 : memref<1x8x128xi32, #tpu.memory_space<vmem>> -> memref<8x128xi32, #tpu.memory_space<vmem>>
        %dma_start3A_698 = arith.constant 0 : i32
        %dma_start3A_699 = tpu.memref_slice %arg4[%add3A_81, %dma_start3A_698] : memref<2560x128xi32, #tpu.memory_space<hbm>> -> memref<8x128xi32, #tpu.memory_space<hbm>>
        tpu.enqueue_dma source(%dma_start3A_699 : memref<8x128xi32, #tpu.memory_space<hbm>>) target(%dma_start3A_697 : memref<8x128xi32, #tpu.memory_space<vmem>>) target_semaphore(%run_scoped3A_687 : memref<!tpu.dma_semaphore, #tpu.memory_space<semaphore_mem>>)
        %dma_wait3A_700 = arith.constant 0 : i32
        %dma_wait3A_701 = arith.constant 0 : i32
        %dma_wait3A_702 = tpu.memref_slice %arg8[%run_scoped3A_82, %dma_wait3A_700, %dma_wait3A_701] : memref<2x8x128xi32, #tpu.memory_space<vmem>> -> memref<1x8x128xi32, #tpu.memory_space<vmem>>
        %dma_wait3A_703 = tpu.memref_squeeze %dma_wait3A_702 : memref<1x8x128xi32, #tpu.memory_space<vmem>> -> memref<8x128xi32, #tpu.memory_space<vmem>>
        %dma_wait3A_704 = arith.constant 0 : i32
        %dma_wait3A_705 = tpu.memref_slice %arg4[%add3A_81, %dma_wait3A_704] : memref<2560x128xi32, #tpu.memory_space<hbm>> -> memref<8x128xi32, #tpu.memory_space<hbm>>
        %dma_wait3A_706 = arith.constant 0 : i32
        %dma_wait3A_707 = arith.constant 0 : i32
        %dma_wait3A_708 = tpu.memref_slice %arg8[%run_scoped3A_82, %dma_wait3A_706, %dma_wait3A_707] : memref<2x8x128xi32, #tpu.memory_space<vmem>> -> memref<1x8x128xi32, #tpu.memory_space<vmem>>
        %dma_wait3A_709 = tpu.memref_squeeze %dma_wait3A_708 : memref<1x8x128xi32, #tpu.memory_space<vmem>> -> memref<8x128xi32, #tpu.memory_space<vmem>>
        %dma_wait3A_710 = arith.constant 0 : i32
        %dma_wait3A_711 = tpu.memref_slice %arg4[%add3A_81, %dma_wait3A_710] : memref<2560x128xi32, #tpu.memory_space<hbm>> -> memref<8x128xi32, #tpu.memory_space<hbm>>
        tpu.wait_dma2 semaphore(%run_scoped3A_687 : memref<!tpu.dma_semaphore, #tpu.memory_space<semaphore_mem>>) src(%dma_wait3A_711 : memref<8x128xi32, #tpu.memory_space<hbm>>) dst(%dma_wait3A_709 : memref<8x128xi32, #tpu.memory_space<vmem>>)
        tpu.yield
      }) : () -> ()
      %mul3A_83 = arith.constant 16 : i32
      %mul3A_84 = arith.muli %scan3A_40, %mul3A_83 : i32
      %add3A_85 = arith.constant 1 : i32
      %add3A_86 = arith.addi %mul3A_84, %add3A_85 : i32
      %ge3A_87 = arith.constant 1 : i32
      %ge3A_88 = arith.cmpi sge, %add3A_86, %ge3A_87 : i32
      %convert_element_type3A_89 = arith.extui %ge3A_88 : i1 to i32
      %cond3A_90 = arith.constant 0 : i32
      %cond3A_91 = arith.cmpi ne, %convert_element_type3A_89, %cond3A_90 : i32
      scf.if %cond3A_91 {
        %dma_wait3A_687 = arith.constant 0 : i32
        %dma_wait3A_688 = arith.constant 0 : i32
        %dma_wait3A_689 = arith.constant 0 : i32
        %dma_wait3A_690 = arith.constant 0 : i32
        %dma_wait3A_691 = arith.constant 0 : i32
        %dma_wait3A_692 = tpu.memref_slice %arg9[%dma_wait3A_687, %dma_wait3A_690, %dma_wait3A_691] : memref<2x128x128xf32, #tpu.memory_space<vmem>> -> memref<1x128x128xf32, #tpu.memory_space<vmem>>
        %dma_wait3A_693 = tpu.memref_squeeze %dma_wait3A_692 : memref<1x128x128xf32, #tpu.memory_space<vmem>> -> memref<128x128xf32, #tpu.memory_space<vmem>>
        %dma_wait3A_694 = arith.constant 0 : i32
        %dma_wait3A_695 = tpu.memref_slice %arg8[%dma_wait3A_688, %dma_wait3A_689, %dma_wait3A_694] : memref<2x8x128xi32, #tpu.memory_space<vmem>> -> memref<1x1x128xi32, #tpu.memory_space<vmem>>
        %dma_wait3A_696 = tpu.memref_squeeze %dma_wait3A_695 : memref<1x1x128xi32, #tpu.memory_space<vmem>> -> memref<128xi32, #tpu.memory_space<vmem>>
        %dma_wait3A_697 = arith.constant 0 : i32
        %dma_wait3A_698 = arith.constant 0 : i32
        %dma_wait3A_699 = tpu.memref_slice %arg10[%dma_wait3A_697, %dma_wait3A_698] : memref<10240x128xf32, #tpu.memory_space<vmem_shared>> -> memref<10240x128xf32, #tpu.memory_space<vmem_shared>>
        tpu.wait_indirect_dma semaphore(%arg13 : memref<!tpu.dma_semaphore, #tpu.memory_space<semaphore_mem>>) src(%dma_wait3A_693 : memref<128x128xf32, #tpu.memory_space<vmem>>) dst(%dma_wait3A_699 : memref<10240x128xf32, #tpu.memory_space<vmem_shared>>)
      } else {
      }
      %add3A_92 = arith.constant 1 : i32
      %add3A_93 = arith.addi %add3A_86, %add3A_92 : i32
      %le3A_94 = arith.constant 79 : i32
      %le3A_95 = arith.cmpi sle, %add3A_93, %le3A_94 : i32
      %convert_element_type3A_96 = arith.extui %le3A_95 : i1 to i32
      %cond3A_97 = arith.constant 0 : i32
      %cond3A_98 = arith.cmpi ne, %convert_element_type3A_96, %cond3A_97 : i32
      scf.if %cond3A_98 {
        %add3A_687 = arith.constant 1 : i32
        %add3A_688 = arith.addi %add3A_86, %add3A_687 : i32
        %dma_start3A_689 = arith.constant 0 : i32
        %dma_start3A_690 = arith.constant 0 : i32
        %dma_start3A_691 = arith.constant 0 : i32
        %dma_start3A_692 = tpu.memref_slice %arg9[%dma_start3A_689, %dma_start3A_690, %dma_start3A_691] : memref<2x128x128xf32, #tpu.memory_space<vmem>> -> memref<1x128x128xf32, #tpu.memory_space<vmem>>
        %dma_start3A_693 = tpu.memref_squeeze %dma_start3A_692 : memref<1x128x128xf32, #tpu.memory_space<vmem>> -> memref<128x128xf32, #tpu.memory_space<vmem>>
        %dma_start3A_694 = arith.constant 0 : i32
        %dma_start3A_695 = tpu.memref_slice %arg7[%add3A_688, %dma_start3A_694] : memref<80x128xi32, #tpu.memory_space<vmem>> -> memref<1x128xi32, #tpu.memory_space<vmem>>
        %dma_start3A_696 = tpu.memref_squeeze %dma_start3A_695 : memref<1x128xi32, #tpu.memory_space<vmem>> -> memref<128xi32, #tpu.memory_space<vmem>>
        %dma_start3A_697 = arith.constant 0 : i32
        %dma_start3A_698 = arith.constant 0 : i32
        %dma_start3A_699 = tpu.memref_slice %arg2[%dma_start3A_697, %dma_start3A_698] : memref<10000x128xf32, #tpu.memory_space<hbm>> -> memref<10000x128xf32, #tpu.memory_space<hbm>>
        tpu.enqueue_indirect_dma source(%dma_start3A_699 : memref<10000x128xf32, #tpu.memory_space<hbm>>) target(%dma_start3A_693 : memref<128x128xf32, #tpu.memory_space<vmem>>) offsets(%dma_start3A_696 : memref<128xi32, #tpu.memory_space<vmem>>) semaphore(%arg11 : memref<!tpu.dma_semaphore, #tpu.memory_space<semaphore_mem>>)
      } else {
      }
      %dma_wait3A_99 = arith.constant 1 : i32
      %dma_wait3A_100 = arith.constant 0 : i32
      %dma_wait3A_101 = arith.constant 0 : i32
      %dma_wait3A_102 = tpu.memref_slice %arg9[%dma_wait3A_99, %dma_wait3A_100, %dma_wait3A_101] : memref<2x128x128xf32, #tpu.memory_space<vmem>> -> memref<1x128x128xf32, #tpu.memory_space<vmem>>
      %dma_wait3A_103 = tpu.memref_squeeze %dma_wait3A_102 : memref<1x128x128xf32, #tpu.memory_space<vmem>> -> memref<128x128xf32, #tpu.memory_space<vmem>>
      %dma_wait3A_104 = arith.constant 0 : i32
      %dma_wait3A_105 = tpu.memref_slice %arg7[%add3A_86, %dma_wait3A_104] : memref<80x128xi32, #tpu.memory_space<vmem>> -> memref<1x128xi32, #tpu.memory_space<vmem>>
      %dma_wait3A_106 = tpu.memref_squeeze %dma_wait3A_105 : memref<1x128xi32, #tpu.memory_space<vmem>> -> memref<128xi32, #tpu.memory_space<vmem>>
      %dma_wait3A_107 = arith.constant 0 : i32
      %dma_wait3A_108 = arith.constant 0 : i32
      %dma_wait3A_109 = tpu.memref_slice %arg2[%dma_wait3A_107, %dma_wait3A_108] : memref<10000x128xf32, #tpu.memory_space<hbm>> -> memref<10000x128xf32, #tpu.memory_space<hbm>>
      tpu.wait_indirect_dma semaphore(%arg12 : memref<!tpu.dma_semaphore, #tpu.memory_space<semaphore_mem>>) src(%dma_wait3A_109 : memref<10000x128xf32, #tpu.memory_space<hbm>>) dst(%dma_wait3A_103 : memref<128x128xf32, #tpu.memory_space<vmem>>)
      %dma_start3A_110 = arith.constant 1 : i32
      %dma_start3A_111 = arith.constant 0 : i32
      %dma_start3A_112 = arith.constant 1 : i32
      %dma_start3A_113 = arith.constant 0 : i32
      %dma_start3A_114 = arith.constant 0 : i32
      %dma_start3A_115 = tpu.memref_slice %arg9[%dma_start3A_110, %dma_start3A_113, %dma_start3A_114] : memref<2x128x128xf32, #tpu.memory_space<vmem>> -> memref<1x128x128xf32, #tpu.memory_space<vmem>>
      %dma_start3A_116 = tpu.memref_squeeze %dma_start3A_115 : memref<1x128x128xf32, #tpu.memory_space<vmem>> -> memref<128x128xf32, #tpu.memory_space<vmem>>
      %dma_start3A_117 = arith.constant 0 : i32
      %dma_start3A_118 = tpu.memref_slice %arg8[%dma_start3A_111, %dma_start3A_112, %dma_start3A_117] : memref<2x8x128xi32, #tpu.memory_space<vmem>> -> memref<1x1x128xi32, #tpu.memory_space<vmem>>
      %dma_start3A_119 = tpu.memref_squeeze %dma_start3A_118 : memref<1x1x128xi32, #tpu.memory_space<vmem>> -> memref<128xi32, #tpu.memory_space<vmem>>
      %dma_start3A_120 = arith.constant 0 : i32
      %dma_start3A_121 = arith.constant 0 : i32
      %dma_start3A_122 = tpu.memref_slice %arg10[%dma_start3A_120, %dma_start3A_121] : memref<10240x128xf32, #tpu.memory_space<vmem_shared>> -> memref<10240x128xf32, #tpu.memory_space<vmem_shared>>
      tpu.enqueue_indirect_dma source(%dma_start3A_116 : memref<128x128xf32, #tpu.memory_space<vmem>>) target(%dma_start3A_122 : memref<10240x128xf32, #tpu.memory_space<vmem_shared>>) offsets(%dma_start3A_119 : memref<128xi32, #tpu.memory_space<vmem>>) semaphore(%arg14 : memref<!tpu.dma_semaphore, #tpu.memory_space<semaphore_mem>>) {add = true}
      %mul3A_123 = arith.constant 16 : i32
      %mul3A_124 = arith.muli %scan3A_40, %mul3A_123 : i32
      %add3A_125 = arith.constant 2 : i32
      %add3A_126 = arith.addi %mul3A_124, %add3A_125 : i32
      %ge3A_127 = arith.constant 1 : i32
      %ge3A_128 = arith.cmpi sge, %add3A_126, %ge3A_127 : i32
      %convert_element_type3A_129 = arith.extui %ge3A_128 : i1 to i32
      %cond3A_130 = arith.constant 0 : i32
      %cond3A_131 = arith.cmpi ne, %convert_element_type3A_129, %cond3A_130 : i32
      scf.if %cond3A_131 {
        %dma_wait3A_687 = arith.constant 1 : i32
        %dma_wait3A_688 = arith.constant 0 : i32
        %dma_wait3A_689 = arith.constant 0 : i32
        %dma_wait3A_690 = arith.constant 0 : i32
        %dma_wait3A_691 = arith.constant 0 : i32
        %dma_wait3A_692 = tpu.memref_slice %arg9[%dma_wait3A_687, %dma_wait3A_690, %dma_wait3A_691] : memref<2x128x128xf32, #tpu.memory_space<vmem>> -> memref<1x128x128xf32, #tpu.memory_space<vmem>>
        %dma_wait3A_693 = tpu.memref_squeeze %dma_wait3A_692 : memref<1x128x128xf32, #tpu.memory_space<vmem>> -> memref<128x128xf32, #tpu.memory_space<vmem>>
        %dma_wait3A_694 = arith.constant 0 : i32
        %dma_wait3A_695 = tpu.memref_slice %arg8[%dma_wait3A_688, %dma_wait3A_689, %dma_wait3A_694] : memref<2x8x128xi32, #tpu.memory_space<vmem>> -> memref<1x1x128xi32, #tpu.memory_space<vmem>>
        %dma_wait3A_696 = tpu.memref_squeeze %dma_wait3A_695 : memref<1x1x128xi32, #tpu.memory_space<vmem>> -> memref<128xi32, #tpu.memory_space<vmem>>
        %dma_wait3A_697 = arith.constant 0 : i32
        %dma_wait3A_698 = arith.constant 0 : i32
        %dma_wait3A_699 = tpu.memref_slice %arg10[%dma_wait3A_697, %dma_wait3A_698] : memref<10240x128xf32, #tpu.memory_space<vmem_shared>> -> memref<10240x128xf32, #tpu.memory_space<vmem_shared>>
        tpu.wait_indirect_dma semaphore(%arg14 : memref<!tpu.dma_semaphore, #tpu.memory_space<semaphore_mem>>) src(%dma_wait3A_693 : memref<128x128xf32, #tpu.memory_space<vmem>>) dst(%dma_wait3A_699 : memref<10240x128xf32, #tpu.memory_space<vmem_shared>>)
      } else {
      }
      %add3A_132 = arith.constant 1 : i32
      %add3A_133 = arith.addi %add3A_126, %add3A_132 : i32
      %le3A_134 = arith.constant 79 : i32
      %le3A_135 = arith.cmpi sle, %add3A_133, %le3A_134 : i32
      %convert_element_type3A_136 = arith.extui %le3A_135 : i1 to i32
      %cond3A_137 = arith.constant 0 : i32
      %cond3A_138 = arith.cmpi ne, %convert_element_type3A_136, %cond3A_137 : i32
      scf.if %cond3A_138 {
        %add3A_687 = arith.constant 1 : i32
        %add3A_688 = arith.addi %add3A_126, %add3A_687 : i32
        %dma_start3A_689 = arith.constant 1 : i32
        %dma_start3A_690 = arith.constant 0 : i32
        %dma_start3A_691 = arith.constant 0 : i32
        %dma_start3A_692 = tpu.memref_slice %arg9[%dma_start3A_689, %dma_start3A_690, %dma_start3A_691] : memref<2x128x128xf32, #tpu.memory_space<vmem>> -> memref<1x128x128xf32, #tpu.memory_space<vmem>>
        %dma_start3A_693 = tpu.memref_squeeze %dma_start3A_692 : memref<1x128x128xf32, #tpu.memory_space<vmem>> -> memref<128x128xf32, #tpu.memory_space<vmem>>
        %dma_start3A_694 = arith.constant 0 : i32
        %dma_start3A_695 = tpu.memref_slice %arg7[%add3A_688, %dma_start3A_694] : memref<80x128xi32, #tpu.memory_space<vmem>> -> memref<1x128xi32, #tpu.memory_space<vmem>>
        %dma_start3A_696 = tpu.memref_squeeze %dma_start3A_695 : memref<1x128xi32, #tpu.memory_space<vmem>> -> memref<128xi32, #tpu.memory_space<vmem>>
        %dma_start3A_697 = arith.constant 0 : i32
        %dma_start3A_698 = arith.constant 0 : i32
        %dma_start3A_699 = tpu.memref_slice %arg2[%dma_start3A_697, %dma_start3A_698] : memref<10000x128xf32, #tpu.memory_space<hbm>> -> memref<10000x128xf32, #tpu.memory_space<hbm>>
        tpu.enqueue_indirect_dma source(%dma_start3A_699 : memref<10000x128xf32, #tpu.memory_space<hbm>>) target(%dma_start3A_693 : memref<128x128xf32, #tpu.memory_space<vmem>>) offsets(%dma_start3A_696 : memref<128xi32, #tpu.memory_space<vmem>>) semaphore(%arg12 : memref<!tpu.dma_semaphore, #tpu.memory_space<semaphore_mem>>)
      } else {
      }
      %dma_wait3A_139 = arith.constant 0 : i32
      %dma_wait3A_140 = arith.constant 0 : i32
      %dma_wait3A_141 = arith.constant 0 : i32
      %dma_wait3A_142 = tpu.memref_slice %arg9[%dma_wait3A_139, %dma_wait3A_140, %dma_wait3A_141] : memref<2x128x128xf32, #tpu.memory_space<vmem>> -> memref<1x128x128xf32, #tpu.memory_space<vmem>>
      %dma_wait3A_143 = tpu.memref_squeeze %dma_wait3A_142 : memref<1x128x128xf32, #tpu.memory_space<vmem>> -> memref<128x128xf32, #tpu.memory_space<vmem>>
      %dma_wait3A_144 = arith.constant 0 : i32
      %dma_wait3A_145 = tpu.memref_slice %arg7[%add3A_126, %dma_wait3A_144] : memref<80x128xi32, #tpu.memory_space<vmem>> -> memref<1x128xi32, #tpu.memory_space<vmem>>
      %dma_wait3A_146 = tpu.memref_squeeze %dma_wait3A_145 : memref<1x128xi32, #tpu.memory_space<vmem>> -> memref<128xi32, #tpu.memory_space<vmem>>
      %dma_wait3A_147 = arith.constant 0 : i32
      %dma_wait3A_148 = arith.constant 0 : i32
      %dma_wait3A_149 = tpu.memref_slice %arg2[%dma_wait3A_147, %dma_wait3A_148] : memref<10000x128xf32, #tpu.memory_space<hbm>> -> memref<10000x128xf32, #tpu.memory_space<hbm>>
      tpu.wait_indirect_dma semaphore(%arg11 : memref<!tpu.dma_semaphore, #tpu.memory_space<semaphore_mem>>) src(%dma_wait3A_149 : memref<10000x128xf32, #tpu.memory_space<hbm>>) dst(%dma_wait3A_143 : memref<128x128xf32, #tpu.memory_space<vmem>>)
      %dma_start3A_150 = arith.constant 0 : i32
      %dma_start3A_151 = arith.constant 0 : i32
      %dma_start3A_152 = arith.constant 2 : i32
      %dma_start3A_153 = arith.constant 0 : i32
      %dma_start3A_154 = arith.constant 0 : i32
      %dma_start3A_155 = tpu.memref_slice %arg9[%dma_start3A_150, %dma_start3A_153, %dma_start3A_154] : memref<2x128x128xf32, #tpu.memory_space<vmem>> -> memref<1x128x128xf32, #tpu.memory_space<vmem>>
      %dma_start3A_156 = tpu.memref_squeeze %dma_start3A_155 : memref<1x128x128xf32, #tpu.memory_space<vmem>> -> memref<128x128xf32, #tpu.memory_space<vmem>>
      %dma_start3A_157 = arith.constant 0 : i32
      %dma_start3A_158 = tpu.memref_slice %arg8[%dma_start3A_151, %dma_start3A_152, %dma_start3A_157] : memref<2x8x128xi32, #tpu.memory_space<vmem>> -> memref<1x1x128xi32, #tpu.memory_space<vmem>>
      %dma_start3A_159 = tpu.memref_squeeze %dma_start3A_158 : memref<1x1x128xi32, #tpu.memory_space<vmem>> -> memref<128xi32, #tpu.memory_space<vmem>>
      %dma_start3A_160 = arith.constant 0 : i32
      %dma_start3A_161 = arith.constant 0 : i32
      %dma_start3A_162 = tpu.memref_slice %arg10[%dma_start3A_160, %dma_start3A_161] : memref<10240x128xf32, #tpu.memory_space<vmem_shared>> -> memref<10240x128xf32, #tpu.memory_space<vmem_shared>>
      tpu.enqueue_indirect_dma source(%dma_start3A_156 : memref<128x128xf32, #tpu.memory_space<vmem>>) target(%dma_start3A_162 : memref<10240x128xf32, #tpu.memory_space<vmem_shared>>) offsets(%dma_start3A_159 : memref<128xi32, #tpu.memory_space<vmem>>) semaphore(%arg13 : memref<!tpu.dma_semaphore, #tpu.memory_space<semaphore_mem>>) {add = true}
      %mul3A_163 = arith.constant 16 : i32
      %mul3A_164 = arith.muli %scan3A_40, %mul3A_163 : i32
      %add3A_165 = arith.constant 3 : i32
      %add3A_166 = arith.addi %mul3A_164, %add3A_165 : i32
      %ge3A_167 = arith.constant 1 : i32
      %ge3A_168 = arith.cmpi sge, %add3A_166, %ge3A_167 : i32
      %convert_element_type3A_169 = arith.extui %ge3A_168 : i1 to i32
      %cond3A_170 = arith.constant 0 : i32
      %cond3A_171 = arith.cmpi ne, %convert_element_type3A_169, %cond3A_170 : i32
      scf.if %cond3A_171 {
        %dma_wait3A_687 = arith.constant 0 : i32
        %dma_wait3A_688 = arith.constant 0 : i32
        %dma_wait3A_689 = arith.constant 0 : i32
        %dma_wait3A_690 = arith.constant 0 : i32
        %dma_wait3A_691 = arith.constant 0 : i32
        %dma_wait3A_692 = tpu.memref_slice %arg9[%dma_wait3A_687, %dma_wait3A_690, %dma_wait3A_691] : memref<2x128x128xf32, #tpu.memory_space<vmem>> -> memref<1x128x128xf32, #tpu.memory_space<vmem>>
        %dma_wait3A_693 = tpu.memref_squeeze %dma_wait3A_692 : memref<1x128x128xf32, #tpu.memory_space<vmem>> -> memref<128x128xf32, #tpu.memory_space<vmem>>
        %dma_wait3A_694 = arith.constant 0 : i32
        %dma_wait3A_695 = tpu.memref_slice %arg8[%dma_wait3A_688, %dma_wait3A_689, %dma_wait3A_694] : memref<2x8x128xi32, #tpu.memory_space<vmem>> -> memref<1x1x128xi32, #tpu.memory_space<vmem>>
        %dma_wait3A_696 = tpu.memref_squeeze %dma_wait3A_695 : memref<1x1x128xi32, #tpu.memory_space<vmem>> -> memref<128xi32, #tpu.memory_space<vmem>>
        %dma_wait3A_697 = arith.constant 0 : i32
        %dma_wait3A_698 = arith.constant 0 : i32
        %dma_wait3A_699 = tpu.memref_slice %arg10[%dma_wait3A_697, %dma_wait3A_698] : memref<10240x128xf32, #tpu.memory_space<vmem_shared>> -> memref<10240x128xf32, #tpu.memory_space<vmem_shared>>
        tpu.wait_indirect_dma semaphore(%arg13 : memref<!tpu.dma_semaphore, #tpu.memory_space<semaphore_mem>>) src(%dma_wait3A_693 : memref<128x128xf32, #tpu.memory_space<vmem>>) dst(%dma_wait3A_699 : memref<10240x128xf32, #tpu.memory_space<vmem_shared>>)
      } else {
      }
      %add3A_172 = arith.constant 1 : i32
      %add3A_173 = arith.addi %add3A_166, %add3A_172 : i32
      %le3A_174 = arith.constant 79 : i32
      %le3A_175 = arith.cmpi sle, %add3A_173, %le3A_174 : i32
      %convert_element_type3A_176 = arith.extui %le3A_175 : i1 to i32
      %cond3A_177 = arith.constant 0 : i32
      %cond3A_178 = arith.cmpi ne, %convert_element_type3A_176, %cond3A_177 : i32
      scf.if %cond3A_178 {
        %add3A_687 = arith.constant 1 : i32
        %add3A_688 = arith.addi %add3A_166, %add3A_687 : i32
        %dma_start3A_689 = arith.constant 0 : i32
        %dma_start3A_690 = arith.constant 0 : i32
        %dma_start3A_691 = arith.constant 0 : i32
        %dma_start3A_692 = tpu.memref_slice %arg9[%dma_start3A_689, %dma_start3A_690, %dma_start3A_691] : memref<2x128x128xf32, #tpu.memory_space<vmem>> -> memref<1x128x128xf32, #tpu.memory_space<vmem>>
        %dma_start3A_693 = tpu.memref_squeeze %dma_start3A_692 : memref<1x128x128xf32, #tpu.memory_space<vmem>> -> memref<128x128xf32, #tpu.memory_space<vmem>>
        %dma_start3A_694 = arith.constant 0 : i32
        %dma_start3A_695 = tpu.memref_slice %arg7[%add3A_688, %dma_start3A_694] : memref<80x128xi32, #tpu.memory_space<vmem>> -> memref<1x128xi32, #tpu.memory_space<vmem>>
        %dma_start3A_696 = tpu.memref_squeeze %dma_start3A_695 : memref<1x128xi32, #tpu.memory_space<vmem>> -> memref<128xi32, #tpu.memory_space<vmem>>
        %dma_start3A_697 = arith.constant 0 : i32
        %dma_start3A_698 = arith.constant 0 : i32
        %dma_start3A_699 = tpu.memref_slice %arg2[%dma_start3A_697, %dma_start3A_698] : memref<10000x128xf32, #tpu.memory_space<hbm>> -> memref<10000x128xf32, #tpu.memory_space<hbm>>
        tpu.enqueue_indirect_dma source(%dma_start3A_699 : memref<10000x128xf32, #tpu.memory_space<hbm>>) target(%dma_start3A_693 : memref<128x128xf32, #tpu.memory_space<vmem>>) offsets(%dma_start3A_696 : memref<128xi32, #tpu.memory_space<vmem>>) semaphore(%arg11 : memref<!tpu.dma_semaphore, #tpu.memory_space<semaphore_mem>>)
      } else {
      }
      %dma_wait3A_179 = arith.constant 1 : i32
      %dma_wait3A_180 = arith.constant 0 : i32
      %dma_wait3A_181 = arith.constant 0 : i32
      %dma_wait3A_182 = tpu.memref_slice %arg9[%dma_wait3A_179, %dma_wait3A_180, %dma_wait3A_181] : memref<2x128x128xf32, #tpu.memory_space<vmem>> -> memref<1x128x128xf32, #tpu.memory_space<vmem>>
      %dma_wait3A_183 = tpu.memref_squeeze %dma_wait3A_182 : memref<1x128x128xf32, #tpu.memory_space<vmem>> -> memref<128x128xf32, #tpu.memory_space<vmem>>
      %dma_wait3A_184 = arith.constant 0 : i32
      %dma_wait3A_185 = tpu.memref_slice %arg7[%add3A_166, %dma_wait3A_184] : memref<80x128xi32, #tpu.memory_space<vmem>> -> memref<1x128xi32, #tpu.memory_space<vmem>>
      %dma_wait3A_186 = tpu.memref_squeeze %dma_wait3A_185 : memref<1x128xi32, #tpu.memory_space<vmem>> -> memref<128xi32, #tpu.memory_space<vmem>>
      %dma_wait3A_187 = arith.constant 0 : i32
      %dma_wait3A_188 = arith.constant 0 : i32
      %dma_wait3A_189 = tpu.memref_slice %arg2[%dma_wait3A_187, %dma_wait3A_188] : memref<10000x128xf32, #tpu.memory_space<hbm>> -> memref<10000x128xf32, #tpu.memory_space<hbm>>
      tpu.wait_indirect_dma semaphore(%arg12 : memref<!tpu.dma_semaphore, #tpu.memory_space<semaphore_mem>>) src(%dma_wait3A_189 : memref<10000x128xf32, #tpu.memory_space<hbm>>) dst(%dma_wait3A_183 : memref<128x128xf32, #tpu.memory_space<vmem>>)
      %dma_start3A_190 = arith.constant 1 : i32
      %dma_start3A_191 = arith.constant 0 : i32
      %dma_start3A_192 = arith.constant 3 : i32
      %dma_start3A_193 = arith.constant 0 : i32
      %dma_start3A_194 = arith.constant 0 : i32
      %dma_start3A_195 = tpu.memref_slice %arg9[%dma_start3A_190, %dma_start3A_193, %dma_start3A_194] : memref<2x128x128xf32, #tpu.memory_space<vmem>> -> memref<1x128x128xf32, #tpu.memory_space<vmem>>
      %dma_start3A_196 = tpu.memref_squeeze %dma_start3A_195 : memref<1x128x128xf32, #tpu.memory_space<vmem>> -> memref<128x128xf32, #tpu.memory_space<vmem>>
      %dma_start3A_197 = arith.constant 0 : i32
      %dma_start3A_198 = tpu.memref_slice %arg8[%dma_start3A_191, %dma_start3A_192, %dma_start3A_197] : memref<2x8x128xi32, #tpu.memory_space<vmem>> -> memref<1x1x128xi32, #tpu.memory_space<vmem>>
      %dma_start3A_199 = tpu.memref_squeeze %dma_start3A_198 : memref<1x1x128xi32, #tpu.memory_space<vmem>> -> memref<128xi32, #tpu.memory_space<vmem>>
      %dma_start3A_200 = arith.constant 0 : i32
      %dma_start3A_201 = arith.constant 0 : i32
      %dma_start3A_202 = tpu.memref_slice %arg10[%dma_start3A_200, %dma_start3A_201] : memref<10240x128xf32, #tpu.memory_space<vmem_shared>> -> memref<10240x128xf32, #tpu.memory_space<vmem_shared>>
      tpu.enqueue_indirect_dma source(%dma_start3A_196 : memref<128x128xf32, #tpu.memory_space<vmem>>) target(%dma_start3A_202 : memref<10240x128xf32, #tpu.memory_space<vmem_shared>>) offsets(%dma_start3A_199 : memref<128xi32, #tpu.memory_space<vmem>>) semaphore(%arg14 : memref<!tpu.dma_semaphore, #tpu.memory_space<semaphore_mem>>) {add = true}
      %mul3A_203 = arith.constant 16 : i32
      %mul3A_204 = arith.muli %scan3A_40, %mul3A_203 : i32
      %add3A_205 = arith.constant 4 : i32
      %add3A_206 = arith.addi %mul3A_204, %add3A_205 : i32
      %ge3A_207 = arith.constant 1 : i32
      %ge3A_208 = arith.cmpi sge, %add3A_206, %ge3A_207 : i32
      %convert_element_type3A_209 = arith.extui %ge3A_208 : i1 to i32
      %cond3A_210 = arith.constant 0 : i32
      %cond3A_211 = arith.cmpi ne, %convert_element_type3A_209, %cond3A_210 : i32
      scf.if %cond3A_211 {
        %dma_wait3A_687 = arith.constant 1 : i32
        %dma_wait3A_688 = arith.constant 0 : i32
        %dma_wait3A_689 = arith.constant 0 : i32
        %dma_wait3A_690 = arith.constant 0 : i32
        %dma_wait3A_691 = arith.constant 0 : i32
        %dma_wait3A_692 = tpu.memref_slice %arg9[%dma_wait3A_687, %dma_wait3A_690, %dma_wait3A_691] : memref<2x128x128xf32, #tpu.memory_space<vmem>> -> memref<1x128x128xf32, #tpu.memory_space<vmem>>
        %dma_wait3A_693 = tpu.memref_squeeze %dma_wait3A_692 : memref<1x128x128xf32, #tpu.memory_space<vmem>> -> memref<128x128xf32, #tpu.memory_space<vmem>>
        %dma_wait3A_694 = arith.constant 0 : i32
        %dma_wait3A_695 = tpu.memref_slice %arg8[%dma_wait3A_688, %dma_wait3A_689, %dma_wait3A_694] : memref<2x8x128xi32, #tpu.memory_space<vmem>> -> memref<1x1x128xi32, #tpu.memory_space<vmem>>
        %dma_wait3A_696 = tpu.memref_squeeze %dma_wait3A_695 : memref<1x1x128xi32, #tpu.memory_space<vmem>> -> memref<128xi32, #tpu.memory_space<vmem>>
        %dma_wait3A_697 = arith.constant 0 : i32
        %dma_wait3A_698 = arith.constant 0 : i32
        %dma_wait3A_699 = tpu.memref_slice %arg10[%dma_wait3A_697, %dma_wait3A_698] : memref<10240x128xf32, #tpu.memory_space<vmem_shared>> -> memref<10240x128xf32, #tpu.memory_space<vmem_shared>>
        tpu.wait_indirect_dma semaphore(%arg14 : memref<!tpu.dma_semaphore, #tpu.memory_space<semaphore_mem>>) src(%dma_wait3A_693 : memref<128x128xf32, #tpu.memory_space<vmem>>) dst(%dma_wait3A_699 : memref<10240x128xf32, #tpu.memory_space<vmem_shared>>)
      } else {
      }
      %add3A_212 = arith.constant 1 : i32
      %add3A_213 = arith.addi %add3A_206, %add3A_212 : i32
      %le3A_214 = arith.constant 79 : i32
      %le3A_215 = arith.cmpi sle, %add3A_213, %le3A_214 : i32
      %convert_element_type3A_216 = arith.extui %le3A_215 : i1 to i32
      %cond3A_217 = arith.constant 0 : i32
      %cond3A_218 = arith.cmpi ne, %convert_element_type3A_216, %cond3A_217 : i32
      scf.if %cond3A_218 {
        %add3A_687 = arith.constant 1 : i32
        %add3A_688 = arith.addi %add3A_206, %add3A_687 : i32
        %dma_start3A_689 = arith.constant 1 : i32
        %dma_start3A_690 = arith.constant 0 : i32
        %dma_start3A_691 = arith.constant 0 : i32
        %dma_start3A_692 = tpu.memref_slice %arg9[%dma_start3A_689, %dma_start3A_690, %dma_start3A_691] : memref<2x128x128xf32, #tpu.memory_space<vmem>> -> memref<1x128x128xf32, #tpu.memory_space<vmem>>
        %dma_start3A_693 = tpu.memref_squeeze %dma_start3A_692 : memref<1x128x128xf32, #tpu.memory_space<vmem>> -> memref<128x128xf32, #tpu.memory_space<vmem>>
        %dma_start3A_694 = arith.constant 0 : i32
        %dma_start3A_695 = tpu.memref_slice %arg7[%add3A_688, %dma_start3A_694] : memref<80x128xi32, #tpu.memory_space<vmem>> -> memref<1x128xi32, #tpu.memory_space<vmem>>
        %dma_start3A_696 = tpu.memref_squeeze %dma_start3A_695 : memref<1x128xi32, #tpu.memory_space<vmem>> -> memref<128xi32, #tpu.memory_space<vmem>>
        %dma_start3A_697 = arith.constant 0 : i32
        %dma_start3A_698 = arith.constant 0 : i32
        %dma_start3A_699 = tpu.memref_slice %arg2[%dma_start3A_697, %dma_start3A_698] : memref<10000x128xf32, #tpu.memory_space<hbm>> -> memref<10000x128xf32, #tpu.memory_space<hbm>>
        tpu.enqueue_indirect_dma source(%dma_start3A_699 : memref<10000x128xf32, #tpu.memory_space<hbm>>) target(%dma_start3A_693 : memref<128x128xf32, #tpu.memory_space<vmem>>) offsets(%dma_start3A_696 : memref<128xi32, #tpu.memory_space<vmem>>) semaphore(%arg12 : memref<!tpu.dma_semaphore, #tpu.memory_space<semaphore_mem>>)
      } else {
      }
      %dma_wait3A_219 = arith.constant 0 : i32
      %dma_wait3A_220 = arith.constant 0 : i32
      %dma_wait3A_221 = arith.constant 0 : i32
      %dma_wait3A_222 = tpu.memref_slice %arg9[%dma_wait3A_219, %dma_wait3A_220, %dma_wait3A_221] : memref<2x128x128xf32, #tpu.memory_space<vmem>> -> memref<1x128x128xf32, #tpu.memory_space<vmem>>
      %dma_wait3A_223 = tpu.memref_squeeze %dma_wait3A_222 : memref<1x128x128xf32, #tpu.memory_space<vmem>> -> memref<128x128xf32, #tpu.memory_space<vmem>>
      %dma_wait3A_224 = arith.constant 0 : i32
      %dma_wait3A_225 = tpu.memref_slice %arg7[%add3A_206, %dma_wait3A_224] : memref<80x128xi32, #tpu.memory_space<vmem>> -> memref<1x128xi32, #tpu.memory_space<vmem>>
      %dma_wait3A_226 = tpu.memref_squeeze %dma_wait3A_225 : memref<1x128xi32, #tpu.memory_space<vmem>> -> memref<128xi32, #tpu.memory_space<vmem>>
      %dma_wait3A_227 = arith.constant 0 : i32
      %dma_wait3A_228 = arith.constant 0 : i32
      %dma_wait3A_229 = tpu.memref_slice %arg2[%dma_wait3A_227, %dma_wait3A_228] : memref<10000x128xf32, #tpu.memory_space<hbm>> -> memref<10000x128xf32, #tpu.memory_space<hbm>>
      tpu.wait_indirect_dma semaphore(%arg11 : memref<!tpu.dma_semaphore, #tpu.memory_space<semaphore_mem>>) src(%dma_wait3A_229 : memref<10000x128xf32, #tpu.memory_space<hbm>>) dst(%dma_wait3A_223 : memref<128x128xf32, #tpu.memory_space<vmem>>)
      %dma_start3A_230 = arith.constant 0 : i32
      %dma_start3A_231 = arith.constant 0 : i32
      %dma_start3A_232 = arith.constant 4 : i32
      %dma_start3A_233 = arith.constant 0 : i32
      %dma_start3A_234 = arith.constant 0 : i32
      %dma_start3A_235 = tpu.memref_slice %arg9[%dma_start3A_230, %dma_start3A_233, %dma_start3A_234] : memref<2x128x128xf32, #tpu.memory_space<vmem>> -> memref<1x128x128xf32, #tpu.memory_space<vmem>>
      %dma_start3A_236 = tpu.memref_squeeze %dma_start3A_235 : memref<1x128x128xf32, #tpu.memory_space<vmem>> -> memref<128x128xf32, #tpu.memory_space<vmem>>
      %dma_start3A_237 = arith.constant 0 : i32
      %dma_start3A_238 = tpu.memref_slice %arg8[%dma_start3A_231, %dma_start3A_232, %dma_start3A_237] : memref<2x8x128xi32, #tpu.memory_space<vmem>> -> memref<1x1x128xi32, #tpu.memory_space<vmem>>
      %dma_start3A_239 = tpu.memref_squeeze %dma_start3A_238 : memref<1x1x128xi32, #tpu.memory_space<vmem>> -> memref<128xi32, #tpu.memory_space<vmem>>
      %dma_start3A_240 = arith.constant 0 : i32
      %dma_start3A_241 = arith.constant 0 : i32
      %dma_start3A_242 = tpu.memref_slice %arg10[%dma_start3A_240, %dma_start3A_241] : memref<10240x128xf32, #tpu.memory_space<vmem_shared>> -> memref<10240x128xf32, #tpu.memory_space<vmem_shared>>
      tpu.enqueue_indirect_dma source(%dma_start3A_236 : memref<128x128xf32, #tpu.memory_space<vmem>>) target(%dma_start3A_242 : memref<10240x128xf32, #tpu.memory_space<vmem_shared>>) offsets(%dma_start3A_239 : memref<128xi32, #tpu.memory_space<vmem>>) semaphore(%arg13 : memref<!tpu.dma_semaphore, #tpu.memory_space<semaphore_mem>>) {add = true}
      %mul3A_243 = arith.constant 16 : i32
      %mul3A_244 = arith.muli %scan3A_40, %mul3A_243 : i32
      %add3A_245 = arith.constant 5 : i32
      %add3A_246 = arith.addi %mul3A_244, %add3A_245 : i32
      %ge3A_247 = arith.constant 1 : i32
      %ge3A_248 = arith.cmpi sge, %add3A_246, %ge3A_247 : i32
      %convert_element_type3A_249 = arith.extui %ge3A_248 : i1 to i32
      %cond3A_250 = arith.constant 0 : i32
      %cond3A_251 = arith.cmpi ne, %convert_element_type3A_249, %cond3A_250 : i32
      scf.if %cond3A_251 {
        %dma_wait3A_687 = arith.constant 0 : i32
        %dma_wait3A_688 = arith.constant 0 : i32
        %dma_wait3A_689 = arith.constant 0 : i32
        %dma_wait3A_690 = arith.constant 0 : i32
        %dma_wait3A_691 = arith.constant 0 : i32
        %dma_wait3A_692 = tpu.memref_slice %arg9[%dma_wait3A_687, %dma_wait3A_690, %dma_wait3A_691] : memref<2x128x128xf32, #tpu.memory_space<vmem>> -> memref<1x128x128xf32, #tpu.memory_space<vmem>>
        %dma_wait3A_693 = tpu.memref_squeeze %dma_wait3A_692 : memref<1x128x128xf32, #tpu.memory_space<vmem>> -> memref<128x128xf32, #tpu.memory_space<vmem>>
        %dma_wait3A_694 = arith.constant 0 : i32
        %dma_wait3A_695 = tpu.memref_slice %arg8[%dma_wait3A_688, %dma_wait3A_689, %dma_wait3A_694] : memref<2x8x128xi32, #tpu.memory_space<vmem>> -> memref<1x1x128xi32, #tpu.memory_space<vmem>>
        %dma_wait3A_696 = tpu.memref_squeeze %dma_wait3A_695 : memref<1x1x128xi32, #tpu.memory_space<vmem>> -> memref<128xi32, #tpu.memory_space<vmem>>
        %dma_wait3A_697 = arith.constant 0 : i32
        %dma_wait3A_698 = arith.constant 0 : i32
        %dma_wait3A_699 = tpu.memref_slice %arg10[%dma_wait3A_697, %dma_wait3A_698] : memref<10240x128xf32, #tpu.memory_space<vmem_shared>> -> memref<10240x128xf32, #tpu.memory_space<vmem_shared>>
        tpu.wait_indirect_dma semaphore(%arg13 : memref<!tpu.dma_semaphore, #tpu.memory_space<semaphore_mem>>) src(%dma_wait3A_693 : memref<128x128xf32, #tpu.memory_space<vmem>>) dst(%dma_wait3A_699 : memref<10240x128xf32, #tpu.memory_space<vmem_shared>>)
      } else {
      }
      %add3A_252 = arith.constant 1 : i32
      %add3A_253 = arith.addi %add3A_246, %add3A_252 : i32
      %le3A_254 = arith.constant 79 : i32
      %le3A_255 = arith.cmpi sle, %add3A_253, %le3A_254 : i32
      %convert_element_type3A_256 = arith.extui %le3A_255 : i1 to i32
      %cond3A_257 = arith.constant 0 : i32
      %cond3A_258 = arith.cmpi ne, %convert_element_type3A_256, %cond3A_257 : i32
      scf.if %cond3A_258 {
        %add3A_687 = arith.constant 1 : i32
        %add3A_688 = arith.addi %add3A_246, %add3A_687 : i32
        %dma_start3A_689 = arith.constant 0 : i32
        %dma_start3A_690 = arith.constant 0 : i32
        %dma_start3A_691 = arith.constant 0 : i32
        %dma_start3A_692 = tpu.memref_slice %arg9[%dma_start3A_689, %dma_start3A_690, %dma_start3A_691] : memref<2x128x128xf32, #tpu.memory_space<vmem>> -> memref<1x128x128xf32, #tpu.memory_space<vmem>>
        %dma_start3A_693 = tpu.memref_squeeze %dma_start3A_692 : memref<1x128x128xf32, #tpu.memory_space<vmem>> -> memref<128x128xf32, #tpu.memory_space<vmem>>
        %dma_start3A_694 = arith.constant 0 : i32
        %dma_start3A_695 = tpu.memref_slice %arg7[%add3A_688, %dma_start3A_694] : memref<80x128xi32, #tpu.memory_space<vmem>> -> memref<1x128xi32, #tpu.memory_space<vmem>>
        %dma_start3A_696 = tpu.memref_squeeze %dma_start3A_695 : memref<1x128xi32, #tpu.memory_space<vmem>> -> memref<128xi32, #tpu.memory_space<vmem>>
        %dma_start3A_697 = arith.constant 0 : i32
        %dma_start3A_698 = arith.constant 0 : i32
        %dma_start3A_699 = tpu.memref_slice %arg2[%dma_start3A_697, %dma_start3A_698] : memref<10000x128xf32, #tpu.memory_space<hbm>> -> memref<10000x128xf32, #tpu.memory_space<hbm>>
        tpu.enqueue_indirect_dma source(%dma_start3A_699 : memref<10000x128xf32, #tpu.memory_space<hbm>>) target(%dma_start3A_693 : memref<128x128xf32, #tpu.memory_space<vmem>>) offsets(%dma_start3A_696 : memref<128xi32, #tpu.memory_space<vmem>>) semaphore(%arg11 : memref<!tpu.dma_semaphore, #tpu.memory_space<semaphore_mem>>)
      } else {
      }
      %dma_wait3A_259 = arith.constant 1 : i32
      %dma_wait3A_260 = arith.constant 0 : i32
      %dma_wait3A_261 = arith.constant 0 : i32
      %dma_wait3A_262 = tpu.memref_slice %arg9[%dma_wait3A_259, %dma_wait3A_260, %dma_wait3A_261] : memref<2x128x128xf32, #tpu.memory_space<vmem>> -> memref<1x128x128xf32, #tpu.memory_space<vmem>>
      %dma_wait3A_263 = tpu.memref_squeeze %dma_wait3A_262 : memref<1x128x128xf32, #tpu.memory_space<vmem>> -> memref<128x128xf32, #tpu.memory_space<vmem>>
      %dma_wait3A_264 = arith.constant 0 : i32
      %dma_wait3A_265 = tpu.memref_slice %arg7[%add3A_246, %dma_wait3A_264] : memref<80x128xi32, #tpu.memory_space<vmem>> -> memref<1x128xi32, #tpu.memory_space<vmem>>
      %dma_wait3A_266 = tpu.memref_squeeze %dma_wait3A_265 : memref<1x128xi32, #tpu.memory_space<vmem>> -> memref<128xi32, #tpu.memory_space<vmem>>
      %dma_wait3A_267 = arith.constant 0 : i32
      %dma_wait3A_268 = arith.constant 0 : i32
      %dma_wait3A_269 = tpu.memref_slice %arg2[%dma_wait3A_267, %dma_wait3A_268] : memref<10000x128xf32, #tpu.memory_space<hbm>> -> memref<10000x128xf32, #tpu.memory_space<hbm>>
      tpu.wait_indirect_dma semaphore(%arg12 : memref<!tpu.dma_semaphore, #tpu.memory_space<semaphore_mem>>) src(%dma_wait3A_269 : memref<10000x128xf32, #tpu.memory_space<hbm>>) dst(%dma_wait3A_263 : memref<128x128xf32, #tpu.memory_space<vmem>>)
      %dma_start3A_270 = arith.constant 1 : i32
      %dma_start3A_271 = arith.constant 0 : i32
      %dma_start3A_272 = arith.constant 5 : i32
      %dma_start3A_273 = arith.constant 0 : i32
      %dma_start3A_274 = arith.constant 0 : i32
      %dma_start3A_275 = tpu.memref_slice %arg9[%dma_start3A_270, %dma_start3A_273, %dma_start3A_274] : memref<2x128x128xf32, #tpu.memory_space<vmem>> -> memref<1x128x128xf32, #tpu.memory_space<vmem>>
      %dma_start3A_276 = tpu.memref_squeeze %dma_start3A_275 : memref<1x128x128xf32, #tpu.memory_space<vmem>> -> memref<128x128xf32, #tpu.memory_space<vmem>>
      %dma_start3A_277 = arith.constant 0 : i32
      %dma_start3A_278 = tpu.memref_slice %arg8[%dma_start3A_271, %dma_start3A_272, %dma_start3A_277] : memref<2x8x128xi32, #tpu.memory_space<vmem>> -> memref<1x1x128xi32, #tpu.memory_space<vmem>>
      %dma_start3A_279 = tpu.memref_squeeze %dma_start3A_278 : memref<1x1x128xi32, #tpu.memory_space<vmem>> -> memref<128xi32, #tpu.memory_space<vmem>>
      %dma_start3A_280 = arith.constant 0 : i32
      %dma_start3A_281 = arith.constant 0 : i32
      %dma_start3A_282 = tpu.memref_slice %arg10[%dma_start3A_280, %dma_start3A_281] : memref<10240x128xf32, #tpu.memory_space<vmem_shared>> -> memref<10240x128xf32, #tpu.memory_space<vmem_shared>>
      tpu.enqueue_indirect_dma source(%dma_start3A_276 : memref<128x128xf32, #tpu.memory_space<vmem>>) target(%dma_start3A_282 : memref<10240x128xf32, #tpu.memory_space<vmem_shared>>) offsets(%dma_start3A_279 : memref<128xi32, #tpu.memory_space<vmem>>) semaphore(%arg14 : memref<!tpu.dma_semaphore, #tpu.memory_space<semaphore_mem>>) {add = true}
      %mul3A_283 = arith.constant 16 : i32
      %mul3A_284 = arith.muli %scan3A_40, %mul3A_283 : i32
      %add3A_285 = arith.constant 6 : i32
      %add3A_286 = arith.addi %mul3A_284, %add3A_285 : i32
      %ge3A_287 = arith.constant 1 : i32
      %ge3A_288 = arith.cmpi sge, %add3A_286, %ge3A_287 : i32
      %convert_element_type3A_289 = arith.extui %ge3A_288 : i1 to i32
      %cond3A_290 = arith.constant 0 : i32
      %cond3A_291 = arith.cmpi ne, %convert_element_type3A_289, %cond3A_290 : i32
      scf.if %cond3A_291 {
        %dma_wait3A_687 = arith.constant 1 : i32
        %dma_wait3A_688 = arith.constant 0 : i32
        %dma_wait3A_689 = arith.constant 0 : i32
        %dma_wait3A_690 = arith.constant 0 : i32
        %dma_wait3A_691 = arith.constant 0 : i32
        %dma_wait3A_692 = tpu.memref_slice %arg9[%dma_wait3A_687, %dma_wait3A_690, %dma_wait3A_691] : memref<2x128x128xf32, #tpu.memory_space<vmem>> -> memref<1x128x128xf32, #tpu.memory_space<vmem>>
        %dma_wait3A_693 = tpu.memref_squeeze %dma_wait3A_692 : memref<1x128x128xf32, #tpu.memory_space<vmem>> -> memref<128x128xf32, #tpu.memory_space<vmem>>
        %dma_wait3A_694 = arith.constant 0 : i32
        %dma_wait3A_695 = tpu.memref_slice %arg8[%dma_wait3A_688, %dma_wait3A_689, %dma_wait3A_694] : memref<2x8x128xi32, #tpu.memory_space<vmem>> -> memref<1x1x128xi32, #tpu.memory_space<vmem>>
        %dma_wait3A_696 = tpu.memref_squeeze %dma_wait3A_695 : memref<1x1x128xi32, #tpu.memory_space<vmem>> -> memref<128xi32, #tpu.memory_space<vmem>>
        %dma_wait3A_697 = arith.constant 0 : i32
        %dma_wait3A_698 = arith.constant 0 : i32
        %dma_wait3A_699 = tpu.memref_slice %arg10[%dma_wait3A_697, %dma_wait3A_698] : memref<10240x128xf32, #tpu.memory_space<vmem_shared>> -> memref<10240x128xf32, #tpu.memory_space<vmem_shared>>
        tpu.wait_indirect_dma semaphore(%arg14 : memref<!tpu.dma_semaphore, #tpu.memory_space<semaphore_mem>>) src(%dma_wait3A_693 : memref<128x128xf32, #tpu.memory_space<vmem>>) dst(%dma_wait3A_699 : memref<10240x128xf32, #tpu.memory_space<vmem_shared>>)
      } else {
      }
      %add3A_292 = arith.constant 1 : i32
      %add3A_293 = arith.addi %add3A_286, %add3A_292 : i32
      %le3A_294 = arith.constant 79 : i32
      %le3A_295 = arith.cmpi sle, %add3A_293, %le3A_294 : i32
      %convert_element_type3A_296 = arith.extui %le3A_295 : i1 to i32
      %cond3A_297 = arith.constant 0 : i32
      %cond3A_298 = arith.cmpi ne, %convert_element_type3A_296, %cond3A_297 : i32
      scf.if %cond3A_298 {
        %add3A_687 = arith.constant 1 : i32
        %add3A_688 = arith.addi %add3A_286, %add3A_687 : i32
        %dma_start3A_689 = arith.constant 1 : i32
        %dma_start3A_690 = arith.constant 0 : i32
        %dma_start3A_691 = arith.constant 0 : i32
        %dma_start3A_692 = tpu.memref_slice %arg9[%dma_start3A_689, %dma_start3A_690, %dma_start3A_691] : memref<2x128x128xf32, #tpu.memory_space<vmem>> -> memref<1x128x128xf32, #tpu.memory_space<vmem>>
        %dma_start3A_693 = tpu.memref_squeeze %dma_start3A_692 : memref<1x128x128xf32, #tpu.memory_space<vmem>> -> memref<128x128xf32, #tpu.memory_space<vmem>>
        %dma_start3A_694 = arith.constant 0 : i32
        %dma_start3A_695 = tpu.memref_slice %arg7[%add3A_688, %dma_start3A_694] : memref<80x128xi32, #tpu.memory_space<vmem>> -> memref<1x128xi32, #tpu.memory_space<vmem>>
        %dma_start3A_696 = tpu.memref_squeeze %dma_start3A_695 : memref<1x128xi32, #tpu.memory_space<vmem>> -> memref<128xi32, #tpu.memory_space<vmem>>
        %dma_start3A_697 = arith.constant 0 : i32
        %dma_start3A_698 = arith.constant 0 : i32
        %dma_start3A_699 = tpu.memref_slice %arg2[%dma_start3A_697, %dma_start3A_698] : memref<10000x128xf32, #tpu.memory_space<hbm>> -> memref<10000x128xf32, #tpu.memory_space<hbm>>
        tpu.enqueue_indirect_dma source(%dma_start3A_699 : memref<10000x128xf32, #tpu.memory_space<hbm>>) target(%dma_start3A_693 : memref<128x128xf32, #tpu.memory_space<vmem>>) offsets(%dma_start3A_696 : memref<128xi32, #tpu.memory_space<vmem>>) semaphore(%arg12 : memref<!tpu.dma_semaphore, #tpu.memory_space<semaphore_mem>>)
      } else {
      }
      %dma_wait3A_299 = arith.constant 0 : i32
      %dma_wait3A_300 = arith.constant 0 : i32
      %dma_wait3A_301 = arith.constant 0 : i32
      %dma_wait3A_302 = tpu.memref_slice %arg9[%dma_wait3A_299, %dma_wait3A_300, %dma_wait3A_301] : memref<2x128x128xf32, #tpu.memory_space<vmem>> -> memref<1x128x128xf32, #tpu.memory_space<vmem>>
      %dma_wait3A_303 = tpu.memref_squeeze %dma_wait3A_302 : memref<1x128x128xf32, #tpu.memory_space<vmem>> -> memref<128x128xf32, #tpu.memory_space<vmem>>
      %dma_wait3A_304 = arith.constant 0 : i32
      %dma_wait3A_305 = tpu.memref_slice %arg7[%add3A_286, %dma_wait3A_304] : memref<80x128xi32, #tpu.memory_space<vmem>> -> memref<1x128xi32, #tpu.memory_space<vmem>>
      %dma_wait3A_306 = tpu.memref_squeeze %dma_wait3A_305 : memref<1x128xi32, #tpu.memory_space<vmem>> -> memref<128xi32, #tpu.memory_space<vmem>>
      %dma_wait3A_307 = arith.constant 0 : i32
      %dma_wait3A_308 = arith.constant 0 : i32
      %dma_wait3A_309 = tpu.memref_slice %arg2[%dma_wait3A_307, %dma_wait3A_308] : memref<10000x128xf32, #tpu.memory_space<hbm>> -> memref<10000x128xf32, #tpu.memory_space<hbm>>
      tpu.wait_indirect_dma semaphore(%arg11 : memref<!tpu.dma_semaphore, #tpu.memory_space<semaphore_mem>>) src(%dma_wait3A_309 : memref<10000x128xf32, #tpu.memory_space<hbm>>) dst(%dma_wait3A_303 : memref<128x128xf32, #tpu.memory_space<vmem>>)
      %dma_start3A_310 = arith.constant 0 : i32
      %dma_start3A_311 = arith.constant 0 : i32
      %dma_start3A_312 = arith.constant 6 : i32
      %dma_start3A_313 = arith.constant 0 : i32
      %dma_start3A_314 = arith.constant 0 : i32
      %dma_start3A_315 = tpu.memref_slice %arg9[%dma_start3A_310, %dma_start3A_313, %dma_start3A_314] : memref<2x128x128xf32, #tpu.memory_space<vmem>> -> memref<1x128x128xf32, #tpu.memory_space<vmem>>
      %dma_start3A_316 = tpu.memref_squeeze %dma_start3A_315 : memref<1x128x128xf32, #tpu.memory_space<vmem>> -> memref<128x128xf32, #tpu.memory_space<vmem>>
      %dma_start3A_317 = arith.constant 0 : i32
      %dma_start3A_318 = tpu.memref_slice %arg8[%dma_start3A_311, %dma_start3A_312, %dma_start3A_317] : memref<2x8x128xi32, #tpu.memory_space<vmem>> -> memref<1x1x128xi32, #tpu.memory_space<vmem>>
      %dma_start3A_319 = tpu.memref_squeeze %dma_start3A_318 : memref<1x1x128xi32, #tpu.memory_space<vmem>> -> memref<128xi32, #tpu.memory_space<vmem>>
      %dma_start3A_320 = arith.constant 0 : i32
      %dma_start3A_321 = arith.constant 0 : i32
      %dma_start3A_322 = tpu.memref_slice %arg10[%dma_start3A_320, %dma_start3A_321] : memref<10240x128xf32, #tpu.memory_space<vmem_shared>> -> memref<10240x128xf32, #tpu.memory_space<vmem_shared>>
      tpu.enqueue_indirect_dma source(%dma_start3A_316 : memref<128x128xf32, #tpu.memory_space<vmem>>) target(%dma_start3A_322 : memref<10240x128xf32, #tpu.memory_space<vmem_shared>>) offsets(%dma_start3A_319 : memref<128xi32, #tpu.memory_space<vmem>>) semaphore(%arg13 : memref<!tpu.dma_semaphore, #tpu.memory_space<semaphore_mem>>) {add = true}
      %mul3A_323 = arith.constant 16 : i32
      %mul3A_324 = arith.muli %scan3A_40, %mul3A_323 : i32
      %add3A_325 = arith.constant 7 : i32
      %add3A_326 = arith.addi %mul3A_324, %add3A_325 : i32
      %ge3A_327 = arith.constant 1 : i32
      %ge3A_328 = arith.cmpi sge, %add3A_326, %ge3A_327 : i32
      %convert_element_type3A_329 = arith.extui %ge3A_328 : i1 to i32
      %cond3A_330 = arith.constant 0 : i32
      %cond3A_331 = arith.cmpi ne, %convert_element_type3A_329, %cond3A_330 : i32
      scf.if %cond3A_331 {
        %dma_wait3A_687 = arith.constant 0 : i32
        %dma_wait3A_688 = arith.constant 0 : i32
        %dma_wait3A_689 = arith.constant 0 : i32
        %dma_wait3A_690 = arith.constant 0 : i32
        %dma_wait3A_691 = arith.constant 0 : i32
        %dma_wait3A_692 = tpu.memref_slice %arg9[%dma_wait3A_687, %dma_wait3A_690, %dma_wait3A_691] : memref<2x128x128xf32, #tpu.memory_space<vmem>> -> memref<1x128x128xf32, #tpu.memory_space<vmem>>
        %dma_wait3A_693 = tpu.memref_squeeze %dma_wait3A_692 : memref<1x128x128xf32, #tpu.memory_space<vmem>> -> memref<128x128xf32, #tpu.memory_space<vmem>>
        %dma_wait3A_694 = arith.constant 0 : i32
        %dma_wait3A_695 = tpu.memref_slice %arg8[%dma_wait3A_688, %dma_wait3A_689, %dma_wait3A_694] : memref<2x8x128xi32, #tpu.memory_space<vmem>> -> memref<1x1x128xi32, #tpu.memory_space<vmem>>
        %dma_wait3A_696 = tpu.memref_squeeze %dma_wait3A_695 : memref<1x1x128xi32, #tpu.memory_space<vmem>> -> memref<128xi32, #tpu.memory_space<vmem>>
        %dma_wait3A_697 = arith.constant 0 : i32
        %dma_wait3A_698 = arith.constant 0 : i32
        %dma_wait3A_699 = tpu.memref_slice %arg10[%dma_wait3A_697, %dma_wait3A_698] : memref<10240x128xf32, #tpu.memory_space<vmem_shared>> -> memref<10240x128xf32, #tpu.memory_space<vmem_shared>>
        tpu.wait_indirect_dma semaphore(%arg13 : memref<!tpu.dma_semaphore, #tpu.memory_space<semaphore_mem>>) src(%dma_wait3A_693 : memref<128x128xf32, #tpu.memory_space<vmem>>) dst(%dma_wait3A_699 : memref<10240x128xf32, #tpu.memory_space<vmem_shared>>)
      } else {
      }
      %add3A_332 = arith.constant 1 : i32
      %add3A_333 = arith.addi %add3A_326, %add3A_332 : i32
      %le3A_334 = arith.constant 79 : i32
      %le3A_335 = arith.cmpi sle, %add3A_333, %le3A_334 : i32
      %convert_element_type3A_336 = arith.extui %le3A_335 : i1 to i32
      %cond3A_337 = arith.constant 0 : i32
      %cond3A_338 = arith.cmpi ne, %convert_element_type3A_336, %cond3A_337 : i32
      scf.if %cond3A_338 {
        %add3A_687 = arith.constant 1 : i32
        %add3A_688 = arith.addi %add3A_326, %add3A_687 : i32
        %dma_start3A_689 = arith.constant 0 : i32
        %dma_start3A_690 = arith.constant 0 : i32
        %dma_start3A_691 = arith.constant 0 : i32
        %dma_start3A_692 = tpu.memref_slice %arg9[%dma_start3A_689, %dma_start3A_690, %dma_start3A_691] : memref<2x128x128xf32, #tpu.memory_space<vmem>> -> memref<1x128x128xf32, #tpu.memory_space<vmem>>
        %dma_start3A_693 = tpu.memref_squeeze %dma_start3A_692 : memref<1x128x128xf32, #tpu.memory_space<vmem>> -> memref<128x128xf32, #tpu.memory_space<vmem>>
        %dma_start3A_694 = arith.constant 0 : i32
        %dma_start3A_695 = tpu.memref_slice %arg7[%add3A_688, %dma_start3A_694] : memref<80x128xi32, #tpu.memory_space<vmem>> -> memref<1x128xi32, #tpu.memory_space<vmem>>
        %dma_start3A_696 = tpu.memref_squeeze %dma_start3A_695 : memref<1x128xi32, #tpu.memory_space<vmem>> -> memref<128xi32, #tpu.memory_space<vmem>>
        %dma_start3A_697 = arith.constant 0 : i32
        %dma_start3A_698 = arith.constant 0 : i32
        %dma_start3A_699 = tpu.memref_slice %arg2[%dma_start3A_697, %dma_start3A_698] : memref<10000x128xf32, #tpu.memory_space<hbm>> -> memref<10000x128xf32, #tpu.memory_space<hbm>>
        tpu.enqueue_indirect_dma source(%dma_start3A_699 : memref<10000x128xf32, #tpu.memory_space<hbm>>) target(%dma_start3A_693 : memref<128x128xf32, #tpu.memory_space<vmem>>) offsets(%dma_start3A_696 : memref<128xi32, #tpu.memory_space<vmem>>) semaphore(%arg11 : memref<!tpu.dma_semaphore, #tpu.memory_space<semaphore_mem>>)
      } else {
      }
      %dma_wait3A_339 = arith.constant 1 : i32
      %dma_wait3A_340 = arith.constant 0 : i32
      %dma_wait3A_341 = arith.constant 0 : i32
      %dma_wait3A_342 = tpu.memref_slice %arg9[%dma_wait3A_339, %dma_wait3A_340, %dma_wait3A_341] : memref<2x128x128xf32, #tpu.memory_space<vmem>> -> memref<1x128x128xf32, #tpu.memory_space<vmem>>
      %dma_wait3A_343 = tpu.memref_squeeze %dma_wait3A_342 : memref<1x128x128xf32, #tpu.memory_space<vmem>> -> memref<128x128xf32, #tpu.memory_space<vmem>>
      %dma_wait3A_344 = arith.constant 0 : i32
      %dma_wait3A_345 = tpu.memref_slice %arg7[%add3A_326, %dma_wait3A_344] : memref<80x128xi32, #tpu.memory_space<vmem>> -> memref<1x128xi32, #tpu.memory_space<vmem>>
      %dma_wait3A_346 = tpu.memref_squeeze %dma_wait3A_345 : memref<1x128xi32, #tpu.memory_space<vmem>> -> memref<128xi32, #tpu.memory_space<vmem>>
      %dma_wait3A_347 = arith.constant 0 : i32
      %dma_wait3A_348 = arith.constant 0 : i32
      %dma_wait3A_349 = tpu.memref_slice %arg2[%dma_wait3A_347, %dma_wait3A_348] : memref<10000x128xf32, #tpu.memory_space<hbm>> -> memref<10000x128xf32, #tpu.memory_space<hbm>>
      tpu.wait_indirect_dma semaphore(%arg12 : memref<!tpu.dma_semaphore, #tpu.memory_space<semaphore_mem>>) src(%dma_wait3A_349 : memref<10000x128xf32, #tpu.memory_space<hbm>>) dst(%dma_wait3A_343 : memref<128x128xf32, #tpu.memory_space<vmem>>)
      %dma_start3A_350 = arith.constant 1 : i32
      %dma_start3A_351 = arith.constant 0 : i32
      %dma_start3A_352 = arith.constant 7 : i32
      %dma_start3A_353 = arith.constant 0 : i32
      %dma_start3A_354 = arith.constant 0 : i32
      %dma_start3A_355 = tpu.memref_slice %arg9[%dma_start3A_350, %dma_start3A_353, %dma_start3A_354] : memref<2x128x128xf32, #tpu.memory_space<vmem>> -> memref<1x128x128xf32, #tpu.memory_space<vmem>>
      %dma_start3A_356 = tpu.memref_squeeze %dma_start3A_355 : memref<1x128x128xf32, #tpu.memory_space<vmem>> -> memref<128x128xf32, #tpu.memory_space<vmem>>
      %dma_start3A_357 = arith.constant 0 : i32
      %dma_start3A_358 = tpu.memref_slice %arg8[%dma_start3A_351, %dma_start3A_352, %dma_start3A_357] : memref<2x8x128xi32, #tpu.memory_space<vmem>> -> memref<1x1x128xi32, #tpu.memory_space<vmem>>
      %dma_start3A_359 = tpu.memref_squeeze %dma_start3A_358 : memref<1x1x128xi32, #tpu.memory_space<vmem>> -> memref<128xi32, #tpu.memory_space<vmem>>
      %dma_start3A_360 = arith.constant 0 : i32
      %dma_start3A_361 = arith.constant 0 : i32
      %dma_start3A_362 = tpu.memref_slice %arg10[%dma_start3A_360, %dma_start3A_361] : memref<10240x128xf32, #tpu.memory_space<vmem_shared>> -> memref<10240x128xf32, #tpu.memory_space<vmem_shared>>
      tpu.enqueue_indirect_dma source(%dma_start3A_356 : memref<128x128xf32, #tpu.memory_space<vmem>>) target(%dma_start3A_362 : memref<10240x128xf32, #tpu.memory_space<vmem_shared>>) offsets(%dma_start3A_359 : memref<128xi32, #tpu.memory_space<vmem>>) semaphore(%arg14 : memref<!tpu.dma_semaphore, #tpu.memory_space<semaphore_mem>>) {add = true}
      %mul3A_363 = arith.constant 16 : i32
      %mul3A_364 = arith.muli %scan3A_40, %mul3A_363 : i32
      %add3A_365 = arith.constant 8 : i32
      %add3A_366 = arith.addi %mul3A_364, %add3A_365 : i32
      %ge3A_367 = arith.constant 1 : i32
      %ge3A_368 = arith.cmpi sge, %add3A_366, %ge3A_367 : i32
      %convert_element_type3A_369 = arith.extui %ge3A_368 : i1 to i32
      %cond3A_370 = arith.constant 0 : i32
      %cond3A_371 = arith.cmpi ne, %convert_element_type3A_369, %cond3A_370 : i32
      scf.if %cond3A_371 {
        %dma_wait3A_687 = arith.constant 1 : i32
        %dma_wait3A_688 = arith.constant 1 : i32
        %dma_wait3A_689 = arith.constant 0 : i32
        %dma_wait3A_690 = arith.constant 0 : i32
        %dma_wait3A_691 = arith.constant 0 : i32
        %dma_wait3A_692 = tpu.memref_slice %arg9[%dma_wait3A_687, %dma_wait3A_690, %dma_wait3A_691] : memref<2x128x128xf32, #tpu.memory_space<vmem>> -> memref<1x128x128xf32, #tpu.memory_space<vmem>>
        %dma_wait3A_693 = tpu.memref_squeeze %dma_wait3A_692 : memref<1x128x128xf32, #tpu.memory_space<vmem>> -> memref<128x128xf32, #tpu.memory_space<vmem>>
        %dma_wait3A_694 = arith.constant 0 : i32
        %dma_wait3A_695 = tpu.memref_slice %arg8[%dma_wait3A_688, %dma_wait3A_689, %dma_wait3A_694] : memref<2x8x128xi32, #tpu.memory_space<vmem>> -> memref<1x1x128xi32, #tpu.memory_space<vmem>>
        %dma_wait3A_696 = tpu.memref_squeeze %dma_wait3A_695 : memref<1x1x128xi32, #tpu.memory_space<vmem>> -> memref<128xi32, #tpu.memory_space<vmem>>
        %dma_wait3A_697 = arith.constant 0 : i32
        %dma_wait3A_698 = arith.constant 0 : i32
        %dma_wait3A_699 = tpu.memref_slice %arg10[%dma_wait3A_697, %dma_wait3A_698] : memref<10240x128xf32, #tpu.memory_space<vmem_shared>> -> memref<10240x128xf32, #tpu.memory_space<vmem_shared>>
        tpu.wait_indirect_dma semaphore(%arg14 : memref<!tpu.dma_semaphore, #tpu.memory_space<semaphore_mem>>) src(%dma_wait3A_693 : memref<128x128xf32, #tpu.memory_space<vmem>>) dst(%dma_wait3A_699 : memref<10240x128xf32, #tpu.memory_space<vmem_shared>>)
      } else {
      }
      %add3A_372 = arith.constant 1 : i32
      %add3A_373 = arith.addi %add3A_366, %add3A_372 : i32
      %le3A_374 = arith.constant 79 : i32
      %le3A_375 = arith.cmpi sle, %add3A_373, %le3A_374 : i32
      %convert_element_type3A_376 = arith.extui %le3A_375 : i1 to i32
      %cond3A_377 = arith.constant 0 : i32
      %cond3A_378 = arith.cmpi ne, %convert_element_type3A_376, %cond3A_377 : i32
      scf.if %cond3A_378 {
        %add3A_687 = arith.constant 1 : i32
        %add3A_688 = arith.addi %add3A_366, %add3A_687 : i32
        %dma_start3A_689 = arith.constant 1 : i32
        %dma_start3A_690 = arith.constant 0 : i32
        %dma_start3A_691 = arith.constant 0 : i32
        %dma_start3A_692 = tpu.memref_slice %arg9[%dma_start3A_689, %dma_start3A_690, %dma_start3A_691] : memref<2x128x128xf32, #tpu.memory_space<vmem>> -> memref<1x128x128xf32, #tpu.memory_space<vmem>>
        %dma_start3A_693 = tpu.memref_squeeze %dma_start3A_692 : memref<1x128x128xf32, #tpu.memory_space<vmem>> -> memref<128x128xf32, #tpu.memory_space<vmem>>
        %dma_start3A_694 = arith.constant 0 : i32
        %dma_start3A_695 = tpu.memref_slice %arg7[%add3A_688, %dma_start3A_694] : memref<80x128xi32, #tpu.memory_space<vmem>> -> memref<1x128xi32, #tpu.memory_space<vmem>>
        %dma_start3A_696 = tpu.memref_squeeze %dma_start3A_695 : memref<1x128xi32, #tpu.memory_space<vmem>> -> memref<128xi32, #tpu.memory_space<vmem>>
        %dma_start3A_697 = arith.constant 0 : i32
        %dma_start3A_698 = arith.constant 0 : i32
        %dma_start3A_699 = tpu.memref_slice %arg2[%dma_start3A_697, %dma_start3A_698] : memref<10000x128xf32, #tpu.memory_space<hbm>> -> memref<10000x128xf32, #tpu.memory_space<hbm>>
        tpu.enqueue_indirect_dma source(%dma_start3A_699 : memref<10000x128xf32, #tpu.memory_space<hbm>>) target(%dma_start3A_693 : memref<128x128xf32, #tpu.memory_space<vmem>>) offsets(%dma_start3A_696 : memref<128xi32, #tpu.memory_space<vmem>>) semaphore(%arg12 : memref<!tpu.dma_semaphore, #tpu.memory_space<semaphore_mem>>)
      } else {
      }
      %dma_wait3A_379 = arith.constant 0 : i32
      %dma_wait3A_380 = arith.constant 0 : i32
      %dma_wait3A_381 = arith.constant 0 : i32
      %dma_wait3A_382 = tpu.memref_slice %arg9[%dma_wait3A_379, %dma_wait3A_380, %dma_wait3A_381] : memref<2x128x128xf32, #tpu.memory_space<vmem>> -> memref<1x128x128xf32, #tpu.memory_space<vmem>>
      %dma_wait3A_383 = tpu.memref_squeeze %dma_wait3A_382 : memref<1x128x128xf32, #tpu.memory_space<vmem>> -> memref<128x128xf32, #tpu.memory_space<vmem>>
      %dma_wait3A_384 = arith.constant 0 : i32
      %dma_wait3A_385 = tpu.memref_slice %arg7[%add3A_366, %dma_wait3A_384] : memref<80x128xi32, #tpu.memory_space<vmem>> -> memref<1x128xi32, #tpu.memory_space<vmem>>
      %dma_wait3A_386 = tpu.memref_squeeze %dma_wait3A_385 : memref<1x128xi32, #tpu.memory_space<vmem>> -> memref<128xi32, #tpu.memory_space<vmem>>
      %dma_wait3A_387 = arith.constant 0 : i32
      %dma_wait3A_388 = arith.constant 0 : i32
      %dma_wait3A_389 = tpu.memref_slice %arg2[%dma_wait3A_387, %dma_wait3A_388] : memref<10000x128xf32, #tpu.memory_space<hbm>> -> memref<10000x128xf32, #tpu.memory_space<hbm>>
      tpu.wait_indirect_dma semaphore(%arg11 : memref<!tpu.dma_semaphore, #tpu.memory_space<semaphore_mem>>) src(%dma_wait3A_389 : memref<10000x128xf32, #tpu.memory_space<hbm>>) dst(%dma_wait3A_383 : memref<128x128xf32, #tpu.memory_space<vmem>>)
      %dma_start3A_390 = arith.constant 0 : i32
      %dma_start3A_391 = arith.constant 1 : i32
      %dma_start3A_392 = arith.constant 0 : i32
      %dma_start3A_393 = arith.constant 0 : i32
      %dma_start3A_394 = arith.constant 0 : i32
      %dma_start3A_395 = tpu.memref_slice %arg9[%dma_start3A_390, %dma_start3A_393, %dma_start3A_394] : memref<2x128x128xf32, #tpu.memory_space<vmem>> -> memref<1x128x128xf32, #tpu.memory_space<vmem>>
      %dma_start3A_396 = tpu.memref_squeeze %dma_start3A_395 : memref<1x128x128xf32, #tpu.memory_space<vmem>> -> memref<128x128xf32, #tpu.memory_space<vmem>>
      %dma_start3A_397 = arith.constant 0 : i32
      %dma_start3A_398 = tpu.memref_slice %arg8[%dma_start3A_391, %dma_start3A_392, %dma_start3A_397] : memref<2x8x128xi32, #tpu.memory_space<vmem>> -> memref<1x1x128xi32, #tpu.memory_space<vmem>>
      %dma_start3A_399 = tpu.memref_squeeze %dma_start3A_398 : memref<1x1x128xi32, #tpu.memory_space<vmem>> -> memref<128xi32, #tpu.memory_space<vmem>>
      %dma_start3A_400 = arith.constant 0 : i32
      %dma_start3A_401 = arith.constant 0 : i32
      %dma_start3A_402 = tpu.memref_slice %arg10[%dma_start3A_400, %dma_start3A_401] : memref<10240x128xf32, #tpu.memory_space<vmem_shared>> -> memref<10240x128xf32, #tpu.memory_space<vmem_shared>>
      tpu.enqueue_indirect_dma source(%dma_start3A_396 : memref<128x128xf32, #tpu.memory_space<vmem>>) target(%dma_start3A_402 : memref<10240x128xf32, #tpu.memory_space<vmem_shared>>) offsets(%dma_start3A_399 : memref<128xi32, #tpu.memory_space<vmem>>) semaphore(%arg13 : memref<!tpu.dma_semaphore, #tpu.memory_space<semaphore_mem>>) {add = true}
      %lt3A = arith.constant 4 : i32
      %lt3A_403 = arith.cmpi slt, %scan3A_40, %lt3A : i32
      %convert_element_type3A_404 = arith.extui %lt3A_403 : i1 to i32
      %cond3A_405 = arith.constant 0 : i32
      %cond3A_406 = arith.cmpi ne, %convert_element_type3A_404, %cond3A_405 : i32
      scf.if %cond3A_406 {
        %mul3A_687 = arith.constant 16 : i32
        %mul3A_688 = arith.muli %scan3A_40, %mul3A_687 : i32
        %add3A_689 = arith.addi %mul3A_2, %mul3A_688 : i32
        %add3A_690 = arith.constant 16 : i32
        %add3A_691 = arith.addi %add3A_689, %add3A_690 : i32
        %run_scoped3A_692 = arith.constant 0 : i32
        "tpu.region"() ({
          %run_scoped3A_693 = tpu.sem_alloc : memref<!tpu.dma_semaphore, #tpu.memory_space<semaphore_mem>>
          %dma_start3A_694 = arith.constant 0 : i32
          %dma_start3A_695 = arith.constant 0 : i32
          %dma_start3A_696 = tpu.memref_slice %arg8[%run_scoped3A_692, %dma_start3A_694, %dma_start3A_695] : memref<2x8x128xi32, #tpu.memory_space<vmem>> -> memref<1x8x128xi32, #tpu.memory_space<vmem>>
          %dma_start3A_697 = tpu.memref_squeeze %dma_start3A_696 : memref<1x8x128xi32, #tpu.memory_space<vmem>> -> memref<8x128xi32, #tpu.memory_space<vmem>>
          %dma_start3A_698 = arith.constant 0 : i32
          %dma_start3A_699 = tpu.memref_slice %arg4[%add3A_691, %dma_start3A_698] : memref<2560x128xi32, #tpu.memory_space<hbm>> -> memref<8x128xi32, #tpu.memory_space<hbm>>
          %dma_start3A_700 = arith.constant 0 : i32
          %dma_start3A_701 = arith.constant 0 : i32
          %dma_start3A_702 = tpu.memref_slice %arg8[%run_scoped3A_692, %dma_start3A_700, %dma_start3A_701] : memref<2x8x128xi32, #tpu.memory_space<vmem>> -> memref<1x8x128xi32, #tpu.memory_space<vmem>>
          %dma_start3A_703 = tpu.memref_squeeze %dma_start3A_702 : memref<1x8x128xi32, #tpu.memory_space<vmem>> -> memref<8x128xi32, #tpu.memory_space<vmem>>
          %dma_start3A_704 = arith.constant 0 : i32
          %dma_start3A_705 = tpu.memref_slice %arg4[%add3A_691, %dma_start3A_704] : memref<2560x128xi32, #tpu.memory_space<hbm>> -> memref<8x128xi32, #tpu.memory_space<hbm>>
          tpu.enqueue_dma source(%dma_start3A_705 : memref<8x128xi32, #tpu.memory_space<hbm>>) target(%dma_start3A_703 : memref<8x128xi32, #tpu.memory_space<vmem>>) target_semaphore(%run_scoped3A_693 : memref<!tpu.dma_semaphore, #tpu.memory_space<semaphore_mem>>)
          %dma_wait3A_706 = arith.constant 0 : i32
          %dma_wait3A_707 = arith.constant 0 : i32
          %dma_wait3A_708 = tpu.memref_slice %arg8[%run_scoped3A_692, %dma_wait3A_706, %dma_wait3A_707] : memref<2x8x128xi32, #tpu.memory_space<vmem>> -> memref<1x8x128xi32, #tpu.memory_space<vmem>>
          %dma_wait3A_709 = tpu.memref_squeeze %dma_wait3A_708 : memref<1x8x128xi32, #tpu.memory_space<vmem>> -> memref<8x128xi32, #tpu.memory_space<vmem>>
          %dma_wait3A_710 = arith.constant 0 : i32
          %dma_wait3A_711 = tpu.memref_slice %arg4[%add3A_691, %dma_wait3A_710] : memref<2560x128xi32, #tpu.memory_space<hbm>> -> memref<8x128xi32, #tpu.memory_space<hbm>>
          %dma_wait3A_712 = arith.constant 0 : i32
          %dma_wait3A_713 = arith.constant 0 : i32
          %dma_wait3A_714 = tpu.memref_slice %arg8[%run_scoped3A_692, %dma_wait3A_712, %dma_wait3A_713] : memref<2x8x128xi32, #tpu.memory_space<vmem>> -> memref<1x8x128xi32, #tpu.memory_space<vmem>>
          %dma_wait3A_715 = tpu.memref_squeeze %dma_wait3A_714 : memref<1x8x128xi32, #tpu.memory_space<vmem>> -> memref<8x128xi32, #tpu.memory_space<vmem>>
          %dma_wait3A_716 = arith.constant 0 : i32
          %dma_wait3A_717 = tpu.memref_slice %arg4[%add3A_691, %dma_wait3A_716] : memref<2560x128xi32, #tpu.memory_space<hbm>> -> memref<8x128xi32, #tpu.memory_space<hbm>>
          tpu.wait_dma2 semaphore(%run_scoped3A_693 : memref<!tpu.dma_semaphore, #tpu.memory_space<semaphore_mem>>) src(%dma_wait3A_717 : memref<8x128xi32, #tpu.memory_space<hbm>>) dst(%dma_wait3A_715 : memref<8x128xi32, #tpu.memory_space<vmem>>)
          tpu.yield
        }) : () -> ()
      } else {
      }
      %mul3A_407 = arith.constant 16 : i32
      %mul3A_408 = arith.muli %scan3A_40, %mul3A_407 : i32
      %add3A_409 = arith.constant 9 : i32
      %add3A_410 = arith.addi %mul3A_408, %add3A_409 : i32
      %ge3A_411 = arith.constant 1 : i32
      %ge3A_412 = arith.cmpi sge, %add3A_410, %ge3A_411 : i32
      %convert_element_type3A_413 = arith.extui %ge3A_412 : i1 to i32
      %cond3A_414 = arith.constant 0 : i32
      %cond3A_415 = arith.cmpi ne, %convert_element_type3A_413, %cond3A_414 : i32
      scf.if %cond3A_415 {
        %dma_wait3A_687 = arith.constant 0 : i32
        %dma_wait3A_688 = arith.constant 1 : i32
        %dma_wait3A_689 = arith.constant 0 : i32
        %dma_wait3A_690 = arith.constant 0 : i32
        %dma_wait3A_691 = arith.constant 0 : i32
        %dma_wait3A_692 = tpu.memref_slice %arg9[%dma_wait3A_687, %dma_wait3A_690, %dma_wait3A_691] : memref<2x128x128xf32, #tpu.memory_space<vmem>> -> memref<1x128x128xf32, #tpu.memory_space<vmem>>
        %dma_wait3A_693 = tpu.memref_squeeze %dma_wait3A_692 : memref<1x128x128xf32, #tpu.memory_space<vmem>> -> memref<128x128xf32, #tpu.memory_space<vmem>>
        %dma_wait3A_694 = arith.constant 0 : i32
        %dma_wait3A_695 = tpu.memref_slice %arg8[%dma_wait3A_688, %dma_wait3A_689, %dma_wait3A_694] : memref<2x8x128xi32, #tpu.memory_space<vmem>> -> memref<1x1x128xi32, #tpu.memory_space<vmem>>
        %dma_wait3A_696 = tpu.memref_squeeze %dma_wait3A_695 : memref<1x1x128xi32, #tpu.memory_space<vmem>> -> memref<128xi32, #tpu.memory_space<vmem>>
        %dma_wait3A_697 = arith.constant 0 : i32
        %dma_wait3A_698 = arith.constant 0 : i32
        %dma_wait3A_699 = tpu.memref_slice %arg10[%dma_wait3A_697, %dma_wait3A_698] : memref<10240x128xf32, #tpu.memory_space<vmem_shared>> -> memref<10240x128xf32, #tpu.memory_space<vmem_shared>>
        tpu.wait_indirect_dma semaphore(%arg13 : memref<!tpu.dma_semaphore, #tpu.memory_space<semaphore_mem>>) src(%dma_wait3A_693 : memref<128x128xf32, #tpu.memory_space<vmem>>) dst(%dma_wait3A_699 : memref<10240x128xf32, #tpu.memory_space<vmem_shared>>)
      } else {
      }
      %add3A_416 = arith.constant 1 : i32
      %add3A_417 = arith.addi %add3A_410, %add3A_416 : i32
      %le3A_418 = arith.constant 79 : i32
      %le3A_419 = arith.cmpi sle, %add3A_417, %le3A_418 : i32
      %convert_element_type3A_420 = arith.extui %le3A_419 : i1 to i32
      %cond3A_421 = arith.constant 0 : i32
      %cond3A_422 = arith.cmpi ne, %convert_element_type3A_420, %cond3A_421 : i32
      scf.if %cond3A_422 {
        %add3A_687 = arith.constant 1 : i32
        %add3A_688 = arith.addi %add3A_410, %add3A_687 : i32
        %dma_start3A_689 = arith.constant 0 : i32
        %dma_start3A_690 = arith.constant 0 : i32
        %dma_start3A_691 = arith.constant 0 : i32
        %dma_start3A_692 = tpu.memref_slice %arg9[%dma_start3A_689, %dma_start3A_690, %dma_start3A_691] : memref<2x128x128xf32, #tpu.memory_space<vmem>> -> memref<1x128x128xf32, #tpu.memory_space<vmem>>
        %dma_start3A_693 = tpu.memref_squeeze %dma_start3A_692 : memref<1x128x128xf32, #tpu.memory_space<vmem>> -> memref<128x128xf32, #tpu.memory_space<vmem>>
        %dma_start3A_694 = arith.constant 0 : i32
        %dma_start3A_695 = tpu.memref_slice %arg7[%add3A_688, %dma_start3A_694] : memref<80x128xi32, #tpu.memory_space<vmem>> -> memref<1x128xi32, #tpu.memory_space<vmem>>
        %dma_start3A_696 = tpu.memref_squeeze %dma_start3A_695 : memref<1x128xi32, #tpu.memory_space<vmem>> -> memref<128xi32, #tpu.memory_space<vmem>>
        %dma_start3A_697 = arith.constant 0 : i32
        %dma_start3A_698 = arith.constant 0 : i32
        %dma_start3A_699 = tpu.memref_slice %arg2[%dma_start3A_697, %dma_start3A_698] : memref<10000x128xf32, #tpu.memory_space<hbm>> -> memref<10000x128xf32, #tpu.memory_space<hbm>>
        tpu.enqueue_indirect_dma source(%dma_start3A_699 : memref<10000x128xf32, #tpu.memory_space<hbm>>) target(%dma_start3A_693 : memref<128x128xf32, #tpu.memory_space<vmem>>) offsets(%dma_start3A_696 : memref<128xi32, #tpu.memory_space<vmem>>) semaphore(%arg11 : memref<!tpu.dma_semaphore, #tpu.memory_space<semaphore_mem>>)
      } else {
      }
      %dma_wait3A_423 = arith.constant 1 : i32
      %dma_wait3A_424 = arith.constant 0 : i32
      %dma_wait3A_425 = arith.constant 0 : i32
      %dma_wait3A_426 = tpu.memref_slice %arg9[%dma_wait3A_423, %dma_wait3A_424, %dma_wait3A_425] : memref<2x128x128xf32, #tpu.memory_space<vmem>> -> memref<1x128x128xf32, #tpu.memory_space<vmem>>
      %dma_wait3A_427 = tpu.memref_squeeze %dma_wait3A_426 : memref<1x128x128xf32, #tpu.memory_space<vmem>> -> memref<128x128xf32, #tpu.memory_space<vmem>>
      %dma_wait3A_428 = arith.constant 0 : i32
      %dma_wait3A_429 = tpu.memref_slice %arg7[%add3A_410, %dma_wait3A_428] : memref<80x128xi32, #tpu.memory_space<vmem>> -> memref<1x128xi32, #tpu.memory_space<vmem>>
      %dma_wait3A_430 = tpu.memref_squeeze %dma_wait3A_429 : memref<1x128xi32, #tpu.memory_space<vmem>> -> memref<128xi32, #tpu.memory_space<vmem>>
      %dma_wait3A_431 = arith.constant 0 : i32
      %dma_wait3A_432 = arith.constant 0 : i32
      %dma_wait3A_433 = tpu.memref_slice %arg2[%dma_wait3A_431, %dma_wait3A_432] : memref<10000x128xf32, #tpu.memory_space<hbm>> -> memref<10000x128xf32, #tpu.memory_space<hbm>>
      tpu.wait_indirect_dma semaphore(%arg12 : memref<!tpu.dma_semaphore, #tpu.memory_space<semaphore_mem>>) src(%dma_wait3A_433 : memref<10000x128xf32, #tpu.memory_space<hbm>>) dst(%dma_wait3A_427 : memref<128x128xf32, #tpu.memory_space<vmem>>)
      %dma_start3A_434 = arith.constant 1 : i32
      %dma_start3A_435 = arith.constant 1 : i32
      %dma_start3A_436 = arith.constant 1 : i32
      %dma_start3A_437 = arith.constant 0 : i32
      %dma_start3A_438 = arith.constant 0 : i32
      %dma_start3A_439 = tpu.memref_slice %arg9[%dma_start3A_434, %dma_start3A_437, %dma_start3A_438] : memref<2x128x128xf32, #tpu.memory_space<vmem>> -> memref<1x128x128xf32, #tpu.memory_space<vmem>>
      %dma_start3A_440 = tpu.memref_squeeze %dma_start3A_439 : memref<1x128x128xf32, #tpu.memory_space<vmem>> -> memref<128x128xf32, #tpu.memory_space<vmem>>
      %dma_start3A_441 = arith.constant 0 : i32
      %dma_start3A_442 = tpu.memref_slice %arg8[%dma_start3A_435, %dma_start3A_436, %dma_start3A_441] : memref<2x8x128xi32, #tpu.memory_space<vmem>> -> memref<1x1x128xi32, #tpu.memory_space<vmem>>
      %dma_start3A_443 = tpu.memref_squeeze %dma_start3A_442 : memref<1x1x128xi32, #tpu.memory_space<vmem>> -> memref<128xi32, #tpu.memory_space<vmem>>
      %dma_start3A_444 = arith.constant 0 : i32
      %dma_start3A_445 = arith.constant 0 : i32
      %dma_start3A_446 = tpu.memref_slice %arg10[%dma_start3A_444, %dma_start3A_445] : memref<10240x128xf32, #tpu.memory_space<vmem_shared>> -> memref<10240x128xf32, #tpu.memory_space<vmem_shared>>
      tpu.enqueue_indirect_dma source(%dma_start3A_440 : memref<128x128xf32, #tpu.memory_space<vmem>>) target(%dma_start3A_446 : memref<10240x128xf32, #tpu.memory_space<vmem_shared>>) offsets(%dma_start3A_443 : memref<128xi32, #tpu.memory_space<vmem>>) semaphore(%arg14 : memref<!tpu.dma_semaphore, #tpu.memory_space<semaphore_mem>>) {add = true}
      %mul3A_447 = arith.constant 16 : i32
      %mul3A_448 = arith.muli %scan3A_40, %mul3A_447 : i32
      %add3A_449 = arith.constant 10 : i32
      %add3A_450 = arith.addi %mul3A_448, %add3A_449 : i32
      %ge3A_451 = arith.constant 1 : i32
      %ge3A_452 = arith.cmpi sge, %add3A_450, %ge3A_451 : i32
      %convert_element_type3A_453 = arith.extui %ge3A_452 : i1 to i32
      %cond3A_454 = arith.constant 0 : i32
      %cond3A_455 = arith.cmpi ne, %convert_element_type3A_453, %cond3A_454 : i32
      scf.if %cond3A_455 {
        %dma_wait3A_687 = arith.constant 1 : i32
        %dma_wait3A_688 = arith.constant 1 : i32
        %dma_wait3A_689 = arith.constant 0 : i32
        %dma_wait3A_690 = arith.constant 0 : i32
        %dma_wait3A_691 = arith.constant 0 : i32
        %dma_wait3A_692 = tpu.memref_slice %arg9[%dma_wait3A_687, %dma_wait3A_690, %dma_wait3A_691] : memref<2x128x128xf32, #tpu.memory_space<vmem>> -> memref<1x128x128xf32, #tpu.memory_space<vmem>>
        %dma_wait3A_693 = tpu.memref_squeeze %dma_wait3A_692 : memref<1x128x128xf32, #tpu.memory_space<vmem>> -> memref<128x128xf32, #tpu.memory_space<vmem>>
        %dma_wait3A_694 = arith.constant 0 : i32
        %dma_wait3A_695 = tpu.memref_slice %arg8[%dma_wait3A_688, %dma_wait3A_689, %dma_wait3A_694] : memref<2x8x128xi32, #tpu.memory_space<vmem>> -> memref<1x1x128xi32, #tpu.memory_space<vmem>>
        %dma_wait3A_696 = tpu.memref_squeeze %dma_wait3A_695 : memref<1x1x128xi32, #tpu.memory_space<vmem>> -> memref<128xi32, #tpu.memory_space<vmem>>
        %dma_wait3A_697 = arith.constant 0 : i32
        %dma_wait3A_698 = arith.constant 0 : i32
        %dma_wait3A_699 = tpu.memref_slice %arg10[%dma_wait3A_697, %dma_wait3A_698] : memref<10240x128xf32, #tpu.memory_space<vmem_shared>> -> memref<10240x128xf32, #tpu.memory_space<vmem_shared>>
        tpu.wait_indirect_dma semaphore(%arg14 : memref<!tpu.dma_semaphore, #tpu.memory_space<semaphore_mem>>) src(%dma_wait3A_693 : memref<128x128xf32, #tpu.memory_space<vmem>>) dst(%dma_wait3A_699 : memref<10240x128xf32, #tpu.memory_space<vmem_shared>>)
      } else {
      }
      %add3A_456 = arith.constant 1 : i32
      %add3A_457 = arith.addi %add3A_450, %add3A_456 : i32
      %le3A_458 = arith.constant 79 : i32
      %le3A_459 = arith.cmpi sle, %add3A_457, %le3A_458 : i32
      %convert_element_type3A_460 = arith.extui %le3A_459 : i1 to i32
      %cond3A_461 = arith.constant 0 : i32
      %cond3A_462 = arith.cmpi ne, %convert_element_type3A_460, %cond3A_461 : i32
      scf.if %cond3A_462 {
        %add3A_687 = arith.constant 1 : i32
        %add3A_688 = arith.addi %add3A_450, %add3A_687 : i32
        %dma_start3A_689 = arith.constant 1 : i32
        %dma_start3A_690 = arith.constant 0 : i32
        %dma_start3A_691 = arith.constant 0 : i32
        %dma_start3A_692 = tpu.memref_slice %arg9[%dma_start3A_689, %dma_start3A_690, %dma_start3A_691] : memref<2x128x128xf32, #tpu.memory_space<vmem>> -> memref<1x128x128xf32, #tpu.memory_space<vmem>>
        %dma_start3A_693 = tpu.memref_squeeze %dma_start3A_692 : memref<1x128x128xf32, #tpu.memory_space<vmem>> -> memref<128x128xf32, #tpu.memory_space<vmem>>
        %dma_start3A_694 = arith.constant 0 : i32
        %dma_start3A_695 = tpu.memref_slice %arg7[%add3A_688, %dma_start3A_694] : memref<80x128xi32, #tpu.memory_space<vmem>> -> memref<1x128xi32, #tpu.memory_space<vmem>>
        %dma_start3A_696 = tpu.memref_squeeze %dma_start3A_695 : memref<1x128xi32, #tpu.memory_space<vmem>> -> memref<128xi32, #tpu.memory_space<vmem>>
        %dma_start3A_697 = arith.constant 0 : i32
        %dma_start3A_698 = arith.constant 0 : i32
        %dma_start3A_699 = tpu.memref_slice %arg2[%dma_start3A_697, %dma_start3A_698] : memref<10000x128xf32, #tpu.memory_space<hbm>> -> memref<10000x128xf32, #tpu.memory_space<hbm>>
        tpu.enqueue_indirect_dma source(%dma_start3A_699 : memref<10000x128xf32, #tpu.memory_space<hbm>>) target(%dma_start3A_693 : memref<128x128xf32, #tpu.memory_space<vmem>>) offsets(%dma_start3A_696 : memref<128xi32, #tpu.memory_space<vmem>>) semaphore(%arg12 : memref<!tpu.dma_semaphore, #tpu.memory_space<semaphore_mem>>)
      } else {
      }
      %dma_wait3A_463 = arith.constant 0 : i32
      %dma_wait3A_464 = arith.constant 0 : i32
      %dma_wait3A_465 = arith.constant 0 : i32
      %dma_wait3A_466 = tpu.memref_slice %arg9[%dma_wait3A_463, %dma_wait3A_464, %dma_wait3A_465] : memref<2x128x128xf32, #tpu.memory_space<vmem>> -> memref<1x128x128xf32, #tpu.memory_space<vmem>>
      %dma_wait3A_467 = tpu.memref_squeeze %dma_wait3A_466 : memref<1x128x128xf32, #tpu.memory_space<vmem>> -> memref<128x128xf32, #tpu.memory_space<vmem>>
      %dma_wait3A_468 = arith.constant 0 : i32
      %dma_wait3A_469 = tpu.memref_slice %arg7[%add3A_450, %dma_wait3A_468] : memref<80x128xi32, #tpu.memory_space<vmem>> -> memref<1x128xi32, #tpu.memory_space<vmem>>
      %dma_wait3A_470 = tpu.memref_squeeze %dma_wait3A_469 : memref<1x128xi32, #tpu.memory_space<vmem>> -> memref<128xi32, #tpu.memory_space<vmem>>
      %dma_wait3A_471 = arith.constant 0 : i32
      %dma_wait3A_472 = arith.constant 0 : i32
      %dma_wait3A_473 = tpu.memref_slice %arg2[%dma_wait3A_471, %dma_wait3A_472] : memref<10000x128xf32, #tpu.memory_space<hbm>> -> memref<10000x128xf32, #tpu.memory_space<hbm>>
      tpu.wait_indirect_dma semaphore(%arg11 : memref<!tpu.dma_semaphore, #tpu.memory_space<semaphore_mem>>) src(%dma_wait3A_473 : memref<10000x128xf32, #tpu.memory_space<hbm>>) dst(%dma_wait3A_467 : memref<128x128xf32, #tpu.memory_space<vmem>>)
      %dma_start3A_474 = arith.constant 0 : i32
      %dma_start3A_475 = arith.constant 1 : i32
      %dma_start3A_476 = arith.constant 2 : i32
      %dma_start3A_477 = arith.constant 0 : i32
      %dma_start3A_478 = arith.constant 0 : i32
      %dma_start3A_479 = tpu.memref_slice %arg9[%dma_start3A_474, %dma_start3A_477, %dma_start3A_478] : memref<2x128x128xf32, #tpu.memory_space<vmem>> -> memref<1x128x128xf32, #tpu.memory_space<vmem>>
      %dma_start3A_480 = tpu.memref_squeeze %dma_start3A_479 : memref<1x128x128xf32, #tpu.memory_space<vmem>> -> memref<128x128xf32, #tpu.memory_space<vmem>>
      %dma_start3A_481 = arith.constant 0 : i32
      %dma_start3A_482 = tpu.memref_slice %arg8[%dma_start3A_475, %dma_start3A_476, %dma_start3A_481] : memref<2x8x128xi32, #tpu.memory_space<vmem>> -> memref<1x1x128xi32, #tpu.memory_space<vmem>>
      %dma_start3A_483 = tpu.memref_squeeze %dma_start3A_482 : memref<1x1x128xi32, #tpu.memory_space<vmem>> -> memref<128xi32, #tpu.memory_space<vmem>>
      %dma_start3A_484 = arith.constant 0 : i32
      %dma_start3A_485 = arith.constant 0 : i32
      %dma_start3A_486 = tpu.memref_slice %arg10[%dma_start3A_484, %dma_start3A_485] : memref<10240x128xf32, #tpu.memory_space<vmem_shared>> -> memref<10240x128xf32, #tpu.memory_space<vmem_shared>>
      tpu.enqueue_indirect_dma source(%dma_start3A_480 : memref<128x128xf32, #tpu.memory_space<vmem>>) target(%dma_start3A_486 : memref<10240x128xf32, #tpu.memory_space<vmem_shared>>) offsets(%dma_start3A_483 : memref<128xi32, #tpu.memory_space<vmem>>) semaphore(%arg13 : memref<!tpu.dma_semaphore, #tpu.memory_space<semaphore_mem>>) {add = true}
      %mul3A_487 = arith.constant 16 : i32
      %mul3A_488 = arith.muli %scan3A_40, %mul3A_487 : i32
      %add3A_489 = arith.constant 11 : i32
      %add3A_490 = arith.addi %mul3A_488, %add3A_489 : i32
      %ge3A_491 = arith.constant 1 : i32
      %ge3A_492 = arith.cmpi sge, %add3A_490, %ge3A_491 : i32
      %convert_element_type3A_493 = arith.extui %ge3A_492 : i1 to i32
      %cond3A_494 = arith.constant 0 : i32
      %cond3A_495 = arith.cmpi ne, %convert_element_type3A_493, %cond3A_494 : i32
      scf.if %cond3A_495 {
        %dma_wait3A_687 = arith.constant 0 : i32
        %dma_wait3A_688 = arith.constant 1 : i32
        %dma_wait3A_689 = arith.constant 0 : i32
        %dma_wait3A_690 = arith.constant 0 : i32
        %dma_wait3A_691 = arith.constant 0 : i32
        %dma_wait3A_692 = tpu.memref_slice %arg9[%dma_wait3A_687, %dma_wait3A_690, %dma_wait3A_691] : memref<2x128x128xf32, #tpu.memory_space<vmem>> -> memref<1x128x128xf32, #tpu.memory_space<vmem>>
        %dma_wait3A_693 = tpu.memref_squeeze %dma_wait3A_692 : memref<1x128x128xf32, #tpu.memory_space<vmem>> -> memref<128x128xf32, #tpu.memory_space<vmem>>
        %dma_wait3A_694 = arith.constant 0 : i32
        %dma_wait3A_695 = tpu.memref_slice %arg8[%dma_wait3A_688, %dma_wait3A_689, %dma_wait3A_694] : memref<2x8x128xi32, #tpu.memory_space<vmem>> -> memref<1x1x128xi32, #tpu.memory_space<vmem>>
        %dma_wait3A_696 = tpu.memref_squeeze %dma_wait3A_695 : memref<1x1x128xi32, #tpu.memory_space<vmem>> -> memref<128xi32, #tpu.memory_space<vmem>>
        %dma_wait3A_697 = arith.constant 0 : i32
        %dma_wait3A_698 = arith.constant 0 : i32
        %dma_wait3A_699 = tpu.memref_slice %arg10[%dma_wait3A_697, %dma_wait3A_698] : memref<10240x128xf32, #tpu.memory_space<vmem_shared>> -> memref<10240x128xf32, #tpu.memory_space<vmem_shared>>
        tpu.wait_indirect_dma semaphore(%arg13 : memref<!tpu.dma_semaphore, #tpu.memory_space<semaphore_mem>>) src(%dma_wait3A_693 : memref<128x128xf32, #tpu.memory_space<vmem>>) dst(%dma_wait3A_699 : memref<10240x128xf32, #tpu.memory_space<vmem_shared>>)
      } else {
      }
      %add3A_496 = arith.constant 1 : i32
      %add3A_497 = arith.addi %add3A_490, %add3A_496 : i32
      %le3A_498 = arith.constant 79 : i32
      %le3A_499 = arith.cmpi sle, %add3A_497, %le3A_498 : i32
      %convert_element_type3A_500 = arith.extui %le3A_499 : i1 to i32
      %cond3A_501 = arith.constant 0 : i32
      %cond3A_502 = arith.cmpi ne, %convert_element_type3A_500, %cond3A_501 : i32
      scf.if %cond3A_502 {
        %add3A_687 = arith.constant 1 : i32
        %add3A_688 = arith.addi %add3A_490, %add3A_687 : i32
        %dma_start3A_689 = arith.constant 0 : i32
        %dma_start3A_690 = arith.constant 0 : i32
        %dma_start3A_691 = arith.constant 0 : i32
        %dma_start3A_692 = tpu.memref_slice %arg9[%dma_start3A_689, %dma_start3A_690, %dma_start3A_691] : memref<2x128x128xf32, #tpu.memory_space<vmem>> -> memref<1x128x128xf32, #tpu.memory_space<vmem>>
        %dma_start3A_693 = tpu.memref_squeeze %dma_start3A_692 : memref<1x128x128xf32, #tpu.memory_space<vmem>> -> memref<128x128xf32, #tpu.memory_space<vmem>>
        %dma_start3A_694 = arith.constant 0 : i32
        %dma_start3A_695 = tpu.memref_slice %arg7[%add3A_688, %dma_start3A_694] : memref<80x128xi32, #tpu.memory_space<vmem>> -> memref<1x128xi32, #tpu.memory_space<vmem>>
        %dma_start3A_696 = tpu.memref_squeeze %dma_start3A_695 : memref<1x128xi32, #tpu.memory_space<vmem>> -> memref<128xi32, #tpu.memory_space<vmem>>
        %dma_start3A_697 = arith.constant 0 : i32
        %dma_start3A_698 = arith.constant 0 : i32
        %dma_start3A_699 = tpu.memref_slice %arg2[%dma_start3A_697, %dma_start3A_698] : memref<10000x128xf32, #tpu.memory_space<hbm>> -> memref<10000x128xf32, #tpu.memory_space<hbm>>
        tpu.enqueue_indirect_dma source(%dma_start3A_699 : memref<10000x128xf32, #tpu.memory_space<hbm>>) target(%dma_start3A_693 : memref<128x128xf32, #tpu.memory_space<vmem>>) offsets(%dma_start3A_696 : memref<128xi32, #tpu.memory_space<vmem>>) semaphore(%arg11 : memref<!tpu.dma_semaphore, #tpu.memory_space<semaphore_mem>>)
      } else {
      }
      %dma_wait3A_503 = arith.constant 1 : i32
      %dma_wait3A_504 = arith.constant 0 : i32
      %dma_wait3A_505 = arith.constant 0 : i32
      %dma_wait3A_506 = tpu.memref_slice %arg9[%dma_wait3A_503, %dma_wait3A_504, %dma_wait3A_505] : memref<2x128x128xf32, #tpu.memory_space<vmem>> -> memref<1x128x128xf32, #tpu.memory_space<vmem>>
      %dma_wait3A_507 = tpu.memref_squeeze %dma_wait3A_506 : memref<1x128x128xf32, #tpu.memory_space<vmem>> -> memref<128x128xf32, #tpu.memory_space<vmem>>
      %dma_wait3A_508 = arith.constant 0 : i32
      %dma_wait3A_509 = tpu.memref_slice %arg7[%add3A_490, %dma_wait3A_508] : memref<80x128xi32, #tpu.memory_space<vmem>> -> memref<1x128xi32, #tpu.memory_space<vmem>>
      %dma_wait3A_510 = tpu.memref_squeeze %dma_wait3A_509 : memref<1x128xi32, #tpu.memory_space<vmem>> -> memref<128xi32, #tpu.memory_space<vmem>>
      %dma_wait3A_511 = arith.constant 0 : i32
      %dma_wait3A_512 = arith.constant 0 : i32
      %dma_wait3A_513 = tpu.memref_slice %arg2[%dma_wait3A_511, %dma_wait3A_512] : memref<10000x128xf32, #tpu.memory_space<hbm>> -> memref<10000x128xf32, #tpu.memory_space<hbm>>
      tpu.wait_indirect_dma semaphore(%arg12 : memref<!tpu.dma_semaphore, #tpu.memory_space<semaphore_mem>>) src(%dma_wait3A_513 : memref<10000x128xf32, #tpu.memory_space<hbm>>) dst(%dma_wait3A_507 : memref<128x128xf32, #tpu.memory_space<vmem>>)
      %dma_start3A_514 = arith.constant 1 : i32
      %dma_start3A_515 = arith.constant 1 : i32
      %dma_start3A_516 = arith.constant 3 : i32
      %dma_start3A_517 = arith.constant 0 : i32
      %dma_start3A_518 = arith.constant 0 : i32
      %dma_start3A_519 = tpu.memref_slice %arg9[%dma_start3A_514, %dma_start3A_517, %dma_start3A_518] : memref<2x128x128xf32, #tpu.memory_space<vmem>> -> memref<1x128x128xf32, #tpu.memory_space<vmem>>
      %dma_start3A_520 = tpu.memref_squeeze %dma_start3A_519 : memref<1x128x128xf32, #tpu.memory_space<vmem>> -> memref<128x128xf32, #tpu.memory_space<vmem>>
      %dma_start3A_521 = arith.constant 0 : i32
      %dma_start3A_522 = tpu.memref_slice %arg8[%dma_start3A_515, %dma_start3A_516, %dma_start3A_521] : memref<2x8x128xi32, #tpu.memory_space<vmem>> -> memref<1x1x128xi32, #tpu.memory_space<vmem>>
      %dma_start3A_523 = tpu.memref_squeeze %dma_start3A_522 : memref<1x1x128xi32, #tpu.memory_space<vmem>> -> memref<128xi32, #tpu.memory_space<vmem>>
      %dma_start3A_524 = arith.constant 0 : i32
      %dma_start3A_525 = arith.constant 0 : i32
      %dma_start3A_526 = tpu.memref_slice %arg10[%dma_start3A_524, %dma_start3A_525] : memref<10240x128xf32, #tpu.memory_space<vmem_shared>> -> memref<10240x128xf32, #tpu.memory_space<vmem_shared>>
      tpu.enqueue_indirect_dma source(%dma_start3A_520 : memref<128x128xf32, #tpu.memory_space<vmem>>) target(%dma_start3A_526 : memref<10240x128xf32, #tpu.memory_space<vmem_shared>>) offsets(%dma_start3A_523 : memref<128xi32, #tpu.memory_space<vmem>>) semaphore(%arg14 : memref<!tpu.dma_semaphore, #tpu.memory_space<semaphore_mem>>) {add = true}
      %mul3A_527 = arith.constant 16 : i32
      %mul3A_528 = arith.muli %scan3A_40, %mul3A_527 : i32
      %add3A_529 = arith.constant 12 : i32
      %add3A_530 = arith.addi %mul3A_528, %add3A_529 : i32
      %ge3A_531 = arith.constant 1 : i32
      %ge3A_532 = arith.cmpi sge, %add3A_530, %ge3A_531 : i32
      %convert_element_type3A_533 = arith.extui %ge3A_532 : i1 to i32
      %cond3A_534 = arith.constant 0 : i32
      %cond3A_535 = arith.cmpi ne, %convert_element_type3A_533, %cond3A_534 : i32
      scf.if %cond3A_535 {
        %dma_wait3A_687 = arith.constant 1 : i32
        %dma_wait3A_688 = arith.constant 1 : i32
        %dma_wait3A_689 = arith.constant 0 : i32
        %dma_wait3A_690 = arith.constant 0 : i32
        %dma_wait3A_691 = arith.constant 0 : i32
        %dma_wait3A_692 = tpu.memref_slice %arg9[%dma_wait3A_687, %dma_wait3A_690, %dma_wait3A_691] : memref<2x128x128xf32, #tpu.memory_space<vmem>> -> memref<1x128x128xf32, #tpu.memory_space<vmem>>
        %dma_wait3A_693 = tpu.memref_squeeze %dma_wait3A_692 : memref<1x128x128xf32, #tpu.memory_space<vmem>> -> memref<128x128xf32, #tpu.memory_space<vmem>>
        %dma_wait3A_694 = arith.constant 0 : i32
        %dma_wait3A_695 = tpu.memref_slice %arg8[%dma_wait3A_688, %dma_wait3A_689, %dma_wait3A_694] : memref<2x8x128xi32, #tpu.memory_space<vmem>> -> memref<1x1x128xi32, #tpu.memory_space<vmem>>
        %dma_wait3A_696 = tpu.memref_squeeze %dma_wait3A_695 : memref<1x1x128xi32, #tpu.memory_space<vmem>> -> memref<128xi32, #tpu.memory_space<vmem>>
        %dma_wait3A_697 = arith.constant 0 : i32
        %dma_wait3A_698 = arith.constant 0 : i32
        %dma_wait3A_699 = tpu.memref_slice %arg10[%dma_wait3A_697, %dma_wait3A_698] : memref<10240x128xf32, #tpu.memory_space<vmem_shared>> -> memref<10240x128xf32, #tpu.memory_space<vmem_shared>>
        tpu.wait_indirect_dma semaphore(%arg14 : memref<!tpu.dma_semaphore, #tpu.memory_space<semaphore_mem>>) src(%dma_wait3A_693 : memref<128x128xf32, #tpu.memory_space<vmem>>) dst(%dma_wait3A_699 : memref<10240x128xf32, #tpu.memory_space<vmem_shared>>)
      } else {
      }
      %add3A_536 = arith.constant 1 : i32
      %add3A_537 = arith.addi %add3A_530, %add3A_536 : i32
      %le3A_538 = arith.constant 79 : i32
      %le3A_539 = arith.cmpi sle, %add3A_537, %le3A_538 : i32
      %convert_element_type3A_540 = arith.extui %le3A_539 : i1 to i32
      %cond3A_541 = arith.constant 0 : i32
      %cond3A_542 = arith.cmpi ne, %convert_element_type3A_540, %cond3A_541 : i32
      scf.if %cond3A_542 {
        %add3A_687 = arith.constant 1 : i32
        %add3A_688 = arith.addi %add3A_530, %add3A_687 : i32
        %dma_start3A_689 = arith.constant 1 : i32
        %dma_start3A_690 = arith.constant 0 : i32
        %dma_start3A_691 = arith.constant 0 : i32
        %dma_start3A_692 = tpu.memref_slice %arg9[%dma_start3A_689, %dma_start3A_690, %dma_start3A_691] : memref<2x128x128xf32, #tpu.memory_space<vmem>> -> memref<1x128x128xf32, #tpu.memory_space<vmem>>
        %dma_start3A_693 = tpu.memref_squeeze %dma_start3A_692 : memref<1x128x128xf32, #tpu.memory_space<vmem>> -> memref<128x128xf32, #tpu.memory_space<vmem>>
        %dma_start3A_694 = arith.constant 0 : i32
        %dma_start3A_695 = tpu.memref_slice %arg7[%add3A_688, %dma_start3A_694] : memref<80x128xi32, #tpu.memory_space<vmem>> -> memref<1x128xi32, #tpu.memory_space<vmem>>
        %dma_start3A_696 = tpu.memref_squeeze %dma_start3A_695 : memref<1x128xi32, #tpu.memory_space<vmem>> -> memref<128xi32, #tpu.memory_space<vmem>>
        %dma_start3A_697 = arith.constant 0 : i32
        %dma_start3A_698 = arith.constant 0 : i32
        %dma_start3A_699 = tpu.memref_slice %arg2[%dma_start3A_697, %dma_start3A_698] : memref<10000x128xf32, #tpu.memory_space<hbm>> -> memref<10000x128xf32, #tpu.memory_space<hbm>>
        tpu.enqueue_indirect_dma source(%dma_start3A_699 : memref<10000x128xf32, #tpu.memory_space<hbm>>) target(%dma_start3A_693 : memref<128x128xf32, #tpu.memory_space<vmem>>) offsets(%dma_start3A_696 : memref<128xi32, #tpu.memory_space<vmem>>) semaphore(%arg12 : memref<!tpu.dma_semaphore, #tpu.memory_space<semaphore_mem>>)
      } else {
      }
      %dma_wait3A_543 = arith.constant 0 : i32
      %dma_wait3A_544 = arith.constant 0 : i32
      %dma_wait3A_545 = arith.constant 0 : i32
      %dma_wait3A_546 = tpu.memref_slice %arg9[%dma_wait3A_543, %dma_wait3A_544, %dma_wait3A_545] : memref<2x128x128xf32, #tpu.memory_space<vmem>> -> memref<1x128x128xf32, #tpu.memory_space<vmem>>
      %dma_wait3A_547 = tpu.memref_squeeze %dma_wait3A_546 : memref<1x128x128xf32, #tpu.memory_space<vmem>> -> memref<128x128xf32, #tpu.memory_space<vmem>>
      %dma_wait3A_548 = arith.constant 0 : i32
      %dma_wait3A_549 = tpu.memref_slice %arg7[%add3A_530, %dma_wait3A_548] : memref<80x128xi32, #tpu.memory_space<vmem>> -> memref<1x128xi32, #tpu.memory_space<vmem>>
      %dma_wait3A_550 = tpu.memref_squeeze %dma_wait3A_549 : memref<1x128xi32, #tpu.memory_space<vmem>> -> memref<128xi32, #tpu.memory_space<vmem>>
      %dma_wait3A_551 = arith.constant 0 : i32
      %dma_wait3A_552 = arith.constant 0 : i32
      %dma_wait3A_553 = tpu.memref_slice %arg2[%dma_wait3A_551, %dma_wait3A_552] : memref<10000x128xf32, #tpu.memory_space<hbm>> -> memref<10000x128xf32, #tpu.memory_space<hbm>>
      tpu.wait_indirect_dma semaphore(%arg11 : memref<!tpu.dma_semaphore, #tpu.memory_space<semaphore_mem>>) src(%dma_wait3A_553 : memref<10000x128xf32, #tpu.memory_space<hbm>>) dst(%dma_wait3A_547 : memref<128x128xf32, #tpu.memory_space<vmem>>)
      %dma_start3A_554 = arith.constant 0 : i32
      %dma_start3A_555 = arith.constant 1 : i32
      %dma_start3A_556 = arith.constant 4 : i32
      %dma_start3A_557 = arith.constant 0 : i32
      %dma_start3A_558 = arith.constant 0 : i32
      %dma_start3A_559 = tpu.memref_slice %arg9[%dma_start3A_554, %dma_start3A_557, %dma_start3A_558] : memref<2x128x128xf32, #tpu.memory_space<vmem>> -> memref<1x128x128xf32, #tpu.memory_space<vmem>>
      %dma_start3A_560 = tpu.memref_squeeze %dma_start3A_559 : memref<1x128x128xf32, #tpu.memory_space<vmem>> -> memref<128x128xf32, #tpu.memory_space<vmem>>
      %dma_start3A_561 = arith.constant 0 : i32
      %dma_start3A_562 = tpu.memref_slice %arg8[%dma_start3A_555, %dma_start3A_556, %dma_start3A_561] : memref<2x8x128xi32, #tpu.memory_space<vmem>> -> memref<1x1x128xi32, #tpu.memory_space<vmem>>
      %dma_start3A_563 = tpu.memref_squeeze %dma_start3A_562 : memref<1x1x128xi32, #tpu.memory_space<vmem>> -> memref<128xi32, #tpu.memory_space<vmem>>
      %dma_start3A_564 = arith.constant 0 : i32
      %dma_start3A_565 = arith.constant 0 : i32
      %dma_start3A_566 = tpu.memref_slice %arg10[%dma_start3A_564, %dma_start3A_565] : memref<10240x128xf32, #tpu.memory_space<vmem_shared>> -> memref<10240x128xf32, #tpu.memory_space<vmem_shared>>
      tpu.enqueue_indirect_dma source(%dma_start3A_560 : memref<128x128xf32, #tpu.memory_space<vmem>>) target(%dma_start3A_566 : memref<10240x128xf32, #tpu.memory_space<vmem_shared>>) offsets(%dma_start3A_563 : memref<128xi32, #tpu.memory_space<vmem>>) semaphore(%arg13 : memref<!tpu.dma_semaphore, #tpu.memory_space<semaphore_mem>>) {add = true}
      %mul3A_567 = arith.constant 16 : i32
      %mul3A_568 = arith.muli %scan3A_40, %mul3A_567 : i32
      %add3A_569 = arith.constant 13 : i32
      %add3A_570 = arith.addi %mul3A_568, %add3A_569 : i32
      %ge3A_571 = arith.constant 1 : i32
      %ge3A_572 = arith.cmpi sge, %add3A_570, %ge3A_571 : i32
      %convert_element_type3A_573 = arith.extui %ge3A_572 : i1 to i32
      %cond3A_574 = arith.constant 0 : i32
      %cond3A_575 = arith.cmpi ne, %convert_element_type3A_573, %cond3A_574 : i32
      scf.if %cond3A_575 {
        %dma_wait3A_687 = arith.constant 0 : i32
        %dma_wait3A_688 = arith.constant 1 : i32
        %dma_wait3A_689 = arith.constant 0 : i32
        %dma_wait3A_690 = arith.constant 0 : i32
        %dma_wait3A_691 = arith.constant 0 : i32
        %dma_wait3A_692 = tpu.memref_slice %arg9[%dma_wait3A_687, %dma_wait3A_690, %dma_wait3A_691] : memref<2x128x128xf32, #tpu.memory_space<vmem>> -> memref<1x128x128xf32, #tpu.memory_space<vmem>>
        %dma_wait3A_693 = tpu.memref_squeeze %dma_wait3A_692 : memref<1x128x128xf32, #tpu.memory_space<vmem>> -> memref<128x128xf32, #tpu.memory_space<vmem>>
        %dma_wait3A_694 = arith.constant 0 : i32
        %dma_wait3A_695 = tpu.memref_slice %arg8[%dma_wait3A_688, %dma_wait3A_689, %dma_wait3A_694] : memref<2x8x128xi32, #tpu.memory_space<vmem>> -> memref<1x1x128xi32, #tpu.memory_space<vmem>>
        %dma_wait3A_696 = tpu.memref_squeeze %dma_wait3A_695 : memref<1x1x128xi32, #tpu.memory_space<vmem>> -> memref<128xi32, #tpu.memory_space<vmem>>
        %dma_wait3A_697 = arith.constant 0 : i32
        %dma_wait3A_698 = arith.constant 0 : i32
        %dma_wait3A_699 = tpu.memref_slice %arg10[%dma_wait3A_697, %dma_wait3A_698] : memref<10240x128xf32, #tpu.memory_space<vmem_shared>> -> memref<10240x128xf32, #tpu.memory_space<vmem_shared>>
        tpu.wait_indirect_dma semaphore(%arg13 : memref<!tpu.dma_semaphore, #tpu.memory_space<semaphore_mem>>) src(%dma_wait3A_693 : memref<128x128xf32, #tpu.memory_space<vmem>>) dst(%dma_wait3A_699 : memref<10240x128xf32, #tpu.memory_space<vmem_shared>>)
      } else {
      }
      %add3A_576 = arith.constant 1 : i32
      %add3A_577 = arith.addi %add3A_570, %add3A_576 : i32
      %le3A_578 = arith.constant 79 : i32
      %le3A_579 = arith.cmpi sle, %add3A_577, %le3A_578 : i32
      %convert_element_type3A_580 = arith.extui %le3A_579 : i1 to i32
      %cond3A_581 = arith.constant 0 : i32
      %cond3A_582 = arith.cmpi ne, %convert_element_type3A_580, %cond3A_581 : i32
      scf.if %cond3A_582 {
        %add3A_687 = arith.constant 1 : i32
        %add3A_688 = arith.addi %add3A_570, %add3A_687 : i32
        %dma_start3A_689 = arith.constant 0 : i32
        %dma_start3A_690 = arith.constant 0 : i32
        %dma_start3A_691 = arith.constant 0 : i32
        %dma_start3A_692 = tpu.memref_slice %arg9[%dma_start3A_689, %dma_start3A_690, %dma_start3A_691] : memref<2x128x128xf32, #tpu.memory_space<vmem>> -> memref<1x128x128xf32, #tpu.memory_space<vmem>>
        %dma_start3A_693 = tpu.memref_squeeze %dma_start3A_692 : memref<1x128x128xf32, #tpu.memory_space<vmem>> -> memref<128x128xf32, #tpu.memory_space<vmem>>
        %dma_start3A_694 = arith.constant 0 : i32
        %dma_start3A_695 = tpu.memref_slice %arg7[%add3A_688, %dma_start3A_694] : memref<80x128xi32, #tpu.memory_space<vmem>> -> memref<1x128xi32, #tpu.memory_space<vmem>>
        %dma_start3A_696 = tpu.memref_squeeze %dma_start3A_695 : memref<1x128xi32, #tpu.memory_space<vmem>> -> memref<128xi32, #tpu.memory_space<vmem>>
        %dma_start3A_697 = arith.constant 0 : i32
        %dma_start3A_698 = arith.constant 0 : i32
        %dma_start3A_699 = tpu.memref_slice %arg2[%dma_start3A_697, %dma_start3A_698] : memref<10000x128xf32, #tpu.memory_space<hbm>> -> memref<10000x128xf32, #tpu.memory_space<hbm>>
        tpu.enqueue_indirect_dma source(%dma_start3A_699 : memref<10000x128xf32, #tpu.memory_space<hbm>>) target(%dma_start3A_693 : memref<128x128xf32, #tpu.memory_space<vmem>>) offsets(%dma_start3A_696 : memref<128xi32, #tpu.memory_space<vmem>>) semaphore(%arg11 : memref<!tpu.dma_semaphore, #tpu.memory_space<semaphore_mem>>)
      } else {
      }
      %dma_wait3A_583 = arith.constant 1 : i32
      %dma_wait3A_584 = arith.constant 0 : i32
      %dma_wait3A_585 = arith.constant 0 : i32
      %dma_wait3A_586 = tpu.memref_slice %arg9[%dma_wait3A_583, %dma_wait3A_584, %dma_wait3A_585] : memref<2x128x128xf32, #tpu.memory_space<vmem>> -> memref<1x128x128xf32, #tpu.memory_space<vmem>>
      %dma_wait3A_587 = tpu.memref_squeeze %dma_wait3A_586 : memref<1x128x128xf32, #tpu.memory_space<vmem>> -> memref<128x128xf32, #tpu.memory_space<vmem>>
      %dma_wait3A_588 = arith.constant 0 : i32
      %dma_wait3A_589 = tpu.memref_slice %arg7[%add3A_570, %dma_wait3A_588] : memref<80x128xi32, #tpu.memory_space<vmem>> -> memref<1x128xi32, #tpu.memory_space<vmem>>
      %dma_wait3A_590 = tpu.memref_squeeze %dma_wait3A_589 : memref<1x128xi32, #tpu.memory_space<vmem>> -> memref<128xi32, #tpu.memory_space<vmem>>
      %dma_wait3A_591 = arith.constant 0 : i32
      %dma_wait3A_592 = arith.constant 0 : i32
      %dma_wait3A_593 = tpu.memref_slice %arg2[%dma_wait3A_591, %dma_wait3A_592] : memref<10000x128xf32, #tpu.memory_space<hbm>> -> memref<10000x128xf32, #tpu.memory_space<hbm>>
      tpu.wait_indirect_dma semaphore(%arg12 : memref<!tpu.dma_semaphore, #tpu.memory_space<semaphore_mem>>) src(%dma_wait3A_593 : memref<10000x128xf32, #tpu.memory_space<hbm>>) dst(%dma_wait3A_587 : memref<128x128xf32, #tpu.memory_space<vmem>>)
      %dma_start3A_594 = arith.constant 1 : i32
      %dma_start3A_595 = arith.constant 1 : i32
      %dma_start3A_596 = arith.constant 5 : i32
      %dma_start3A_597 = arith.constant 0 : i32
      %dma_start3A_598 = arith.constant 0 : i32
      %dma_start3A_599 = tpu.memref_slice %arg9[%dma_start3A_594, %dma_start3A_597, %dma_start3A_598] : memref<2x128x128xf32, #tpu.memory_space<vmem>> -> memref<1x128x128xf32, #tpu.memory_space<vmem>>
      %dma_start3A_600 = tpu.memref_squeeze %dma_start3A_599 : memref<1x128x128xf32, #tpu.memory_space<vmem>> -> memref<128x128xf32, #tpu.memory_space<vmem>>
      %dma_start3A_601 = arith.constant 0 : i32
      %dma_start3A_602 = tpu.memref_slice %arg8[%dma_start3A_595, %dma_start3A_596, %dma_start3A_601] : memref<2x8x128xi32, #tpu.memory_space<vmem>> -> memref<1x1x128xi32, #tpu.memory_space<vmem>>
      %dma_start3A_603 = tpu.memref_squeeze %dma_start3A_602 : memref<1x1x128xi32, #tpu.memory_space<vmem>> -> memref<128xi32, #tpu.memory_space<vmem>>
      %dma_start3A_604 = arith.constant 0 : i32
      %dma_start3A_605 = arith.constant 0 : i32
      %dma_start3A_606 = tpu.memref_slice %arg10[%dma_start3A_604, %dma_start3A_605] : memref<10240x128xf32, #tpu.memory_space<vmem_shared>> -> memref<10240x128xf32, #tpu.memory_space<vmem_shared>>
      tpu.enqueue_indirect_dma source(%dma_start3A_600 : memref<128x128xf32, #tpu.memory_space<vmem>>) target(%dma_start3A_606 : memref<10240x128xf32, #tpu.memory_space<vmem_shared>>) offsets(%dma_start3A_603 : memref<128xi32, #tpu.memory_space<vmem>>) semaphore(%arg14 : memref<!tpu.dma_semaphore, #tpu.memory_space<semaphore_mem>>) {add = true}
      %mul3A_607 = arith.constant 16 : i32
      %mul3A_608 = arith.muli %scan3A_40, %mul3A_607 : i32
      %add3A_609 = arith.constant 14 : i32
      %add3A_610 = arith.addi %mul3A_608, %add3A_609 : i32
      %ge3A_611 = arith.constant 1 : i32
      %ge3A_612 = arith.cmpi sge, %add3A_610, %ge3A_611 : i32
      %convert_element_type3A_613 = arith.extui %ge3A_612 : i1 to i32
      %cond3A_614 = arith.constant 0 : i32
      %cond3A_615 = arith.cmpi ne, %convert_element_type3A_613, %cond3A_614 : i32
      scf.if %cond3A_615 {
        %dma_wait3A_687 = arith.constant 1 : i32
        %dma_wait3A_688 = arith.constant 1 : i32
        %dma_wait3A_689 = arith.constant 0 : i32
        %dma_wait3A_690 = arith.constant 0 : i32
        %dma_wait3A_691 = arith.constant 0 : i32
        %dma_wait3A_692 = tpu.memref_slice %arg9[%dma_wait3A_687, %dma_wait3A_690, %dma_wait3A_691] : memref<2x128x128xf32, #tpu.memory_space<vmem>> -> memref<1x128x128xf32, #tpu.memory_space<vmem>>
        %dma_wait3A_693 = tpu.memref_squeeze %dma_wait3A_692 : memref<1x128x128xf32, #tpu.memory_space<vmem>> -> memref<128x128xf32, #tpu.memory_space<vmem>>
        %dma_wait3A_694 = arith.constant 0 : i32
        %dma_wait3A_695 = tpu.memref_slice %arg8[%dma_wait3A_688, %dma_wait3A_689, %dma_wait3A_694] : memref<2x8x128xi32, #tpu.memory_space<vmem>> -> memref<1x1x128xi32, #tpu.memory_space<vmem>>
        %dma_wait3A_696 = tpu.memref_squeeze %dma_wait3A_695 : memref<1x1x128xi32, #tpu.memory_space<vmem>> -> memref<128xi32, #tpu.memory_space<vmem>>
        %dma_wait3A_697 = arith.constant 0 : i32
        %dma_wait3A_698 = arith.constant 0 : i32
        %dma_wait3A_699 = tpu.memref_slice %arg10[%dma_wait3A_697, %dma_wait3A_698] : memref<10240x128xf32, #tpu.memory_space<vmem_shared>> -> memref<10240x128xf32, #tpu.memory_space<vmem_shared>>
        tpu.wait_indirect_dma semaphore(%arg14 : memref<!tpu.dma_semaphore, #tpu.memory_space<semaphore_mem>>) src(%dma_wait3A_693 : memref<128x128xf32, #tpu.memory_space<vmem>>) dst(%dma_wait3A_699 : memref<10240x128xf32, #tpu.memory_space<vmem_shared>>)
      } else {
      }
      %add3A_616 = arith.constant 1 : i32
      %add3A_617 = arith.addi %add3A_610, %add3A_616 : i32
      %le3A_618 = arith.constant 79 : i32
      %le3A_619 = arith.cmpi sle, %add3A_617, %le3A_618 : i32
      %convert_element_type3A_620 = arith.extui %le3A_619 : i1 to i32
      %cond3A_621 = arith.constant 0 : i32
      %cond3A_622 = arith.cmpi ne, %convert_element_type3A_620, %cond3A_621 : i32
      scf.if %cond3A_622 {
        %add3A_687 = arith.constant 1 : i32
        %add3A_688 = arith.addi %add3A_610, %add3A_687 : i32
        %dma_start3A_689 = arith.constant 1 : i32
        %dma_start3A_690 = arith.constant 0 : i32
        %dma_start3A_691 = arith.constant 0 : i32
        %dma_start3A_692 = tpu.memref_slice %arg9[%dma_start3A_689, %dma_start3A_690, %dma_start3A_691] : memref<2x128x128xf32, #tpu.memory_space<vmem>> -> memref<1x128x128xf32, #tpu.memory_space<vmem>>
        %dma_start3A_693 = tpu.memref_squeeze %dma_start3A_692 : memref<1x128x128xf32, #tpu.memory_space<vmem>> -> memref<128x128xf32, #tpu.memory_space<vmem>>
        %dma_start3A_694 = arith.constant 0 : i32
        %dma_start3A_695 = tpu.memref_slice %arg7[%add3A_688, %dma_start3A_694] : memref<80x128xi32, #tpu.memory_space<vmem>> -> memref<1x128xi32, #tpu.memory_space<vmem>>
        %dma_start3A_696 = tpu.memref_squeeze %dma_start3A_695 : memref<1x128xi32, #tpu.memory_space<vmem>> -> memref<128xi32, #tpu.memory_space<vmem>>
        %dma_start3A_697 = arith.constant 0 : i32
        %dma_start3A_698 = arith.constant 0 : i32
        %dma_start3A_699 = tpu.memref_slice %arg2[%dma_start3A_697, %dma_start3A_698] : memref<10000x128xf32, #tpu.memory_space<hbm>> -> memref<10000x128xf32, #tpu.memory_space<hbm>>
        tpu.enqueue_indirect_dma source(%dma_start3A_699 : memref<10000x128xf32, #tpu.memory_space<hbm>>) target(%dma_start3A_693 : memref<128x128xf32, #tpu.memory_space<vmem>>) offsets(%dma_start3A_696 : memref<128xi32, #tpu.memory_space<vmem>>) semaphore(%arg12 : memref<!tpu.dma_semaphore, #tpu.memory_space<semaphore_mem>>)
      } else {
      }
      %dma_wait3A_623 = arith.constant 0 : i32
      %dma_wait3A_624 = arith.constant 0 : i32
      %dma_wait3A_625 = arith.constant 0 : i32
      %dma_wait3A_626 = tpu.memref_slice %arg9[%dma_wait3A_623, %dma_wait3A_624, %dma_wait3A_625] : memref<2x128x128xf32, #tpu.memory_space<vmem>> -> memref<1x128x128xf32, #tpu.memory_space<vmem>>
      %dma_wait3A_627 = tpu.memref_squeeze %dma_wait3A_626 : memref<1x128x128xf32, #tpu.memory_space<vmem>> -> memref<128x128xf32, #tpu.memory_space<vmem>>
      %dma_wait3A_628 = arith.constant 0 : i32
      %dma_wait3A_629 = tpu.memref_slice %arg7[%add3A_610, %dma_wait3A_628] : memref<80x128xi32, #tpu.memory_space<vmem>> -> memref<1x128xi32, #tpu.memory_space<vmem>>
      %dma_wait3A_630 = tpu.memref_squeeze %dma_wait3A_629 : memref<1x128xi32, #tpu.memory_space<vmem>> -> memref<128xi32, #tpu.memory_space<vmem>>
      %dma_wait3A_631 = arith.constant 0 : i32
      %dma_wait3A_632 = arith.constant 0 : i32
      %dma_wait3A_633 = tpu.memref_slice %arg2[%dma_wait3A_631, %dma_wait3A_632] : memref<10000x128xf32, #tpu.memory_space<hbm>> -> memref<10000x128xf32, #tpu.memory_space<hbm>>
      tpu.wait_indirect_dma semaphore(%arg11 : memref<!tpu.dma_semaphore, #tpu.memory_space<semaphore_mem>>) src(%dma_wait3A_633 : memref<10000x128xf32, #tpu.memory_space<hbm>>) dst(%dma_wait3A_627 : memref<128x128xf32, #tpu.memory_space<vmem>>)
      %dma_start3A_634 = arith.constant 0 : i32
      %dma_start3A_635 = arith.constant 1 : i32
      %dma_start3A_636 = arith.constant 6 : i32
      %dma_start3A_637 = arith.constant 0 : i32
      %dma_start3A_638 = arith.constant 0 : i32
      %dma_start3A_639 = tpu.memref_slice %arg9[%dma_start3A_634, %dma_start3A_637, %dma_start3A_638] : memref<2x128x128xf32, #tpu.memory_space<vmem>> -> memref<1x128x128xf32, #tpu.memory_space<vmem>>
      %dma_start3A_640 = tpu.memref_squeeze %dma_start3A_639 : memref<1x128x128xf32, #tpu.memory_space<vmem>> -> memref<128x128xf32, #tpu.memory_space<vmem>>
      %dma_start3A_641 = arith.constant 0 : i32
      %dma_start3A_642 = tpu.memref_slice %arg8[%dma_start3A_635, %dma_start3A_636, %dma_start3A_641] : memref<2x8x128xi32, #tpu.memory_space<vmem>> -> memref<1x1x128xi32, #tpu.memory_space<vmem>>
      %dma_start3A_643 = tpu.memref_squeeze %dma_start3A_642 : memref<1x1x128xi32, #tpu.memory_space<vmem>> -> memref<128xi32, #tpu.memory_space<vmem>>
      %dma_start3A_644 = arith.constant 0 : i32
      %dma_start3A_645 = arith.constant 0 : i32
      %dma_start3A_646 = tpu.memref_slice %arg10[%dma_start3A_644, %dma_start3A_645] : memref<10240x128xf32, #tpu.memory_space<vmem_shared>> -> memref<10240x128xf32, #tpu.memory_space<vmem_shared>>
      tpu.enqueue_indirect_dma source(%dma_start3A_640 : memref<128x128xf32, #tpu.memory_space<vmem>>) target(%dma_start3A_646 : memref<10240x128xf32, #tpu.memory_space<vmem_shared>>) offsets(%dma_start3A_643 : memref<128xi32, #tpu.memory_space<vmem>>) semaphore(%arg13 : memref<!tpu.dma_semaphore, #tpu.memory_space<semaphore_mem>>) {add = true}
      %mul3A_647 = arith.constant 16 : i32
      %mul3A_648 = arith.muli %scan3A_40, %mul3A_647 : i32
      %add3A_649 = arith.constant 15 : i32
      %add3A_650 = arith.addi %mul3A_648, %add3A_649 : i32
      %ge3A_651 = arith.constant 1 : i32
      %ge3A_652 = arith.cmpi sge, %add3A_650, %ge3A_651 : i32
      %convert_element_type3A_653 = arith.extui %ge3A_652 : i1 to i32
      %cond3A_654 = arith.constant 0 : i32
      %cond3A_655 = arith.cmpi ne, %convert_element_type3A_653, %cond3A_654 : i32
      scf.if %cond3A_655 {
        %dma_wait3A_687 = arith.constant 0 : i32
        %dma_wait3A_688 = arith.constant 1 : i32
        %dma_wait3A_689 = arith.constant 0 : i32
        %dma_wait3A_690 = arith.constant 0 : i32
        %dma_wait3A_691 = arith.constant 0 : i32
        %dma_wait3A_692 = tpu.memref_slice %arg9[%dma_wait3A_687, %dma_wait3A_690, %dma_wait3A_691] : memref<2x128x128xf32, #tpu.memory_space<vmem>> -> memref<1x128x128xf32, #tpu.memory_space<vmem>>
        %dma_wait3A_693 = tpu.memref_squeeze %dma_wait3A_692 : memref<1x128x128xf32, #tpu.memory_space<vmem>> -> memref<128x128xf32, #tpu.memory_space<vmem>>
        %dma_wait3A_694 = arith.constant 0 : i32
        %dma_wait3A_695 = tpu.memref_slice %arg8[%dma_wait3A_688, %dma_wait3A_689, %dma_wait3A_694] : memref<2x8x128xi32, #tpu.memory_space<vmem>> -> memref<1x1x128xi32, #tpu.memory_space<vmem>>
        %dma_wait3A_696 = tpu.memref_squeeze %dma_wait3A_695 : memref<1x1x128xi32, #tpu.memory_space<vmem>> -> memref<128xi32, #tpu.memory_space<vmem>>
        %dma_wait3A_697 = arith.constant 0 : i32
        %dma_wait3A_698 = arith.constant 0 : i32
        %dma_wait3A_699 = tpu.memref_slice %arg10[%dma_wait3A_697, %dma_wait3A_698] : memref<10240x128xf32, #tpu.memory_space<vmem_shared>> -> memref<10240x128xf32, #tpu.memory_space<vmem_shared>>
        tpu.wait_indirect_dma semaphore(%arg13 : memref<!tpu.dma_semaphore, #tpu.memory_space<semaphore_mem>>) src(%dma_wait3A_693 : memref<128x128xf32, #tpu.memory_space<vmem>>) dst(%dma_wait3A_699 : memref<10240x128xf32, #tpu.memory_space<vmem_shared>>)
      } else {
      }
      %add3A_656 = arith.constant 1 : i32
      %add3A_657 = arith.addi %add3A_650, %add3A_656 : i32
      %le3A_658 = arith.constant 79 : i32
      %le3A_659 = arith.cmpi sle, %add3A_657, %le3A_658 : i32
      %convert_element_type3A_660 = arith.extui %le3A_659 : i1 to i32
      %cond3A_661 = arith.constant 0 : i32
      %cond3A_662 = arith.cmpi ne, %convert_element_type3A_660, %cond3A_661 : i32
      scf.if %cond3A_662 {
        %add3A_687 = arith.constant 1 : i32
        %add3A_688 = arith.addi %add3A_650, %add3A_687 : i32
        %dma_start3A_689 = arith.constant 0 : i32
        %dma_start3A_690 = arith.constant 0 : i32
        %dma_start3A_691 = arith.constant 0 : i32
        %dma_start3A_692 = tpu.memref_slice %arg9[%dma_start3A_689, %dma_start3A_690, %dma_start3A_691] : memref<2x128x128xf32, #tpu.memory_space<vmem>> -> memref<1x128x128xf32, #tpu.memory_space<vmem>>
        %dma_start3A_693 = tpu.memref_squeeze %dma_start3A_692 : memref<1x128x128xf32, #tpu.memory_space<vmem>> -> memref<128x128xf32, #tpu.memory_space<vmem>>
        %dma_start3A_694 = arith.constant 0 : i32
        %dma_start3A_695 = tpu.memref_slice %arg7[%add3A_688, %dma_start3A_694] : memref<80x128xi32, #tpu.memory_space<vmem>> -> memref<1x128xi32, #tpu.memory_space<vmem>>
        %dma_start3A_696 = tpu.memref_squeeze %dma_start3A_695 : memref<1x128xi32, #tpu.memory_space<vmem>> -> memref<128xi32, #tpu.memory_space<vmem>>
        %dma_start3A_697 = arith.constant 0 : i32
        %dma_start3A_698 = arith.constant 0 : i32
        %dma_start3A_699 = tpu.memref_slice %arg2[%dma_start3A_697, %dma_start3A_698] : memref<10000x128xf32, #tpu.memory_space<hbm>> -> memref<10000x128xf32, #tpu.memory_space<hbm>>
        tpu.enqueue_indirect_dma source(%dma_start3A_699 : memref<10000x128xf32, #tpu.memory_space<hbm>>) target(%dma_start3A_693 : memref<128x128xf32, #tpu.memory_space<vmem>>) offsets(%dma_start3A_696 : memref<128xi32, #tpu.memory_space<vmem>>) semaphore(%arg11 : memref<!tpu.dma_semaphore, #tpu.memory_space<semaphore_mem>>)
      } else {
      }
      %dma_wait3A_663 = arith.constant 1 : i32
      %dma_wait3A_664 = arith.constant 0 : i32
      %dma_wait3A_665 = arith.constant 0 : i32
      %dma_wait3A_666 = tpu.memref_slice %arg9[%dma_wait3A_663, %dma_wait3A_664, %dma_wait3A_665] : memref<2x128x128xf32, #tpu.memory_space<vmem>> -> memref<1x128x128xf32, #tpu.memory_space<vmem>>
      %dma_wait3A_667 = tpu.memref_squeeze %dma_wait3A_666 : memref<1x128x128xf32, #tpu.memory_space<vmem>> -> memref<128x128xf32, #tpu.memory_space<vmem>>
      %dma_wait3A_668 = arith.constant 0 : i32
      %dma_wait3A_669 = tpu.memref_slice %arg7[%add3A_650, %dma_wait3A_668] : memref<80x128xi32, #tpu.memory_space<vmem>> -> memref<1x128xi32, #tpu.memory_space<vmem>>
      %dma_wait3A_670 = tpu.memref_squeeze %dma_wait3A_669 : memref<1x128xi32, #tpu.memory_space<vmem>> -> memref<128xi32, #tpu.memory_space<vmem>>
      %dma_wait3A_671 = arith.constant 0 : i32
      %dma_wait3A_672 = arith.constant 0 : i32
      %dma_wait3A_673 = tpu.memref_slice %arg2[%dma_wait3A_671, %dma_wait3A_672] : memref<10000x128xf32, #tpu.memory_space<hbm>> -> memref<10000x128xf32, #tpu.memory_space<hbm>>
      tpu.wait_indirect_dma semaphore(%arg12 : memref<!tpu.dma_semaphore, #tpu.memory_space<semaphore_mem>>) src(%dma_wait3A_673 : memref<10000x128xf32, #tpu.memory_space<hbm>>) dst(%dma_wait3A_667 : memref<128x128xf32, #tpu.memory_space<vmem>>)
      %dma_start3A_674 = arith.constant 1 : i32
      %dma_start3A_675 = arith.constant 1 : i32
      %dma_start3A_676 = arith.constant 7 : i32
      %dma_start3A_677 = arith.constant 0 : i32
      %dma_start3A_678 = arith.constant 0 : i32
      %dma_start3A_679 = tpu.memref_slice %arg9[%dma_start3A_674, %dma_start3A_677, %dma_start3A_678] : memref<2x128x128xf32, #tpu.memory_space<vmem>> -> memref<1x128x128xf32, #tpu.memory_space<vmem>>
      %dma_start3A_680 = tpu.memref_squeeze %dma_start3A_679 : memref<1x128x128xf32, #tpu.memory_space<vmem>> -> memref<128x128xf32, #tpu.memory_space<vmem>>
      %dma_start3A_681 = arith.constant 0 : i32
      %dma_start3A_682 = tpu.memref_slice %arg8[%dma_start3A_675, %dma_start3A_676, %dma_start3A_681] : memref<2x8x128xi32, #tpu.memory_space<vmem>> -> memref<1x1x128xi32, #tpu.memory_space<vmem>>
      %dma_start3A_683 = tpu.memref_squeeze %dma_start3A_682 : memref<1x1x128xi32, #tpu.memory_space<vmem>> -> memref<128xi32, #tpu.memory_space<vmem>>
      %dma_start3A_684 = arith.constant 0 : i32
      %dma_start3A_685 = arith.constant 0 : i32
      %dma_start3A_686 = tpu.memref_slice %arg10[%dma_start3A_684, %dma_start3A_685] : memref<10240x128xf32, #tpu.memory_space<vmem_shared>> -> memref<10240x128xf32, #tpu.memory_space<vmem_shared>>
      tpu.enqueue_indirect_dma source(%dma_start3A_680 : memref<128x128xf32, #tpu.memory_space<vmem>>) target(%dma_start3A_686 : memref<10240x128xf32, #tpu.memory_space<vmem_shared>>) offsets(%dma_start3A_683 : memref<128xi32, #tpu.memory_space<vmem>>) semaphore(%arg14 : memref<!tpu.dma_semaphore, #tpu.memory_space<semaphore_mem>>) {add = true}
    }
    %scan3A_22 = arith.constant 5 : i32
    %dma_wait3A = arith.constant 1 : i32
    %dma_wait3A_23 = arith.constant 0 : i32
    %dma_wait3A_24 = arith.constant 0 : i32
    %dma_wait3A_25 = arith.constant 0 : i32
    %dma_wait3A_26 = arith.constant 0 : i32
    %dma_wait3A_27 = tpu.memref_slice %arg9[%dma_wait3A, %dma_wait3A_25, %dma_wait3A_26] : memref<2x128x128xf32, #tpu.memory_space<vmem>> -> memref<1x128x128xf32, #tpu.memory_space<vmem>>
    %dma_wait3A_28 = tpu.memref_squeeze %dma_wait3A_27 : memref<1x128x128xf32, #tpu.memory_space<vmem>> -> memref<128x128xf32, #tpu.memory_space<vmem>>
    %dma_wait3A_29 = arith.constant 0 : i32
    %dma_wait3A_30 = tpu.memref_slice %arg8[%dma_wait3A_23, %dma_wait3A_24, %dma_wait3A_29] : memref<2x8x128xi32, #tpu.memory_space<vmem>> -> memref<1x1x128xi32, #tpu.memory_space<vmem>>
    %dma_wait3A_31 = tpu.memref_squeeze %dma_wait3A_30 : memref<1x1x128xi32, #tpu.memory_space<vmem>> -> memref<128xi32, #tpu.memory_space<vmem>>
    %dma_wait3A_32 = arith.constant 0 : i32
    %dma_wait3A_33 = arith.constant 0 : i32
    %dma_wait3A_34 = tpu.memref_slice %arg10[%dma_wait3A_32, %dma_wait3A_33] : memref<10240x128xf32, #tpu.memory_space<vmem_shared>> -> memref<10240x128xf32, #tpu.memory_space<vmem_shared>>
    tpu.wait_indirect_dma semaphore(%arg14 : memref<!tpu.dma_semaphore, #tpu.memory_space<semaphore_mem>>) src(%dma_wait3A_28 : memref<128x128xf32, #tpu.memory_space<vmem>>) dst(%dma_wait3A_34 : memref<10240x128xf32, #tpu.memory_space<vmem_shared>>)
    %barrier3A_35 = arith.constant 0 : index
    tpu.barrier barrier_id(%barrier3A_35)
    %mul3A_36 = arith.constant 640 : i32
    %mul3A_37 = arith.muli %arg1, %mul3A_36 : i32
    %mul3A_38 = arith.constant 640 : i32
    %mul3A_39 = arith.muli %arg1, %mul3A_38 : i32
    "tpu.region"() ({
      %run_scoped3A_40 = tpu.sem_alloc : memref<!tpu.dma_semaphore, #tpu.memory_space<semaphore_mem>>
      %dma_start3A_41 = arith.constant 0 : i32
      %dma_start3A_42 = tpu.memref_slice %arg6[%arg0, %mul3A_39, %dma_start3A_41] : memref<2x10240x128xf32, #tpu.memory_space<hbm>> -> memref<1x640x128xf32, #tpu.memory_space<hbm>>
      %dma_start3A_43 = tpu.memref_squeeze %dma_start3A_42 : memref<1x640x128xf32, #tpu.memory_space<hbm>> -> memref<640x128xf32, #tpu.memory_space<hbm>>
      %dma_start3A_44 = arith.constant 0 : i32
      %dma_start3A_45 = tpu.memref_slice %arg10[%mul3A_37, %dma_start3A_44] : memref<10240x128xf32, #tpu.memory_space<vmem_shared>> -> memref<640x128xf32, #tpu.memory_space<vmem_shared>>
      tpu.enqueue_dma source(%dma_start3A_45 : memref<640x128xf32, #tpu.memory_space<vmem_shared>>) target(%dma_start3A_43 : memref<640x128xf32, #tpu.memory_space<hbm>>) target_semaphore(%run_scoped3A_40 : memref<!tpu.dma_semaphore, #tpu.memory_space<semaphore_mem>>)
      %dma_wait3A_46 = arith.constant 0 : i32
      %dma_wait3A_47 = tpu.memref_slice %arg6[%arg0, %mul3A_39, %dma_wait3A_46] : memref<2x10240x128xf32, #tpu.memory_space<hbm>> -> memref<1x640x128xf32, #tpu.memory_space<hbm>>
      %dma_wait3A_48 = tpu.memref_squeeze %dma_wait3A_47 : memref<1x640x128xf32, #tpu.memory_space<hbm>> -> memref<640x128xf32, #tpu.memory_space<hbm>>
      %dma_wait3A_49 = arith.constant 0 : i32
      %dma_wait3A_50 = tpu.memref_slice %arg10[%mul3A_37, %dma_wait3A_49] : memref<10240x128xf32, #tpu.memory_space<vmem_shared>> -> memref<640x128xf32, #tpu.memory_space<vmem_shared>>
      tpu.wait_dma2 semaphore(%run_scoped3A_40 : memref<!tpu.dma_semaphore, #tpu.memory_space<semaphore_mem>>) src(%dma_wait3A_50 : memref<640x128xf32, #tpu.memory_space<vmem_shared>>) dst(%dma_wait3A_48 : memref<640x128xf32, #tpu.memory_space<hbm>>)
      tpu.yield
    }) : () -> ()
    return
  }
}

#map = affine_map<(d0, d1) -> (0, 0)>
#map1 = affine_map<(d0, d1) -> (0, 0, 0)>
module attributes {stable_mosaic.version = 14 : i64} {
  func.func @_agg_kernel(%arg0: i32, %arg1: i32, %arg2: memref<10000x128xf32, #tpu.memory_space<hbm>>, %arg3: memref<2560x128xi32, #tpu.memory_space<hbm>>, %arg4: memref<2560x128xi32, #tpu.memory_space<hbm>>, %arg5: memref<10240x128xf32, #tpu.memory_space<hbm>>, %arg6: memref<2x10240x128xf32, #tpu.memory_space<hbm>>, %arg7: memref<80x128xi32, #tpu.memory_space<vmem>>, %arg8: memref<2x8x128xi32, #tpu.memory_space<vmem>>, %arg9: memref<2x128x128xf32, #tpu.memory_space<vmem>>, %arg10: memref<10240x128xf32, #tpu.memory_space<vmem_shared>>, %arg11: memref<!tpu.dma_semaphore, #tpu.memory_space<semaphore_mem>>, %arg12: memref<!tpu.dma_semaphore, #tpu.memory_space<semaphore_mem>>, %arg13: memref<!tpu.dma_semaphore, #tpu.memory_space<semaphore_mem>>, %arg14: memref<!tpu.dma_semaphore, #tpu.memory_space<semaphore_mem>>) attributes {dimension_semantics = [#tpu.dimension_semantics<core_parallel>, #tpu.dimension_semantics<subcore_parallel>], iteration_bounds = array<i64: 2, 16>, scalar_prefetch = 0 : i64, scratch_operands = 8 : i64, tpu.core_type = #tpu.core_type<sc_vector_subcore>, window_params = [{transform_indices = #map}, {transform_indices = #map}, {transform_indices = #map}, {transform_indices = #map}, {transform_indices = #map1}]} {
    %mul3A = arith.constant 2 : i32
    %mul3A_0 = arith.muli %arg1, %mul3A : i32
    %add3A = arith.addi %mul3A_0, %arg0 : i32
    %mul3A_1 = arith.constant 80 : i32
    %mul3A_2 = arith.muli %add3A, %mul3A_1 : i32
    "tpu.region"() ({
      %run_scoped3A_40 = tpu.sem_alloc : memref<!tpu.dma_semaphore, #tpu.memory_space<semaphore_mem>>
      %dma_start3A_41 = arith.constant 0 : i32
      %dma_start3A_42 = tpu.memref_slice %arg3[%mul3A_2, %dma_start3A_41] : memref<2560x128xi32, #tpu.memory_space<hbm>> -> memref<80x128xi32, #tpu.memory_space<hbm>>
      %dma_start3A_43 = arith.constant 0 : i32
      %dma_start3A_44 = tpu.memref_slice %arg3[%mul3A_2, %dma_start3A_43] : memref<2560x128xi32, #tpu.memory_space<hbm>> -> memref<80x128xi32, #tpu.memory_space<hbm>>
      tpu.enqueue_dma source(%dma_start3A_44 : memref<80x128xi32, #tpu.memory_space<hbm>>) target(%arg7 : memref<80x128xi32, #tpu.memory_space<vmem>>) target_semaphore(%run_scoped3A_40 : memref<!tpu.dma_semaphore, #tpu.memory_space<semaphore_mem>>)
      %dma_wait3A_45 = arith.constant 0 : i32
      %dma_wait3A_46 = tpu.memref_slice %arg3[%mul3A_2, %dma_wait3A_45] : memref<2560x128xi32, #tpu.memory_space<hbm>> -> memref<80x128xi32, #tpu.memory_space<hbm>>
      %dma_wait3A_47 = arith.constant 0 : i32
      %dma_wait3A_48 = tpu.memref_slice %arg3[%mul3A_2, %dma_wait3A_47] : memref<2560x128xi32, #tpu.memory_space<hbm>> -> memref<80x128xi32, #tpu.memory_space<hbm>>
      tpu.wait_dma2 semaphore(%run_scoped3A_40 : memref<!tpu.dma_semaphore, #tpu.memory_space<semaphore_mem>>) src(%dma_wait3A_48 : memref<80x128xi32, #tpu.memory_space<hbm>>) dst(%arg7 : memref<80x128xi32, #tpu.memory_space<vmem>>)
      tpu.yield
    }) : () -> ()
    %run_scoped3A = arith.constant 0 : i32
    "tpu.region"() ({
      %run_scoped3A_40 = tpu.sem_alloc : memref<!tpu.dma_semaphore, #tpu.memory_space<semaphore_mem>>
      %dma_start3A_41 = arith.constant 0 : i32
      %dma_start3A_42 = arith.constant 0 : i32
      %dma_start3A_43 = tpu.memref_slice %arg8[%run_scoped3A, %dma_start3A_41, %dma_start3A_42] : memref<2x8x128xi32, #tpu.memory_space<vmem>> -> memref<1x8x128xi32, #tpu.memory_space<vmem>>
      %dma_start3A_44 = tpu.memref_squeeze %dma_start3A_43 : memref<1x8x128xi32, #tpu.memory_space<vmem>> -> memref<8x128xi32, #tpu.memory_space<vmem>>
      %dma_start3A_45 = arith.constant 0 : i32
      %dma_start3A_46 = tpu.memref_slice %arg4[%mul3A_2, %dma_start3A_45] : memref<2560x128xi32, #tpu.memory_space<hbm>> -> memref<8x128xi32, #tpu.memory_space<hbm>>
      %dma_start3A_47 = arith.constant 0 : i32
      %dma_start3A_48 = arith.constant 0 : i32
      %dma_start3A_49 = tpu.memref_slice %arg8[%run_scoped3A, %dma_start3A_47, %dma_start3A_48] : memref<2x8x128xi32, #tpu.memory_space<vmem>> -> memref<1x8x128xi32, #tpu.memory_space<vmem>>
      %dma_start3A_50 = tpu.memref_squeeze %dma_start3A_49 : memref<1x8x128xi32, #tpu.memory_space<vmem>> -> memref<8x128xi32, #tpu.memory_space<vmem>>
      %dma_start3A_51 = arith.constant 0 : i32
      %dma_start3A_52 = tpu.memref_slice %arg4[%mul3A_2, %dma_start3A_51] : memref<2560x128xi32, #tpu.memory_space<hbm>> -> memref<8x128xi32, #tpu.memory_space<hbm>>
      tpu.enqueue_dma source(%dma_start3A_52 : memref<8x128xi32, #tpu.memory_space<hbm>>) target(%dma_start3A_50 : memref<8x128xi32, #tpu.memory_space<vmem>>) target_semaphore(%run_scoped3A_40 : memref<!tpu.dma_semaphore, #tpu.memory_space<semaphore_mem>>)
      %dma_wait3A_53 = arith.constant 0 : i32
      %dma_wait3A_54 = arith.constant 0 : i32
      %dma_wait3A_55 = tpu.memref_slice %arg8[%run_scoped3A, %dma_wait3A_53, %dma_wait3A_54] : memref<2x8x128xi32, #tpu.memory_space<vmem>> -> memref<1x8x128xi32, #tpu.memory_space<vmem>>
      %dma_wait3A_56 = tpu.memref_squeeze %dma_wait3A_55 : memref<1x8x128xi32, #tpu.memory_space<vmem>> -> memref<8x128xi32, #tpu.memory_space<vmem>>
      %dma_wait3A_57 = arith.constant 0 : i32
      %dma_wait3A_58 = tpu.memref_slice %arg4[%mul3A_2, %dma_wait3A_57] : memref<2560x128xi32, #tpu.memory_space<hbm>> -> memref<8x128xi32, #tpu.memory_space<hbm>>
      %dma_wait3A_59 = arith.constant 0 : i32
      %dma_wait3A_60 = arith.constant 0 : i32
      %dma_wait3A_61 = tpu.memref_slice %arg8[%run_scoped3A, %dma_wait3A_59, %dma_wait3A_60] : memref<2x8x128xi32, #tpu.memory_space<vmem>> -> memref<1x8x128xi32, #tpu.memory_space<vmem>>
      %dma_wait3A_62 = tpu.memref_squeeze %dma_wait3A_61 : memref<1x8x128xi32, #tpu.memory_space<vmem>> -> memref<8x128xi32, #tpu.memory_space<vmem>>
      %dma_wait3A_63 = arith.constant 0 : i32
      %dma_wait3A_64 = tpu.memref_slice %arg4[%mul3A_2, %dma_wait3A_63] : memref<2560x128xi32, #tpu.memory_space<hbm>> -> memref<8x128xi32, #tpu.memory_space<hbm>>
      tpu.wait_dma2 semaphore(%run_scoped3A_40 : memref<!tpu.dma_semaphore, #tpu.memory_space<semaphore_mem>>) src(%dma_wait3A_64 : memref<8x128xi32, #tpu.memory_space<hbm>>) dst(%dma_wait3A_62 : memref<8x128xi32, #tpu.memory_space<vmem>>)
      tpu.yield
    }) : () -> ()
    %mul3A_3 = arith.constant 640 : i32
    %mul3A_4 = arith.muli %arg1, %mul3A_3 : i32
    %mul3A_5 = arith.constant 640 : i32
    %mul3A_6 = arith.muli %arg1, %mul3A_5 : i32
    "tpu.region"() ({
      %run_scoped3A_40 = tpu.sem_alloc : memref<!tpu.dma_semaphore, #tpu.memory_space<semaphore_mem>>
      %dma_start3A_41 = arith.constant 0 : i32
      %dma_start3A_42 = tpu.memref_slice %arg10[%mul3A_6, %dma_start3A_41] : memref<10240x128xf32, #tpu.memory_space<vmem_shared>> -> memref<640x128xf32, #tpu.memory_space<vmem_shared>>
      %dma_start3A_43 = arith.constant 0 : i32
      %dma_start3A_44 = tpu.memref_slice %arg5[%mul3A_4, %dma_start3A_43] : memref<10240x128xf32, #tpu.memory_space<hbm>> -> memref<640x128xf32, #tpu.memory_space<hbm>>
      tpu.enqueue_dma source(%dma_start3A_44 : memref<640x128xf32, #tpu.memory_space<hbm>>) target(%dma_start3A_42 : memref<640x128xf32, #tpu.memory_space<vmem_shared>>) target_semaphore(%run_scoped3A_40 : memref<!tpu.dma_semaphore, #tpu.memory_space<semaphore_mem>>)
      %dma_wait3A_45 = arith.constant 0 : i32
      %dma_wait3A_46 = tpu.memref_slice %arg10[%mul3A_6, %dma_wait3A_45] : memref<10240x128xf32, #tpu.memory_space<vmem_shared>> -> memref<640x128xf32, #tpu.memory_space<vmem_shared>>
      %dma_wait3A_47 = arith.constant 0 : i32
      %dma_wait3A_48 = tpu.memref_slice %arg5[%mul3A_4, %dma_wait3A_47] : memref<10240x128xf32, #tpu.memory_space<hbm>> -> memref<640x128xf32, #tpu.memory_space<hbm>>
      tpu.wait_dma2 semaphore(%run_scoped3A_40 : memref<!tpu.dma_semaphore, #tpu.memory_space<semaphore_mem>>) src(%dma_wait3A_48 : memref<640x128xf32, #tpu.memory_space<hbm>>) dst(%dma_wait3A_46 : memref<640x128xf32, #tpu.memory_space<vmem_shared>>)
      tpu.yield
    }) : () -> ()
    %barrier3A = arith.constant 0 : index
    tpu.barrier barrier_id(%barrier3A)
    %dma_start3A = arith.constant 0 : i32
    %dma_start3A_7 = arith.constant 0 : i32
    %dma_start3A_8 = arith.constant 0 : i32
    %dma_start3A_9 = arith.constant 0 : i32
    %dma_start3A_10 = tpu.memref_slice %arg9[%dma_start3A_7, %dma_start3A_8, %dma_start3A_9] : memref<2x128x128xf32, #tpu.memory_space<vmem>> -> memref<1x128x128xf32, #tpu.memory_space<vmem>>
    %dma_start3A_11 = tpu.memref_squeeze %dma_start3A_10 : memref<1x128x128xf32, #tpu.memory_space<vmem>> -> memref<128x128xf32, #tpu.memory_space<vmem>>
    %dma_start3A_12 = arith.constant 0 : i32
    %dma_start3A_13 = tpu.memref_slice %arg7[%dma_start3A, %dma_start3A_12] : memref<80x128xi32, #tpu.memory_space<vmem>> -> memref<1x128xi32, #tpu.memory_space<vmem>>
    %dma_start3A_14 = tpu.memref_squeeze %dma_start3A_13 : memref<1x128xi32, #tpu.memory_space<vmem>> -> memref<128xi32, #tpu.memory_space<vmem>>
    %dma_start3A_15 = arith.constant 0 : i32
    %dma_start3A_16 = arith.constant 0 : i32
    %dma_start3A_17 = tpu.memref_slice %arg2[%dma_start3A_15, %dma_start3A_16] : memref<10000x128xf32, #tpu.memory_space<hbm>> -> memref<10000x128xf32, #tpu.memory_space<hbm>>
    tpu.enqueue_indirect_dma source(%dma_start3A_17 : memref<10000x128xf32, #tpu.memory_space<hbm>>) target(%dma_start3A_11 : memref<128x128xf32, #tpu.memory_space<vmem>>) offsets(%dma_start3A_14 : memref<128xi32, #tpu.memory_space<vmem>>) semaphore(%arg11 : memref<!tpu.dma_semaphore, #tpu.memory_space<semaphore_mem>>)
    %scan3A = arith.constant 0 : i32
    %scan3A_18 = arith.constant 0 : i32
    %scan3A_19 = arith.constant 5 : i32
    %scan3A_20 = arith.addi %scan3A_18, %scan3A_19 : i32
    %scan3A_21 = arith.constant 1 : i32
    scf.for %scan3A_40 = %scan3A_18 to %scan3A_20 step %scan3A_21  : i32 {
      %mul3A_41 = arith.constant 16 : i32
      %mul3A_42 = arith.muli %scan3A_40, %mul3A_41 : i32
      %add3A_43 = arith.constant 0 : i32
      %add3A_44 = arith.addi %mul3A_42, %add3A_43 : i32
      %ge3A = arith.constant 1 : i32
      %ge3A_45 = arith.cmpi sge, %add3A_44, %ge3A : i32
      %convert_element_type3A = arith.extui %ge3A_45 : i1 to i32
      %cond3A = arith.constant 0 : i32
      %cond3A_46 = arith.cmpi ne, %convert_element_type3A, %cond3A : i32
      scf.if %cond3A_46 {
        %dma_wait3A_687 = arith.constant 1 : i32
        %dma_wait3A_688 = arith.constant 0 : i32
        %dma_wait3A_689 = arith.constant 0 : i32
        %dma_wait3A_690 = arith.constant 0 : i32
        %dma_wait3A_691 = arith.constant 0 : i32
        %dma_wait3A_692 = tpu.memref_slice %arg9[%dma_wait3A_687, %dma_wait3A_690, %dma_wait3A_691] : memref<2x128x128xf32, #tpu.memory_space<vmem>> -> memref<1x128x128xf32, #tpu.memory_space<vmem>>
        %dma_wait3A_693 = tpu.memref_squeeze %dma_wait3A_692 : memref<1x128x128xf32, #tpu.memory_space<vmem>> -> memref<128x128xf32, #tpu.memory_space<vmem>>
        %dma_wait3A_694 = arith.constant 0 : i32
        %dma_wait3A_695 = tpu.memref_slice %arg8[%dma_wait3A_688, %dma_wait3A_689, %dma_wait3A_694] : memref<2x8x128xi32, #tpu.memory_space<vmem>> -> memref<1x1x128xi32, #tpu.memory_space<vmem>>
        %dma_wait3A_696 = tpu.memref_squeeze %dma_wait3A_695 : memref<1x1x128xi32, #tpu.memory_space<vmem>> -> memref<128xi32, #tpu.memory_space<vmem>>
        %dma_wait3A_697 = arith.constant 0 : i32
        %dma_wait3A_698 = arith.constant 0 : i32
        %dma_wait3A_699 = tpu.memref_slice %arg10[%dma_wait3A_697, %dma_wait3A_698] : memref<10240x128xf32, #tpu.memory_space<vmem_shared>> -> memref<10240x128xf32, #tpu.memory_space<vmem_shared>>
        tpu.wait_indirect_dma semaphore(%arg14 : memref<!tpu.dma_semaphore, #tpu.memory_space<semaphore_mem>>) src(%dma_wait3A_693 : memref<128x128xf32, #tpu.memory_space<vmem>>) dst(%dma_wait3A_699 : memref<10240x128xf32, #tpu.memory_space<vmem_shared>>)
      } else {
      }
      %add3A_47 = arith.constant 1 : i32
      %add3A_48 = arith.addi %add3A_44, %add3A_47 : i32
      %le3A = arith.constant 79 : i32
      %le3A_49 = arith.cmpi sle, %add3A_48, %le3A : i32
      %convert_element_type3A_50 = arith.extui %le3A_49 : i1 to i32
      %cond3A_51 = arith.constant 0 : i32
      %cond3A_52 = arith.cmpi ne, %convert_element_type3A_50, %cond3A_51 : i32
      scf.if %cond3A_52 {
        %add3A_687 = arith.constant 1 : i32
        %add3A_688 = arith.addi %add3A_44, %add3A_687 : i32
        %dma_start3A_689 = arith.constant 1 : i32
        %dma_start3A_690 = arith.constant 0 : i32
        %dma_start3A_691 = arith.constant 0 : i32
        %dma_start3A_692 = tpu.memref_slice %arg9[%dma_start3A_689, %dma_start3A_690, %dma_start3A_691] : memref<2x128x128xf32, #tpu.memory_space<vmem>> -> memref<1x128x128xf32, #tpu.memory_space<vmem>>
        %dma_start3A_693 = tpu.memref_squeeze %dma_start3A_692 : memref<1x128x128xf32, #tpu.memory_space<vmem>> -> memref<128x128xf32, #tpu.memory_space<vmem>>
        %dma_start3A_694 = arith.constant 0 : i32
        %dma_start3A_695 = tpu.memref_slice %arg7[%add3A_688, %dma_start3A_694] : memref<80x128xi32, #tpu.memory_space<vmem>> -> memref<1x128xi32, #tpu.memory_space<vmem>>
        %dma_start3A_696 = tpu.memref_squeeze %dma_start3A_695 : memref<1x128xi32, #tpu.memory_space<vmem>> -> memref<128xi32, #tpu.memory_space<vmem>>
        %dma_start3A_697 = arith.constant 0 : i32
        %dma_start3A_698 = arith.constant 0 : i32
        %dma_start3A_699 = tpu.memref_slice %arg2[%dma_start3A_697, %dma_start3A_698] : memref<10000x128xf32, #tpu.memory_space<hbm>> -> memref<10000x128xf32, #tpu.memory_space<hbm>>
        tpu.enqueue_indirect_dma source(%dma_start3A_699 : memref<10000x128xf32, #tpu.memory_space<hbm>>) target(%dma_start3A_693 : memref<128x128xf32, #tpu.memory_space<vmem>>) offsets(%dma_start3A_696 : memref<128xi32, #tpu.memory_space<vmem>>) semaphore(%arg12 : memref<!tpu.dma_semaphore, #tpu.memory_space<semaphore_mem>>)
      } else {
      }
      %dma_wait3A_53 = arith.constant 0 : i32
      %dma_wait3A_54 = arith.constant 0 : i32
      %dma_wait3A_55 = arith.constant 0 : i32
      %dma_wait3A_56 = tpu.memref_slice %arg9[%dma_wait3A_53, %dma_wait3A_54, %dma_wait3A_55] : memref<2x128x128xf32, #tpu.memory_space<vmem>> -> memref<1x128x128xf32, #tpu.memory_space<vmem>>
      %dma_wait3A_57 = tpu.memref_squeeze %dma_wait3A_56 : memref<1x128x128xf32, #tpu.memory_space<vmem>> -> memref<128x128xf32, #tpu.memory_space<vmem>>
      %dma_wait3A_58 = arith.constant 0 : i32
      %dma_wait3A_59 = tpu.memref_slice %arg7[%add3A_44, %dma_wait3A_58] : memref<80x128xi32, #tpu.memory_space<vmem>> -> memref<1x128xi32, #tpu.memory_space<vmem>>
      %dma_wait3A_60 = tpu.memref_squeeze %dma_wait3A_59 : memref<1x128xi32, #tpu.memory_space<vmem>> -> memref<128xi32, #tpu.memory_space<vmem>>
      %dma_wait3A_61 = arith.constant 0 : i32
      %dma_wait3A_62 = arith.constant 0 : i32
      %dma_wait3A_63 = tpu.memref_slice %arg2[%dma_wait3A_61, %dma_wait3A_62] : memref<10000x128xf32, #tpu.memory_space<hbm>> -> memref<10000x128xf32, #tpu.memory_space<hbm>>
      tpu.wait_indirect_dma semaphore(%arg11 : memref<!tpu.dma_semaphore, #tpu.memory_space<semaphore_mem>>) src(%dma_wait3A_63 : memref<10000x128xf32, #tpu.memory_space<hbm>>) dst(%dma_wait3A_57 : memref<128x128xf32, #tpu.memory_space<vmem>>)
      %dma_start3A_64 = arith.constant 0 : i32
      %dma_start3A_65 = arith.constant 0 : i32
      %dma_start3A_66 = arith.constant 0 : i32
      %dma_start3A_67 = arith.constant 0 : i32
      %dma_start3A_68 = arith.constant 0 : i32
      %dma_start3A_69 = tpu.memref_slice %arg9[%dma_start3A_64, %dma_start3A_67, %dma_start3A_68] : memref<2x128x128xf32, #tpu.memory_space<vmem>> -> memref<1x128x128xf32, #tpu.memory_space<vmem>>
      %dma_start3A_70 = tpu.memref_squeeze %dma_start3A_69 : memref<1x128x128xf32, #tpu.memory_space<vmem>> -> memref<128x128xf32, #tpu.memory_space<vmem>>
      %dma_start3A_71 = arith.constant 0 : i32
      %dma_start3A_72 = tpu.memref_slice %arg8[%dma_start3A_65, %dma_start3A_66, %dma_start3A_71] : memref<2x8x128xi32, #tpu.memory_space<vmem>> -> memref<1x1x128xi32, #tpu.memory_space<vmem>>
      %dma_start3A_73 = tpu.memref_squeeze %dma_start3A_72 : memref<1x1x128xi32, #tpu.memory_space<vmem>> -> memref<128xi32, #tpu.memory_space<vmem>>
      %dma_start3A_74 = arith.constant 0 : i32
      %dma_start3A_75 = arith.constant 0 : i32
      %dma_start3A_76 = tpu.memref_slice %arg10[%dma_start3A_74, %dma_start3A_75] : memref<10240x128xf32, #tpu.memory_space<vmem_shared>> -> memref<10240x128xf32, #tpu.memory_space<vmem_shared>>
      tpu.enqueue_indirect_dma source(%dma_start3A_70 : memref<128x128xf32, #tpu.memory_space<vmem>>) target(%dma_start3A_76 : memref<10240x128xf32, #tpu.memory_space<vmem_shared>>) offsets(%dma_start3A_73 : memref<128xi32, #tpu.memory_space<vmem>>) semaphore(%arg13 : memref<!tpu.dma_semaphore, #tpu.memory_space<semaphore_mem>>) {add = true}
      %mul3A_77 = arith.constant 16 : i32
      %mul3A_78 = arith.muli %scan3A_40, %mul3A_77 : i32
      %add3A_79 = arith.addi %mul3A_2, %mul3A_78 : i32
      %add3A_80 = arith.constant 8 : i32
      %add3A_81 = arith.addi %add3A_79, %add3A_80 : i32
      %run_scoped3A_82 = arith.constant 1 : i32
      "tpu.region"() ({
        %run_scoped3A_687 = tpu.sem_alloc : memref<!tpu.dma_semaphore, #tpu.memory_space<semaphore_mem>>
        %dma_start3A_688 = arith.constant 0 : i32
        %dma_start3A_689 = arith.constant 0 : i32
        %dma_start3A_690 = tpu.memref_slice %arg8[%run_scoped3A_82, %dma_start3A_688, %dma_start3A_689] : memref<2x8x128xi32, #tpu.memory_space<vmem>> -> memref<1x8x128xi32, #tpu.memory_space<vmem>>
        %dma_start3A_691 = tpu.memref_squeeze %dma_start3A_690 : memref<1x8x128xi32, #tpu.memory_space<vmem>> -> memref<8x128xi32, #tpu.memory_space<vmem>>
        %dma_start3A_692 = arith.constant 0 : i32
        %dma_start3A_693 = tpu.memref_slice %arg4[%add3A_81, %dma_start3A_692] : memref<2560x128xi32, #tpu.memory_space<hbm>> -> memref<8x128xi32, #tpu.memory_space<hbm>>
        %dma_start3A_694 = arith.constant 0 : i32
        %dma_start3A_695 = arith.constant 0 : i32
        %dma_start3A_696 = tpu.memref_slice %arg8[%run_scoped3A_82, %dma_start3A_694, %dma_start3A_695] : memref<2x8x128xi32, #tpu.memory_space<vmem>> -> memref<1x8x128xi32, #tpu.memory_space<vmem>>
        %dma_start3A_697 = tpu.memref_squeeze %dma_start3A_696 : memref<1x8x128xi32, #tpu.memory_space<vmem>> -> memref<8x128xi32, #tpu.memory_space<vmem>>
        %dma_start3A_698 = arith.constant 0 : i32
        %dma_start3A_699 = tpu.memref_slice %arg4[%add3A_81, %dma_start3A_698] : memref<2560x128xi32, #tpu.memory_space<hbm>> -> memref<8x128xi32, #tpu.memory_space<hbm>>
        tpu.enqueue_dma source(%dma_start3A_699 : memref<8x128xi32, #tpu.memory_space<hbm>>) target(%dma_start3A_697 : memref<8x128xi32, #tpu.memory_space<vmem>>) target_semaphore(%run_scoped3A_687 : memref<!tpu.dma_semaphore, #tpu.memory_space<semaphore_mem>>)
        %dma_wait3A_700 = arith.constant 0 : i32
        %dma_wait3A_701 = arith.constant 0 : i32
        %dma_wait3A_702 = tpu.memref_slice %arg8[%run_scoped3A_82, %dma_wait3A_700, %dma_wait3A_701] : memref<2x8x128xi32, #tpu.memory_space<vmem>> -> memref<1x8x128xi32, #tpu.memory_space<vmem>>
        %dma_wait3A_703 = tpu.memref_squeeze %dma_wait3A_702 : memref<1x8x128xi32, #tpu.memory_space<vmem>> -> memref<8x128xi32, #tpu.memory_space<vmem>>
        %dma_wait3A_704 = arith.constant 0 : i32
        %dma_wait3A_705 = tpu.memref_slice %arg4[%add3A_81, %dma_wait3A_704] : memref<2560x128xi32, #tpu.memory_space<hbm>> -> memref<8x128xi32, #tpu.memory_space<hbm>>
        %dma_wait3A_706 = arith.constant 0 : i32
        %dma_wait3A_707 = arith.constant 0 : i32
        %dma_wait3A_708 = tpu.memref_slice %arg8[%run_scoped3A_82, %dma_wait3A_706, %dma_wait3A_707] : memref<2x8x128xi32, #tpu.memory_space<vmem>> -> memref<1x8x128xi32, #tpu.memory_space<vmem>>
        %dma_wait3A_709 = tpu.memref_squeeze %dma_wait3A_708 : memref<1x8x128xi32, #tpu.memory_space<vmem>> -> memref<8x128xi32, #tpu.memory_space<vmem>>
        %dma_wait3A_710 = arith.constant 0 : i32
        %dma_wait3A_711 = tpu.memref_slice %arg4[%add3A_81, %dma_wait3A_710] : memref<2560x128xi32, #tpu.memory_space<hbm>> -> memref<8x128xi32, #tpu.memory_space<hbm>>
        tpu.wait_dma2 semaphore(%run_scoped3A_687 : memref<!tpu.dma_semaphore, #tpu.memory_space<semaphore_mem>>) src(%dma_wait3A_711 : memref<8x128xi32, #tpu.memory_space<hbm>>) dst(%dma_wait3A_709 : memref<8x128xi32, #tpu.memory_space<vmem>>)
        tpu.yield
      }) : () -> ()
      %mul3A_83 = arith.constant 16 : i32
      %mul3A_84 = arith.muli %scan3A_40, %mul3A_83 : i32
      %add3A_85 = arith.constant 1 : i32
      %add3A_86 = arith.addi %mul3A_84, %add3A_85 : i32
      %ge3A_87 = arith.constant 1 : i32
      %ge3A_88 = arith.cmpi sge, %add3A_86, %ge3A_87 : i32
      %convert_element_type3A_89 = arith.extui %ge3A_88 : i1 to i32
      %cond3A_90 = arith.constant 0 : i32
      %cond3A_91 = arith.cmpi ne, %convert_element_type3A_89, %cond3A_90 : i32
      scf.if %cond3A_91 {
        %dma_wait3A_687 = arith.constant 0 : i32
        %dma_wait3A_688 = arith.constant 0 : i32
        %dma_wait3A_689 = arith.constant 0 : i32
        %dma_wait3A_690 = arith.constant 0 : i32
        %dma_wait3A_691 = arith.constant 0 : i32
        %dma_wait3A_692 = tpu.memref_slice %arg9[%dma_wait3A_687, %dma_wait3A_690, %dma_wait3A_691] : memref<2x128x128xf32, #tpu.memory_space<vmem>> -> memref<1x128x128xf32, #tpu.memory_space<vmem>>
        %dma_wait3A_693 = tpu.memref_squeeze %dma_wait3A_692 : memref<1x128x128xf32, #tpu.memory_space<vmem>> -> memref<128x128xf32, #tpu.memory_space<vmem>>
        %dma_wait3A_694 = arith.constant 0 : i32
        %dma_wait3A_695 = tpu.memref_slice %arg8[%dma_wait3A_688, %dma_wait3A_689, %dma_wait3A_694] : memref<2x8x128xi32, #tpu.memory_space<vmem>> -> memref<1x1x128xi32, #tpu.memory_space<vmem>>
        %dma_wait3A_696 = tpu.memref_squeeze %dma_wait3A_695 : memref<1x1x128xi32, #tpu.memory_space<vmem>> -> memref<128xi32, #tpu.memory_space<vmem>>
        %dma_wait3A_697 = arith.constant 0 : i32
        %dma_wait3A_698 = arith.constant 0 : i32
        %dma_wait3A_699 = tpu.memref_slice %arg10[%dma_wait3A_697, %dma_wait3A_698] : memref<10240x128xf32, #tpu.memory_space<vmem_shared>> -> memref<10240x128xf32, #tpu.memory_space<vmem_shared>>
        tpu.wait_indirect_dma semaphore(%arg13 : memref<!tpu.dma_semaphore, #tpu.memory_space<semaphore_mem>>) src(%dma_wait3A_693 : memref<128x128xf32, #tpu.memory_space<vmem>>) dst(%dma_wait3A_699 : memref<10240x128xf32, #tpu.memory_space<vmem_shared>>)
      } else {
      }
      %add3A_92 = arith.constant 1 : i32
      %add3A_93 = arith.addi %add3A_86, %add3A_92 : i32
      %le3A_94 = arith.constant 79 : i32
      %le3A_95 = arith.cmpi sle, %add3A_93, %le3A_94 : i32
      %convert_element_type3A_96 = arith.extui %le3A_95 : i1 to i32
      %cond3A_97 = arith.constant 0 : i32
      %cond3A_98 = arith.cmpi ne, %convert_element_type3A_96, %cond3A_97 : i32
      scf.if %cond3A_98 {
        %add3A_687 = arith.constant 1 : i32
        %add3A_688 = arith.addi %add3A_86, %add3A_687 : i32
        %dma_start3A_689 = arith.constant 0 : i32
        %dma_start3A_690 = arith.constant 0 : i32
        %dma_start3A_691 = arith.constant 0 : i32
        %dma_start3A_692 = tpu.memref_slice %arg9[%dma_start3A_689, %dma_start3A_690, %dma_start3A_691] : memref<2x128x128xf32, #tpu.memory_space<vmem>> -> memref<1x128x128xf32, #tpu.memory_space<vmem>>
        %dma_start3A_693 = tpu.memref_squeeze %dma_start3A_692 : memref<1x128x128xf32, #tpu.memory_space<vmem>> -> memref<128x128xf32, #tpu.memory_space<vmem>>
        %dma_start3A_694 = arith.constant 0 : i32
        %dma_start3A_695 = tpu.memref_slice %arg7[%add3A_688, %dma_start3A_694] : memref<80x128xi32, #tpu.memory_space<vmem>> -> memref<1x128xi32, #tpu.memory_space<vmem>>
        %dma_start3A_696 = tpu.memref_squeeze %dma_start3A_695 : memref<1x128xi32, #tpu.memory_space<vmem>> -> memref<128xi32, #tpu.memory_space<vmem>>
        %dma_start3A_697 = arith.constant 0 : i32
        %dma_start3A_698 = arith.constant 0 : i32
        %dma_start3A_699 = tpu.memref_slice %arg2[%dma_start3A_697, %dma_start3A_698] : memref<10000x128xf32, #tpu.memory_space<hbm>> -> memref<10000x128xf32, #tpu.memory_space<hbm>>
        tpu.enqueue_indirect_dma source(%dma_start3A_699 : memref<10000x128xf32, #tpu.memory_space<hbm>>) target(%dma_start3A_693 : memref<128x128xf32, #tpu.memory_space<vmem>>) offsets(%dma_start3A_696 : memref<128xi32, #tpu.memory_space<vmem>>) semaphore(%arg11 : memref<!tpu.dma_semaphore, #tpu.memory_space<semaphore_mem>>)
      } else {
      }
      %dma_wait3A_99 = arith.constant 1 : i32
      %dma_wait3A_100 = arith.constant 0 : i32
      %dma_wait3A_101 = arith.constant 0 : i32
      %dma_wait3A_102 = tpu.memref_slice %arg9[%dma_wait3A_99, %dma_wait3A_100, %dma_wait3A_101] : memref<2x128x128xf32, #tpu.memory_space<vmem>> -> memref<1x128x128xf32, #tpu.memory_space<vmem>>
      %dma_wait3A_103 = tpu.memref_squeeze %dma_wait3A_102 : memref<1x128x128xf32, #tpu.memory_space<vmem>> -> memref<128x128xf32, #tpu.memory_space<vmem>>
      %dma_wait3A_104 = arith.constant 0 : i32
      %dma_wait3A_105 = tpu.memref_slice %arg7[%add3A_86, %dma_wait3A_104] : memref<80x128xi32, #tpu.memory_space<vmem>> -> memref<1x128xi32, #tpu.memory_space<vmem>>
      %dma_wait3A_106 = tpu.memref_squeeze %dma_wait3A_105 : memref<1x128xi32, #tpu.memory_space<vmem>> -> memref<128xi32, #tpu.memory_space<vmem>>
      %dma_wait3A_107 = arith.constant 0 : i32
      %dma_wait3A_108 = arith.constant 0 : i32
      %dma_wait3A_109 = tpu.memref_slice %arg2[%dma_wait3A_107, %dma_wait3A_108] : memref<10000x128xf32, #tpu.memory_space<hbm>> -> memref<10000x128xf32, #tpu.memory_space<hbm>>
      tpu.wait_indirect_dma semaphore(%arg12 : memref<!tpu.dma_semaphore, #tpu.memory_space<semaphore_mem>>) src(%dma_wait3A_109 : memref<10000x128xf32, #tpu.memory_space<hbm>>) dst(%dma_wait3A_103 : memref<128x128xf32, #tpu.memory_space<vmem>>)
      %dma_start3A_110 = arith.constant 1 : i32
      %dma_start3A_111 = arith.constant 0 : i32
      %dma_start3A_112 = arith.constant 1 : i32
      %dma_start3A_113 = arith.constant 0 : i32
      %dma_start3A_114 = arith.constant 0 : i32
      %dma_start3A_115 = tpu.memref_slice %arg9[%dma_start3A_110, %dma_start3A_113, %dma_start3A_114] : memref<2x128x128xf32, #tpu.memory_space<vmem>> -> memref<1x128x128xf32, #tpu.memory_space<vmem>>
      %dma_start3A_116 = tpu.memref_squeeze %dma_start3A_115 : memref<1x128x128xf32, #tpu.memory_space<vmem>> -> memref<128x128xf32, #tpu.memory_space<vmem>>
      %dma_start3A_117 = arith.constant 0 : i32
      %dma_start3A_118 = tpu.memref_slice %arg8[%dma_start3A_111, %dma_start3A_112, %dma_start3A_117] : memref<2x8x128xi32, #tpu.memory_space<vmem>> -> memref<1x1x128xi32, #tpu.memory_space<vmem>>
      %dma_start3A_119 = tpu.memref_squeeze %dma_start3A_118 : memref<1x1x128xi32, #tpu.memory_space<vmem>> -> memref<128xi32, #tpu.memory_space<vmem>>
      %dma_start3A_120 = arith.constant 0 : i32
      %dma_start3A_121 = arith.constant 0 : i32
      %dma_start3A_122 = tpu.memref_slice %arg10[%dma_start3A_120, %dma_start3A_121] : memref<10240x128xf32, #tpu.memory_space<vmem_shared>> -> memref<10240x128xf32, #tpu.memory_space<vmem_shared>>
      tpu.enqueue_indirect_dma source(%dma_start3A_116 : memref<128x128xf32, #tpu.memory_space<vmem>>) target(%dma_start3A_122 : memref<10240x128xf32, #tpu.memory_space<vmem_shared>>) offsets(%dma_start3A_119 : memref<128xi32, #tpu.memory_space<vmem>>) semaphore(%arg14 : memref<!tpu.dma_semaphore, #tpu.memory_space<semaphore_mem>>) {add = true}
      %mul3A_123 = arith.constant 16 : i32
      %mul3A_124 = arith.muli %scan3A_40, %mul3A_123 : i32
      %add3A_125 = arith.constant 2 : i32
      %add3A_126 = arith.addi %mul3A_124, %add3A_125 : i32
      %ge3A_127 = arith.constant 1 : i32
      %ge3A_128 = arith.cmpi sge, %add3A_126, %ge3A_127 : i32
      %convert_element_type3A_129 = arith.extui %ge3A_128 : i1 to i32
      %cond3A_130 = arith.constant 0 : i32
      %cond3A_131 = arith.cmpi ne, %convert_element_type3A_129, %cond3A_130 : i32
      scf.if %cond3A_131 {
        %dma_wait3A_687 = arith.constant 1 : i32
        %dma_wait3A_688 = arith.constant 0 : i32
        %dma_wait3A_689 = arith.constant 0 : i32
        %dma_wait3A_690 = arith.constant 0 : i32
        %dma_wait3A_691 = arith.constant 0 : i32
        %dma_wait3A_692 = tpu.memref_slice %arg9[%dma_wait3A_687, %dma_wait3A_690, %dma_wait3A_691] : memref<2x128x128xf32, #tpu.memory_space<vmem>> -> memref<1x128x128xf32, #tpu.memory_space<vmem>>
        %dma_wait3A_693 = tpu.memref_squeeze %dma_wait3A_692 : memref<1x128x128xf32, #tpu.memory_space<vmem>> -> memref<128x128xf32, #tpu.memory_space<vmem>>
        %dma_wait3A_694 = arith.constant 0 : i32
        %dma_wait3A_695 = tpu.memref_slice %arg8[%dma_wait3A_688, %dma_wait3A_689, %dma_wait3A_694] : memref<2x8x128xi32, #tpu.memory_space<vmem>> -> memref<1x1x128xi32, #tpu.memory_space<vmem>>
        %dma_wait3A_696 = tpu.memref_squeeze %dma_wait3A_695 : memref<1x1x128xi32, #tpu.memory_space<vmem>> -> memref<128xi32, #tpu.memory_space<vmem>>
        %dma_wait3A_697 = arith.constant 0 : i32
        %dma_wait3A_698 = arith.constant 0 : i32
        %dma_wait3A_699 = tpu.memref_slice %arg10[%dma_wait3A_697, %dma_wait3A_698] : memref<10240x128xf32, #tpu.memory_space<vmem_shared>> -> memref<10240x128xf32, #tpu.memory_space<vmem_shared>>
        tpu.wait_indirect_dma semaphore(%arg14 : memref<!tpu.dma_semaphore, #tpu.memory_space<semaphore_mem>>) src(%dma_wait3A_693 : memref<128x128xf32, #tpu.memory_space<vmem>>) dst(%dma_wait3A_699 : memref<10240x128xf32, #tpu.memory_space<vmem_shared>>)
      } else {
      }
      %add3A_132 = arith.constant 1 : i32
      %add3A_133 = arith.addi %add3A_126, %add3A_132 : i32
      %le3A_134 = arith.constant 79 : i32
      %le3A_135 = arith.cmpi sle, %add3A_133, %le3A_134 : i32
      %convert_element_type3A_136 = arith.extui %le3A_135 : i1 to i32
      %cond3A_137 = arith.constant 0 : i32
      %cond3A_138 = arith.cmpi ne, %convert_element_type3A_136, %cond3A_137 : i32
      scf.if %cond3A_138 {
        %add3A_687 = arith.constant 1 : i32
        %add3A_688 = arith.addi %add3A_126, %add3A_687 : i32
        %dma_start3A_689 = arith.constant 1 : i32
        %dma_start3A_690 = arith.constant 0 : i32
        %dma_start3A_691 = arith.constant 0 : i32
        %dma_start3A_692 = tpu.memref_slice %arg9[%dma_start3A_689, %dma_start3A_690, %dma_start3A_691] : memref<2x128x128xf32, #tpu.memory_space<vmem>> -> memref<1x128x128xf32, #tpu.memory_space<vmem>>
        %dma_start3A_693 = tpu.memref_squeeze %dma_start3A_692 : memref<1x128x128xf32, #tpu.memory_space<vmem>> -> memref<128x128xf32, #tpu.memory_space<vmem>>
        %dma_start3A_694 = arith.constant 0 : i32
        %dma_start3A_695 = tpu.memref_slice %arg7[%add3A_688, %dma_start3A_694] : memref<80x128xi32, #tpu.memory_space<vmem>> -> memref<1x128xi32, #tpu.memory_space<vmem>>
        %dma_start3A_696 = tpu.memref_squeeze %dma_start3A_695 : memref<1x128xi32, #tpu.memory_space<vmem>> -> memref<128xi32, #tpu.memory_space<vmem>>
        %dma_start3A_697 = arith.constant 0 : i32
        %dma_start3A_698 = arith.constant 0 : i32
        %dma_start3A_699 = tpu.memref_slice %arg2[%dma_start3A_697, %dma_start3A_698] : memref<10000x128xf32, #tpu.memory_space<hbm>> -> memref<10000x128xf32, #tpu.memory_space<hbm>>
        tpu.enqueue_indirect_dma source(%dma_start3A_699 : memref<10000x128xf32, #tpu.memory_space<hbm>>) target(%dma_start3A_693 : memref<128x128xf32, #tpu.memory_space<vmem>>) offsets(%dma_start3A_696 : memref<128xi32, #tpu.memory_space<vmem>>) semaphore(%arg12 : memref<!tpu.dma_semaphore, #tpu.memory_space<semaphore_mem>>)
      } else {
      }
      %dma_wait3A_139 = arith.constant 0 : i32
      %dma_wait3A_140 = arith.constant 0 : i32
      %dma_wait3A_141 = arith.constant 0 : i32
      %dma_wait3A_142 = tpu.memref_slice %arg9[%dma_wait3A_139, %dma_wait3A_140, %dma_wait3A_141] : memref<2x128x128xf32, #tpu.memory_space<vmem>> -> memref<1x128x128xf32, #tpu.memory_space<vmem>>
      %dma_wait3A_143 = tpu.memref_squeeze %dma_wait3A_142 : memref<1x128x128xf32, #tpu.memory_space<vmem>> -> memref<128x128xf32, #tpu.memory_space<vmem>>
      %dma_wait3A_144 = arith.constant 0 : i32
      %dma_wait3A_145 = tpu.memref_slice %arg7[%add3A_126, %dma_wait3A_144] : memref<80x128xi32, #tpu.memory_space<vmem>> -> memref<1x128xi32, #tpu.memory_space<vmem>>
      %dma_wait3A_146 = tpu.memref_squeeze %dma_wait3A_145 : memref<1x128xi32, #tpu.memory_space<vmem>> -> memref<128xi32, #tpu.memory_space<vmem>>
      %dma_wait3A_147 = arith.constant 0 : i32
      %dma_wait3A_148 = arith.constant 0 : i32
      %dma_wait3A_149 = tpu.memref_slice %arg2[%dma_wait3A_147, %dma_wait3A_148] : memref<10000x128xf32, #tpu.memory_space<hbm>> -> memref<10000x128xf32, #tpu.memory_space<hbm>>
      tpu.wait_indirect_dma semaphore(%arg11 : memref<!tpu.dma_semaphore, #tpu.memory_space<semaphore_mem>>) src(%dma_wait3A_149 : memref<10000x128xf32, #tpu.memory_space<hbm>>) dst(%dma_wait3A_143 : memref<128x128xf32, #tpu.memory_space<vmem>>)
      %dma_start3A_150 = arith.constant 0 : i32
      %dma_start3A_151 = arith.constant 0 : i32
      %dma_start3A_152 = arith.constant 2 : i32
      %dma_start3A_153 = arith.constant 0 : i32
      %dma_start3A_154 = arith.constant 0 : i32
      %dma_start3A_155 = tpu.memref_slice %arg9[%dma_start3A_150, %dma_start3A_153, %dma_start3A_154] : memref<2x128x128xf32, #tpu.memory_space<vmem>> -> memref<1x128x128xf32, #tpu.memory_space<vmem>>
      %dma_start3A_156 = tpu.memref_squeeze %dma_start3A_155 : memref<1x128x128xf32, #tpu.memory_space<vmem>> -> memref<128x128xf32, #tpu.memory_space<vmem>>
      %dma_start3A_157 = arith.constant 0 : i32
      %dma_start3A_158 = tpu.memref_slice %arg8[%dma_start3A_151, %dma_start3A_152, %dma_start3A_157] : memref<2x8x128xi32, #tpu.memory_space<vmem>> -> memref<1x1x128xi32, #tpu.memory_space<vmem>>
      %dma_start3A_159 = tpu.memref_squeeze %dma_start3A_158 : memref<1x1x128xi32, #tpu.memory_space<vmem>> -> memref<128xi32, #tpu.memory_space<vmem>>
      %dma_start3A_160 = arith.constant 0 : i32
      %dma_start3A_161 = arith.constant 0 : i32
      %dma_start3A_162 = tpu.memref_slice %arg10[%dma_start3A_160, %dma_start3A_161] : memref<10240x128xf32, #tpu.memory_space<vmem_shared>> -> memref<10240x128xf32, #tpu.memory_space<vmem_shared>>
      tpu.enqueue_indirect_dma source(%dma_start3A_156 : memref<128x128xf32, #tpu.memory_space<vmem>>) target(%dma_start3A_162 : memref<10240x128xf32, #tpu.memory_space<vmem_shared>>) offsets(%dma_start3A_159 : memref<128xi32, #tpu.memory_space<vmem>>) semaphore(%arg13 : memref<!tpu.dma_semaphore, #tpu.memory_space<semaphore_mem>>) {add = true}
      %mul3A_163 = arith.constant 16 : i32
      %mul3A_164 = arith.muli %scan3A_40, %mul3A_163 : i32
      %add3A_165 = arith.constant 3 : i32
      %add3A_166 = arith.addi %mul3A_164, %add3A_165 : i32
      %ge3A_167 = arith.constant 1 : i32
      %ge3A_168 = arith.cmpi sge, %add3A_166, %ge3A_167 : i32
      %convert_element_type3A_169 = arith.extui %ge3A_168 : i1 to i32
      %cond3A_170 = arith.constant 0 : i32
      %cond3A_171 = arith.cmpi ne, %convert_element_type3A_169, %cond3A_170 : i32
      scf.if %cond3A_171 {
        %dma_wait3A_687 = arith.constant 0 : i32
        %dma_wait3A_688 = arith.constant 0 : i32
        %dma_wait3A_689 = arith.constant 0 : i32
        %dma_wait3A_690 = arith.constant 0 : i32
        %dma_wait3A_691 = arith.constant 0 : i32
        %dma_wait3A_692 = tpu.memref_slice %arg9[%dma_wait3A_687, %dma_wait3A_690, %dma_wait3A_691] : memref<2x128x128xf32, #tpu.memory_space<vmem>> -> memref<1x128x128xf32, #tpu.memory_space<vmem>>
        %dma_wait3A_693 = tpu.memref_squeeze %dma_wait3A_692 : memref<1x128x128xf32, #tpu.memory_space<vmem>> -> memref<128x128xf32, #tpu.memory_space<vmem>>
        %dma_wait3A_694 = arith.constant 0 : i32
        %dma_wait3A_695 = tpu.memref_slice %arg8[%dma_wait3A_688, %dma_wait3A_689, %dma_wait3A_694] : memref<2x8x128xi32, #tpu.memory_space<vmem>> -> memref<1x1x128xi32, #tpu.memory_space<vmem>>
        %dma_wait3A_696 = tpu.memref_squeeze %dma_wait3A_695 : memref<1x1x128xi32, #tpu.memory_space<vmem>> -> memref<128xi32, #tpu.memory_space<vmem>>
        %dma_wait3A_697 = arith.constant 0 : i32
        %dma_wait3A_698 = arith.constant 0 : i32
        %dma_wait3A_699 = tpu.memref_slice %arg10[%dma_wait3A_697, %dma_wait3A_698] : memref<10240x128xf32, #tpu.memory_space<vmem_shared>> -> memref<10240x128xf32, #tpu.memory_space<vmem_shared>>
        tpu.wait_indirect_dma semaphore(%arg13 : memref<!tpu.dma_semaphore, #tpu.memory_space<semaphore_mem>>) src(%dma_wait3A_693 : memref<128x128xf32, #tpu.memory_space<vmem>>) dst(%dma_wait3A_699 : memref<10240x128xf32, #tpu.memory_space<vmem_shared>>)
      } else {
      }
      %add3A_172 = arith.constant 1 : i32
      %add3A_173 = arith.addi %add3A_166, %add3A_172 : i32
      %le3A_174 = arith.constant 79 : i32
      %le3A_175 = arith.cmpi sle, %add3A_173, %le3A_174 : i32
      %convert_element_type3A_176 = arith.extui %le3A_175 : i1 to i32
      %cond3A_177 = arith.constant 0 : i32
      %cond3A_178 = arith.cmpi ne, %convert_element_type3A_176, %cond3A_177 : i32
      scf.if %cond3A_178 {
        %add3A_687 = arith.constant 1 : i32
        %add3A_688 = arith.addi %add3A_166, %add3A_687 : i32
        %dma_start3A_689 = arith.constant 0 : i32
        %dma_start3A_690 = arith.constant 0 : i32
        %dma_start3A_691 = arith.constant 0 : i32
        %dma_start3A_692 = tpu.memref_slice %arg9[%dma_start3A_689, %dma_start3A_690, %dma_start3A_691] : memref<2x128x128xf32, #tpu.memory_space<vmem>> -> memref<1x128x128xf32, #tpu.memory_space<vmem>>
        %dma_start3A_693 = tpu.memref_squeeze %dma_start3A_692 : memref<1x128x128xf32, #tpu.memory_space<vmem>> -> memref<128x128xf32, #tpu.memory_space<vmem>>
        %dma_start3A_694 = arith.constant 0 : i32
        %dma_start3A_695 = tpu.memref_slice %arg7[%add3A_688, %dma_start3A_694] : memref<80x128xi32, #tpu.memory_space<vmem>> -> memref<1x128xi32, #tpu.memory_space<vmem>>
        %dma_start3A_696 = tpu.memref_squeeze %dma_start3A_695 : memref<1x128xi32, #tpu.memory_space<vmem>> -> memref<128xi32, #tpu.memory_space<vmem>>
        %dma_start3A_697 = arith.constant 0 : i32
        %dma_start3A_698 = arith.constant 0 : i32
        %dma_start3A_699 = tpu.memref_slice %arg2[%dma_start3A_697, %dma_start3A_698] : memref<10000x128xf32, #tpu.memory_space<hbm>> -> memref<10000x128xf32, #tpu.memory_space<hbm>>
        tpu.enqueue_indirect_dma source(%dma_start3A_699 : memref<10000x128xf32, #tpu.memory_space<hbm>>) target(%dma_start3A_693 : memref<128x128xf32, #tpu.memory_space<vmem>>) offsets(%dma_start3A_696 : memref<128xi32, #tpu.memory_space<vmem>>) semaphore(%arg11 : memref<!tpu.dma_semaphore, #tpu.memory_space<semaphore_mem>>)
      } else {
      }
      %dma_wait3A_179 = arith.constant 1 : i32
      %dma_wait3A_180 = arith.constant 0 : i32
      %dma_wait3A_181 = arith.constant 0 : i32
      %dma_wait3A_182 = tpu.memref_slice %arg9[%dma_wait3A_179, %dma_wait3A_180, %dma_wait3A_181] : memref<2x128x128xf32, #tpu.memory_space<vmem>> -> memref<1x128x128xf32, #tpu.memory_space<vmem>>
      %dma_wait3A_183 = tpu.memref_squeeze %dma_wait3A_182 : memref<1x128x128xf32, #tpu.memory_space<vmem>> -> memref<128x128xf32, #tpu.memory_space<vmem>>
      %dma_wait3A_184 = arith.constant 0 : i32
      %dma_wait3A_185 = tpu.memref_slice %arg7[%add3A_166, %dma_wait3A_184] : memref<80x128xi32, #tpu.memory_space<vmem>> -> memref<1x128xi32, #tpu.memory_space<vmem>>
      %dma_wait3A_186 = tpu.memref_squeeze %dma_wait3A_185 : memref<1x128xi32, #tpu.memory_space<vmem>> -> memref<128xi32, #tpu.memory_space<vmem>>
      %dma_wait3A_187 = arith.constant 0 : i32
      %dma_wait3A_188 = arith.constant 0 : i32
      %dma_wait3A_189 = tpu.memref_slice %arg2[%dma_wait3A_187, %dma_wait3A_188] : memref<10000x128xf32, #tpu.memory_space<hbm>> -> memref<10000x128xf32, #tpu.memory_space<hbm>>
      tpu.wait_indirect_dma semaphore(%arg12 : memref<!tpu.dma_semaphore, #tpu.memory_space<semaphore_mem>>) src(%dma_wait3A_189 : memref<10000x128xf32, #tpu.memory_space<hbm>>) dst(%dma_wait3A_183 : memref<128x128xf32, #tpu.memory_space<vmem>>)
      %dma_start3A_190 = arith.constant 1 : i32
      %dma_start3A_191 = arith.constant 0 : i32
      %dma_start3A_192 = arith.constant 3 : i32
      %dma_start3A_193 = arith.constant 0 : i32
      %dma_start3A_194 = arith.constant 0 : i32
      %dma_start3A_195 = tpu.memref_slice %arg9[%dma_start3A_190, %dma_start3A_193, %dma_start3A_194] : memref<2x128x128xf32, #tpu.memory_space<vmem>> -> memref<1x128x128xf32, #tpu.memory_space<vmem>>
      %dma_start3A_196 = tpu.memref_squeeze %dma_start3A_195 : memref<1x128x128xf32, #tpu.memory_space<vmem>> -> memref<128x128xf32, #tpu.memory_space<vmem>>
      %dma_start3A_197 = arith.constant 0 : i32
      %dma_start3A_198 = tpu.memref_slice %arg8[%dma_start3A_191, %dma_start3A_192, %dma_start3A_197] : memref<2x8x128xi32, #tpu.memory_space<vmem>> -> memref<1x1x128xi32, #tpu.memory_space<vmem>>
      %dma_start3A_199 = tpu.memref_squeeze %dma_start3A_198 : memref<1x1x128xi32, #tpu.memory_space<vmem>> -> memref<128xi32, #tpu.memory_space<vmem>>
      %dma_start3A_200 = arith.constant 0 : i32
      %dma_start3A_201 = arith.constant 0 : i32
      %dma_start3A_202 = tpu.memref_slice %arg10[%dma_start3A_200, %dma_start3A_201] : memref<10240x128xf32, #tpu.memory_space<vmem_shared>> -> memref<10240x128xf32, #tpu.memory_space<vmem_shared>>
      tpu.enqueue_indirect_dma source(%dma_start3A_196 : memref<128x128xf32, #tpu.memory_space<vmem>>) target(%dma_start3A_202 : memref<10240x128xf32, #tpu.memory_space<vmem_shared>>) offsets(%dma_start3A_199 : memref<128xi32, #tpu.memory_space<vmem>>) semaphore(%arg14 : memref<!tpu.dma_semaphore, #tpu.memory_space<semaphore_mem>>) {add = true}
      %mul3A_203 = arith.constant 16 : i32
      %mul3A_204 = arith.muli %scan3A_40, %mul3A_203 : i32
      %add3A_205 = arith.constant 4 : i32
      %add3A_206 = arith.addi %mul3A_204, %add3A_205 : i32
      %ge3A_207 = arith.constant 1 : i32
      %ge3A_208 = arith.cmpi sge, %add3A_206, %ge3A_207 : i32
      %convert_element_type3A_209 = arith.extui %ge3A_208 : i1 to i32
      %cond3A_210 = arith.constant 0 : i32
      %cond3A_211 = arith.cmpi ne, %convert_element_type3A_209, %cond3A_210 : i32
      scf.if %cond3A_211 {
        %dma_wait3A_687 = arith.constant 1 : i32
        %dma_wait3A_688 = arith.constant 0 : i32
        %dma_wait3A_689 = arith.constant 0 : i32
        %dma_wait3A_690 = arith.constant 0 : i32
        %dma_wait3A_691 = arith.constant 0 : i32
        %dma_wait3A_692 = tpu.memref_slice %arg9[%dma_wait3A_687, %dma_wait3A_690, %dma_wait3A_691] : memref<2x128x128xf32, #tpu.memory_space<vmem>> -> memref<1x128x128xf32, #tpu.memory_space<vmem>>
        %dma_wait3A_693 = tpu.memref_squeeze %dma_wait3A_692 : memref<1x128x128xf32, #tpu.memory_space<vmem>> -> memref<128x128xf32, #tpu.memory_space<vmem>>
        %dma_wait3A_694 = arith.constant 0 : i32
        %dma_wait3A_695 = tpu.memref_slice %arg8[%dma_wait3A_688, %dma_wait3A_689, %dma_wait3A_694] : memref<2x8x128xi32, #tpu.memory_space<vmem>> -> memref<1x1x128xi32, #tpu.memory_space<vmem>>
        %dma_wait3A_696 = tpu.memref_squeeze %dma_wait3A_695 : memref<1x1x128xi32, #tpu.memory_space<vmem>> -> memref<128xi32, #tpu.memory_space<vmem>>
        %dma_wait3A_697 = arith.constant 0 : i32
        %dma_wait3A_698 = arith.constant 0 : i32
        %dma_wait3A_699 = tpu.memref_slice %arg10[%dma_wait3A_697, %dma_wait3A_698] : memref<10240x128xf32, #tpu.memory_space<vmem_shared>> -> memref<10240x128xf32, #tpu.memory_space<vmem_shared>>
        tpu.wait_indirect_dma semaphore(%arg14 : memref<!tpu.dma_semaphore, #tpu.memory_space<semaphore_mem>>) src(%dma_wait3A_693 : memref<128x128xf32, #tpu.memory_space<vmem>>) dst(%dma_wait3A_699 : memref<10240x128xf32, #tpu.memory_space<vmem_shared>>)
      } else {
      }
      %add3A_212 = arith.constant 1 : i32
      %add3A_213 = arith.addi %add3A_206, %add3A_212 : i32
      %le3A_214 = arith.constant 79 : i32
      %le3A_215 = arith.cmpi sle, %add3A_213, %le3A_214 : i32
      %convert_element_type3A_216 = arith.extui %le3A_215 : i1 to i32
      %cond3A_217 = arith.constant 0 : i32
      %cond3A_218 = arith.cmpi ne, %convert_element_type3A_216, %cond3A_217 : i32
      scf.if %cond3A_218 {
        %add3A_687 = arith.constant 1 : i32
        %add3A_688 = arith.addi %add3A_206, %add3A_687 : i32
        %dma_start3A_689 = arith.constant 1 : i32
        %dma_start3A_690 = arith.constant 0 : i32
        %dma_start3A_691 = arith.constant 0 : i32
        %dma_start3A_692 = tpu.memref_slice %arg9[%dma_start3A_689, %dma_start3A_690, %dma_start3A_691] : memref<2x128x128xf32, #tpu.memory_space<vmem>> -> memref<1x128x128xf32, #tpu.memory_space<vmem>>
        %dma_start3A_693 = tpu.memref_squeeze %dma_start3A_692 : memref<1x128x128xf32, #tpu.memory_space<vmem>> -> memref<128x128xf32, #tpu.memory_space<vmem>>
        %dma_start3A_694 = arith.constant 0 : i32
        %dma_start3A_695 = tpu.memref_slice %arg7[%add3A_688, %dma_start3A_694] : memref<80x128xi32, #tpu.memory_space<vmem>> -> memref<1x128xi32, #tpu.memory_space<vmem>>
        %dma_start3A_696 = tpu.memref_squeeze %dma_start3A_695 : memref<1x128xi32, #tpu.memory_space<vmem>> -> memref<128xi32, #tpu.memory_space<vmem>>
        %dma_start3A_697 = arith.constant 0 : i32
        %dma_start3A_698 = arith.constant 0 : i32
        %dma_start3A_699 = tpu.memref_slice %arg2[%dma_start3A_697, %dma_start3A_698] : memref<10000x128xf32, #tpu.memory_space<hbm>> -> memref<10000x128xf32, #tpu.memory_space<hbm>>
        tpu.enqueue_indirect_dma source(%dma_start3A_699 : memref<10000x128xf32, #tpu.memory_space<hbm>>) target(%dma_start3A_693 : memref<128x128xf32, #tpu.memory_space<vmem>>) offsets(%dma_start3A_696 : memref<128xi32, #tpu.memory_space<vmem>>) semaphore(%arg12 : memref<!tpu.dma_semaphore, #tpu.memory_space<semaphore_mem>>)
      } else {
      }
      %dma_wait3A_219 = arith.constant 0 : i32
      %dma_wait3A_220 = arith.constant 0 : i32
      %dma_wait3A_221 = arith.constant 0 : i32
      %dma_wait3A_222 = tpu.memref_slice %arg9[%dma_wait3A_219, %dma_wait3A_220, %dma_wait3A_221] : memref<2x128x128xf32, #tpu.memory_space<vmem>> -> memref<1x128x128xf32, #tpu.memory_space<vmem>>
      %dma_wait3A_223 = tpu.memref_squeeze %dma_wait3A_222 : memref<1x128x128xf32, #tpu.memory_space<vmem>> -> memref<128x128xf32, #tpu.memory_space<vmem>>
      %dma_wait3A_224 = arith.constant 0 : i32
      %dma_wait3A_225 = tpu.memref_slice %arg7[%add3A_206, %dma_wait3A_224] : memref<80x128xi32, #tpu.memory_space<vmem>> -> memref<1x128xi32, #tpu.memory_space<vmem>>
      %dma_wait3A_226 = tpu.memref_squeeze %dma_wait3A_225 : memref<1x128xi32, #tpu.memory_space<vmem>> -> memref<128xi32, #tpu.memory_space<vmem>>
      %dma_wait3A_227 = arith.constant 0 : i32
      %dma_wait3A_228 = arith.constant 0 : i32
      %dma_wait3A_229 = tpu.memref_slice %arg2[%dma_wait3A_227, %dma_wait3A_228] : memref<10000x128xf32, #tpu.memory_space<hbm>> -> memref<10000x128xf32, #tpu.memory_space<hbm>>
      tpu.wait_indirect_dma semaphore(%arg11 : memref<!tpu.dma_semaphore, #tpu.memory_space<semaphore_mem>>) src(%dma_wait3A_229 : memref<10000x128xf32, #tpu.memory_space<hbm>>) dst(%dma_wait3A_223 : memref<128x128xf32, #tpu.memory_space<vmem>>)
      %dma_start3A_230 = arith.constant 0 : i32
      %dma_start3A_231 = arith.constant 0 : i32
      %dma_start3A_232 = arith.constant 4 : i32
      %dma_start3A_233 = arith.constant 0 : i32
      %dma_start3A_234 = arith.constant 0 : i32
      %dma_start3A_235 = tpu.memref_slice %arg9[%dma_start3A_230, %dma_start3A_233, %dma_start3A_234] : memref<2x128x128xf32, #tpu.memory_space<vmem>> -> memref<1x128x128xf32, #tpu.memory_space<vmem>>
      %dma_start3A_236 = tpu.memref_squeeze %dma_start3A_235 : memref<1x128x128xf32, #tpu.memory_space<vmem>> -> memref<128x128xf32, #tpu.memory_space<vmem>>
      %dma_start3A_237 = arith.constant 0 : i32
      %dma_start3A_238 = tpu.memref_slice %arg8[%dma_start3A_231, %dma_start3A_232, %dma_start3A_237] : memref<2x8x128xi32, #tpu.memory_space<vmem>> -> memref<1x1x128xi32, #tpu.memory_space<vmem>>
      %dma_start3A_239 = tpu.memref_squeeze %dma_start3A_238 : memref<1x1x128xi32, #tpu.memory_space<vmem>> -> memref<128xi32, #tpu.memory_space<vmem>>
      %dma_start3A_240 = arith.constant 0 : i32
      %dma_start3A_241 = arith.constant 0 : i32
      %dma_start3A_242 = tpu.memref_slice %arg10[%dma_start3A_240, %dma_start3A_241] : memref<10240x128xf32, #tpu.memory_space<vmem_shared>> -> memref<10240x128xf32, #tpu.memory_space<vmem_shared>>
      tpu.enqueue_indirect_dma source(%dma_start3A_236 : memref<128x128xf32, #tpu.memory_space<vmem>>) target(%dma_start3A_242 : memref<10240x128xf32, #tpu.memory_space<vmem_shared>>) offsets(%dma_start3A_239 : memref<128xi32, #tpu.memory_space<vmem>>) semaphore(%arg13 : memref<!tpu.dma_semaphore, #tpu.memory_space<semaphore_mem>>) {add = true}
      %mul3A_243 = arith.constant 16 : i32
      %mul3A_244 = arith.muli %scan3A_40, %mul3A_243 : i32
      %add3A_245 = arith.constant 5 : i32
      %add3A_246 = arith.addi %mul3A_244, %add3A_245 : i32
      %ge3A_247 = arith.constant 1 : i32
      %ge3A_248 = arith.cmpi sge, %add3A_246, %ge3A_247 : i32
      %convert_element_type3A_249 = arith.extui %ge3A_248 : i1 to i32
      %cond3A_250 = arith.constant 0 : i32
      %cond3A_251 = arith.cmpi ne, %convert_element_type3A_249, %cond3A_250 : i32
      scf.if %cond3A_251 {
        %dma_wait3A_687 = arith.constant 0 : i32
        %dma_wait3A_688 = arith.constant 0 : i32
        %dma_wait3A_689 = arith.constant 0 : i32
        %dma_wait3A_690 = arith.constant 0 : i32
        %dma_wait3A_691 = arith.constant 0 : i32
        %dma_wait3A_692 = tpu.memref_slice %arg9[%dma_wait3A_687, %dma_wait3A_690, %dma_wait3A_691] : memref<2x128x128xf32, #tpu.memory_space<vmem>> -> memref<1x128x128xf32, #tpu.memory_space<vmem>>
        %dma_wait3A_693 = tpu.memref_squeeze %dma_wait3A_692 : memref<1x128x128xf32, #tpu.memory_space<vmem>> -> memref<128x128xf32, #tpu.memory_space<vmem>>
        %dma_wait3A_694 = arith.constant 0 : i32
        %dma_wait3A_695 = tpu.memref_slice %arg8[%dma_wait3A_688, %dma_wait3A_689, %dma_wait3A_694] : memref<2x8x128xi32, #tpu.memory_space<vmem>> -> memref<1x1x128xi32, #tpu.memory_space<vmem>>
        %dma_wait3A_696 = tpu.memref_squeeze %dma_wait3A_695 : memref<1x1x128xi32, #tpu.memory_space<vmem>> -> memref<128xi32, #tpu.memory_space<vmem>>
        %dma_wait3A_697 = arith.constant 0 : i32
        %dma_wait3A_698 = arith.constant 0 : i32
        %dma_wait3A_699 = tpu.memref_slice %arg10[%dma_wait3A_697, %dma_wait3A_698] : memref<10240x128xf32, #tpu.memory_space<vmem_shared>> -> memref<10240x128xf32, #tpu.memory_space<vmem_shared>>
        tpu.wait_indirect_dma semaphore(%arg13 : memref<!tpu.dma_semaphore, #tpu.memory_space<semaphore_mem>>) src(%dma_wait3A_693 : memref<128x128xf32, #tpu.memory_space<vmem>>) dst(%dma_wait3A_699 : memref<10240x128xf32, #tpu.memory_space<vmem_shared>>)
      } else {
      }
      %add3A_252 = arith.constant 1 : i32
      %add3A_253 = arith.addi %add3A_246, %add3A_252 : i32
      %le3A_254 = arith.constant 79 : i32
      %le3A_255 = arith.cmpi sle, %add3A_253, %le3A_254 : i32
      %convert_element_type3A_256 = arith.extui %le3A_255 : i1 to i32
      %cond3A_257 = arith.constant 0 : i32
      %cond3A_258 = arith.cmpi ne, %convert_element_type3A_256, %cond3A_257 : i32
      scf.if %cond3A_258 {
        %add3A_687 = arith.constant 1 : i32
        %add3A_688 = arith.addi %add3A_246, %add3A_687 : i32
        %dma_start3A_689 = arith.constant 0 : i32
        %dma_start3A_690 = arith.constant 0 : i32
        %dma_start3A_691 = arith.constant 0 : i32
        %dma_start3A_692 = tpu.memref_slice %arg9[%dma_start3A_689, %dma_start3A_690, %dma_start3A_691] : memref<2x128x128xf32, #tpu.memory_space<vmem>> -> memref<1x128x128xf32, #tpu.memory_space<vmem>>
        %dma_start3A_693 = tpu.memref_squeeze %dma_start3A_692 : memref<1x128x128xf32, #tpu.memory_space<vmem>> -> memref<128x128xf32, #tpu.memory_space<vmem>>
        %dma_start3A_694 = arith.constant 0 : i32
        %dma_start3A_695 = tpu.memref_slice %arg7[%add3A_688, %dma_start3A_694] : memref<80x128xi32, #tpu.memory_space<vmem>> -> memref<1x128xi32, #tpu.memory_space<vmem>>
        %dma_start3A_696 = tpu.memref_squeeze %dma_start3A_695 : memref<1x128xi32, #tpu.memory_space<vmem>> -> memref<128xi32, #tpu.memory_space<vmem>>
        %dma_start3A_697 = arith.constant 0 : i32
        %dma_start3A_698 = arith.constant 0 : i32
        %dma_start3A_699 = tpu.memref_slice %arg2[%dma_start3A_697, %dma_start3A_698] : memref<10000x128xf32, #tpu.memory_space<hbm>> -> memref<10000x128xf32, #tpu.memory_space<hbm>>
        tpu.enqueue_indirect_dma source(%dma_start3A_699 : memref<10000x128xf32, #tpu.memory_space<hbm>>) target(%dma_start3A_693 : memref<128x128xf32, #tpu.memory_space<vmem>>) offsets(%dma_start3A_696 : memref<128xi32, #tpu.memory_space<vmem>>) semaphore(%arg11 : memref<!tpu.dma_semaphore, #tpu.memory_space<semaphore_mem>>)
      } else {
      }
      %dma_wait3A_259 = arith.constant 1 : i32
      %dma_wait3A_260 = arith.constant 0 : i32
      %dma_wait3A_261 = arith.constant 0 : i32
      %dma_wait3A_262 = tpu.memref_slice %arg9[%dma_wait3A_259, %dma_wait3A_260, %dma_wait3A_261] : memref<2x128x128xf32, #tpu.memory_space<vmem>> -> memref<1x128x128xf32, #tpu.memory_space<vmem>>
      %dma_wait3A_263 = tpu.memref_squeeze %dma_wait3A_262 : memref<1x128x128xf32, #tpu.memory_space<vmem>> -> memref<128x128xf32, #tpu.memory_space<vmem>>
      %dma_wait3A_264 = arith.constant 0 : i32
      %dma_wait3A_265 = tpu.memref_slice %arg7[%add3A_246, %dma_wait3A_264] : memref<80x128xi32, #tpu.memory_space<vmem>> -> memref<1x128xi32, #tpu.memory_space<vmem>>
      %dma_wait3A_266 = tpu.memref_squeeze %dma_wait3A_265 : memref<1x128xi32, #tpu.memory_space<vmem>> -> memref<128xi32, #tpu.memory_space<vmem>>
      %dma_wait3A_267 = arith.constant 0 : i32
      %dma_wait3A_268 = arith.constant 0 : i32
      %dma_wait3A_269 = tpu.memref_slice %arg2[%dma_wait3A_267, %dma_wait3A_268] : memref<10000x128xf32, #tpu.memory_space<hbm>> -> memref<10000x128xf32, #tpu.memory_space<hbm>>
      tpu.wait_indirect_dma semaphore(%arg12 : memref<!tpu.dma_semaphore, #tpu.memory_space<semaphore_mem>>) src(%dma_wait3A_269 : memref<10000x128xf32, #tpu.memory_space<hbm>>) dst(%dma_wait3A_263 : memref<128x128xf32, #tpu.memory_space<vmem>>)
      %dma_start3A_270 = arith.constant 1 : i32
      %dma_start3A_271 = arith.constant 0 : i32
      %dma_start3A_272 = arith.constant 5 : i32
      %dma_start3A_273 = arith.constant 0 : i32
      %dma_start3A_274 = arith.constant 0 : i32
      %dma_start3A_275 = tpu.memref_slice %arg9[%dma_start3A_270, %dma_start3A_273, %dma_start3A_274] : memref<2x128x128xf32, #tpu.memory_space<vmem>> -> memref<1x128x128xf32, #tpu.memory_space<vmem>>
      %dma_start3A_276 = tpu.memref_squeeze %dma_start3A_275 : memref<1x128x128xf32, #tpu.memory_space<vmem>> -> memref<128x128xf32, #tpu.memory_space<vmem>>
      %dma_start3A_277 = arith.constant 0 : i32
      %dma_start3A_278 = tpu.memref_slice %arg8[%dma_start3A_271, %dma_start3A_272, %dma_start3A_277] : memref<2x8x128xi32, #tpu.memory_space<vmem>> -> memref<1x1x128xi32, #tpu.memory_space<vmem>>
      %dma_start3A_279 = tpu.memref_squeeze %dma_start3A_278 : memref<1x1x128xi32, #tpu.memory_space<vmem>> -> memref<128xi32, #tpu.memory_space<vmem>>
      %dma_start3A_280 = arith.constant 0 : i32
      %dma_start3A_281 = arith.constant 0 : i32
      %dma_start3A_282 = tpu.memref_slice %arg10[%dma_start3A_280, %dma_start3A_281] : memref<10240x128xf32, #tpu.memory_space<vmem_shared>> -> memref<10240x128xf32, #tpu.memory_space<vmem_shared>>
      tpu.enqueue_indirect_dma source(%dma_start3A_276 : memref<128x128xf32, #tpu.memory_space<vmem>>) target(%dma_start3A_282 : memref<10240x128xf32, #tpu.memory_space<vmem_shared>>) offsets(%dma_start3A_279 : memref<128xi32, #tpu.memory_space<vmem>>) semaphore(%arg14 : memref<!tpu.dma_semaphore, #tpu.memory_space<semaphore_mem>>) {add = true}
      %mul3A_283 = arith.constant 16 : i32
      %mul3A_284 = arith.muli %scan3A_40, %mul3A_283 : i32
      %add3A_285 = arith.constant 6 : i32
      %add3A_286 = arith.addi %mul3A_284, %add3A_285 : i32
      %ge3A_287 = arith.constant 1 : i32
      %ge3A_288 = arith.cmpi sge, %add3A_286, %ge3A_287 : i32
      %convert_element_type3A_289 = arith.extui %ge3A_288 : i1 to i32
      %cond3A_290 = arith.constant 0 : i32
      %cond3A_291 = arith.cmpi ne, %convert_element_type3A_289, %cond3A_290 : i32
      scf.if %cond3A_291 {
        %dma_wait3A_687 = arith.constant 1 : i32
        %dma_wait3A_688 = arith.constant 0 : i32
        %dma_wait3A_689 = arith.constant 0 : i32
        %dma_wait3A_690 = arith.constant 0 : i32
        %dma_wait3A_691 = arith.constant 0 : i32
        %dma_wait3A_692 = tpu.memref_slice %arg9[%dma_wait3A_687, %dma_wait3A_690, %dma_wait3A_691] : memref<2x128x128xf32, #tpu.memory_space<vmem>> -> memref<1x128x128xf32, #tpu.memory_space<vmem>>
        %dma_wait3A_693 = tpu.memref_squeeze %dma_wait3A_692 : memref<1x128x128xf32, #tpu.memory_space<vmem>> -> memref<128x128xf32, #tpu.memory_space<vmem>>
        %dma_wait3A_694 = arith.constant 0 : i32
        %dma_wait3A_695 = tpu.memref_slice %arg8[%dma_wait3A_688, %dma_wait3A_689, %dma_wait3A_694] : memref<2x8x128xi32, #tpu.memory_space<vmem>> -> memref<1x1x128xi32, #tpu.memory_space<vmem>>
        %dma_wait3A_696 = tpu.memref_squeeze %dma_wait3A_695 : memref<1x1x128xi32, #tpu.memory_space<vmem>> -> memref<128xi32, #tpu.memory_space<vmem>>
        %dma_wait3A_697 = arith.constant 0 : i32
        %dma_wait3A_698 = arith.constant 0 : i32
        %dma_wait3A_699 = tpu.memref_slice %arg10[%dma_wait3A_697, %dma_wait3A_698] : memref<10240x128xf32, #tpu.memory_space<vmem_shared>> -> memref<10240x128xf32, #tpu.memory_space<vmem_shared>>
        tpu.wait_indirect_dma semaphore(%arg14 : memref<!tpu.dma_semaphore, #tpu.memory_space<semaphore_mem>>) src(%dma_wait3A_693 : memref<128x128xf32, #tpu.memory_space<vmem>>) dst(%dma_wait3A_699 : memref<10240x128xf32, #tpu.memory_space<vmem_shared>>)
      } else {
      }
      %add3A_292 = arith.constant 1 : i32
      %add3A_293 = arith.addi %add3A_286, %add3A_292 : i32
      %le3A_294 = arith.constant 79 : i32
      %le3A_295 = arith.cmpi sle, %add3A_293, %le3A_294 : i32
      %convert_element_type3A_296 = arith.extui %le3A_295 : i1 to i32
      %cond3A_297 = arith.constant 0 : i32
      %cond3A_298 = arith.cmpi ne, %convert_element_type3A_296, %cond3A_297 : i32
      scf.if %cond3A_298 {
        %add3A_687 = arith.constant 1 : i32
        %add3A_688 = arith.addi %add3A_286, %add3A_687 : i32
        %dma_start3A_689 = arith.constant 1 : i32
        %dma_start3A_690 = arith.constant 0 : i32
        %dma_start3A_691 = arith.constant 0 : i32
        %dma_start3A_692 = tpu.memref_slice %arg9[%dma_start3A_689, %dma_start3A_690, %dma_start3A_691] : memref<2x128x128xf32, #tpu.memory_space<vmem>> -> memref<1x128x128xf32, #tpu.memory_space<vmem>>
        %dma_start3A_693 = tpu.memref_squeeze %dma_start3A_692 : memref<1x128x128xf32, #tpu.memory_space<vmem>> -> memref<128x128xf32, #tpu.memory_space<vmem>>
        %dma_start3A_694 = arith.constant 0 : i32
        %dma_start3A_695 = tpu.memref_slice %arg7[%add3A_688, %dma_start3A_694] : memref<80x128xi32, #tpu.memory_space<vmem>> -> memref<1x128xi32, #tpu.memory_space<vmem>>
        %dma_start3A_696 = tpu.memref_squeeze %dma_start3A_695 : memref<1x128xi32, #tpu.memory_space<vmem>> -> memref<128xi32, #tpu.memory_space<vmem>>
        %dma_start3A_697 = arith.constant 0 : i32
        %dma_start3A_698 = arith.constant 0 : i32
        %dma_start3A_699 = tpu.memref_slice %arg2[%dma_start3A_697, %dma_start3A_698] : memref<10000x128xf32, #tpu.memory_space<hbm>> -> memref<10000x128xf32, #tpu.memory_space<hbm>>
        tpu.enqueue_indirect_dma source(%dma_start3A_699 : memref<10000x128xf32, #tpu.memory_space<hbm>>) target(%dma_start3A_693 : memref<128x128xf32, #tpu.memory_space<vmem>>) offsets(%dma_start3A_696 : memref<128xi32, #tpu.memory_space<vmem>>) semaphore(%arg12 : memref<!tpu.dma_semaphore, #tpu.memory_space<semaphore_mem>>)
      } else {
      }
      %dma_wait3A_299 = arith.constant 0 : i32
      %dma_wait3A_300 = arith.constant 0 : i32
      %dma_wait3A_301 = arith.constant 0 : i32
      %dma_wait3A_302 = tpu.memref_slice %arg9[%dma_wait3A_299, %dma_wait3A_300, %dma_wait3A_301] : memref<2x128x128xf32, #tpu.memory_space<vmem>> -> memref<1x128x128xf32, #tpu.memory_space<vmem>>
      %dma_wait3A_303 = tpu.memref_squeeze %dma_wait3A_302 : memref<1x128x128xf32, #tpu.memory_space<vmem>> -> memref<128x128xf32, #tpu.memory_space<vmem>>
      %dma_wait3A_304 = arith.constant 0 : i32
      %dma_wait3A_305 = tpu.memref_slice %arg7[%add3A_286, %dma_wait3A_304] : memref<80x128xi32, #tpu.memory_space<vmem>> -> memref<1x128xi32, #tpu.memory_space<vmem>>
      %dma_wait3A_306 = tpu.memref_squeeze %dma_wait3A_305 : memref<1x128xi32, #tpu.memory_space<vmem>> -> memref<128xi32, #tpu.memory_space<vmem>>
      %dma_wait3A_307 = arith.constant 0 : i32
      %dma_wait3A_308 = arith.constant 0 : i32
      %dma_wait3A_309 = tpu.memref_slice %arg2[%dma_wait3A_307, %dma_wait3A_308] : memref<10000x128xf32, #tpu.memory_space<hbm>> -> memref<10000x128xf32, #tpu.memory_space<hbm>>
      tpu.wait_indirect_dma semaphore(%arg11 : memref<!tpu.dma_semaphore, #tpu.memory_space<semaphore_mem>>) src(%dma_wait3A_309 : memref<10000x128xf32, #tpu.memory_space<hbm>>) dst(%dma_wait3A_303 : memref<128x128xf32, #tpu.memory_space<vmem>>)
      %dma_start3A_310 = arith.constant 0 : i32
      %dma_start3A_311 = arith.constant 0 : i32
      %dma_start3A_312 = arith.constant 6 : i32
      %dma_start3A_313 = arith.constant 0 : i32
      %dma_start3A_314 = arith.constant 0 : i32
      %dma_start3A_315 = tpu.memref_slice %arg9[%dma_start3A_310, %dma_start3A_313, %dma_start3A_314] : memref<2x128x128xf32, #tpu.memory_space<vmem>> -> memref<1x128x128xf32, #tpu.memory_space<vmem>>
      %dma_start3A_316 = tpu.memref_squeeze %dma_start3A_315 : memref<1x128x128xf32, #tpu.memory_space<vmem>> -> memref<128x128xf32, #tpu.memory_space<vmem>>
      %dma_start3A_317 = arith.constant 0 : i32
      %dma_start3A_318 = tpu.memref_slice %arg8[%dma_start3A_311, %dma_start3A_312, %dma_start3A_317] : memref<2x8x128xi32, #tpu.memory_space<vmem>> -> memref<1x1x128xi32, #tpu.memory_space<vmem>>
      %dma_start3A_319 = tpu.memref_squeeze %dma_start3A_318 : memref<1x1x128xi32, #tpu.memory_space<vmem>> -> memref<128xi32, #tpu.memory_space<vmem>>
      %dma_start3A_320 = arith.constant 0 : i32
      %dma_start3A_321 = arith.constant 0 : i32
      %dma_start3A_322 = tpu.memref_slice %arg10[%dma_start3A_320, %dma_start3A_321] : memref<10240x128xf32, #tpu.memory_space<vmem_shared>> -> memref<10240x128xf32, #tpu.memory_space<vmem_shared>>
      tpu.enqueue_indirect_dma source(%dma_start3A_316 : memref<128x128xf32, #tpu.memory_space<vmem>>) target(%dma_start3A_322 : memref<10240x128xf32, #tpu.memory_space<vmem_shared>>) offsets(%dma_start3A_319 : memref<128xi32, #tpu.memory_space<vmem>>) semaphore(%arg13 : memref<!tpu.dma_semaphore, #tpu.memory_space<semaphore_mem>>) {add = true}
      %mul3A_323 = arith.constant 16 : i32
      %mul3A_324 = arith.muli %scan3A_40, %mul3A_323 : i32
      %add3A_325 = arith.constant 7 : i32
      %add3A_326 = arith.addi %mul3A_324, %add3A_325 : i32
      %ge3A_327 = arith.constant 1 : i32
      %ge3A_328 = arith.cmpi sge, %add3A_326, %ge3A_327 : i32
      %convert_element_type3A_329 = arith.extui %ge3A_328 : i1 to i32
      %cond3A_330 = arith.constant 0 : i32
      %cond3A_331 = arith.cmpi ne, %convert_element_type3A_329, %cond3A_330 : i32
      scf.if %cond3A_331 {
        %dma_wait3A_687 = arith.constant 0 : i32
        %dma_wait3A_688 = arith.constant 0 : i32
        %dma_wait3A_689 = arith.constant 0 : i32
        %dma_wait3A_690 = arith.constant 0 : i32
        %dma_wait3A_691 = arith.constant 0 : i32
        %dma_wait3A_692 = tpu.memref_slice %arg9[%dma_wait3A_687, %dma_wait3A_690, %dma_wait3A_691] : memref<2x128x128xf32, #tpu.memory_space<vmem>> -> memref<1x128x128xf32, #tpu.memory_space<vmem>>
        %dma_wait3A_693 = tpu.memref_squeeze %dma_wait3A_692 : memref<1x128x128xf32, #tpu.memory_space<vmem>> -> memref<128x128xf32, #tpu.memory_space<vmem>>
        %dma_wait3A_694 = arith.constant 0 : i32
        %dma_wait3A_695 = tpu.memref_slice %arg8[%dma_wait3A_688, %dma_wait3A_689, %dma_wait3A_694] : memref<2x8x128xi32, #tpu.memory_space<vmem>> -> memref<1x1x128xi32, #tpu.memory_space<vmem>>
        %dma_wait3A_696 = tpu.memref_squeeze %dma_wait3A_695 : memref<1x1x128xi32, #tpu.memory_space<vmem>> -> memref<128xi32, #tpu.memory_space<vmem>>
        %dma_wait3A_697 = arith.constant 0 : i32
        %dma_wait3A_698 = arith.constant 0 : i32
        %dma_wait3A_699 = tpu.memref_slice %arg10[%dma_wait3A_697, %dma_wait3A_698] : memref<10240x128xf32, #tpu.memory_space<vmem_shared>> -> memref<10240x128xf32, #tpu.memory_space<vmem_shared>>
        tpu.wait_indirect_dma semaphore(%arg13 : memref<!tpu.dma_semaphore, #tpu.memory_space<semaphore_mem>>) src(%dma_wait3A_693 : memref<128x128xf32, #tpu.memory_space<vmem>>) dst(%dma_wait3A_699 : memref<10240x128xf32, #tpu.memory_space<vmem_shared>>)
      } else {
      }
      %add3A_332 = arith.constant 1 : i32
      %add3A_333 = arith.addi %add3A_326, %add3A_332 : i32
      %le3A_334 = arith.constant 79 : i32
      %le3A_335 = arith.cmpi sle, %add3A_333, %le3A_334 : i32
      %convert_element_type3A_336 = arith.extui %le3A_335 : i1 to i32
      %cond3A_337 = arith.constant 0 : i32
      %cond3A_338 = arith.cmpi ne, %convert_element_type3A_336, %cond3A_337 : i32
      scf.if %cond3A_338 {
        %add3A_687 = arith.constant 1 : i32
        %add3A_688 = arith.addi %add3A_326, %add3A_687 : i32
        %dma_start3A_689 = arith.constant 0 : i32
        %dma_start3A_690 = arith.constant 0 : i32
        %dma_start3A_691 = arith.constant 0 : i32
        %dma_start3A_692 = tpu.memref_slice %arg9[%dma_start3A_689, %dma_start3A_690, %dma_start3A_691] : memref<2x128x128xf32, #tpu.memory_space<vmem>> -> memref<1x128x128xf32, #tpu.memory_space<vmem>>
        %dma_start3A_693 = tpu.memref_squeeze %dma_start3A_692 : memref<1x128x128xf32, #tpu.memory_space<vmem>> -> memref<128x128xf32, #tpu.memory_space<vmem>>
        %dma_start3A_694 = arith.constant 0 : i32
        %dma_start3A_695 = tpu.memref_slice %arg7[%add3A_688, %dma_start3A_694] : memref<80x128xi32, #tpu.memory_space<vmem>> -> memref<1x128xi32, #tpu.memory_space<vmem>>
        %dma_start3A_696 = tpu.memref_squeeze %dma_start3A_695 : memref<1x128xi32, #tpu.memory_space<vmem>> -> memref<128xi32, #tpu.memory_space<vmem>>
        %dma_start3A_697 = arith.constant 0 : i32
        %dma_start3A_698 = arith.constant 0 : i32
        %dma_start3A_699 = tpu.memref_slice %arg2[%dma_start3A_697, %dma_start3A_698] : memref<10000x128xf32, #tpu.memory_space<hbm>> -> memref<10000x128xf32, #tpu.memory_space<hbm>>
        tpu.enqueue_indirect_dma source(%dma_start3A_699 : memref<10000x128xf32, #tpu.memory_space<hbm>>) target(%dma_start3A_693 : memref<128x128xf32, #tpu.memory_space<vmem>>) offsets(%dma_start3A_696 : memref<128xi32, #tpu.memory_space<vmem>>) semaphore(%arg11 : memref<!tpu.dma_semaphore, #tpu.memory_space<semaphore_mem>>)
      } else {
      }
      %dma_wait3A_339 = arith.constant 1 : i32
      %dma_wait3A_340 = arith.constant 0 : i32
      %dma_wait3A_341 = arith.constant 0 : i32
      %dma_wait3A_342 = tpu.memref_slice %arg9[%dma_wait3A_339, %dma_wait3A_340, %dma_wait3A_341] : memref<2x128x128xf32, #tpu.memory_space<vmem>> -> memref<1x128x128xf32, #tpu.memory_space<vmem>>
      %dma_wait3A_343 = tpu.memref_squeeze %dma_wait3A_342 : memref<1x128x128xf32, #tpu.memory_space<vmem>> -> memref<128x128xf32, #tpu.memory_space<vmem>>
      %dma_wait3A_344 = arith.constant 0 : i32
      %dma_wait3A_345 = tpu.memref_slice %arg7[%add3A_326, %dma_wait3A_344] : memref<80x128xi32, #tpu.memory_space<vmem>> -> memref<1x128xi32, #tpu.memory_space<vmem>>
      %dma_wait3A_346 = tpu.memref_squeeze %dma_wait3A_345 : memref<1x128xi32, #tpu.memory_space<vmem>> -> memref<128xi32, #tpu.memory_space<vmem>>
      %dma_wait3A_347 = arith.constant 0 : i32
      %dma_wait3A_348 = arith.constant 0 : i32
      %dma_wait3A_349 = tpu.memref_slice %arg2[%dma_wait3A_347, %dma_wait3A_348] : memref<10000x128xf32, #tpu.memory_space<hbm>> -> memref<10000x128xf32, #tpu.memory_space<hbm>>
      tpu.wait_indirect_dma semaphore(%arg12 : memref<!tpu.dma_semaphore, #tpu.memory_space<semaphore_mem>>) src(%dma_wait3A_349 : memref<10000x128xf32, #tpu.memory_space<hbm>>) dst(%dma_wait3A_343 : memref<128x128xf32, #tpu.memory_space<vmem>>)
      %dma_start3A_350 = arith.constant 1 : i32
      %dma_start3A_351 = arith.constant 0 : i32
      %dma_start3A_352 = arith.constant 7 : i32
      %dma_start3A_353 = arith.constant 0 : i32
      %dma_start3A_354 = arith.constant 0 : i32
      %dma_start3A_355 = tpu.memref_slice %arg9[%dma_start3A_350, %dma_start3A_353, %dma_start3A_354] : memref<2x128x128xf32, #tpu.memory_space<vmem>> -> memref<1x128x128xf32, #tpu.memory_space<vmem>>
      %dma_start3A_356 = tpu.memref_squeeze %dma_start3A_355 : memref<1x128x128xf32, #tpu.memory_space<vmem>> -> memref<128x128xf32, #tpu.memory_space<vmem>>
      %dma_start3A_357 = arith.constant 0 : i32
      %dma_start3A_358 = tpu.memref_slice %arg8[%dma_start3A_351, %dma_start3A_352, %dma_start3A_357] : memref<2x8x128xi32, #tpu.memory_space<vmem>> -> memref<1x1x128xi32, #tpu.memory_space<vmem>>
      %dma_start3A_359 = tpu.memref_squeeze %dma_start3A_358 : memref<1x1x128xi32, #tpu.memory_space<vmem>> -> memref<128xi32, #tpu.memory_space<vmem>>
      %dma_start3A_360 = arith.constant 0 : i32
      %dma_start3A_361 = arith.constant 0 : i32
      %dma_start3A_362 = tpu.memref_slice %arg10[%dma_start3A_360, %dma_start3A_361] : memref<10240x128xf32, #tpu.memory_space<vmem_shared>> -> memref<10240x128xf32, #tpu.memory_space<vmem_shared>>
      tpu.enqueue_indirect_dma source(%dma_start3A_356 : memref<128x128xf32, #tpu.memory_space<vmem>>) target(%dma_start3A_362 : memref<10240x128xf32, #tpu.memory_space<vmem_shared>>) offsets(%dma_start3A_359 : memref<128xi32, #tpu.memory_space<vmem>>) semaphore(%arg14 : memref<!tpu.dma_semaphore, #tpu.memory_space<semaphore_mem>>) {add = true}
      %mul3A_363 = arith.constant 16 : i32
      %mul3A_364 = arith.muli %scan3A_40, %mul3A_363 : i32
      %add3A_365 = arith.constant 8 : i32
      %add3A_366 = arith.addi %mul3A_364, %add3A_365 : i32
      %ge3A_367 = arith.constant 1 : i32
      %ge3A_368 = arith.cmpi sge, %add3A_366, %ge3A_367 : i32
      %convert_element_type3A_369 = arith.extui %ge3A_368 : i1 to i32
      %cond3A_370 = arith.constant 0 : i32
      %cond3A_371 = arith.cmpi ne, %convert_element_type3A_369, %cond3A_370 : i32
      scf.if %cond3A_371 {
        %dma_wait3A_687 = arith.constant 1 : i32
        %dma_wait3A_688 = arith.constant 1 : i32
        %dma_wait3A_689 = arith.constant 0 : i32
        %dma_wait3A_690 = arith.constant 0 : i32
        %dma_wait3A_691 = arith.constant 0 : i32
        %dma_wait3A_692 = tpu.memref_slice %arg9[%dma_wait3A_687, %dma_wait3A_690, %dma_wait3A_691] : memref<2x128x128xf32, #tpu.memory_space<vmem>> -> memref<1x128x128xf32, #tpu.memory_space<vmem>>
        %dma_wait3A_693 = tpu.memref_squeeze %dma_wait3A_692 : memref<1x128x128xf32, #tpu.memory_space<vmem>> -> memref<128x128xf32, #tpu.memory_space<vmem>>
        %dma_wait3A_694 = arith.constant 0 : i32
        %dma_wait3A_695 = tpu.memref_slice %arg8[%dma_wait3A_688, %dma_wait3A_689, %dma_wait3A_694] : memref<2x8x128xi32, #tpu.memory_space<vmem>> -> memref<1x1x128xi32, #tpu.memory_space<vmem>>
        %dma_wait3A_696 = tpu.memref_squeeze %dma_wait3A_695 : memref<1x1x128xi32, #tpu.memory_space<vmem>> -> memref<128xi32, #tpu.memory_space<vmem>>
        %dma_wait3A_697 = arith.constant 0 : i32
        %dma_wait3A_698 = arith.constant 0 : i32
        %dma_wait3A_699 = tpu.memref_slice %arg10[%dma_wait3A_697, %dma_wait3A_698] : memref<10240x128xf32, #tpu.memory_space<vmem_shared>> -> memref<10240x128xf32, #tpu.memory_space<vmem_shared>>
        tpu.wait_indirect_dma semaphore(%arg14 : memref<!tpu.dma_semaphore, #tpu.memory_space<semaphore_mem>>) src(%dma_wait3A_693 : memref<128x128xf32, #tpu.memory_space<vmem>>) dst(%dma_wait3A_699 : memref<10240x128xf32, #tpu.memory_space<vmem_shared>>)
      } else {
      }
      %add3A_372 = arith.constant 1 : i32
      %add3A_373 = arith.addi %add3A_366, %add3A_372 : i32
      %le3A_374 = arith.constant 79 : i32
      %le3A_375 = arith.cmpi sle, %add3A_373, %le3A_374 : i32
      %convert_element_type3A_376 = arith.extui %le3A_375 : i1 to i32
      %cond3A_377 = arith.constant 0 : i32
      %cond3A_378 = arith.cmpi ne, %convert_element_type3A_376, %cond3A_377 : i32
      scf.if %cond3A_378 {
        %add3A_687 = arith.constant 1 : i32
        %add3A_688 = arith.addi %add3A_366, %add3A_687 : i32
        %dma_start3A_689 = arith.constant 1 : i32
        %dma_start3A_690 = arith.constant 0 : i32
        %dma_start3A_691 = arith.constant 0 : i32
        %dma_start3A_692 = tpu.memref_slice %arg9[%dma_start3A_689, %dma_start3A_690, %dma_start3A_691] : memref<2x128x128xf32, #tpu.memory_space<vmem>> -> memref<1x128x128xf32, #tpu.memory_space<vmem>>
        %dma_start3A_693 = tpu.memref_squeeze %dma_start3A_692 : memref<1x128x128xf32, #tpu.memory_space<vmem>> -> memref<128x128xf32, #tpu.memory_space<vmem>>
        %dma_start3A_694 = arith.constant 0 : i32
        %dma_start3A_695 = tpu.memref_slice %arg7[%add3A_688, %dma_start3A_694] : memref<80x128xi32, #tpu.memory_space<vmem>> -> memref<1x128xi32, #tpu.memory_space<vmem>>
        %dma_start3A_696 = tpu.memref_squeeze %dma_start3A_695 : memref<1x128xi32, #tpu.memory_space<vmem>> -> memref<128xi32, #tpu.memory_space<vmem>>
        %dma_start3A_697 = arith.constant 0 : i32
        %dma_start3A_698 = arith.constant 0 : i32
        %dma_start3A_699 = tpu.memref_slice %arg2[%dma_start3A_697, %dma_start3A_698] : memref<10000x128xf32, #tpu.memory_space<hbm>> -> memref<10000x128xf32, #tpu.memory_space<hbm>>
        tpu.enqueue_indirect_dma source(%dma_start3A_699 : memref<10000x128xf32, #tpu.memory_space<hbm>>) target(%dma_start3A_693 : memref<128x128xf32, #tpu.memory_space<vmem>>) offsets(%dma_start3A_696 : memref<128xi32, #tpu.memory_space<vmem>>) semaphore(%arg12 : memref<!tpu.dma_semaphore, #tpu.memory_space<semaphore_mem>>)
      } else {
      }
      %dma_wait3A_379 = arith.constant 0 : i32
      %dma_wait3A_380 = arith.constant 0 : i32
      %dma_wait3A_381 = arith.constant 0 : i32
      %dma_wait3A_382 = tpu.memref_slice %arg9[%dma_wait3A_379, %dma_wait3A_380, %dma_wait3A_381] : memref<2x128x128xf32, #tpu.memory_space<vmem>> -> memref<1x128x128xf32, #tpu.memory_space<vmem>>
      %dma_wait3A_383 = tpu.memref_squeeze %dma_wait3A_382 : memref<1x128x128xf32, #tpu.memory_space<vmem>> -> memref<128x128xf32, #tpu.memory_space<vmem>>
      %dma_wait3A_384 = arith.constant 0 : i32
      %dma_wait3A_385 = tpu.memref_slice %arg7[%add3A_366, %dma_wait3A_384] : memref<80x128xi32, #tpu.memory_space<vmem>> -> memref<1x128xi32, #tpu.memory_space<vmem>>
      %dma_wait3A_386 = tpu.memref_squeeze %dma_wait3A_385 : memref<1x128xi32, #tpu.memory_space<vmem>> -> memref<128xi32, #tpu.memory_space<vmem>>
      %dma_wait3A_387 = arith.constant 0 : i32
      %dma_wait3A_388 = arith.constant 0 : i32
      %dma_wait3A_389 = tpu.memref_slice %arg2[%dma_wait3A_387, %dma_wait3A_388] : memref<10000x128xf32, #tpu.memory_space<hbm>> -> memref<10000x128xf32, #tpu.memory_space<hbm>>
      tpu.wait_indirect_dma semaphore(%arg11 : memref<!tpu.dma_semaphore, #tpu.memory_space<semaphore_mem>>) src(%dma_wait3A_389 : memref<10000x128xf32, #tpu.memory_space<hbm>>) dst(%dma_wait3A_383 : memref<128x128xf32, #tpu.memory_space<vmem>>)
      %dma_start3A_390 = arith.constant 0 : i32
      %dma_start3A_391 = arith.constant 1 : i32
      %dma_start3A_392 = arith.constant 0 : i32
      %dma_start3A_393 = arith.constant 0 : i32
      %dma_start3A_394 = arith.constant 0 : i32
      %dma_start3A_395 = tpu.memref_slice %arg9[%dma_start3A_390, %dma_start3A_393, %dma_start3A_394] : memref<2x128x128xf32, #tpu.memory_space<vmem>> -> memref<1x128x128xf32, #tpu.memory_space<vmem>>
      %dma_start3A_396 = tpu.memref_squeeze %dma_start3A_395 : memref<1x128x128xf32, #tpu.memory_space<vmem>> -> memref<128x128xf32, #tpu.memory_space<vmem>>
      %dma_start3A_397 = arith.constant 0 : i32
      %dma_start3A_398 = tpu.memref_slice %arg8[%dma_start3A_391, %dma_start3A_392, %dma_start3A_397] : memref<2x8x128xi32, #tpu.memory_space<vmem>> -> memref<1x1x128xi32, #tpu.memory_space<vmem>>
      %dma_start3A_399 = tpu.memref_squeeze %dma_start3A_398 : memref<1x1x128xi32, #tpu.memory_space<vmem>> -> memref<128xi32, #tpu.memory_space<vmem>>
      %dma_start3A_400 = arith.constant 0 : i32
      %dma_start3A_401 = arith.constant 0 : i32
      %dma_start3A_402 = tpu.memref_slice %arg10[%dma_start3A_400, %dma_start3A_401] : memref<10240x128xf32, #tpu.memory_space<vmem_shared>> -> memref<10240x128xf32, #tpu.memory_space<vmem_shared>>
      tpu.enqueue_indirect_dma source(%dma_start3A_396 : memref<128x128xf32, #tpu.memory_space<vmem>>) target(%dma_start3A_402 : memref<10240x128xf32, #tpu.memory_space<vmem_shared>>) offsets(%dma_start3A_399 : memref<128xi32, #tpu.memory_space<vmem>>) semaphore(%arg13 : memref<!tpu.dma_semaphore, #tpu.memory_space<semaphore_mem>>) {add = true}
      %lt3A = arith.constant 4 : i32
      %lt3A_403 = arith.cmpi slt, %scan3A_40, %lt3A : i32
      %convert_element_type3A_404 = arith.extui %lt3A_403 : i1 to i32
      %cond3A_405 = arith.constant 0 : i32
      %cond3A_406 = arith.cmpi ne, %convert_element_type3A_404, %cond3A_405 : i32
      scf.if %cond3A_406 {
        %mul3A_687 = arith.constant 16 : i32
        %mul3A_688 = arith.muli %scan3A_40, %mul3A_687 : i32
        %add3A_689 = arith.addi %mul3A_2, %mul3A_688 : i32
        %add3A_690 = arith.constant 16 : i32
        %add3A_691 = arith.addi %add3A_689, %add3A_690 : i32
        %run_scoped3A_692 = arith.constant 0 : i32
        "tpu.region"() ({
          %run_scoped3A_693 = tpu.sem_alloc : memref<!tpu.dma_semaphore, #tpu.memory_space<semaphore_mem>>
          %dma_start3A_694 = arith.constant 0 : i32
          %dma_start3A_695 = arith.constant 0 : i32
          %dma_start3A_696 = tpu.memref_slice %arg8[%run_scoped3A_692, %dma_start3A_694, %dma_start3A_695] : memref<2x8x128xi32, #tpu.memory_space<vmem>> -> memref<1x8x128xi32, #tpu.memory_space<vmem>>
          %dma_start3A_697 = tpu.memref_squeeze %dma_start3A_696 : memref<1x8x128xi32, #tpu.memory_space<vmem>> -> memref<8x128xi32, #tpu.memory_space<vmem>>
          %dma_start3A_698 = arith.constant 0 : i32
          %dma_start3A_699 = tpu.memref_slice %arg4[%add3A_691, %dma_start3A_698] : memref<2560x128xi32, #tpu.memory_space<hbm>> -> memref<8x128xi32, #tpu.memory_space<hbm>>
          %dma_start3A_700 = arith.constant 0 : i32
          %dma_start3A_701 = arith.constant 0 : i32
          %dma_start3A_702 = tpu.memref_slice %arg8[%run_scoped3A_692, %dma_start3A_700, %dma_start3A_701] : memref<2x8x128xi32, #tpu.memory_space<vmem>> -> memref<1x8x128xi32, #tpu.memory_space<vmem>>
          %dma_start3A_703 = tpu.memref_squeeze %dma_start3A_702 : memref<1x8x128xi32, #tpu.memory_space<vmem>> -> memref<8x128xi32, #tpu.memory_space<vmem>>
          %dma_start3A_704 = arith.constant 0 : i32
          %dma_start3A_705 = tpu.memref_slice %arg4[%add3A_691, %dma_start3A_704] : memref<2560x128xi32, #tpu.memory_space<hbm>> -> memref<8x128xi32, #tpu.memory_space<hbm>>
          tpu.enqueue_dma source(%dma_start3A_705 : memref<8x128xi32, #tpu.memory_space<hbm>>) target(%dma_start3A_703 : memref<8x128xi32, #tpu.memory_space<vmem>>) target_semaphore(%run_scoped3A_693 : memref<!tpu.dma_semaphore, #tpu.memory_space<semaphore_mem>>)
          %dma_wait3A_706 = arith.constant 0 : i32
          %dma_wait3A_707 = arith.constant 0 : i32
          %dma_wait3A_708 = tpu.memref_slice %arg8[%run_scoped3A_692, %dma_wait3A_706, %dma_wait3A_707] : memref<2x8x128xi32, #tpu.memory_space<vmem>> -> memref<1x8x128xi32, #tpu.memory_space<vmem>>
          %dma_wait3A_709 = tpu.memref_squeeze %dma_wait3A_708 : memref<1x8x128xi32, #tpu.memory_space<vmem>> -> memref<8x128xi32, #tpu.memory_space<vmem>>
          %dma_wait3A_710 = arith.constant 0 : i32
          %dma_wait3A_711 = tpu.memref_slice %arg4[%add3A_691, %dma_wait3A_710] : memref<2560x128xi32, #tpu.memory_space<hbm>> -> memref<8x128xi32, #tpu.memory_space<hbm>>
          %dma_wait3A_712 = arith.constant 0 : i32
          %dma_wait3A_713 = arith.constant 0 : i32
          %dma_wait3A_714 = tpu.memref_slice %arg8[%run_scoped3A_692, %dma_wait3A_712, %dma_wait3A_713] : memref<2x8x128xi32, #tpu.memory_space<vmem>> -> memref<1x8x128xi32, #tpu.memory_space<vmem>>
          %dma_wait3A_715 = tpu.memref_squeeze %dma_wait3A_714 : memref<1x8x128xi32, #tpu.memory_space<vmem>> -> memref<8x128xi32, #tpu.memory_space<vmem>>
          %dma_wait3A_716 = arith.constant 0 : i32
          %dma_wait3A_717 = tpu.memref_slice %arg4[%add3A_691, %dma_wait3A_716] : memref<2560x128xi32, #tpu.memory_space<hbm>> -> memref<8x128xi32, #tpu.memory_space<hbm>>
          tpu.wait_dma2 semaphore(%run_scoped3A_693 : memref<!tpu.dma_semaphore, #tpu.memory_space<semaphore_mem>>) src(%dma_wait3A_717 : memref<8x128xi32, #tpu.memory_space<hbm>>) dst(%dma_wait3A_715 : memref<8x128xi32, #tpu.memory_space<vmem>>)
          tpu.yield
        }) : () -> ()
      } else {
      }
      %mul3A_407 = arith.constant 16 : i32
      %mul3A_408 = arith.muli %scan3A_40, %mul3A_407 : i32
      %add3A_409 = arith.constant 9 : i32
      %add3A_410 = arith.addi %mul3A_408, %add3A_409 : i32
      %ge3A_411 = arith.constant 1 : i32
      %ge3A_412 = arith.cmpi sge, %add3A_410, %ge3A_411 : i32
      %convert_element_type3A_413 = arith.extui %ge3A_412 : i1 to i32
      %cond3A_414 = arith.constant 0 : i32
      %cond3A_415 = arith.cmpi ne, %convert_element_type3A_413, %cond3A_414 : i32
      scf.if %cond3A_415 {
        %dma_wait3A_687 = arith.constant 0 : i32
        %dma_wait3A_688 = arith.constant 1 : i32
        %dma_wait3A_689 = arith.constant 0 : i32
        %dma_wait3A_690 = arith.constant 0 : i32
        %dma_wait3A_691 = arith.constant 0 : i32
        %dma_wait3A_692 = tpu.memref_slice %arg9[%dma_wait3A_687, %dma_wait3A_690, %dma_wait3A_691] : memref<2x128x128xf32, #tpu.memory_space<vmem>> -> memref<1x128x128xf32, #tpu.memory_space<vmem>>
        %dma_wait3A_693 = tpu.memref_squeeze %dma_wait3A_692 : memref<1x128x128xf32, #tpu.memory_space<vmem>> -> memref<128x128xf32, #tpu.memory_space<vmem>>
        %dma_wait3A_694 = arith.constant 0 : i32
        %dma_wait3A_695 = tpu.memref_slice %arg8[%dma_wait3A_688, %dma_wait3A_689, %dma_wait3A_694] : memref<2x8x128xi32, #tpu.memory_space<vmem>> -> memref<1x1x128xi32, #tpu.memory_space<vmem>>
        %dma_wait3A_696 = tpu.memref_squeeze %dma_wait3A_695 : memref<1x1x128xi32, #tpu.memory_space<vmem>> -> memref<128xi32, #tpu.memory_space<vmem>>
        %dma_wait3A_697 = arith.constant 0 : i32
        %dma_wait3A_698 = arith.constant 0 : i32
        %dma_wait3A_699 = tpu.memref_slice %arg10[%dma_wait3A_697, %dma_wait3A_698] : memref<10240x128xf32, #tpu.memory_space<vmem_shared>> -> memref<10240x128xf32, #tpu.memory_space<vmem_shared>>
        tpu.wait_indirect_dma semaphore(%arg13 : memref<!tpu.dma_semaphore, #tpu.memory_space<semaphore_mem>>) src(%dma_wait3A_693 : memref<128x128xf32, #tpu.memory_space<vmem>>) dst(%dma_wait3A_699 : memref<10240x128xf32, #tpu.memory_space<vmem_shared>>)
      } else {
      }
      %add3A_416 = arith.constant 1 : i32
      %add3A_417 = arith.addi %add3A_410, %add3A_416 : i32
      %le3A_418 = arith.constant 79 : i32
      %le3A_419 = arith.cmpi sle, %add3A_417, %le3A_418 : i32
      %convert_element_type3A_420 = arith.extui %le3A_419 : i1 to i32
      %cond3A_421 = arith.constant 0 : i32
      %cond3A_422 = arith.cmpi ne, %convert_element_type3A_420, %cond3A_421 : i32
      scf.if %cond3A_422 {
        %add3A_687 = arith.constant 1 : i32
        %add3A_688 = arith.addi %add3A_410, %add3A_687 : i32
        %dma_start3A_689 = arith.constant 0 : i32
        %dma_start3A_690 = arith.constant 0 : i32
        %dma_start3A_691 = arith.constant 0 : i32
        %dma_start3A_692 = tpu.memref_slice %arg9[%dma_start3A_689, %dma_start3A_690, %dma_start3A_691] : memref<2x128x128xf32, #tpu.memory_space<vmem>> -> memref<1x128x128xf32, #tpu.memory_space<vmem>>
        %dma_start3A_693 = tpu.memref_squeeze %dma_start3A_692 : memref<1x128x128xf32, #tpu.memory_space<vmem>> -> memref<128x128xf32, #tpu.memory_space<vmem>>
        %dma_start3A_694 = arith.constant 0 : i32
        %dma_start3A_695 = tpu.memref_slice %arg7[%add3A_688, %dma_start3A_694] : memref<80x128xi32, #tpu.memory_space<vmem>> -> memref<1x128xi32, #tpu.memory_space<vmem>>
        %dma_start3A_696 = tpu.memref_squeeze %dma_start3A_695 : memref<1x128xi32, #tpu.memory_space<vmem>> -> memref<128xi32, #tpu.memory_space<vmem>>
        %dma_start3A_697 = arith.constant 0 : i32
        %dma_start3A_698 = arith.constant 0 : i32
        %dma_start3A_699 = tpu.memref_slice %arg2[%dma_start3A_697, %dma_start3A_698] : memref<10000x128xf32, #tpu.memory_space<hbm>> -> memref<10000x128xf32, #tpu.memory_space<hbm>>
        tpu.enqueue_indirect_dma source(%dma_start3A_699 : memref<10000x128xf32, #tpu.memory_space<hbm>>) target(%dma_start3A_693 : memref<128x128xf32, #tpu.memory_space<vmem>>) offsets(%dma_start3A_696 : memref<128xi32, #tpu.memory_space<vmem>>) semaphore(%arg11 : memref<!tpu.dma_semaphore, #tpu.memory_space<semaphore_mem>>)
      } else {
      }
      %dma_wait3A_423 = arith.constant 1 : i32
      %dma_wait3A_424 = arith.constant 0 : i32
      %dma_wait3A_425 = arith.constant 0 : i32
      %dma_wait3A_426 = tpu.memref_slice %arg9[%dma_wait3A_423, %dma_wait3A_424, %dma_wait3A_425] : memref<2x128x128xf32, #tpu.memory_space<vmem>> -> memref<1x128x128xf32, #tpu.memory_space<vmem>>
      %dma_wait3A_427 = tpu.memref_squeeze %dma_wait3A_426 : memref<1x128x128xf32, #tpu.memory_space<vmem>> -> memref<128x128xf32, #tpu.memory_space<vmem>>
      %dma_wait3A_428 = arith.constant 0 : i32
      %dma_wait3A_429 = tpu.memref_slice %arg7[%add3A_410, %dma_wait3A_428] : memref<80x128xi32, #tpu.memory_space<vmem>> -> memref<1x128xi32, #tpu.memory_space<vmem>>
      %dma_wait3A_430 = tpu.memref_squeeze %dma_wait3A_429 : memref<1x128xi32, #tpu.memory_space<vmem>> -> memref<128xi32, #tpu.memory_space<vmem>>
      %dma_wait3A_431 = arith.constant 0 : i32
      %dma_wait3A_432 = arith.constant 0 : i32
      %dma_wait3A_433 = tpu.memref_slice %arg2[%dma_wait3A_431, %dma_wait3A_432] : memref<10000x128xf32, #tpu.memory_space<hbm>> -> memref<10000x128xf32, #tpu.memory_space<hbm>>
      tpu.wait_indirect_dma semaphore(%arg12 : memref<!tpu.dma_semaphore, #tpu.memory_space<semaphore_mem>>) src(%dma_wait3A_433 : memref<10000x128xf32, #tpu.memory_space<hbm>>) dst(%dma_wait3A_427 : memref<128x128xf32, #tpu.memory_space<vmem>>)
      %dma_start3A_434 = arith.constant 1 : i32
      %dma_start3A_435 = arith.constant 1 : i32
      %dma_start3A_436 = arith.constant 1 : i32
      %dma_start3A_437 = arith.constant 0 : i32
      %dma_start3A_438 = arith.constant 0 : i32
      %dma_start3A_439 = tpu.memref_slice %arg9[%dma_start3A_434, %dma_start3A_437, %dma_start3A_438] : memref<2x128x128xf32, #tpu.memory_space<vmem>> -> memref<1x128x128xf32, #tpu.memory_space<vmem>>
      %dma_start3A_440 = tpu.memref_squeeze %dma_start3A_439 : memref<1x128x128xf32, #tpu.memory_space<vmem>> -> memref<128x128xf32, #tpu.memory_space<vmem>>
      %dma_start3A_441 = arith.constant 0 : i32
      %dma_start3A_442 = tpu.memref_slice %arg8[%dma_start3A_435, %dma_start3A_436, %dma_start3A_441] : memref<2x8x128xi32, #tpu.memory_space<vmem>> -> memref<1x1x128xi32, #tpu.memory_space<vmem>>
      %dma_start3A_443 = tpu.memref_squeeze %dma_start3A_442 : memref<1x1x128xi32, #tpu.memory_space<vmem>> -> memref<128xi32, #tpu.memory_space<vmem>>
      %dma_start3A_444 = arith.constant 0 : i32
      %dma_start3A_445 = arith.constant 0 : i32
      %dma_start3A_446 = tpu.memref_slice %arg10[%dma_start3A_444, %dma_start3A_445] : memref<10240x128xf32, #tpu.memory_space<vmem_shared>> -> memref<10240x128xf32, #tpu.memory_space<vmem_shared>>
      tpu.enqueue_indirect_dma source(%dma_start3A_440 : memref<128x128xf32, #tpu.memory_space<vmem>>) target(%dma_start3A_446 : memref<10240x128xf32, #tpu.memory_space<vmem_shared>>) offsets(%dma_start3A_443 : memref<128xi32, #tpu.memory_space<vmem>>) semaphore(%arg14 : memref<!tpu.dma_semaphore, #tpu.memory_space<semaphore_mem>>) {add = true}
      %mul3A_447 = arith.constant 16 : i32
      %mul3A_448 = arith.muli %scan3A_40, %mul3A_447 : i32
      %add3A_449 = arith.constant 10 : i32
      %add3A_450 = arith.addi %mul3A_448, %add3A_449 : i32
      %ge3A_451 = arith.constant 1 : i32
      %ge3A_452 = arith.cmpi sge, %add3A_450, %ge3A_451 : i32
      %convert_element_type3A_453 = arith.extui %ge3A_452 : i1 to i32
      %cond3A_454 = arith.constant 0 : i32
      %cond3A_455 = arith.cmpi ne, %convert_element_type3A_453, %cond3A_454 : i32
      scf.if %cond3A_455 {
        %dma_wait3A_687 = arith.constant 1 : i32
        %dma_wait3A_688 = arith.constant 1 : i32
        %dma_wait3A_689 = arith.constant 0 : i32
        %dma_wait3A_690 = arith.constant 0 : i32
        %dma_wait3A_691 = arith.constant 0 : i32
        %dma_wait3A_692 = tpu.memref_slice %arg9[%dma_wait3A_687, %dma_wait3A_690, %dma_wait3A_691] : memref<2x128x128xf32, #tpu.memory_space<vmem>> -> memref<1x128x128xf32, #tpu.memory_space<vmem>>
        %dma_wait3A_693 = tpu.memref_squeeze %dma_wait3A_692 : memref<1x128x128xf32, #tpu.memory_space<vmem>> -> memref<128x128xf32, #tpu.memory_space<vmem>>
        %dma_wait3A_694 = arith.constant 0 : i32
        %dma_wait3A_695 = tpu.memref_slice %arg8[%dma_wait3A_688, %dma_wait3A_689, %dma_wait3A_694] : memref<2x8x128xi32, #tpu.memory_space<vmem>> -> memref<1x1x128xi32, #tpu.memory_space<vmem>>
        %dma_wait3A_696 = tpu.memref_squeeze %dma_wait3A_695 : memref<1x1x128xi32, #tpu.memory_space<vmem>> -> memref<128xi32, #tpu.memory_space<vmem>>
        %dma_wait3A_697 = arith.constant 0 : i32
        %dma_wait3A_698 = arith.constant 0 : i32
        %dma_wait3A_699 = tpu.memref_slice %arg10[%dma_wait3A_697, %dma_wait3A_698] : memref<10240x128xf32, #tpu.memory_space<vmem_shared>> -> memref<10240x128xf32, #tpu.memory_space<vmem_shared>>
        tpu.wait_indirect_dma semaphore(%arg14 : memref<!tpu.dma_semaphore, #tpu.memory_space<semaphore_mem>>) src(%dma_wait3A_693 : memref<128x128xf32, #tpu.memory_space<vmem>>) dst(%dma_wait3A_699 : memref<10240x128xf32, #tpu.memory_space<vmem_shared>>)
      } else {
      }
      %add3A_456 = arith.constant 1 : i32
      %add3A_457 = arith.addi %add3A_450, %add3A_456 : i32
      %le3A_458 = arith.constant 79 : i32
      %le3A_459 = arith.cmpi sle, %add3A_457, %le3A_458 : i32
      %convert_element_type3A_460 = arith.extui %le3A_459 : i1 to i32
      %cond3A_461 = arith.constant 0 : i32
      %cond3A_462 = arith.cmpi ne, %convert_element_type3A_460, %cond3A_461 : i32
      scf.if %cond3A_462 {
        %add3A_687 = arith.constant 1 : i32
        %add3A_688 = arith.addi %add3A_450, %add3A_687 : i32
        %dma_start3A_689 = arith.constant 1 : i32
        %dma_start3A_690 = arith.constant 0 : i32
        %dma_start3A_691 = arith.constant 0 : i32
        %dma_start3A_692 = tpu.memref_slice %arg9[%dma_start3A_689, %dma_start3A_690, %dma_start3A_691] : memref<2x128x128xf32, #tpu.memory_space<vmem>> -> memref<1x128x128xf32, #tpu.memory_space<vmem>>
        %dma_start3A_693 = tpu.memref_squeeze %dma_start3A_692 : memref<1x128x128xf32, #tpu.memory_space<vmem>> -> memref<128x128xf32, #tpu.memory_space<vmem>>
        %dma_start3A_694 = arith.constant 0 : i32
        %dma_start3A_695 = tpu.memref_slice %arg7[%add3A_688, %dma_start3A_694] : memref<80x128xi32, #tpu.memory_space<vmem>> -> memref<1x128xi32, #tpu.memory_space<vmem>>
        %dma_start3A_696 = tpu.memref_squeeze %dma_start3A_695 : memref<1x128xi32, #tpu.memory_space<vmem>> -> memref<128xi32, #tpu.memory_space<vmem>>
        %dma_start3A_697 = arith.constant 0 : i32
        %dma_start3A_698 = arith.constant 0 : i32
        %dma_start3A_699 = tpu.memref_slice %arg2[%dma_start3A_697, %dma_start3A_698] : memref<10000x128xf32, #tpu.memory_space<hbm>> -> memref<10000x128xf32, #tpu.memory_space<hbm>>
        tpu.enqueue_indirect_dma source(%dma_start3A_699 : memref<10000x128xf32, #tpu.memory_space<hbm>>) target(%dma_start3A_693 : memref<128x128xf32, #tpu.memory_space<vmem>>) offsets(%dma_start3A_696 : memref<128xi32, #tpu.memory_space<vmem>>) semaphore(%arg12 : memref<!tpu.dma_semaphore, #tpu.memory_space<semaphore_mem>>)
      } else {
      }
      %dma_wait3A_463 = arith.constant 0 : i32
      %dma_wait3A_464 = arith.constant 0 : i32
      %dma_wait3A_465 = arith.constant 0 : i32
      %dma_wait3A_466 = tpu.memref_slice %arg9[%dma_wait3A_463, %dma_wait3A_464, %dma_wait3A_465] : memref<2x128x128xf32, #tpu.memory_space<vmem>> -> memref<1x128x128xf32, #tpu.memory_space<vmem>>
      %dma_wait3A_467 = tpu.memref_squeeze %dma_wait3A_466 : memref<1x128x128xf32, #tpu.memory_space<vmem>> -> memref<128x128xf32, #tpu.memory_space<vmem>>
      %dma_wait3A_468 = arith.constant 0 : i32
      %dma_wait3A_469 = tpu.memref_slice %arg7[%add3A_450, %dma_wait3A_468] : memref<80x128xi32, #tpu.memory_space<vmem>> -> memref<1x128xi32, #tpu.memory_space<vmem>>
      %dma_wait3A_470 = tpu.memref_squeeze %dma_wait3A_469 : memref<1x128xi32, #tpu.memory_space<vmem>> -> memref<128xi32, #tpu.memory_space<vmem>>
      %dma_wait3A_471 = arith.constant 0 : i32
      %dma_wait3A_472 = arith.constant 0 : i32
      %dma_wait3A_473 = tpu.memref_slice %arg2[%dma_wait3A_471, %dma_wait3A_472] : memref<10000x128xf32, #tpu.memory_space<hbm>> -> memref<10000x128xf32, #tpu.memory_space<hbm>>
      tpu.wait_indirect_dma semaphore(%arg11 : memref<!tpu.dma_semaphore, #tpu.memory_space<semaphore_mem>>) src(%dma_wait3A_473 : memref<10000x128xf32, #tpu.memory_space<hbm>>) dst(%dma_wait3A_467 : memref<128x128xf32, #tpu.memory_space<vmem>>)
      %dma_start3A_474 = arith.constant 0 : i32
      %dma_start3A_475 = arith.constant 1 : i32
      %dma_start3A_476 = arith.constant 2 : i32
      %dma_start3A_477 = arith.constant 0 : i32
      %dma_start3A_478 = arith.constant 0 : i32
      %dma_start3A_479 = tpu.memref_slice %arg9[%dma_start3A_474, %dma_start3A_477, %dma_start3A_478] : memref<2x128x128xf32, #tpu.memory_space<vmem>> -> memref<1x128x128xf32, #tpu.memory_space<vmem>>
      %dma_start3A_480 = tpu.memref_squeeze %dma_start3A_479 : memref<1x128x128xf32, #tpu.memory_space<vmem>> -> memref<128x128xf32, #tpu.memory_space<vmem>>
      %dma_start3A_481 = arith.constant 0 : i32
      %dma_start3A_482 = tpu.memref_slice %arg8[%dma_start3A_475, %dma_start3A_476, %dma_start3A_481] : memref<2x8x128xi32, #tpu.memory_space<vmem>> -> memref<1x1x128xi32, #tpu.memory_space<vmem>>
      %dma_start3A_483 = tpu.memref_squeeze %dma_start3A_482 : memref<1x1x128xi32, #tpu.memory_space<vmem>> -> memref<128xi32, #tpu.memory_space<vmem>>
      %dma_start3A_484 = arith.constant 0 : i32
      %dma_start3A_485 = arith.constant 0 : i32
      %dma_start3A_486 = tpu.memref_slice %arg10[%dma_start3A_484, %dma_start3A_485] : memref<10240x128xf32, #tpu.memory_space<vmem_shared>> -> memref<10240x128xf32, #tpu.memory_space<vmem_shared>>
      tpu.enqueue_indirect_dma source(%dma_start3A_480 : memref<128x128xf32, #tpu.memory_space<vmem>>) target(%dma_start3A_486 : memref<10240x128xf32, #tpu.memory_space<vmem_shared>>) offsets(%dma_start3A_483 : memref<128xi32, #tpu.memory_space<vmem>>) semaphore(%arg13 : memref<!tpu.dma_semaphore, #tpu.memory_space<semaphore_mem>>) {add = true}
      %mul3A_487 = arith.constant 16 : i32
      %mul3A_488 = arith.muli %scan3A_40, %mul3A_487 : i32
      %add3A_489 = arith.constant 11 : i32
      %add3A_490 = arith.addi %mul3A_488, %add3A_489 : i32
      %ge3A_491 = arith.constant 1 : i32
      %ge3A_492 = arith.cmpi sge, %add3A_490, %ge3A_491 : i32
      %convert_element_type3A_493 = arith.extui %ge3A_492 : i1 to i32
      %cond3A_494 = arith.constant 0 : i32
      %cond3A_495 = arith.cmpi ne, %convert_element_type3A_493, %cond3A_494 : i32
      scf.if %cond3A_495 {
        %dma_wait3A_687 = arith.constant 0 : i32
        %dma_wait3A_688 = arith.constant 1 : i32
        %dma_wait3A_689 = arith.constant 0 : i32
        %dma_wait3A_690 = arith.constant 0 : i32
        %dma_wait3A_691 = arith.constant 0 : i32
        %dma_wait3A_692 = tpu.memref_slice %arg9[%dma_wait3A_687, %dma_wait3A_690, %dma_wait3A_691] : memref<2x128x128xf32, #tpu.memory_space<vmem>> -> memref<1x128x128xf32, #tpu.memory_space<vmem>>
        %dma_wait3A_693 = tpu.memref_squeeze %dma_wait3A_692 : memref<1x128x128xf32, #tpu.memory_space<vmem>> -> memref<128x128xf32, #tpu.memory_space<vmem>>
        %dma_wait3A_694 = arith.constant 0 : i32
        %dma_wait3A_695 = tpu.memref_slice %arg8[%dma_wait3A_688, %dma_wait3A_689, %dma_wait3A_694] : memref<2x8x128xi32, #tpu.memory_space<vmem>> -> memref<1x1x128xi32, #tpu.memory_space<vmem>>
        %dma_wait3A_696 = tpu.memref_squeeze %dma_wait3A_695 : memref<1x1x128xi32, #tpu.memory_space<vmem>> -> memref<128xi32, #tpu.memory_space<vmem>>
        %dma_wait3A_697 = arith.constant 0 : i32
        %dma_wait3A_698 = arith.constant 0 : i32
        %dma_wait3A_699 = tpu.memref_slice %arg10[%dma_wait3A_697, %dma_wait3A_698] : memref<10240x128xf32, #tpu.memory_space<vmem_shared>> -> memref<10240x128xf32, #tpu.memory_space<vmem_shared>>
        tpu.wait_indirect_dma semaphore(%arg13 : memref<!tpu.dma_semaphore, #tpu.memory_space<semaphore_mem>>) src(%dma_wait3A_693 : memref<128x128xf32, #tpu.memory_space<vmem>>) dst(%dma_wait3A_699 : memref<10240x128xf32, #tpu.memory_space<vmem_shared>>)
      } else {
      }
      %add3A_496 = arith.constant 1 : i32
      %add3A_497 = arith.addi %add3A_490, %add3A_496 : i32
      %le3A_498 = arith.constant 79 : i32
      %le3A_499 = arith.cmpi sle, %add3A_497, %le3A_498 : i32
      %convert_element_type3A_500 = arith.extui %le3A_499 : i1 to i32
      %cond3A_501 = arith.constant 0 : i32
      %cond3A_502 = arith.cmpi ne, %convert_element_type3A_500, %cond3A_501 : i32
      scf.if %cond3A_502 {
        %add3A_687 = arith.constant 1 : i32
        %add3A_688 = arith.addi %add3A_490, %add3A_687 : i32
        %dma_start3A_689 = arith.constant 0 : i32
        %dma_start3A_690 = arith.constant 0 : i32
        %dma_start3A_691 = arith.constant 0 : i32
        %dma_start3A_692 = tpu.memref_slice %arg9[%dma_start3A_689, %dma_start3A_690, %dma_start3A_691] : memref<2x128x128xf32, #tpu.memory_space<vmem>> -> memref<1x128x128xf32, #tpu.memory_space<vmem>>
        %dma_start3A_693 = tpu.memref_squeeze %dma_start3A_692 : memref<1x128x128xf32, #tpu.memory_space<vmem>> -> memref<128x128xf32, #tpu.memory_space<vmem>>
        %dma_start3A_694 = arith.constant 0 : i32
        %dma_start3A_695 = tpu.memref_slice %arg7[%add3A_688, %dma_start3A_694] : memref<80x128xi32, #tpu.memory_space<vmem>> -> memref<1x128xi32, #tpu.memory_space<vmem>>
        %dma_start3A_696 = tpu.memref_squeeze %dma_start3A_695 : memref<1x128xi32, #tpu.memory_space<vmem>> -> memref<128xi32, #tpu.memory_space<vmem>>
        %dma_start3A_697 = arith.constant 0 : i32
        %dma_start3A_698 = arith.constant 0 : i32
        %dma_start3A_699 = tpu.memref_slice %arg2[%dma_start3A_697, %dma_start3A_698] : memref<10000x128xf32, #tpu.memory_space<hbm>> -> memref<10000x128xf32, #tpu.memory_space<hbm>>
        tpu.enqueue_indirect_dma source(%dma_start3A_699 : memref<10000x128xf32, #tpu.memory_space<hbm>>) target(%dma_start3A_693 : memref<128x128xf32, #tpu.memory_space<vmem>>) offsets(%dma_start3A_696 : memref<128xi32, #tpu.memory_space<vmem>>) semaphore(%arg11 : memref<!tpu.dma_semaphore, #tpu.memory_space<semaphore_mem>>)
      } else {
      }
      %dma_wait3A_503 = arith.constant 1 : i32
      %dma_wait3A_504 = arith.constant 0 : i32
      %dma_wait3A_505 = arith.constant 0 : i32
      %dma_wait3A_506 = tpu.memref_slice %arg9[%dma_wait3A_503, %dma_wait3A_504, %dma_wait3A_505] : memref<2x128x128xf32, #tpu.memory_space<vmem>> -> memref<1x128x128xf32, #tpu.memory_space<vmem>>
      %dma_wait3A_507 = tpu.memref_squeeze %dma_wait3A_506 : memref<1x128x128xf32, #tpu.memory_space<vmem>> -> memref<128x128xf32, #tpu.memory_space<vmem>>
      %dma_wait3A_508 = arith.constant 0 : i32
      %dma_wait3A_509 = tpu.memref_slice %arg7[%add3A_490, %dma_wait3A_508] : memref<80x128xi32, #tpu.memory_space<vmem>> -> memref<1x128xi32, #tpu.memory_space<vmem>>
      %dma_wait3A_510 = tpu.memref_squeeze %dma_wait3A_509 : memref<1x128xi32, #tpu.memory_space<vmem>> -> memref<128xi32, #tpu.memory_space<vmem>>
      %dma_wait3A_511 = arith.constant 0 : i32
      %dma_wait3A_512 = arith.constant 0 : i32
      %dma_wait3A_513 = tpu.memref_slice %arg2[%dma_wait3A_511, %dma_wait3A_512] : memref<10000x128xf32, #tpu.memory_space<hbm>> -> memref<10000x128xf32, #tpu.memory_space<hbm>>
      tpu.wait_indirect_dma semaphore(%arg12 : memref<!tpu.dma_semaphore, #tpu.memory_space<semaphore_mem>>) src(%dma_wait3A_513 : memref<10000x128xf32, #tpu.memory_space<hbm>>) dst(%dma_wait3A_507 : memref<128x128xf32, #tpu.memory_space<vmem>>)
      %dma_start3A_514 = arith.constant 1 : i32
      %dma_start3A_515 = arith.constant 1 : i32
      %dma_start3A_516 = arith.constant 3 : i32
      %dma_start3A_517 = arith.constant 0 : i32
      %dma_start3A_518 = arith.constant 0 : i32
      %dma_start3A_519 = tpu.memref_slice %arg9[%dma_start3A_514, %dma_start3A_517, %dma_start3A_518] : memref<2x128x128xf32, #tpu.memory_space<vmem>> -> memref<1x128x128xf32, #tpu.memory_space<vmem>>
      %dma_start3A_520 = tpu.memref_squeeze %dma_start3A_519 : memref<1x128x128xf32, #tpu.memory_space<vmem>> -> memref<128x128xf32, #tpu.memory_space<vmem>>
      %dma_start3A_521 = arith.constant 0 : i32
      %dma_start3A_522 = tpu.memref_slice %arg8[%dma_start3A_515, %dma_start3A_516, %dma_start3A_521] : memref<2x8x128xi32, #tpu.memory_space<vmem>> -> memref<1x1x128xi32, #tpu.memory_space<vmem>>
      %dma_start3A_523 = tpu.memref_squeeze %dma_start3A_522 : memref<1x1x128xi32, #tpu.memory_space<vmem>> -> memref<128xi32, #tpu.memory_space<vmem>>
      %dma_start3A_524 = arith.constant 0 : i32
      %dma_start3A_525 = arith.constant 0 : i32
      %dma_start3A_526 = tpu.memref_slice %arg10[%dma_start3A_524, %dma_start3A_525] : memref<10240x128xf32, #tpu.memory_space<vmem_shared>> -> memref<10240x128xf32, #tpu.memory_space<vmem_shared>>
      tpu.enqueue_indirect_dma source(%dma_start3A_520 : memref<128x128xf32, #tpu.memory_space<vmem>>) target(%dma_start3A_526 : memref<10240x128xf32, #tpu.memory_space<vmem_shared>>) offsets(%dma_start3A_523 : memref<128xi32, #tpu.memory_space<vmem>>) semaphore(%arg14 : memref<!tpu.dma_semaphore, #tpu.memory_space<semaphore_mem>>) {add = true}
      %mul3A_527 = arith.constant 16 : i32
      %mul3A_528 = arith.muli %scan3A_40, %mul3A_527 : i32
      %add3A_529 = arith.constant 12 : i32
      %add3A_530 = arith.addi %mul3A_528, %add3A_529 : i32
      %ge3A_531 = arith.constant 1 : i32
      %ge3A_532 = arith.cmpi sge, %add3A_530, %ge3A_531 : i32
      %convert_element_type3A_533 = arith.extui %ge3A_532 : i1 to i32
      %cond3A_534 = arith.constant 0 : i32
      %cond3A_535 = arith.cmpi ne, %convert_element_type3A_533, %cond3A_534 : i32
      scf.if %cond3A_535 {
        %dma_wait3A_687 = arith.constant 1 : i32
        %dma_wait3A_688 = arith.constant 1 : i32
        %dma_wait3A_689 = arith.constant 0 : i32
        %dma_wait3A_690 = arith.constant 0 : i32
        %dma_wait3A_691 = arith.constant 0 : i32
        %dma_wait3A_692 = tpu.memref_slice %arg9[%dma_wait3A_687, %dma_wait3A_690, %dma_wait3A_691] : memref<2x128x128xf32, #tpu.memory_space<vmem>> -> memref<1x128x128xf32, #tpu.memory_space<vmem>>
        %dma_wait3A_693 = tpu.memref_squeeze %dma_wait3A_692 : memref<1x128x128xf32, #tpu.memory_space<vmem>> -> memref<128x128xf32, #tpu.memory_space<vmem>>
        %dma_wait3A_694 = arith.constant 0 : i32
        %dma_wait3A_695 = tpu.memref_slice %arg8[%dma_wait3A_688, %dma_wait3A_689, %dma_wait3A_694] : memref<2x8x128xi32, #tpu.memory_space<vmem>> -> memref<1x1x128xi32, #tpu.memory_space<vmem>>
        %dma_wait3A_696 = tpu.memref_squeeze %dma_wait3A_695 : memref<1x1x128xi32, #tpu.memory_space<vmem>> -> memref<128xi32, #tpu.memory_space<vmem>>
        %dma_wait3A_697 = arith.constant 0 : i32
        %dma_wait3A_698 = arith.constant 0 : i32
        %dma_wait3A_699 = tpu.memref_slice %arg10[%dma_wait3A_697, %dma_wait3A_698] : memref<10240x128xf32, #tpu.memory_space<vmem_shared>> -> memref<10240x128xf32, #tpu.memory_space<vmem_shared>>
        tpu.wait_indirect_dma semaphore(%arg14 : memref<!tpu.dma_semaphore, #tpu.memory_space<semaphore_mem>>) src(%dma_wait3A_693 : memref<128x128xf32, #tpu.memory_space<vmem>>) dst(%dma_wait3A_699 : memref<10240x128xf32, #tpu.memory_space<vmem_shared>>)
      } else {
      }
      %add3A_536 = arith.constant 1 : i32
      %add3A_537 = arith.addi %add3A_530, %add3A_536 : i32
      %le3A_538 = arith.constant 79 : i32
      %le3A_539 = arith.cmpi sle, %add3A_537, %le3A_538 : i32
      %convert_element_type3A_540 = arith.extui %le3A_539 : i1 to i32
      %cond3A_541 = arith.constant 0 : i32
      %cond3A_542 = arith.cmpi ne, %convert_element_type3A_540, %cond3A_541 : i32
      scf.if %cond3A_542 {
        %add3A_687 = arith.constant 1 : i32
        %add3A_688 = arith.addi %add3A_530, %add3A_687 : i32
        %dma_start3A_689 = arith.constant 1 : i32
        %dma_start3A_690 = arith.constant 0 : i32
        %dma_start3A_691 = arith.constant 0 : i32
        %dma_start3A_692 = tpu.memref_slice %arg9[%dma_start3A_689, %dma_start3A_690, %dma_start3A_691] : memref<2x128x128xf32, #tpu.memory_space<vmem>> -> memref<1x128x128xf32, #tpu.memory_space<vmem>>
        %dma_start3A_693 = tpu.memref_squeeze %dma_start3A_692 : memref<1x128x128xf32, #tpu.memory_space<vmem>> -> memref<128x128xf32, #tpu.memory_space<vmem>>
        %dma_start3A_694 = arith.constant 0 : i32
        %dma_start3A_695 = tpu.memref_slice %arg7[%add3A_688, %dma_start3A_694] : memref<80x128xi32, #tpu.memory_space<vmem>> -> memref<1x128xi32, #tpu.memory_space<vmem>>
        %dma_start3A_696 = tpu.memref_squeeze %dma_start3A_695 : memref<1x128xi32, #tpu.memory_space<vmem>> -> memref<128xi32, #tpu.memory_space<vmem>>
        %dma_start3A_697 = arith.constant 0 : i32
        %dma_start3A_698 = arith.constant 0 : i32
        %dma_start3A_699 = tpu.memref_slice %arg2[%dma_start3A_697, %dma_start3A_698] : memref<10000x128xf32, #tpu.memory_space<hbm>> -> memref<10000x128xf32, #tpu.memory_space<hbm>>
        tpu.enqueue_indirect_dma source(%dma_start3A_699 : memref<10000x128xf32, #tpu.memory_space<hbm>>) target(%dma_start3A_693 : memref<128x128xf32, #tpu.memory_space<vmem>>) offsets(%dma_start3A_696 : memref<128xi32, #tpu.memory_space<vmem>>) semaphore(%arg12 : memref<!tpu.dma_semaphore, #tpu.memory_space<semaphore_mem>>)
      } else {
      }
      %dma_wait3A_543 = arith.constant 0 : i32
      %dma_wait3A_544 = arith.constant 0 : i32
      %dma_wait3A_545 = arith.constant 0 : i32
      %dma_wait3A_546 = tpu.memref_slice %arg9[%dma_wait3A_543, %dma_wait3A_544, %dma_wait3A_545] : memref<2x128x128xf32, #tpu.memory_space<vmem>> -> memref<1x128x128xf32, #tpu.memory_space<vmem>>
      %dma_wait3A_547 = tpu.memref_squeeze %dma_wait3A_546 : memref<1x128x128xf32, #tpu.memory_space<vmem>> -> memref<128x128xf32, #tpu.memory_space<vmem>>
      %dma_wait3A_548 = arith.constant 0 : i32
      %dma_wait3A_549 = tpu.memref_slice %arg7[%add3A_530, %dma_wait3A_548] : memref<80x128xi32, #tpu.memory_space<vmem>> -> memref<1x128xi32, #tpu.memory_space<vmem>>
      %dma_wait3A_550 = tpu.memref_squeeze %dma_wait3A_549 : memref<1x128xi32, #tpu.memory_space<vmem>> -> memref<128xi32, #tpu.memory_space<vmem>>
      %dma_wait3A_551 = arith.constant 0 : i32
      %dma_wait3A_552 = arith.constant 0 : i32
      %dma_wait3A_553 = tpu.memref_slice %arg2[%dma_wait3A_551, %dma_wait3A_552] : memref<10000x128xf32, #tpu.memory_space<hbm>> -> memref<10000x128xf32, #tpu.memory_space<hbm>>
      tpu.wait_indirect_dma semaphore(%arg11 : memref<!tpu.dma_semaphore, #tpu.memory_space<semaphore_mem>>) src(%dma_wait3A_553 : memref<10000x128xf32, #tpu.memory_space<hbm>>) dst(%dma_wait3A_547 : memref<128x128xf32, #tpu.memory_space<vmem>>)
      %dma_start3A_554 = arith.constant 0 : i32
      %dma_start3A_555 = arith.constant 1 : i32
      %dma_start3A_556 = arith.constant 4 : i32
      %dma_start3A_557 = arith.constant 0 : i32
      %dma_start3A_558 = arith.constant 0 : i32
      %dma_start3A_559 = tpu.memref_slice %arg9[%dma_start3A_554, %dma_start3A_557, %dma_start3A_558] : memref<2x128x128xf32, #tpu.memory_space<vmem>> -> memref<1x128x128xf32, #tpu.memory_space<vmem>>
      %dma_start3A_560 = tpu.memref_squeeze %dma_start3A_559 : memref<1x128x128xf32, #tpu.memory_space<vmem>> -> memref<128x128xf32, #tpu.memory_space<vmem>>
      %dma_start3A_561 = arith.constant 0 : i32
      %dma_start3A_562 = tpu.memref_slice %arg8[%dma_start3A_555, %dma_start3A_556, %dma_start3A_561] : memref<2x8x128xi32, #tpu.memory_space<vmem>> -> memref<1x1x128xi32, #tpu.memory_space<vmem>>
      %dma_start3A_563 = tpu.memref_squeeze %dma_start3A_562 : memref<1x1x128xi32, #tpu.memory_space<vmem>> -> memref<128xi32, #tpu.memory_space<vmem>>
      %dma_start3A_564 = arith.constant 0 : i32
      %dma_start3A_565 = arith.constant 0 : i32
      %dma_start3A_566 = tpu.memref_slice %arg10[%dma_start3A_564, %dma_start3A_565] : memref<10240x128xf32, #tpu.memory_space<vmem_shared>> -> memref<10240x128xf32, #tpu.memory_space<vmem_shared>>
      tpu.enqueue_indirect_dma source(%dma_start3A_560 : memref<128x128xf32, #tpu.memory_space<vmem>>) target(%dma_start3A_566 : memref<10240x128xf32, #tpu.memory_space<vmem_shared>>) offsets(%dma_start3A_563 : memref<128xi32, #tpu.memory_space<vmem>>) semaphore(%arg13 : memref<!tpu.dma_semaphore, #tpu.memory_space<semaphore_mem>>) {add = true}
      %mul3A_567 = arith.constant 16 : i32
      %mul3A_568 = arith.muli %scan3A_40, %mul3A_567 : i32
      %add3A_569 = arith.constant 13 : i32
      %add3A_570 = arith.addi %mul3A_568, %add3A_569 : i32
      %ge3A_571 = arith.constant 1 : i32
      %ge3A_572 = arith.cmpi sge, %add3A_570, %ge3A_571 : i32
      %convert_element_type3A_573 = arith.extui %ge3A_572 : i1 to i32
      %cond3A_574 = arith.constant 0 : i32
      %cond3A_575 = arith.cmpi ne, %convert_element_type3A_573, %cond3A_574 : i32
      scf.if %cond3A_575 {
        %dma_wait3A_687 = arith.constant 0 : i32
        %dma_wait3A_688 = arith.constant 1 : i32
        %dma_wait3A_689 = arith.constant 0 : i32
        %dma_wait3A_690 = arith.constant 0 : i32
        %dma_wait3A_691 = arith.constant 0 : i32
        %dma_wait3A_692 = tpu.memref_slice %arg9[%dma_wait3A_687, %dma_wait3A_690, %dma_wait3A_691] : memref<2x128x128xf32, #tpu.memory_space<vmem>> -> memref<1x128x128xf32, #tpu.memory_space<vmem>>
        %dma_wait3A_693 = tpu.memref_squeeze %dma_wait3A_692 : memref<1x128x128xf32, #tpu.memory_space<vmem>> -> memref<128x128xf32, #tpu.memory_space<vmem>>
        %dma_wait3A_694 = arith.constant 0 : i32
        %dma_wait3A_695 = tpu.memref_slice %arg8[%dma_wait3A_688, %dma_wait3A_689, %dma_wait3A_694] : memref<2x8x128xi32, #tpu.memory_space<vmem>> -> memref<1x1x128xi32, #tpu.memory_space<vmem>>
        %dma_wait3A_696 = tpu.memref_squeeze %dma_wait3A_695 : memref<1x1x128xi32, #tpu.memory_space<vmem>> -> memref<128xi32, #tpu.memory_space<vmem>>
        %dma_wait3A_697 = arith.constant 0 : i32
        %dma_wait3A_698 = arith.constant 0 : i32
        %dma_wait3A_699 = tpu.memref_slice %arg10[%dma_wait3A_697, %dma_wait3A_698] : memref<10240x128xf32, #tpu.memory_space<vmem_shared>> -> memref<10240x128xf32, #tpu.memory_space<vmem_shared>>
        tpu.wait_indirect_dma semaphore(%arg13 : memref<!tpu.dma_semaphore, #tpu.memory_space<semaphore_mem>>) src(%dma_wait3A_693 : memref<128x128xf32, #tpu.memory_space<vmem>>) dst(%dma_wait3A_699 : memref<10240x128xf32, #tpu.memory_space<vmem_shared>>)
      } else {
      }
      %add3A_576 = arith.constant 1 : i32
      %add3A_577 = arith.addi %add3A_570, %add3A_576 : i32
      %le3A_578 = arith.constant 79 : i32
      %le3A_579 = arith.cmpi sle, %add3A_577, %le3A_578 : i32
      %convert_element_type3A_580 = arith.extui %le3A_579 : i1 to i32
      %cond3A_581 = arith.constant 0 : i32
      %cond3A_582 = arith.cmpi ne, %convert_element_type3A_580, %cond3A_581 : i32
      scf.if %cond3A_582 {
        %add3A_687 = arith.constant 1 : i32
        %add3A_688 = arith.addi %add3A_570, %add3A_687 : i32
        %dma_start3A_689 = arith.constant 0 : i32
        %dma_start3A_690 = arith.constant 0 : i32
        %dma_start3A_691 = arith.constant 0 : i32
        %dma_start3A_692 = tpu.memref_slice %arg9[%dma_start3A_689, %dma_start3A_690, %dma_start3A_691] : memref<2x128x128xf32, #tpu.memory_space<vmem>> -> memref<1x128x128xf32, #tpu.memory_space<vmem>>
        %dma_start3A_693 = tpu.memref_squeeze %dma_start3A_692 : memref<1x128x128xf32, #tpu.memory_space<vmem>> -> memref<128x128xf32, #tpu.memory_space<vmem>>
        %dma_start3A_694 = arith.constant 0 : i32
        %dma_start3A_695 = tpu.memref_slice %arg7[%add3A_688, %dma_start3A_694] : memref<80x128xi32, #tpu.memory_space<vmem>> -> memref<1x128xi32, #tpu.memory_space<vmem>>
        %dma_start3A_696 = tpu.memref_squeeze %dma_start3A_695 : memref<1x128xi32, #tpu.memory_space<vmem>> -> memref<128xi32, #tpu.memory_space<vmem>>
        %dma_start3A_697 = arith.constant 0 : i32
        %dma_start3A_698 = arith.constant 0 : i32
        %dma_start3A_699 = tpu.memref_slice %arg2[%dma_start3A_697, %dma_start3A_698] : memref<10000x128xf32, #tpu.memory_space<hbm>> -> memref<10000x128xf32, #tpu.memory_space<hbm>>
        tpu.enqueue_indirect_dma source(%dma_start3A_699 : memref<10000x128xf32, #tpu.memory_space<hbm>>) target(%dma_start3A_693 : memref<128x128xf32, #tpu.memory_space<vmem>>) offsets(%dma_start3A_696 : memref<128xi32, #tpu.memory_space<vmem>>) semaphore(%arg11 : memref<!tpu.dma_semaphore, #tpu.memory_space<semaphore_mem>>)
      } else {
      }
      %dma_wait3A_583 = arith.constant 1 : i32
      %dma_wait3A_584 = arith.constant 0 : i32
      %dma_wait3A_585 = arith.constant 0 : i32
      %dma_wait3A_586 = tpu.memref_slice %arg9[%dma_wait3A_583, %dma_wait3A_584, %dma_wait3A_585] : memref<2x128x128xf32, #tpu.memory_space<vmem>> -> memref<1x128x128xf32, #tpu.memory_space<vmem>>
      %dma_wait3A_587 = tpu.memref_squeeze %dma_wait3A_586 : memref<1x128x128xf32, #tpu.memory_space<vmem>> -> memref<128x128xf32, #tpu.memory_space<vmem>>
      %dma_wait3A_588 = arith.constant 0 : i32
      %dma_wait3A_589 = tpu.memref_slice %arg7[%add3A_570, %dma_wait3A_588] : memref<80x128xi32, #tpu.memory_space<vmem>> -> memref<1x128xi32, #tpu.memory_space<vmem>>
      %dma_wait3A_590 = tpu.memref_squeeze %dma_wait3A_589 : memref<1x128xi32, #tpu.memory_space<vmem>> -> memref<128xi32, #tpu.memory_space<vmem>>
      %dma_wait3A_591 = arith.constant 0 : i32
      %dma_wait3A_592 = arith.constant 0 : i32
      %dma_wait3A_593 = tpu.memref_slice %arg2[%dma_wait3A_591, %dma_wait3A_592] : memref<10000x128xf32, #tpu.memory_space<hbm>> -> memref<10000x128xf32, #tpu.memory_space<hbm>>
      tpu.wait_indirect_dma semaphore(%arg12 : memref<!tpu.dma_semaphore, #tpu.memory_space<semaphore_mem>>) src(%dma_wait3A_593 : memref<10000x128xf32, #tpu.memory_space<hbm>>) dst(%dma_wait3A_587 : memref<128x128xf32, #tpu.memory_space<vmem>>)
      %dma_start3A_594 = arith.constant 1 : i32
      %dma_start3A_595 = arith.constant 1 : i32
      %dma_start3A_596 = arith.constant 5 : i32
      %dma_start3A_597 = arith.constant 0 : i32
      %dma_start3A_598 = arith.constant 0 : i32
      %dma_start3A_599 = tpu.memref_slice %arg9[%dma_start3A_594, %dma_start3A_597, %dma_start3A_598] : memref<2x128x128xf32, #tpu.memory_space<vmem>> -> memref<1x128x128xf32, #tpu.memory_space<vmem>>
      %dma_start3A_600 = tpu.memref_squeeze %dma_start3A_599 : memref<1x128x128xf32, #tpu.memory_space<vmem>> -> memref<128x128xf32, #tpu.memory_space<vmem>>
      %dma_start3A_601 = arith.constant 0 : i32
      %dma_start3A_602 = tpu.memref_slice %arg8[%dma_start3A_595, %dma_start3A_596, %dma_start3A_601] : memref<2x8x128xi32, #tpu.memory_space<vmem>> -> memref<1x1x128xi32, #tpu.memory_space<vmem>>
      %dma_start3A_603 = tpu.memref_squeeze %dma_start3A_602 : memref<1x1x128xi32, #tpu.memory_space<vmem>> -> memref<128xi32, #tpu.memory_space<vmem>>
      %dma_start3A_604 = arith.constant 0 : i32
      %dma_start3A_605 = arith.constant 0 : i32
      %dma_start3A_606 = tpu.memref_slice %arg10[%dma_start3A_604, %dma_start3A_605] : memref<10240x128xf32, #tpu.memory_space<vmem_shared>> -> memref<10240x128xf32, #tpu.memory_space<vmem_shared>>
      tpu.enqueue_indirect_dma source(%dma_start3A_600 : memref<128x128xf32, #tpu.memory_space<vmem>>) target(%dma_start3A_606 : memref<10240x128xf32, #tpu.memory_space<vmem_shared>>) offsets(%dma_start3A_603 : memref<128xi32, #tpu.memory_space<vmem>>) semaphore(%arg14 : memref<!tpu.dma_semaphore, #tpu.memory_space<semaphore_mem>>) {add = true}
      %mul3A_607 = arith.constant 16 : i32
      %mul3A_608 = arith.muli %scan3A_40, %mul3A_607 : i32
      %add3A_609 = arith.constant 14 : i32
      %add3A_610 = arith.addi %mul3A_608, %add3A_609 : i32
      %ge3A_611 = arith.constant 1 : i32
      %ge3A_612 = arith.cmpi sge, %add3A_610, %ge3A_611 : i32
      %convert_element_type3A_613 = arith.extui %ge3A_612 : i1 to i32
      %cond3A_614 = arith.constant 0 : i32
      %cond3A_615 = arith.cmpi ne, %convert_element_type3A_613, %cond3A_614 : i32
      scf.if %cond3A_615 {
        %dma_wait3A_687 = arith.constant 1 : i32
        %dma_wait3A_688 = arith.constant 1 : i32
        %dma_wait3A_689 = arith.constant 0 : i32
        %dma_wait3A_690 = arith.constant 0 : i32
        %dma_wait3A_691 = arith.constant 0 : i32
        %dma_wait3A_692 = tpu.memref_slice %arg9[%dma_wait3A_687, %dma_wait3A_690, %dma_wait3A_691] : memref<2x128x128xf32, #tpu.memory_space<vmem>> -> memref<1x128x128xf32, #tpu.memory_space<vmem>>
        %dma_wait3A_693 = tpu.memref_squeeze %dma_wait3A_692 : memref<1x128x128xf32, #tpu.memory_space<vmem>> -> memref<128x128xf32, #tpu.memory_space<vmem>>
        %dma_wait3A_694 = arith.constant 0 : i32
        %dma_wait3A_695 = tpu.memref_slice %arg8[%dma_wait3A_688, %dma_wait3A_689, %dma_wait3A_694] : memref<2x8x128xi32, #tpu.memory_space<vmem>> -> memref<1x1x128xi32, #tpu.memory_space<vmem>>
        %dma_wait3A_696 = tpu.memref_squeeze %dma_wait3A_695 : memref<1x1x128xi32, #tpu.memory_space<vmem>> -> memref<128xi32, #tpu.memory_space<vmem>>
        %dma_wait3A_697 = arith.constant 0 : i32
        %dma_wait3A_698 = arith.constant 0 : i32
        %dma_wait3A_699 = tpu.memref_slice %arg10[%dma_wait3A_697, %dma_wait3A_698] : memref<10240x128xf32, #tpu.memory_space<vmem_shared>> -> memref<10240x128xf32, #tpu.memory_space<vmem_shared>>
        tpu.wait_indirect_dma semaphore(%arg14 : memref<!tpu.dma_semaphore, #tpu.memory_space<semaphore_mem>>) src(%dma_wait3A_693 : memref<128x128xf32, #tpu.memory_space<vmem>>) dst(%dma_wait3A_699 : memref<10240x128xf32, #tpu.memory_space<vmem_shared>>)
      } else {
      }
      %add3A_616 = arith.constant 1 : i32
      %add3A_617 = arith.addi %add3A_610, %add3A_616 : i32
      %le3A_618 = arith.constant 79 : i32
      %le3A_619 = arith.cmpi sle, %add3A_617, %le3A_618 : i32
      %convert_element_type3A_620 = arith.extui %le3A_619 : i1 to i32
      %cond3A_621 = arith.constant 0 : i32
      %cond3A_622 = arith.cmpi ne, %convert_element_type3A_620, %cond3A_621 : i32
      scf.if %cond3A_622 {
        %add3A_687 = arith.constant 1 : i32
        %add3A_688 = arith.addi %add3A_610, %add3A_687 : i32
        %dma_start3A_689 = arith.constant 1 : i32
        %dma_start3A_690 = arith.constant 0 : i32
        %dma_start3A_691 = arith.constant 0 : i32
        %dma_start3A_692 = tpu.memref_slice %arg9[%dma_start3A_689, %dma_start3A_690, %dma_start3A_691] : memref<2x128x128xf32, #tpu.memory_space<vmem>> -> memref<1x128x128xf32, #tpu.memory_space<vmem>>
        %dma_start3A_693 = tpu.memref_squeeze %dma_start3A_692 : memref<1x128x128xf32, #tpu.memory_space<vmem>> -> memref<128x128xf32, #tpu.memory_space<vmem>>
        %dma_start3A_694 = arith.constant 0 : i32
        %dma_start3A_695 = tpu.memref_slice %arg7[%add3A_688, %dma_start3A_694] : memref<80x128xi32, #tpu.memory_space<vmem>> -> memref<1x128xi32, #tpu.memory_space<vmem>>
        %dma_start3A_696 = tpu.memref_squeeze %dma_start3A_695 : memref<1x128xi32, #tpu.memory_space<vmem>> -> memref<128xi32, #tpu.memory_space<vmem>>
        %dma_start3A_697 = arith.constant 0 : i32
        %dma_start3A_698 = arith.constant 0 : i32
        %dma_start3A_699 = tpu.memref_slice %arg2[%dma_start3A_697, %dma_start3A_698] : memref<10000x128xf32, #tpu.memory_space<hbm>> -> memref<10000x128xf32, #tpu.memory_space<hbm>>
        tpu.enqueue_indirect_dma source(%dma_start3A_699 : memref<10000x128xf32, #tpu.memory_space<hbm>>) target(%dma_start3A_693 : memref<128x128xf32, #tpu.memory_space<vmem>>) offsets(%dma_start3A_696 : memref<128xi32, #tpu.memory_space<vmem>>) semaphore(%arg12 : memref<!tpu.dma_semaphore, #tpu.memory_space<semaphore_mem>>)
      } else {
      }
      %dma_wait3A_623 = arith.constant 0 : i32
      %dma_wait3A_624 = arith.constant 0 : i32
      %dma_wait3A_625 = arith.constant 0 : i32
      %dma_wait3A_626 = tpu.memref_slice %arg9[%dma_wait3A_623, %dma_wait3A_624, %dma_wait3A_625] : memref<2x128x128xf32, #tpu.memory_space<vmem>> -> memref<1x128x128xf32, #tpu.memory_space<vmem>>
      %dma_wait3A_627 = tpu.memref_squeeze %dma_wait3A_626 : memref<1x128x128xf32, #tpu.memory_space<vmem>> -> memref<128x128xf32, #tpu.memory_space<vmem>>
      %dma_wait3A_628 = arith.constant 0 : i32
      %dma_wait3A_629 = tpu.memref_slice %arg7[%add3A_610, %dma_wait3A_628] : memref<80x128xi32, #tpu.memory_space<vmem>> -> memref<1x128xi32, #tpu.memory_space<vmem>>
      %dma_wait3A_630 = tpu.memref_squeeze %dma_wait3A_629 : memref<1x128xi32, #tpu.memory_space<vmem>> -> memref<128xi32, #tpu.memory_space<vmem>>
      %dma_wait3A_631 = arith.constant 0 : i32
      %dma_wait3A_632 = arith.constant 0 : i32
      %dma_wait3A_633 = tpu.memref_slice %arg2[%dma_wait3A_631, %dma_wait3A_632] : memref<10000x128xf32, #tpu.memory_space<hbm>> -> memref<10000x128xf32, #tpu.memory_space<hbm>>
      tpu.wait_indirect_dma semaphore(%arg11 : memref<!tpu.dma_semaphore, #tpu.memory_space<semaphore_mem>>) src(%dma_wait3A_633 : memref<10000x128xf32, #tpu.memory_space<hbm>>) dst(%dma_wait3A_627 : memref<128x128xf32, #tpu.memory_space<vmem>>)
      %dma_start3A_634 = arith.constant 0 : i32
      %dma_start3A_635 = arith.constant 1 : i32
      %dma_start3A_636 = arith.constant 6 : i32
      %dma_start3A_637 = arith.constant 0 : i32
      %dma_start3A_638 = arith.constant 0 : i32
      %dma_start3A_639 = tpu.memref_slice %arg9[%dma_start3A_634, %dma_start3A_637, %dma_start3A_638] : memref<2x128x128xf32, #tpu.memory_space<vmem>> -> memref<1x128x128xf32, #tpu.memory_space<vmem>>
      %dma_start3A_640 = tpu.memref_squeeze %dma_start3A_639 : memref<1x128x128xf32, #tpu.memory_space<vmem>> -> memref<128x128xf32, #tpu.memory_space<vmem>>
      %dma_start3A_641 = arith.constant 0 : i32
      %dma_start3A_642 = tpu.memref_slice %arg8[%dma_start3A_635, %dma_start3A_636, %dma_start3A_641] : memref<2x8x128xi32, #tpu.memory_space<vmem>> -> memref<1x1x128xi32, #tpu.memory_space<vmem>>
      %dma_start3A_643 = tpu.memref_squeeze %dma_start3A_642 : memref<1x1x128xi32, #tpu.memory_space<vmem>> -> memref<128xi32, #tpu.memory_space<vmem>>
      %dma_start3A_644 = arith.constant 0 : i32
      %dma_start3A_645 = arith.constant 0 : i32
      %dma_start3A_646 = tpu.memref_slice %arg10[%dma_start3A_644, %dma_start3A_645] : memref<10240x128xf32, #tpu.memory_space<vmem_shared>> -> memref<10240x128xf32, #tpu.memory_space<vmem_shared>>
      tpu.enqueue_indirect_dma source(%dma_start3A_640 : memref<128x128xf32, #tpu.memory_space<vmem>>) target(%dma_start3A_646 : memref<10240x128xf32, #tpu.memory_space<vmem_shared>>) offsets(%dma_start3A_643 : memref<128xi32, #tpu.memory_space<vmem>>) semaphore(%arg13 : memref<!tpu.dma_semaphore, #tpu.memory_space<semaphore_mem>>) {add = true}
      %mul3A_647 = arith.constant 16 : i32
      %mul3A_648 = arith.muli %scan3A_40, %mul3A_647 : i32
      %add3A_649 = arith.constant 15 : i32
      %add3A_650 = arith.addi %mul3A_648, %add3A_649 : i32
      %ge3A_651 = arith.constant 1 : i32
      %ge3A_652 = arith.cmpi sge, %add3A_650, %ge3A_651 : i32
      %convert_element_type3A_653 = arith.extui %ge3A_652 : i1 to i32
      %cond3A_654 = arith.constant 0 : i32
      %cond3A_655 = arith.cmpi ne, %convert_element_type3A_653, %cond3A_654 : i32
      scf.if %cond3A_655 {
        %dma_wait3A_687 = arith.constant 0 : i32
        %dma_wait3A_688 = arith.constant 1 : i32
        %dma_wait3A_689 = arith.constant 0 : i32
        %dma_wait3A_690 = arith.constant 0 : i32
        %dma_wait3A_691 = arith.constant 0 : i32
        %dma_wait3A_692 = tpu.memref_slice %arg9[%dma_wait3A_687, %dma_wait3A_690, %dma_wait3A_691] : memref<2x128x128xf32, #tpu.memory_space<vmem>> -> memref<1x128x128xf32, #tpu.memory_space<vmem>>
        %dma_wait3A_693 = tpu.memref_squeeze %dma_wait3A_692 : memref<1x128x128xf32, #tpu.memory_space<vmem>> -> memref<128x128xf32, #tpu.memory_space<vmem>>
        %dma_wait3A_694 = arith.constant 0 : i32
        %dma_wait3A_695 = tpu.memref_slice %arg8[%dma_wait3A_688, %dma_wait3A_689, %dma_wait3A_694] : memref<2x8x128xi32, #tpu.memory_space<vmem>> -> memref<1x1x128xi32, #tpu.memory_space<vmem>>
        %dma_wait3A_696 = tpu.memref_squeeze %dma_wait3A_695 : memref<1x1x128xi32, #tpu.memory_space<vmem>> -> memref<128xi32, #tpu.memory_space<vmem>>
        %dma_wait3A_697 = arith.constant 0 : i32
        %dma_wait3A_698 = arith.constant 0 : i32
        %dma_wait3A_699 = tpu.memref_slice %arg10[%dma_wait3A_697, %dma_wait3A_698] : memref<10240x128xf32, #tpu.memory_space<vmem_shared>> -> memref<10240x128xf32, #tpu.memory_space<vmem_shared>>
        tpu.wait_indirect_dma semaphore(%arg13 : memref<!tpu.dma_semaphore, #tpu.memory_space<semaphore_mem>>) src(%dma_wait3A_693 : memref<128x128xf32, #tpu.memory_space<vmem>>) dst(%dma_wait3A_699 : memref<10240x128xf32, #tpu.memory_space<vmem_shared>>)
      } else {
      }
      %add3A_656 = arith.constant 1 : i32
      %add3A_657 = arith.addi %add3A_650, %add3A_656 : i32
      %le3A_658 = arith.constant 79 : i32
      %le3A_659 = arith.cmpi sle, %add3A_657, %le3A_658 : i32
      %convert_element_type3A_660 = arith.extui %le3A_659 : i1 to i32
      %cond3A_661 = arith.constant 0 : i32
      %cond3A_662 = arith.cmpi ne, %convert_element_type3A_660, %cond3A_661 : i32
      scf.if %cond3A_662 {
        %add3A_687 = arith.constant 1 : i32
        %add3A_688 = arith.addi %add3A_650, %add3A_687 : i32
        %dma_start3A_689 = arith.constant 0 : i32
        %dma_start3A_690 = arith.constant 0 : i32
        %dma_start3A_691 = arith.constant 0 : i32
        %dma_start3A_692 = tpu.memref_slice %arg9[%dma_start3A_689, %dma_start3A_690, %dma_start3A_691] : memref<2x128x128xf32, #tpu.memory_space<vmem>> -> memref<1x128x128xf32, #tpu.memory_space<vmem>>
        %dma_start3A_693 = tpu.memref_squeeze %dma_start3A_692 : memref<1x128x128xf32, #tpu.memory_space<vmem>> -> memref<128x128xf32, #tpu.memory_space<vmem>>
        %dma_start3A_694 = arith.constant 0 : i32
        %dma_start3A_695 = tpu.memref_slice %arg7[%add3A_688, %dma_start3A_694] : memref<80x128xi32, #tpu.memory_space<vmem>> -> memref<1x128xi32, #tpu.memory_space<vmem>>
        %dma_start3A_696 = tpu.memref_squeeze %dma_start3A_695 : memref<1x128xi32, #tpu.memory_space<vmem>> -> memref<128xi32, #tpu.memory_space<vmem>>
        %dma_start3A_697 = arith.constant 0 : i32
        %dma_start3A_698 = arith.constant 0 : i32
        %dma_start3A_699 = tpu.memref_slice %arg2[%dma_start3A_697, %dma_start3A_698] : memref<10000x128xf32, #tpu.memory_space<hbm>> -> memref<10000x128xf32, #tpu.memory_space<hbm>>
        tpu.enqueue_indirect_dma source(%dma_start3A_699 : memref<10000x128xf32, #tpu.memory_space<hbm>>) target(%dma_start3A_693 : memref<128x128xf32, #tpu.memory_space<vmem>>) offsets(%dma_start3A_696 : memref<128xi32, #tpu.memory_space<vmem>>) semaphore(%arg11 : memref<!tpu.dma_semaphore, #tpu.memory_space<semaphore_mem>>)
      } else {
      }
      %dma_wait3A_663 = arith.constant 1 : i32
      %dma_wait3A_664 = arith.constant 0 : i32
      %dma_wait3A_665 = arith.constant 0 : i32
      %dma_wait3A_666 = tpu.memref_slice %arg9[%dma_wait3A_663, %dma_wait3A_664, %dma_wait3A_665] : memref<2x128x128xf32, #tpu.memory_space<vmem>> -> memref<1x128x128xf32, #tpu.memory_space<vmem>>
      %dma_wait3A_667 = tpu.memref_squeeze %dma_wait3A_666 : memref<1x128x128xf32, #tpu.memory_space<vmem>> -> memref<128x128xf32, #tpu.memory_space<vmem>>
      %dma_wait3A_668 = arith.constant 0 : i32
      %dma_wait3A_669 = tpu.memref_slice %arg7[%add3A_650, %dma_wait3A_668] : memref<80x128xi32, #tpu.memory_space<vmem>> -> memref<1x128xi32, #tpu.memory_space<vmem>>
      %dma_wait3A_670 = tpu.memref_squeeze %dma_wait3A_669 : memref<1x128xi32, #tpu.memory_space<vmem>> -> memref<128xi32, #tpu.memory_space<vmem>>
      %dma_wait3A_671 = arith.constant 0 : i32
      %dma_wait3A_672 = arith.constant 0 : i32
      %dma_wait3A_673 = tpu.memref_slice %arg2[%dma_wait3A_671, %dma_wait3A_672] : memref<10000x128xf32, #tpu.memory_space<hbm>> -> memref<10000x128xf32, #tpu.memory_space<hbm>>
      tpu.wait_indirect_dma semaphore(%arg12 : memref<!tpu.dma_semaphore, #tpu.memory_space<semaphore_mem>>) src(%dma_wait3A_673 : memref<10000x128xf32, #tpu.memory_space<hbm>>) dst(%dma_wait3A_667 : memref<128x128xf32, #tpu.memory_space<vmem>>)
      %dma_start3A_674 = arith.constant 1 : i32
      %dma_start3A_675 = arith.constant 1 : i32
      %dma_start3A_676 = arith.constant 7 : i32
      %dma_start3A_677 = arith.constant 0 : i32
      %dma_start3A_678 = arith.constant 0 : i32
      %dma_start3A_679 = tpu.memref_slice %arg9[%dma_start3A_674, %dma_start3A_677, %dma_start3A_678] : memref<2x128x128xf32, #tpu.memory_space<vmem>> -> memref<1x128x128xf32, #tpu.memory_space<vmem>>
      %dma_start3A_680 = tpu.memref_squeeze %dma_start3A_679 : memref<1x128x128xf32, #tpu.memory_space<vmem>> -> memref<128x128xf32, #tpu.memory_space<vmem>>
      %dma_start3A_681 = arith.constant 0 : i32
      %dma_start3A_682 = tpu.memref_slice %arg8[%dma_start3A_675, %dma_start3A_676, %dma_start3A_681] : memref<2x8x128xi32, #tpu.memory_space<vmem>> -> memref<1x1x128xi32, #tpu.memory_space<vmem>>
      %dma_start3A_683 = tpu.memref_squeeze %dma_start3A_682 : memref<1x1x128xi32, #tpu.memory_space<vmem>> -> memref<128xi32, #tpu.memory_space<vmem>>
      %dma_start3A_684 = arith.constant 0 : i32
      %dma_start3A_685 = arith.constant 0 : i32
      %dma_start3A_686 = tpu.memref_slice %arg10[%dma_start3A_684, %dma_start3A_685] : memref<10240x128xf32, #tpu.memory_space<vmem_shared>> -> memref<10240x128xf32, #tpu.memory_space<vmem_shared>>
      tpu.enqueue_indirect_dma source(%dma_start3A_680 : memref<128x128xf32, #tpu.memory_space<vmem>>) target(%dma_start3A_686 : memref<10240x128xf32, #tpu.memory_space<vmem_shared>>) offsets(%dma_start3A_683 : memref<128xi32, #tpu.memory_space<vmem>>) semaphore(%arg14 : memref<!tpu.dma_semaphore, #tpu.memory_space<semaphore_mem>>) {add = true}
    }
    %scan3A_22 = arith.constant 5 : i32
    %dma_wait3A = arith.constant 1 : i32
    %dma_wait3A_23 = arith.constant 0 : i32
    %dma_wait3A_24 = arith.constant 0 : i32
    %dma_wait3A_25 = arith.constant 0 : i32
    %dma_wait3A_26 = arith.constant 0 : i32
    %dma_wait3A_27 = tpu.memref_slice %arg9[%dma_wait3A, %dma_wait3A_25, %dma_wait3A_26] : memref<2x128x128xf32, #tpu.memory_space<vmem>> -> memref<1x128x128xf32, #tpu.memory_space<vmem>>
    %dma_wait3A_28 = tpu.memref_squeeze %dma_wait3A_27 : memref<1x128x128xf32, #tpu.memory_space<vmem>> -> memref<128x128xf32, #tpu.memory_space<vmem>>
    %dma_wait3A_29 = arith.constant 0 : i32
    %dma_wait3A_30 = tpu.memref_slice %arg8[%dma_wait3A_23, %dma_wait3A_24, %dma_wait3A_29] : memref<2x8x128xi32, #tpu.memory_space<vmem>> -> memref<1x1x128xi32, #tpu.memory_space<vmem>>
    %dma_wait3A_31 = tpu.memref_squeeze %dma_wait3A_30 : memref<1x1x128xi32, #tpu.memory_space<vmem>> -> memref<128xi32, #tpu.memory_space<vmem>>
    %dma_wait3A_32 = arith.constant 0 : i32
    %dma_wait3A_33 = arith.constant 0 : i32
    %dma_wait3A_34 = tpu.memref_slice %arg10[%dma_wait3A_32, %dma_wait3A_33] : memref<10240x128xf32, #tpu.memory_space<vmem_shared>> -> memref<10240x128xf32, #tpu.memory_space<vmem_shared>>
    tpu.wait_indirect_dma semaphore(%arg14 : memref<!tpu.dma_semaphore, #tpu.memory_space<semaphore_mem>>) src(%dma_wait3A_28 : memref<128x128xf32, #tpu.memory_space<vmem>>) dst(%dma_wait3A_34 : memref<10240x128xf32, #tpu.memory_space<vmem_shared>>)
    %barrier3A_35 = arith.constant 0 : index
    tpu.barrier barrier_id(%barrier3A_35)
    %mul3A_36 = arith.constant 640 : i32
    %mul3A_37 = arith.muli %arg1, %mul3A_36 : i32
    %mul3A_38 = arith.constant 640 : i32
    %mul3A_39 = arith.muli %arg1, %mul3A_38 : i32
    "tpu.region"() ({
      %run_scoped3A_40 = tpu.sem_alloc : memref<!tpu.dma_semaphore, #tpu.memory_space<semaphore_mem>>
      %dma_start3A_41 = arith.constant 0 : i32
      %dma_start3A_42 = tpu.memref_slice %arg6[%arg0, %mul3A_39, %dma_start3A_41] : memref<2x10240x128xf32, #tpu.memory_space<hbm>> -> memref<1x640x128xf32, #tpu.memory_space<hbm>>
      %dma_start3A_43 = tpu.memref_squeeze %dma_start3A_42 : memref<1x640x128xf32, #tpu.memory_space<hbm>> -> memref<640x128xf32, #tpu.memory_space<hbm>>
      %dma_start3A_44 = arith.constant 0 : i32
      %dma_start3A_45 = tpu.memref_slice %arg10[%mul3A_37, %dma_start3A_44] : memref<10240x128xf32, #tpu.memory_space<vmem_shared>> -> memref<640x128xf32, #tpu.memory_space<vmem_shared>>
      tpu.enqueue_dma source(%dma_start3A_45 : memref<640x128xf32, #tpu.memory_space<vmem_shared>>) target(%dma_start3A_43 : memref<640x128xf32, #tpu.memory_space<hbm>>) target_semaphore(%run_scoped3A_40 : memref<!tpu.dma_semaphore, #tpu.memory_space<semaphore_mem>>)
      %dma_wait3A_46 = arith.constant 0 : i32
      %dma_wait3A_47 = tpu.memref_slice %arg6[%arg0, %mul3A_39, %dma_wait3A_46] : memref<2x10240x128xf32, #tpu.memory_space<hbm>> -> memref<1x640x128xf32, #tpu.memory_space<hbm>>
      %dma_wait3A_48 = tpu.memref_squeeze %dma_wait3A_47 : memref<1x640x128xf32, #tpu.memory_space<hbm>> -> memref<640x128xf32, #tpu.memory_space<hbm>>
      %dma_wait3A_49 = arith.constant 0 : i32
      %dma_wait3A_50 = tpu.memref_slice %arg10[%mul3A_37, %dma_wait3A_49] : memref<10240x128xf32, #tpu.memory_space<vmem_shared>> -> memref<640x128xf32, #tpu.memory_space<vmem_shared>>
      tpu.wait_dma2 semaphore(%run_scoped3A_40 : memref<!tpu.dma_semaphore, #tpu.memory_space<semaphore_mem>>) src(%dma_wait3A_50 : memref<640x128xf32, #tpu.memory_space<vmem_shared>>) dst(%dma_wait3A_48 : memref<640x128xf32, #tpu.memory_space<hbm>>)
      tpu.yield
    }) : () -> ()
    return
  }
}

#map = affine_map<(d0, d1) -> (0, 0)>
#map1 = affine_map<(d0, d1) -> (0)>
module attributes {stable_mosaic.version = 14 : i64} {
  func.func @_deg_kernel(%arg0: i32, %arg1: i32, %arg2: memref<2560x128xi32, #tpu.memory_space<hbm>>, %arg3: memref<10240xf32, #tpu.memory_space<hbm>>, %arg4: memref<2x10240xf32, #tpu.memory_space<hbm>>, %arg5: memref<80x128xi32, #tpu.memory_space<vmem>>, %arg6: memref<128xf32, #tpu.memory_space<vmem>>, %arg7: memref<10240xf32, #tpu.memory_space<vmem_shared>>, %arg8: memref<!tpu.dma_semaphore, #tpu.memory_space<semaphore_mem>>) attributes {dimension_semantics = [#tpu.dimension_semantics<core_parallel>, #tpu.dimension_semantics<subcore_parallel>], iteration_bounds = array<i64: 2, 16>, scalar_prefetch = 0 : i64, scratch_operands = 4 : i64, tpu.core_type = #tpu.core_type<sc_vector_subcore>, window_params = [{transform_indices = #map}, {transform_indices = #map1}, {transform_indices = #map}]} {
    %mul3A = arith.constant 2 : i32
    %mul3A_0 = arith.muli %arg1, %mul3A : i32
    %add3A = arith.addi %mul3A_0, %arg0 : i32
    %broadcast_in_dim3A = arith.constant 1.000000e+00 : f32
    %broadcast_in_dim3A_1 = vector.broadcast %broadcast_in_dim3A : f32 to vector<16xf32>
    %swap3A = arith.constant 0 : index
    %swap3A_2 = tpu.vector_load %arg6[%swap3A] {strides = array<i32>} : memref<128xf32, #tpu.memory_space<vmem>>, vector<16xf32>,
    %swap3A_3 = vector.shape_cast %swap3A_2 : vector<16xf32> to vector<16xf32>
    %swap3A_4 = vector.shape_cast %broadcast_in_dim3A_1 : vector<16xf32> to vector<16xf32>
    tpu.vector_store %arg6[%swap3A], %swap3A_4 {strides = array<i32>} : memref<128xf32, #tpu.memory_space<vmem>>, vector<16xf32>,
    %broadcast_in_dim3A_5 = arith.constant 1.000000e+00 : f32
    %broadcast_in_dim3A_6 = vector.broadcast %broadcast_in_dim3A_5 : f32 to vector<16xf32>
    %swap3A_7 = arith.constant 16 : index
    %swap3A_8 = tpu.vector_load %arg6[%swap3A_7] {strides = array<i32>} : memref<128xf32, #tpu.memory_space<vmem>>, vector<16xf32>,
    %swap3A_9 = vector.shape_cast %swap3A_8 : vector<16xf32> to vector<16xf32>
    %swap3A_10 = vector.shape_cast %broadcast_in_dim3A_6 : vector<16xf32> to vector<16xf32>
    tpu.vector_store %arg6[%swap3A_7], %swap3A_10 {strides = array<i32>} : memref<128xf32, #tpu.memory_space<vmem>>, vector<16xf32>,
    %broadcast_in_dim3A_11 = arith.constant 1.000000e+00 : f32
    %broadcast_in_dim3A_12 = vector.broadcast %broadcast_in_dim3A_11 : f32 to vector<16xf32>
    %swap3A_13 = arith.constant 32 : index
    %swap3A_14 = tpu.vector_load %arg6[%swap3A_13] {strides = array<i32>} : memref<128xf32, #tpu.memory_space<vmem>>, vector<16xf32>,
    %swap3A_15 = vector.shape_cast %swap3A_14 : vector<16xf32> to vector<16xf32>
    %swap3A_16 = vector.shape_cast %broadcast_in_dim3A_12 : vector<16xf32> to vector<16xf32>
    tpu.vector_store %arg6[%swap3A_13], %swap3A_16 {strides = array<i32>} : memref<128xf32, #tpu.memory_space<vmem>>, vector<16xf32>,
    %broadcast_in_dim3A_17 = arith.constant 1.000000e+00 : f32
    %broadcast_in_dim3A_18 = vector.broadcast %broadcast_in_dim3A_17 : f32 to vector<16xf32>
    %swap3A_19 = arith.constant 48 : index
    %swap3A_20 = tpu.vector_load %arg6[%swap3A_19] {strides = array<i32>} : memref<128xf32, #tpu.memory_space<vmem>>, vector<16xf32>,
    %swap3A_21 = vector.shape_cast %swap3A_20 : vector<16xf32> to vector<16xf32>
    %swap3A_22 = vector.shape_cast %broadcast_in_dim3A_18 : vector<16xf32> to vector<16xf32>
    tpu.vector_store %arg6[%swap3A_19], %swap3A_22 {strides = array<i32>} : memref<128xf32, #tpu.memory_space<vmem>>, vector<16xf32>,
    %broadcast_in_dim3A_23 = arith.constant 1.000000e+00 : f32
    %broadcast_in_dim3A_24 = vector.broadcast %broadcast_in_dim3A_23 : f32 to vector<16xf32>
    %swap3A_25 = arith.constant 64 : index
    %swap3A_26 = tpu.vector_load %arg6[%swap3A_25] {strides = array<i32>} : memref<128xf32, #tpu.memory_space<vmem>>, vector<16xf32>,
    %swap3A_27 = vector.shape_cast %swap3A_26 : vector<16xf32> to vector<16xf32>
    %swap3A_28 = vector.shape_cast %broadcast_in_dim3A_24 : vector<16xf32> to vector<16xf32>
    tpu.vector_store %arg6[%swap3A_25], %swap3A_28 {strides = array<i32>} : memref<128xf32, #tpu.memory_space<vmem>>, vector<16xf32>,
    %broadcast_in_dim3A_29 = arith.constant 1.000000e+00 : f32
    %broadcast_in_dim3A_30 = vector.broadcast %broadcast_in_dim3A_29 : f32 to vector<16xf32>
    %swap3A_31 = arith.constant 80 : index
    %swap3A_32 = tpu.vector_load %arg6[%swap3A_31] {strides = array<i32>} : memref<128xf32, #tpu.memory_space<vmem>>, vector<16xf32>,
    %swap3A_33 = vector.shape_cast %swap3A_32 : vector<16xf32> to vector<16xf32>
    %swap3A_34 = vector.shape_cast %broadcast_in_dim3A_30 : vector<16xf32> to vector<16xf32>
    tpu.vector_store %arg6[%swap3A_31], %swap3A_34 {strides = array<i32>} : memref<128xf32, #tpu.memory_space<vmem>>, vector<16xf32>,
    %broadcast_in_dim3A_35 = arith.constant 1.000000e+00 : f32
    %broadcast_in_dim3A_36 = vector.broadcast %broadcast_in_dim3A_35 : f32 to vector<16xf32>
    %swap3A_37 = arith.constant 96 : index
    %swap3A_38 = tpu.vector_load %arg6[%swap3A_37] {strides = array<i32>} : memref<128xf32, #tpu.memory_space<vmem>>, vector<16xf32>,
    %swap3A_39 = vector.shape_cast %swap3A_38 : vector<16xf32> to vector<16xf32>
    %swap3A_40 = vector.shape_cast %broadcast_in_dim3A_36 : vector<16xf32> to vector<16xf32>
    tpu.vector_store %arg6[%swap3A_37], %swap3A_40 {strides = array<i32>} : memref<128xf32, #tpu.memory_space<vmem>>, vector<16xf32>,
    %broadcast_in_dim3A_41 = arith.constant 1.000000e+00 : f32
    %broadcast_in_dim3A_42 = vector.broadcast %broadcast_in_dim3A_41 : f32 to vector<16xf32>
    %swap3A_43 = arith.constant 112 : index
    %swap3A_44 = tpu.vector_load %arg6[%swap3A_43] {strides = array<i32>} : memref<128xf32, #tpu.memory_space<vmem>>, vector<16xf32>,
    %swap3A_45 = vector.shape_cast %swap3A_44 : vector<16xf32> to vector<16xf32>
    %swap3A_46 = vector.shape_cast %broadcast_in_dim3A_42 : vector<16xf32> to vector<16xf32>
    tpu.vector_store %arg6[%swap3A_43], %swap3A_46 {strides = array<i32>} : memref<128xf32, #tpu.memory_space<vmem>>, vector<16xf32>,
    %mul3A_47 = arith.constant 80 : i32
    %mul3A_48 = arith.muli %add3A, %mul3A_47 : i32
    "tpu.region"() ({
      %run_scoped3A = tpu.sem_alloc : memref<!tpu.dma_semaphore, #tpu.memory_space<semaphore_mem>>
      %dma_start3A = arith.constant 0 : i32
      %dma_start3A_110 = tpu.memref_slice %arg2[%mul3A_48, %dma_start3A] : memref<2560x128xi32, #tpu.memory_space<hbm>> -> memref<80x128xi32, #tpu.memory_space<hbm>>
      %dma_start3A_111 = arith.constant 0 : i32
      %dma_start3A_112 = tpu.memref_slice %arg2[%mul3A_48, %dma_start3A_111] : memref<2560x128xi32, #tpu.memory_space<hbm>> -> memref<80x128xi32, #tpu.memory_space<hbm>>
      tpu.enqueue_dma source(%dma_start3A_112 : memref<80x128xi32, #tpu.memory_space<hbm>>) target(%arg5 : memref<80x128xi32, #tpu.memory_space<vmem>>) target_semaphore(%run_scoped3A : memref<!tpu.dma_semaphore, #tpu.memory_space<semaphore_mem>>)
      %dma_wait3A_113 = arith.constant 0 : i32
      %dma_wait3A_114 = tpu.memref_slice %arg2[%mul3A_48, %dma_wait3A_113] : memref<2560x128xi32, #tpu.memory_space<hbm>> -> memref<80x128xi32, #tpu.memory_space<hbm>>
      %dma_wait3A_115 = arith.constant 0 : i32
      %dma_wait3A_116 = tpu.memref_slice %arg2[%mul3A_48, %dma_wait3A_115] : memref<2560x128xi32, #tpu.memory_space<hbm>> -> memref<80x128xi32, #tpu.memory_space<hbm>>
      tpu.wait_dma2 semaphore(%run_scoped3A : memref<!tpu.dma_semaphore, #tpu.memory_space<semaphore_mem>>) src(%dma_wait3A_116 : memref<80x128xi32, #tpu.memory_space<hbm>>) dst(%arg5 : memref<80x128xi32, #tpu.memory_space<vmem>>)
      tpu.yield
    }) : () -> ()
    %mul3A_49 = arith.constant 640 : i32
    %mul3A_50 = arith.muli %arg1, %mul3A_49 : i32
    %mul3A_51 = arith.constant 640 : i32
    %mul3A_52 = arith.muli %arg1, %mul3A_51 : i32
    "tpu.region"() ({
      %run_scoped3A = tpu.sem_alloc : memref<!tpu.dma_semaphore, #tpu.memory_space<semaphore_mem>>
      %dma_start3A = tpu.memref_slice %arg7[%mul3A_52] : memref<10240xf32, #tpu.memory_space<vmem_shared>> -> memref<640xf32, #tpu.memory_space<vmem_shared>>
      %dma_start3A_110 = tpu.memref_slice %arg3[%mul3A_50] : memref<10240xf32, #tpu.memory_space<hbm>> -> memref<640xf32, #tpu.memory_space<hbm>>
      tpu.enqueue_dma source(%dma_start3A_110 : memref<640xf32, #tpu.memory_space<hbm>>) target(%dma_start3A : memref<640xf32, #tpu.memory_space<vmem_shared>>) target_semaphore(%run_scoped3A : memref<!tpu.dma_semaphore, #tpu.memory_space<semaphore_mem>>)
      %dma_wait3A_111 = tpu.memref_slice %arg7[%mul3A_52] : memref<10240xf32, #tpu.memory_space<vmem_shared>> -> memref<640xf32, #tpu.memory_space<vmem_shared>>
      %dma_wait3A_112 = tpu.memref_slice %arg3[%mul3A_50] : memref<10240xf32, #tpu.memory_space<hbm>> -> memref<640xf32, #tpu.memory_space<hbm>>
      tpu.wait_dma2 semaphore(%run_scoped3A : memref<!tpu.dma_semaphore, #tpu.memory_space<semaphore_mem>>) src(%dma_wait3A_112 : memref<640xf32, #tpu.memory_space<hbm>>) dst(%dma_wait3A_111 : memref<640xf32, #tpu.memory_space<vmem_shared>>)
      tpu.yield
    }) : () -> ()
    %barrier3A = arith.constant 0 : index
    tpu.barrier barrier_id(%barrier3A)
    %scan3A = arith.constant 0 : i32
    %scan3A_53 = arith.constant 0 : i32
    %scan3A_54 = arith.constant 80 : i32
    %scan3A_55 = arith.addi %scan3A_53, %scan3A_54 : i32
    %scan3A_56 = arith.constant 1 : i32
    scf.for %scan3A_110 = %scan3A_53 to %scan3A_55 step %scan3A_56  : i32 {
      %dma_start3A = arith.constant 0 : i32
      %dma_start3A_111 = tpu.memref_slice %arg5[%scan3A_110, %dma_start3A] : memref<80x128xi32, #tpu.memory_space<vmem>> -> memref<1x128xi32, #tpu.memory_space<vmem>>
      %dma_start3A_112 = tpu.memref_squeeze %dma_start3A_111 : memref<1x128xi32, #tpu.memory_space<vmem>> -> memref<128xi32, #tpu.memory_space<vmem>>
      %dma_start3A_113 = arith.constant 0 : i32
      %dma_start3A_114 = tpu.memref_slice %arg7[%dma_start3A_113] : memref<10240xf32, #tpu.memory_space<vmem_shared>> -> memref<10240xf32, #tpu.memory_space<vmem_shared>>
      tpu.enqueue_indirect_dma source(%arg6 : memref<128xf32, #tpu.memory_space<vmem>>) target(%dma_start3A_114 : memref<10240xf32, #tpu.memory_space<vmem_shared>>) offsets(%dma_start3A_112 : memref<128xi32, #tpu.memory_space<vmem>>) semaphore(%arg8 : memref<!tpu.dma_semaphore, #tpu.memory_space<semaphore_mem>>) {add = true}
      %ge3A = arith.constant 8 : i32
      %ge3A_115 = arith.cmpi sge, %scan3A_110, %ge3A : i32
      %convert_element_type3A = arith.extui %ge3A_115 : i1 to i32
      %cond3A = arith.constant 0 : i32
      %cond3A_116 = arith.cmpi ne, %convert_element_type3A, %cond3A : i32
      scf.if %cond3A_116 {
        %dma_wait3A_117 = arith.constant 0 : i32
        %dma_wait3A_118 = tpu.memref_slice %arg5[%scan3A_110, %dma_wait3A_117] : memref<80x128xi32, #tpu.memory_space<vmem>> -> memref<1x128xi32, #tpu.memory_space<vmem>>
        %dma_wait3A_119 = tpu.memref_squeeze %dma_wait3A_118 : memref<1x128xi32, #tpu.memory_space<vmem>> -> memref<128xi32, #tpu.memory_space<vmem>>
        %dma_wait3A_120 = arith.constant 0 : i32
        %dma_wait3A_121 = tpu.memref_slice %arg7[%dma_wait3A_120] : memref<10240xf32, #tpu.memory_space<vmem_shared>> -> memref<10240xf32, #tpu.memory_space<vmem_shared>>
        tpu.wait_indirect_dma semaphore(%arg8 : memref<!tpu.dma_semaphore, #tpu.memory_space<semaphore_mem>>) src(%arg6 : memref<128xf32, #tpu.memory_space<vmem>>) dst(%dma_wait3A_121 : memref<10240xf32, #tpu.memory_space<vmem_shared>>)
      } else {
      }
    }
    %scan3A_57 = arith.constant 80 : i32
    %dma_wait3A = arith.constant 0 : i32
    %dma_wait3A_58 = arith.constant 0 : i32
    %dma_wait3A_59 = tpu.memref_slice %arg5[%dma_wait3A, %dma_wait3A_58] : memref<80x128xi32, #tpu.memory_space<vmem>> -> memref<1x128xi32, #tpu.memory_space<vmem>>
    %dma_wait3A_60 = tpu.memref_squeeze %dma_wait3A_59 : memref<1x128xi32, #tpu.memory_space<vmem>> -> memref<128xi32, #tpu.memory_space<vmem>>
    %dma_wait3A_61 = arith.constant 0 : i32
    %dma_wait3A_62 = tpu.memref_slice %arg7[%dma_wait3A_61] : memref<10240xf32, #tpu.memory_space<vmem_shared>> -> memref<10240xf32, #tpu.memory_space<vmem_shared>>
    tpu.wait_indirect_dma semaphore(%arg8 : memref<!tpu.dma_semaphore, #tpu.memory_space<semaphore_mem>>) src(%arg6 : memref<128xf32, #tpu.memory_space<vmem>>) dst(%dma_wait3A_62 : memref<10240xf32, #tpu.memory_space<vmem_shared>>)
    %dma_wait3A_63 = arith.constant 0 : i32
    %dma_wait3A_64 = arith.constant 0 : i32
    %dma_wait3A_65 = tpu.memref_slice %arg5[%dma_wait3A_63, %dma_wait3A_64] : memref<80x128xi32, #tpu.memory_space<vmem>> -> memref<1x128xi32, #tpu.memory_space<vmem>>
    %dma_wait3A_66 = tpu.memref_squeeze %dma_wait3A_65 : memref<1x128xi32, #tpu.memory_space<vmem>> -> memref<128xi32, #tpu.memory_space<vmem>>
    %dma_wait3A_67 = arith.constant 0 : i32
    %dma_wait3A_68 = tpu.memref_slice %arg7[%dma_wait3A_67] : memref<10240xf32, #tpu.memory_space<vmem_shared>> -> memref<10240xf32, #tpu.memory_space<vmem_shared>>
    tpu.wait_indirect_dma semaphore(%arg8 : memref<!tpu.dma_semaphore, #tpu.memory_space<semaphore_mem>>) src(%arg6 : memref<128xf32, #tpu.memory_space<vmem>>) dst(%dma_wait3A_68 : memref<10240xf32, #tpu.memory_space<vmem_shared>>)
    %dma_wait3A_69 = arith.constant 0 : i32
    %dma_wait3A_70 = arith.constant 0 : i32
    %dma_wait3A_71 = tpu.memref_slice %arg5[%dma_wait3A_69, %dma_wait3A_70] : memref<80x128xi32, #tpu.memory_space<vmem>> -> memref<1x128xi32, #tpu.memory_space<vmem>>
    %dma_wait3A_72 = tpu.memref_squeeze %dma_wait3A_71 : memref<1x128xi32, #tpu.memory_space<vmem>> -> memref<128xi32, #tpu.memory_space<vmem>>
    %dma_wait3A_73 = arith.constant 0 : i32
    %dma_wait3A_74 = tpu.memref_slice %arg7[%dma_wait3A_73] : memref<10240xf32, #tpu.memory_space<vmem_shared>> -> memref<10240xf32, #tpu.memory_space<vmem_shared>>
    tpu.wait_indirect_dma semaphore(%arg8 : memref<!tpu.dma_semaphore, #tpu.memory_space<semaphore_mem>>) src(%arg6 : memref<128xf32, #tpu.memory_space<vmem>>) dst(%dma_wait3A_74 : memref<10240xf32, #tpu.memory_space<vmem_shared>>)
    %dma_wait3A_75 = arith.constant 0 : i32
    %dma_wait3A_76 = arith.constant 0 : i32
    %dma_wait3A_77 = tpu.memref_slice %arg5[%dma_wait3A_75, %dma_wait3A_76] : memref<80x128xi32, #tpu.memory_space<vmem>> -> memref<1x128xi32, #tpu.memory_space<vmem>>
    %dma_wait3A_78 = tpu.memref_squeeze %dma_wait3A_77 : memref<1x128xi32, #tpu.memory_space<vmem>> -> memref<128xi32, #tpu.memory_space<vmem>>
    %dma_wait3A_79 = arith.constant 0 : i32
    %dma_wait3A_80 = tpu.memref_slice %arg7[%dma_wait3A_79] : memref<10240xf32, #tpu.memory_space<vmem_shared>> -> memref<10240xf32, #tpu.memory_space<vmem_shared>>
    tpu.wait_indirect_dma semaphore(%arg8 : memref<!tpu.dma_semaphore, #tpu.memory_space<semaphore_mem>>) src(%arg6 : memref<128xf32, #tpu.memory_space<vmem>>) dst(%dma_wait3A_80 : memref<10240xf32, #tpu.memory_space<vmem_shared>>)
    %dma_wait3A_81 = arith.constant 0 : i32
    %dma_wait3A_82 = arith.constant 0 : i32
    %dma_wait3A_83 = tpu.memref_slice %arg5[%dma_wait3A_81, %dma_wait3A_82] : memref<80x128xi32, #tpu.memory_space<vmem>> -> memref<1x128xi32, #tpu.memory_space<vmem>>
    %dma_wait3A_84 = tpu.memref_squeeze %dma_wait3A_83 : memref<1x128xi32, #tpu.memory_space<vmem>> -> memref<128xi32, #tpu.memory_space<vmem>>
    %dma_wait3A_85 = arith.constant 0 : i32
    %dma_wait3A_86 = tpu.memref_slice %arg7[%dma_wait3A_85] : memref<10240xf32, #tpu.memory_space<vmem_shared>> -> memref<10240xf32, #tpu.memory_space<vmem_shared>>
    tpu.wait_indirect_dma semaphore(%arg8 : memref<!tpu.dma_semaphore, #tpu.memory_space<semaphore_mem>>) src(%arg6 : memref<128xf32, #tpu.memory_space<vmem>>) dst(%dma_wait3A_86 : memref<10240xf32, #tpu.memory_space<vmem_shared>>)
    %dma_wait3A_87 = arith.constant 0 : i32
    %dma_wait3A_88 = arith.constant 0 : i32
    %dma_wait3A_89 = tpu.memref_slice %arg5[%dma_wait3A_87, %dma_wait3A_88] : memref<80x128xi32, #tpu.memory_space<vmem>> -> memref<1x128xi32, #tpu.memory_space<vmem>>
    %dma_wait3A_90 = tpu.memref_squeeze %dma_wait3A_89 : memref<1x128xi32, #tpu.memory_space<vmem>> -> memref<128xi32, #tpu.memory_space<vmem>>
    %dma_wait3A_91 = arith.constant 0 : i32
    %dma_wait3A_92 = tpu.memref_slice %arg7[%dma_wait3A_91] : memref<10240xf32, #tpu.memory_space<vmem_shared>> -> memref<10240xf32, #tpu.memory_space<vmem_shared>>
    tpu.wait_indirect_dma semaphore(%arg8 : memref<!tpu.dma_semaphore, #tpu.memory_space<semaphore_mem>>) src(%arg6 : memref<128xf32, #tpu.memory_space<vmem>>) dst(%dma_wait3A_92 : memref<10240xf32, #tpu.memory_space<vmem_shared>>)
    %dma_wait3A_93 = arith.constant 0 : i32
    %dma_wait3A_94 = arith.constant 0 : i32
    %dma_wait3A_95 = tpu.memref_slice %arg5[%dma_wait3A_93, %dma_wait3A_94] : memref<80x128xi32, #tpu.memory_space<vmem>> -> memref<1x128xi32, #tpu.memory_space<vmem>>
    %dma_wait3A_96 = tpu.memref_squeeze %dma_wait3A_95 : memref<1x128xi32, #tpu.memory_space<vmem>> -> memref<128xi32, #tpu.memory_space<vmem>>
    %dma_wait3A_97 = arith.constant 0 : i32
    %dma_wait3A_98 = tpu.memref_slice %arg7[%dma_wait3A_97] : memref<10240xf32, #tpu.memory_space<vmem_shared>> -> memref<10240xf32, #tpu.memory_space<vmem_shared>>
    tpu.wait_indirect_dma semaphore(%arg8 : memref<!tpu.dma_semaphore, #tpu.memory_space<semaphore_mem>>) src(%arg6 : memref<128xf32, #tpu.memory_space<vmem>>) dst(%dma_wait3A_98 : memref<10240xf32, #tpu.memory_space<vmem_shared>>)
    %dma_wait3A_99 = arith.constant 0 : i32
    %dma_wait3A_100 = arith.constant 0 : i32
    %dma_wait3A_101 = tpu.memref_slice %arg5[%dma_wait3A_99, %dma_wait3A_100] : memref<80x128xi32, #tpu.memory_space<vmem>> -> memref<1x128xi32, #tpu.memory_space<vmem>>
    %dma_wait3A_102 = tpu.memref_squeeze %dma_wait3A_101 : memref<1x128xi32, #tpu.memory_space<vmem>> -> memref<128xi32, #tpu.memory_space<vmem>>
    %dma_wait3A_103 = arith.constant 0 : i32
    %dma_wait3A_104 = tpu.memref_slice %arg7[%dma_wait3A_103] : memref<10240xf32, #tpu.memory_space<vmem_shared>> -> memref<10240xf32, #tpu.memory_space<vmem_shared>>
    tpu.wait_indirect_dma semaphore(%arg8 : memref<!tpu.dma_semaphore, #tpu.memory_space<semaphore_mem>>) src(%arg6 : memref<128xf32, #tpu.memory_space<vmem>>) dst(%dma_wait3A_104 : memref<10240xf32, #tpu.memory_space<vmem_shared>>)
    %barrier3A_105 = arith.constant 0 : index
    tpu.barrier barrier_id(%barrier3A_105)
    %mul3A_106 = arith.constant 640 : i32
    %mul3A_107 = arith.muli %arg1, %mul3A_106 : i32
    %mul3A_108 = arith.constant 640 : i32
    %mul3A_109 = arith.muli %arg1, %mul3A_108 : i32
    "tpu.region"() ({
      %run_scoped3A = tpu.sem_alloc : memref<!tpu.dma_semaphore, #tpu.memory_space<semaphore_mem>>
      %dma_start3A = tpu.memref_slice %arg4[%arg0, %mul3A_109] : memref<2x10240xf32, #tpu.memory_space<hbm>> -> memref<1x640xf32, #tpu.memory_space<hbm>>
      %dma_start3A_110 = tpu.memref_squeeze %dma_start3A : memref<1x640xf32, #tpu.memory_space<hbm>> -> memref<640xf32, #tpu.memory_space<hbm>>
      %dma_start3A_111 = tpu.memref_slice %arg7[%mul3A_107] : memref<10240xf32, #tpu.memory_space<vmem_shared>> -> memref<640xf32, #tpu.memory_space<vmem_shared>>
      tpu.enqueue_dma source(%dma_start3A_111 : memref<640xf32, #tpu.memory_space<vmem_shared>>) target(%dma_start3A_110 : memref<640xf32, #tpu.memory_space<hbm>>) target_semaphore(%run_scoped3A : memref<!tpu.dma_semaphore, #tpu.memory_space<semaphore_mem>>)
      %dma_wait3A_112 = tpu.memref_slice %arg4[%arg0, %mul3A_109] : memref<2x10240xf32, #tpu.memory_space<hbm>> -> memref<1x640xf32, #tpu.memory_space<hbm>>
      %dma_wait3A_113 = tpu.memref_squeeze %dma_wait3A_112 : memref<1x640xf32, #tpu.memory_space<hbm>> -> memref<640xf32, #tpu.memory_space<hbm>>
      %dma_wait3A_114 = tpu.memref_slice %arg7[%mul3A_107] : memref<10240xf32, #tpu.memory_space<vmem_shared>> -> memref<640xf32, #tpu.memory_space<vmem_shared>>
      tpu.wait_dma2 semaphore(%run_scoped3A : memref<!tpu.dma_semaphore, #tpu.memory_space<semaphore_mem>>) src(%dma_wait3A_114 : memref<640xf32, #tpu.memory_space<vmem_shared>>) dst(%dma_wait3A_113 : memref<640xf32, #tpu.memory_space<hbm>>)
      tpu.yield
    }) : () -> ()
    return
  }
}

module attributes {stable_mosaic.version = 14 : i64} {
  func.func @_tc1_body(%arg0: i32, %arg1: memref<2x1000x1xf32, #tpu.memory_space<vmem>>, %arg2: memref<1000x128xf32, #tpu.memory_space<vmem>>, %arg3: memref<1000x128xf32, #tpu.memory_space<vmem>>) attributes {dimension_semantics = [#tpu.dimension_semantics<arbitrary>], iteration_bounds = array<i64: 10>, scalar_prefetch = 0 : i64, scratch_operands = 0 : i64, tpu.core_type = #tpu.core_type<tc>, window_params = [{transform_indices = @transform_0, window_bounds = array<i64: 2, 1000, 1>}, {transform_indices = @transform_1, window_bounds = array<i64: 1000, 128>}, {transform_indices = @transform_2, window_bounds = array<i64: 1000, 128>}]} {
    %get3A = arith.constant 0 : index
    %get3A_0 = arith.constant 0 : index
    %get3A_1 = arith.constant 0 : index
    %get3A_2 = vector.load %arg1[%get3A, %get3A_0, %get3A_1] : memref<2x1000x1xf32, #tpu.memory_space<vmem>>, vector<1x1000x1xf32>
    %get3A_3 = vector.shape_cast %get3A_2 : vector<1x1000x1xf32> to vector<1000x1xf32>
    %get3A_4 = arith.constant 1 : index
    %get3A_5 = arith.constant 0 : index
    %get3A_6 = arith.constant 0 : index
    %get3A_7 = vector.load %arg1[%get3A_4, %get3A_5, %get3A_6] : memref<2x1000x1xf32, #tpu.memory_space<vmem>>, vector<1x1000x1xf32>
    %get3A_8 = vector.shape_cast %get3A_7 : vector<1x1000x1xf32> to vector<1000x1xf32>
    %add3A = arith.addf %get3A_3, %get3A_8 : vector<1000x1xf32>
    %add3A_9 = arith.constant 1.000000e+00 : f32
    %add3A_10 = vector.broadcast %add3A_9 : f32 to vector<1000x1xf32>
    %add3A_11 = arith.addf %add3A, %add3A_10 : vector<1000x1xf32>
    %rsqrt3A = math.rsqrt %add3A_11 : vector<1000x1xf32>
    %get3A_12 = arith.constant 0 : index
    %get3A_13 = arith.constant 0 : index
    %get3A_14 = vector.load %arg2[%get3A_12, %get3A_13] : memref<1000x128xf32, #tpu.memory_space<vmem>>, vector<1000x128xf32>
    %mul3A = vector.broadcast %rsqrt3A : vector<1000x1xf32> to vector<1000x128xf32>
    %mul3A_15 = arith.mulf %get3A_14, %mul3A : vector<1000x128xf32>
    %swap3A = arith.constant 0 : index
    %swap3A_16 = arith.constant 0 : index
    %swap3A_17 = vector.load %arg3[%swap3A, %swap3A_16] : memref<1000x128xf32, #tpu.memory_space<vmem>>, vector<1000x128xf32>
    tpu.vector_store %arg3[%swap3A, %swap3A_16], %mul3A_15 {strides = array<i32>} : memref<1000x128xf32, #tpu.memory_space<vmem>>, vector<1000x128xf32>,
    return
  }
  func.func @transform_0(%arg0: i32) -> (i32, i32, i32) {
    %c0_i32 = arith.constant 0 : i32
    %c0_i32_0 = arith.constant 0 : i32
    %c0_i32_1 = arith.constant 0 : i32
    return %c0_i32, %arg0, %c0_i32_0 : i32, i32, i32
  }
  func.func @transform_1(%arg0: i32) -> (i32, i32) {
    %c0_i32 = arith.constant 0 : i32
    %c0_i32_0 = arith.constant 0 : i32
    return %arg0, %c0_i32 : i32, i32
  }
  func.func @transform_2(%arg0: i32) -> (i32, i32) {
    %c0_i32 = arith.constant 0 : i32
    %c0_i32_0 = arith.constant 0 : i32
    return %arg0, %c0_i32 : i32, i32
  }
}

module attributes {stable_mosaic.version = 14 : i64} {
  func.func @_tc2_body(%arg0: i32, %arg1: memref<2x1000x1xf32, #tpu.memory_space<vmem>>, %arg2: memref<2x1000x128xf32, #tpu.memory_space<vmem>>, %arg3: memref<1000x128xf32, #tpu.memory_space<vmem>>, %arg4: memref<128x256xf32, #tpu.memory_space<vmem>>, %arg5: memref<1x256xf32, #tpu.memory_space<vmem>>, %arg6: memref<256x128xf32, #tpu.memory_space<vmem>>, %arg7: memref<1000x128xf32, #tpu.memory_space<vmem>>) attributes {dimension_semantics = [#tpu.dimension_semantics<arbitrary>], iteration_bounds = array<i64: 10>, scalar_prefetch = 0 : i64, scratch_operands = 0 : i64, tpu.core_type = #tpu.core_type<tc>, window_params = [{transform_indices = @transform_0, window_bounds = array<i64: 2, 1000, 1>}, {transform_indices = @transform_1, window_bounds = array<i64: 2, 1000, 128>}, {transform_indices = @transform_2, window_bounds = array<i64: 1000, 128>}, {pipeline_mode = #tpu.pipeline_mode<synchronous>, transform_indices = @transform_3, window_bounds = array<i64: 128, 256>}, {pipeline_mode = #tpu.pipeline_mode<synchronous>, transform_indices = @transform_4, window_bounds = array<i64: 1, 256>}, {pipeline_mode = #tpu.pipeline_mode<synchronous>, transform_indices = @transform_5, window_bounds = array<i64: 256, 128>}, {transform_indices = @transform_6, window_bounds = array<i64: 1000, 128>}]} {
    %get3A = arith.constant 0 : index
    %get3A_0 = arith.constant 0 : index
    %get3A_1 = arith.constant 0 : index
    %get3A_2 = vector.load %arg1[%get3A, %get3A_0, %get3A_1] : memref<2x1000x1xf32, #tpu.memory_space<vmem>>, vector<1x1000x1xf32>
    %get3A_3 = vector.shape_cast %get3A_2 : vector<1x1000x1xf32> to vector<1000x1xf32>
    %get3A_4 = arith.constant 1 : index
    %get3A_5 = arith.constant 0 : index
    %get3A_6 = arith.constant 0 : index
    %get3A_7 = vector.load %arg1[%get3A_4, %get3A_5, %get3A_6] : memref<2x1000x1xf32, #tpu.memory_space<vmem>>, vector<1x1000x1xf32>
    %get3A_8 = vector.shape_cast %get3A_7 : vector<1x1000x1xf32> to vector<1000x1xf32>
    %add3A = arith.addf %get3A_3, %get3A_8 : vector<1000x1xf32>
    %add3A_9 = arith.constant 1.000000e+00 : f32
    %add3A_10 = vector.broadcast %add3A_9 : f32 to vector<1000x1xf32>
    %add3A_11 = arith.addf %add3A, %add3A_10 : vector<1000x1xf32>
    %rsqrt3A = math.rsqrt %add3A_11 : vector<1000x1xf32>
    %get3A_12 = arith.constant 0 : index
    %get3A_13 = arith.constant 0 : index
    %get3A_14 = arith.constant 0 : index
    %get3A_15 = vector.load %arg2[%get3A_12, %get3A_13, %get3A_14] : memref<2x1000x128xf32, #tpu.memory_space<vmem>>, vector<1x1000x128xf32>
    %get3A_16 = vector.shape_cast %get3A_15 : vector<1x1000x128xf32> to vector<1000x128xf32>
    %get3A_17 = arith.constant 1 : index
    %get3A_18 = arith.constant 0 : index
    %get3A_19 = arith.constant 0 : index
    %get3A_20 = vector.load %arg2[%get3A_17, %get3A_18, %get3A_19] : memref<2x1000x128xf32, #tpu.memory_space<vmem>>, vector<1x1000x128xf32>
    %get3A_21 = vector.shape_cast %get3A_20 : vector<1x1000x128xf32> to vector<1000x128xf32>
    %add3A_22 = arith.addf %get3A_16, %get3A_21 : vector<1000x128xf32>
    %get3A_23 = arith.constant 0 : index
    %get3A_24 = arith.constant 0 : index
    %get3A_25 = vector.load %arg3[%get3A_23, %get3A_24] : memref<1000x128xf32, #tpu.memory_space<vmem>>, vector<1000x128xf32>
    %add3A_26 = arith.addf %add3A_22, %get3A_25 : vector<1000x128xf32>
    %mul3A = vector.broadcast %rsqrt3A : vector<1000x1xf32> to vector<1000x128xf32>
    %mul3A_27 = arith.mulf %add3A_26, %mul3A : vector<1000x128xf32>
    %get3A_28 = arith.constant 0 : index
    %get3A_29 = arith.constant 0 : index
    %get3A_30 = vector.load %arg4[%get3A_28, %get3A_29] : memref<128x256xf32, #tpu.memory_space<vmem>>, vector<128x256xf32>
    %dot_general3A = arith.constant dense<0.000000e+00> : vector<1000x256xf32>
    %dot_general3A_31 = tpu.matmul %mul3A_27, %get3A_30, %dot_general3A {dimension_numbers = #tpu.dot_dimension_numbers<[1], [0], [0], [1], [0, 0, 1, 1], [], []>, transpose_lhs_hint = false} : vector<1000x128xf32>, vector<128x256xf32>, vector<1000x256xf32> -> vector<1000x256xf32>
    %get3A_32 = arith.constant 0 : index
    %get3A_33 = arith.constant 0 : index
    %get3A_34 = vector.load %arg5[%get3A_32, %get3A_33] : memref<1x256xf32, #tpu.memory_space<vmem>>, vector<1x256xf32>
    %add3A_35 = vector.broadcast %get3A_34 : vector<1x256xf32> to vector<1000x256xf32>
    %add3A_36 = arith.addf %dot_general3A_31, %add3A_35 : vector<1000x256xf32>
    %get3A_37 = arith.constant 0 : index
    %get3A_38 = arith.constant 0 : index
    %get3A_39 = vector.load %arg6[%get3A_37, %get3A_38] : memref<256x128xf32, #tpu.memory_space<vmem>>, vector<256x128xf32>
    %dot_general3A_40 = arith.constant dense<0.000000e+00> : vector<1000x128xf32>
    %dot_general3A_41 = tpu.matmul %add3A_36, %get3A_39, %dot_general3A_40 {dimension_numbers = #tpu.dot_dimension_numbers<[1], [0], [0], [1], [0, 0, 1, 1], [], []>, transpose_lhs_hint = false} : vector<1000x256xf32>, vector<256x128xf32>, vector<1000x128xf32> -> vector<1000x128xf32>
    %mul3A_42 = vector.broadcast %rsqrt3A : vector<1000x1xf32> to vector<1000x128xf32>
    %mul3A_43 = arith.mulf %dot_general3A_41, %mul3A_42 : vector<1000x128xf32>
    %swap3A = arith.constant 0 : index
    %swap3A_44 = arith.constant 0 : index
    %swap3A_45 = vector.load %arg7[%swap3A, %swap3A_44] : memref<1000x128xf32, #tpu.memory_space<vmem>>, vector<1000x128xf32>
    tpu.vector_store %arg7[%swap3A, %swap3A_44], %mul3A_43 {strides = array<i32>} : memref<1000x128xf32, #tpu.memory_space<vmem>>, vector<1000x128xf32>,
    return
  }
  func.func @transform_0(%arg0: i32) -> (i32, i32, i32) {
    %c0_i32 = arith.constant 0 : i32
    %c0_i32_0 = arith.constant 0 : i32
    %c0_i32_1 = arith.constant 0 : i32
    return %c0_i32, %arg0, %c0_i32_0 : i32, i32, i32
  }
  func.func @transform_1(%arg0: i32) -> (i32, i32, i32) {
    %c0_i32 = arith.constant 0 : i32
    %c0_i32_0 = arith.constant 0 : i32
    %c0_i32_1 = arith.constant 0 : i32
    return %c0_i32, %arg0, %c0_i32_0 : i32, i32, i32
  }
  func.func @transform_2(%arg0: i32) -> (i32, i32) {
    %c0_i32 = arith.constant 0 : i32
    %c0_i32_0 = arith.constant 0 : i32
    return %arg0, %c0_i32 : i32, i32
  }
  func.func @transform_3(%arg0: i32) -> (i32, i32) {
    %c0_i32 = arith.constant 0 : i32
    %c0_i32_0 = arith.constant 0 : i32
    %c0_i32_1 = arith.constant 0 : i32
    return %c0_i32, %c0_i32_0 : i32, i32
  }
  func.func @transform_4(%arg0: i32) -> (i32, i32) {
    %c0_i32 = arith.constant 0 : i32
    %c0_i32_0 = arith.constant 0 : i32
    %c0_i32_1 = arith.constant 0 : i32
    return %c0_i32, %c0_i32_0 : i32, i32
  }
  func.func @transform_5(%arg0: i32) -> (i32, i32) {
    %c0_i32 = arith.constant 0 : i32
    %c0_i32_0 = arith.constant 0 : i32
    %c0_i32_1 = arith.constant 0 : i32
    return %c0_i32, %c0_i32_0 : i32, i32
  }
  func.func @transform_6(%arg0: i32) -> (i32, i32) {
    %c0_i32 = arith.constant 0 : i32
    %c0_i32_0 = arith.constant 0 : i32
    return %arg0, %c0_i32 : i32, i32
  }
}

module attributes {stable_mosaic.version = 14 : i64} {
  func.func @_tc3_body(%arg0: i32, %arg1: memref<2x1000x1xf32, #tpu.memory_space<vmem>>, %arg2: memref<2x1000x128xf32, #tpu.memory_space<vmem>>, %arg3: memref<1000x128xf32, #tpu.memory_space<vmem>>, %arg4: memref<1x64xf32, #tpu.memory_space<vmem>>, %arg5: memref<1x64xf32, #tpu.memory_space<vmem>>, %arg6: memref<1000x64xf32, #tpu.memory_space<vmem>>, %arg7: memref<1000x64xf32, #tpu.memory_space<vmem>>, %arg8: memref<1000x64xf32, #tpu.memory_space<vmem>>, %arg9: memref<1000x64xf32, #tpu.memory_space<vmem>>) attributes {dimension_semantics = [#tpu.dimension_semantics<arbitrary>], iteration_bounds = array<i64: 10>, scalar_prefetch = 0 : i64, scratch_operands = 0 : i64, tpu.core_type = #tpu.core_type<tc>, window_params = [{transform_indices = @transform_0, window_bounds = array<i64: 2, 1000, 1>}, {transform_indices = @transform_1, window_bounds = array<i64: 2, 1000, 128>}, {transform_indices = @transform_2, window_bounds = array<i64: 1000, 128>}, {pipeline_mode = #tpu.pipeline_mode<synchronous>, transform_indices = @transform_3, window_bounds = array<i64: 1, 64>}, {pipeline_mode = #tpu.pipeline_mode<synchronous>, transform_indices = @transform_4, window_bounds = array<i64: 1, 64>}, {transform_indices = @transform_5, window_bounds = array<i64: 1000, 64>}, {transform_indices = @transform_6, window_bounds = array<i64: 1000, 64>}, {transform_indices = @transform_7, window_bounds = array<i64: 1000, 64>}, {transform_indices = @transform_8, window_bounds = array<i64: 1000, 64>}]} {
    %get3A = arith.constant 0 : index
    %get3A_0 = arith.constant 0 : index
    %get3A_1 = arith.constant 0 : index
    %get3A_2 = vector.load %arg1[%get3A, %get3A_0, %get3A_1] : memref<2x1000x1xf32, #tpu.memory_space<vmem>>, vector<1x1000x1xf32>
    %get3A_3 = vector.shape_cast %get3A_2 : vector<1x1000x1xf32> to vector<1000x1xf32>
    %get3A_4 = arith.constant 1 : index
    %get3A_5 = arith.constant 0 : index
    %get3A_6 = arith.constant 0 : index
    %get3A_7 = vector.load %arg1[%get3A_4, %get3A_5, %get3A_6] : memref<2x1000x1xf32, #tpu.memory_space<vmem>>, vector<1x1000x1xf32>
    %get3A_8 = vector.shape_cast %get3A_7 : vector<1x1000x1xf32> to vector<1000x1xf32>
    %add3A = arith.addf %get3A_3, %get3A_8 : vector<1000x1xf32>
    %add3A_9 = arith.constant 1.000000e+00 : f32
    %add3A_10 = vector.broadcast %add3A_9 : f32 to vector<1000x1xf32>
    %add3A_11 = arith.addf %add3A, %add3A_10 : vector<1000x1xf32>
    %rsqrt3A = math.rsqrt %add3A_11 : vector<1000x1xf32>
    %get3A_12 = arith.constant 0 : index
    %get3A_13 = arith.constant 0 : index
    %get3A_14 = arith.constant 0 : index
    %get3A_15 = vector.load %arg2[%get3A_12, %get3A_13, %get3A_14] : memref<2x1000x128xf32, #tpu.memory_space<vmem>>, vector<1x1000x128xf32>
    %get3A_16 = vector.shape_cast %get3A_15 : vector<1x1000x128xf32> to vector<1000x128xf32>
    %get3A_17 = arith.constant 1 : index
    %get3A_18 = arith.constant 0 : index
    %get3A_19 = arith.constant 0 : index
    %get3A_20 = vector.load %arg2[%get3A_17, %get3A_18, %get3A_19] : memref<2x1000x128xf32, #tpu.memory_space<vmem>>, vector<1x1000x128xf32>
    %get3A_21 = vector.shape_cast %get3A_20 : vector<1x1000x128xf32> to vector<1000x128xf32>
    %add3A_22 = arith.addf %get3A_16, %get3A_21 : vector<1000x128xf32>
    %get3A_23 = arith.constant 0 : index
    %get3A_24 = arith.constant 0 : index
    %get3A_25 = vector.load %arg3[%get3A_23, %get3A_24] : memref<1000x128xf32, #tpu.memory_space<vmem>>, vector<1000x128xf32>
    %add3A_26 = arith.addf %add3A_22, %get3A_25 : vector<1000x128xf32>
    %mul3A = vector.broadcast %rsqrt3A : vector<1000x1xf32> to vector<1000x128xf32>
    %mul3A_27 = arith.mulf %add3A_26, %mul3A : vector<1000x128xf32>
    %slice3A = vector.extract_strided_slice %mul3A_27 {offsets = [0, 0], sizes = [1000, 64], strides = [1, 1]} : vector<1000x128xf32> to vector<1000x64xf32>
    %get3A_28 = arith.constant 0 : index
    %get3A_29 = arith.constant 0 : index
    %get3A_30 = vector.load %arg4[%get3A_28, %get3A_29] : memref<1x64xf32, #tpu.memory_space<vmem>>, vector<1x64xf32>
    %add3A_31 = vector.broadcast %get3A_30 : vector<1x64xf32> to vector<1000x64xf32>
    %add3A_32 = arith.addf %slice3A, %add3A_31 : vector<1000x64xf32>
    %slice3A_33 = vector.extract_strided_slice %mul3A_27 {offsets = [0, 64], sizes = [1000, 64], strides = [1, 1]} : vector<1000x128xf32> to vector<1000x64xf32>
    %get3A_34 = arith.constant 0 : index
    %get3A_35 = arith.constant 0 : index
    %get3A_36 = vector.load %arg5[%get3A_34, %get3A_35] : memref<1x64xf32, #tpu.memory_space<vmem>>, vector<1x64xf32>
    %add3A_37 = vector.broadcast %get3A_36 : vector<1x64xf32> to vector<1000x64xf32>
    %add3A_38 = arith.addf %slice3A_33, %add3A_37 : vector<1000x64xf32>
    %swap3A = arith.constant 0 : index
    %swap3A_39 = arith.constant 0 : index
    %swap3A_40 = vector.load %arg8[%swap3A, %swap3A_39] : memref<1000x64xf32, #tpu.memory_space<vmem>>, vector<1000x64xf32>
    tpu.vector_store %arg8[%swap3A, %swap3A_39], %add3A_32 {strides = array<i32>} : memref<1000x64xf32, #tpu.memory_space<vmem>>, vector<1000x64xf32>,
    %swap3A_41 = arith.constant 0 : index
    %swap3A_42 = arith.constant 0 : index
    %swap3A_43 = vector.load %arg9[%swap3A_41, %swap3A_42] : memref<1000x64xf32, #tpu.memory_space<vmem>>, vector<1000x64xf32>
    tpu.vector_store %arg9[%swap3A_41, %swap3A_42], %add3A_38 {strides = array<i32>} : memref<1000x64xf32, #tpu.memory_space<vmem>>, vector<1000x64xf32>,
    %get3A_44 = arith.constant 0 : index
    %get3A_45 = arith.constant 0 : index
    %get3A_46 = vector.load %arg6[%get3A_44, %get3A_45] : memref<1000x64xf32, #tpu.memory_space<vmem>>, vector<1000x64xf32>
    %mul3A_47 = arith.constant 5.000000e-01 : f32
    %mul3A_48 = vector.broadcast %mul3A_47 : f32 to vector<1000x64xf32>
    %mul3A_49 = arith.mulf %mul3A_48, %add3A_38 : vector<1000x64xf32>
    %exp3A = math.exp %mul3A_49 : vector<1000x64xf32>
    %mul3A_50 = arith.mulf %get3A_46, %exp3A : vector<1000x64xf32>
    %add3A_51 = arith.addf %mul3A_50, %add3A_32 : vector<1000x64xf32>
    %swap3A_52 = arith.constant 0 : index
    %swap3A_53 = arith.constant 0 : index
    %swap3A_54 = vector.load %arg7[%swap3A_52, %swap3A_53] : memref<1000x64xf32, #tpu.memory_space<vmem>>, vector<1000x64xf32>
    tpu.vector_store %arg7[%swap3A_52, %swap3A_53], %add3A_51 {strides = array<i32>} : memref<1000x64xf32, #tpu.memory_space<vmem>>, vector<1000x64xf32>,
    return
  }
  func.func @transform_0(%arg0: i32) -> (i32, i32, i32) {
    %c0_i32 = arith.constant 0 : i32
    %c0_i32_0 = arith.constant 0 : i32
    %c0_i32_1 = arith.constant 0 : i32
    return %c0_i32, %arg0, %c0_i32_0 : i32, i32, i32
  }
  func.func @transform_1(%arg0: i32) -> (i32, i32, i32) {
    %c0_i32 = arith.constant 0 : i32
    %c0_i32_0 = arith.constant 0 : i32
    %c0_i32_1 = arith.constant 0 : i32
    return %c0_i32, %arg0, %c0_i32_0 : i32, i32, i32
  }
  func.func @transform_2(%arg0: i32) -> (i32, i32) {
    %c0_i32 = arith.constant 0 : i32
    %c0_i32_0 = arith.constant 0 : i32
    return %arg0, %c0_i32 : i32, i32
  }
  func.func @transform_3(%arg0: i32) -> (i32, i32) {
    %c0_i32 = arith.constant 0 : i32
    %c0_i32_0 = arith.constant 0 : i32
    %c0_i32_1 = arith.constant 0 : i32
    return %c0_i32, %c0_i32_0 : i32, i32
  }
  func.func @transform_4(%arg0: i32) -> (i32, i32) {
    %c0_i32 = arith.constant 0 : i32
    %c0_i32_0 = arith.constant 0 : i32
    %c0_i32_1 = arith.constant 0 : i32
    return %c0_i32, %c0_i32_0 : i32, i32
  }
  func.func @transform_5(%arg0: i32) -> (i32, i32) {
    %c0_i32 = arith.constant 0 : i32
    %c0_i32_0 = arith.constant 0 : i32
    return %arg0, %c0_i32 : i32, i32
  }
  func.func @transform_6(%arg0: i32) -> (i32, i32) {
    %c0_i32 = arith.constant 0 : i32
    %c0_i32_0 = arith.constant 0 : i32
    return %arg0, %c0_i32 : i32, i32
  }
  func.func @transform_7(%arg0: i32) -> (i32, i32) {
    %c0_i32 = arith.constant 0 : i32
    %c0_i32_0 = arith.constant 0 : i32
    return %arg0, %c0_i32 : i32, i32
  }
  func.func @transform_8(%arg0: i32) -> (i32, i32) {
    %c0_i32 = arith.constant 0 : i32
    %c0_i32_0 = arith.constant 0 : i32
    return %arg0, %c0_i32 : i32, i32
  }
}

</mosaic_0001>

<sc_bundles>
// kernel: kernel.11.cloned.1.call-start
scs
__scs_entry_jumppad:
0x0: {  	(pc) =	sbr.rel $0x88, $3  }
0x1: {  	(tag) =	ssettag $0x0;
	lr =	simm.s32 $0x1  }
0x2: {  	[smem:$0x3F99] =	sst lr;
	_ =	strace $0xD0000000  }
0x3: {  	_ = 	snop  }
0x4: {  	_ = 	snop  }
0x5: {  	_ = 	snop  }
0x6: {  	_ = 	snop  }
0x7: {  	_ = 	snop  }
__scs_overlays_trampoline_lowered:
0x8: {  	[smem:$0x3FA8] =	sst s0  }
0x9: {  	[smem:$0x3FA9] =	sst s1  }
0xa: {  	[smem:$0x3FAA] =	sst s2  }
0xb: {  	[smem:$0x3FAB] =	sst s3  }
0xc: {  	[smem:$0x3FAC] =	sst s4  }
0xd: {  	[smem:$0x3FAD] =	sst s5  }
0xe: {  	[smem:$0x3FAE] =	sst s6  }
0xf: {  	[smem:$0x3FAF] =	sst s7  }
0x10: {  	[smem:$0x3FB0] =	sst s8  }
0x11: {  	[smem:$0x3FB1] =	sst s9;
	s0 =	simm.s32 @!p0 $0x0  }
0x12: {  	s1 =	sld [smem:$0x3F97];
	s0 =	simm.s32 @p0 $0x1  }
0x13: {  	[smem:$0x3FB2] =	sst s0;
	s0 =	simm.s32 @!p1 $0x0  }
0x14: {  	s2 =	sld [smem:$0x3F96];
	s0 =	simm.s32 @p1 $0x1  }
0x15: {  	[smem:$0x3FB3] =	sst s0;
	s0 =	simm.s32 @!p2 $0x0  }
0x16: {  	s3 =	sld [smem:$0x3FDB];
	s0 =	simm.s32 @p2 $0x1  }
0x17: {  	s4 =	simm.s32 $0x1BF5;
	[smem:$0x3FB5] =	sst s0  }
0x18: {  	s0 =	sld [smem:$0x3F98];
	_ =	swait.ge [sflag:s4], $0x0  }
0x19: {  	s7 =	sld [smem:$0x3F99]  }
0x1a: {  	s8 =	sadd.s32 $0xFFFFE003, lr  }
0x1b: {  	s9 =	sadd.s32 $0xFFFFFEF7, lr;
	s5 =	simm.s32 $0xFFFFFFFF;
	p2 =	slt.u32 s8, $0xFFFFF086  }
0x1c: {  	p1 =	slt.u32 s9, $0xF7A;
	s5 =	simm.s32 @!p2 $0x0  }
0x1d: {  	s5 =	simm.s32 @p1 $0x1;
	p0 =	seq.s32 s7, s2  }
0x1e: {  	s7 =	smul.u32 @!p0 $0xF7A, s2;
	p2 =	seq.s32 @!p0 s5, $0x0  }
0x1f: {  	s9 =	smul.u32 $0xF7A, s1;
	s8 =	simm.s32 @!p0 $0x1BF5;
	p2 =	por !p2, p0  }
0x20: {  	[sflag:s8] =	ssyncset.s32 @!p0 $0xFFFFF086;
	s6 =	sadd.s32 @!p0 s3, s7;
	s7 =	simm.s32 @!p0 $0x108  }
0x21: {  	s3 =	sadd.s32 s3, s9;
	s6 =	sadd.s32 @!p0 $0x88, s6;
	s7 =	simm.s32 @p2 $0x1082  }
0x22: {  	[simem:s7], [sflag:s8] =	dma.local @!p0 [hbm:s6], $0xF7A  }
0x23: {  	s9 =	sor.u32 $0xD0000000, s2;
	s6 =	simm.s32 $0x108;
	_ =	swait.ge @!p0 [sflag:s8], $0x0  }
0x24: {  	s3 =	sadd.s32 $0x88, s3;
	s6 =	simm.s32 @!p1 $0x1082;
	[sflag:s4] =	ssyncset.s32 $0xFFFFF086  }
0x25: {  	[simem:s6], [sflag:s4] =	dma.local [hbm:s3], $0xF7A  }
0x26: {  	[smem:$0x3F99] =	sst s1;
	(tag) =	ssettag s2;
	_ =	strace s9  }
0x27: {  	s1 =	sld [smem:$0x3FA9]  }
0x28: {  	s2 =	sld [smem:$0x3FAA]  }
0x29: {  	s4 =	sld [smem:$0x3FAC]  }
0x2a: {  	p0 =	seq.s32 s5, $0x0;
	s5 =	sld [smem:$0x3FAD]  }
0x2b: {  	s6 =	sld [smem:$0x3FAE]  }
0x2c: {  	s7 =	sld [smem:$0x3FAF]  }
0x2d: {  	s3 =	simm.s32 $0x108;
	s8 =	sld [smem:$0x3FB0]  }
0x2e: {  	s3 =	simm.s32 @!p0 $0x1082;
	s9 =	sld [smem:$0x3FB1]  }
0x2f: {  	lr =	sadd.s32 s0, s3;
	s0 =	sld [smem:$0x3FA8]  }
0x30: {  	s3 =	sld [smem:$0x3FAB]  }
0x31: {  	[smem:$0x3FB4] =	sst s10  }
0x32: {  	s10 =	sld [smem:$0x3FB2];
	_ =	sdelay $0x3  }
0x33: {  	p0 =	seq.s32 s10, $0x1;
	s10 =	sld [smem:$0x3FB4];
	_ =	sdelay $0x3  }
0x34: {  	[smem:$0x3FB4] =	sst s10  }
0x35: {  	s10 =	sld [smem:$0x3FB3];
	_ =	sdelay $0x3  }
0x36: {  	p1 =	seq.s32 s10, $0x1;
	s10 =	sld [smem:$0x3FB4];
	_ =	sdelay $0x3  }
0x37: {  	[smem:$0x3FB4] =	sst s10  }
0x38: {  	s10 =	sld [smem:$0x3FB5]  }
0x39: {  	_ = 	snop;
	(pc) =	sbr.ind lr, $3  }
0x3a: {  	_ = 	snop  }
0x3b: {  	_ = 	snop  }
0x3c: {  	p2 =	seq.s32 s10, $0x1;
	s10 =	sld [smem:$0x3FB4]  }
0x3d: {  	_ =	shalt  }
0x3e: {  	_ =	shalt  }
0x3f: {  	_ =	shalt  }
0x40: {  	_ =	shalt  }
0x41: {  	_ =	shalt  }
0x42: {  	_ =	shalt  }
0x43: {  	_ =	shalt  }
0x44: {  	_ =	shalt  }
0x45: {  	_ =	shalt  }
0x46: {  	_ =	shalt  }
0x47: {  	_ =	shalt  }
0x48: {  	_ =	shalt  }
0x49: {  	_ =	shalt  }
0x4a: {  	_ =	shalt  }
0x4b: {  	_ =	shalt  }
0x4c: {  	_ =	shalt  }
0x4d: {  	_ =	shalt  }
0x4e: {  	_ =	shalt  }
0x4f: {  	_ =	shalt  }
0x50: {  	_ =	shalt  }
0x51: {  	_ =	shalt  }
0x52: {  	_ =	shalt  }
0x53: {  	_ =	shalt  }
0x54: {  	_ =	shalt  }
0x55: {  	_ =	shalt  }
0x56: {  	_ =	shalt  }
0x57: {  	_ =	shalt  }
0x58: {  	_ =	shalt  }
0x59: {  	_ =	shalt  }
0x5a: {  	_ =	shalt  }
0x5b: {  	_ =	shalt  }
0x5c: {  	_ =	shalt  }
0x5d: {  	_ =	shalt  }
0x5e: {  	_ =	shalt  }
0x5f: {  	_ =	shalt  }
0x60: {  	_ =	shalt  }
0x61: {  	_ =	shalt  }
0x62: {  	_ =	shalt  }
0x63: {  	_ =	shalt  }
0x64: {  	_ =	shalt  }
0x65: {  	_ =	shalt  }
0x66: {  	_ =	shalt  }
0x67: {  	_ =	shalt  }
0x68: {  	_ =	shalt  }
0x69: {  	_ =	shalt  }
0x6a: {  	_ =	shalt  }
0x6b: {  	_ =	shalt  }
0x6c: {  	_ =	shalt  }
0x6d: {  	_ =	shalt  }
0x6e: {  	_ =	shalt  }
0x6f: {  	_ =	shalt  }
0x70: {  	_ =	shalt  }
0x71: {  	_ =	shalt  }
0x72: {  	_ =	shalt  }
0x73: {  	_ =	shalt  }
0x74: {  	_ =	shalt  }
0x75: {  	_ =	shalt  }
0x76: {  	_ =	shalt  }
0x77: {  	_ =	shalt  }
0x78: {  	_ =	shalt  }
0x79: {  	_ =	shalt  }
0x7a: {  	_ =	shalt  }
0x7b: {  	_ =	shalt  }
0x7c: {  	_ =	shalt  }
0x7d: {  	_ =	shalt  }
0x7e: {  	_ =	shalt  }
0x7f: {  	_ =	shalt  }
0x80: {  	_ =	shalt  }
0x81: {  	_ =	shalt  }
0x82: {  	_ =	shalt  }
0x83: {  	_ =	shalt  }
0x84: {  	_ =	shalt  }
0x85: {  	_ =	shalt  }
0x86: {  	_ =	shalt  }
0x87: {  	_ =	shalt  }
.Lfunc_end0:
.L_simem_size_0:
called_computation.1_lowered:
.L_overlay_start_0:
0x88: {  	s2 =	sld [smem:$0x3FD9]  }
0x89: {  	s3 =	sld [smem:$0x3FFE];
	_ =	sdelay $0x1  }
0x8a: {  	s1 =	srdreg.scid  }
0x8b: {  	s0 =	sand.u32 $0x1, s1  }
0x8c: {  	s14 =	sshll.u32 s0, $0xA;
	s2 =	sadd.s32 s3, s2  }
0x8d: {  	s2 =	sadd.s32 s2, s14  }
0x8e: {  	[smem:$0x3FC0] =	sst s2  }
0x8f: {  	_ = 	snop  }
0x90: {  	s2 =	sld [smem:$0x3FD0];
	_ =	sdelay $0x2  }
0x91: {  	s15 =	simm.s32 $0xA;
	s4 =	simm.s32 $0x10  }
0x92: {  	[smem:s4], [sflag:s15] =	dma.local [hbm:s2], $0x1  }
0x93: {  	_ =	swait.eq [sflag:s15], $0x1  }
0x94: {  	[sflag:s15] =	ssyncset.done $0x0  }
0x95: {  	s16 =	sld [smem:$0x11];
	[sflag:s15] =	ssyncadd.s32 $0xFFFFFFFF  }
0x96: {  	s17 =	sld [smem:$0x12];
	(tm) =	ssettm $0x1  }
0x97: {  	s18 =	sld [smem:$0x3FFB];
	_ =	sdelay $0x3  }
0x98: {  	_ =	strace s18  }
0x99: {  	s4 =	sld [smem:$0x3FFC];
	_ =	sdelay $0x3  }
0x9a: {  	_ =	strace s4  }
0x9b: {  	s4 =	sld [smem:$0x3FFD];
	_ =	sdelay $0x3  }
0x9c: {  	_ =	strace s4  }
0x9d: {  	_ =	strace $0x8FFFFFFF  }
0x9e: {  	s19 =	sld [smem:$0x3FDB];
	_ =	sdelay $0x1  }
0x9f: {  	s5 =	simm.s32 $_scs_section_size  }
0xa0: {  	s6 =	simm.s32 $_size__tile_overlayer_lowered;
	s7 =	simm.s32 $_tile_overlayer_lowered  }
0xa1: {  	s22 =	simm.s32 $0x1BFF;
	s21 =	sshll.u32 s7, $0x1;
	s4 =	sadd.s32 s5, s19  }
0xa2: {  	s8 =	simm.s32 $0x0;
	s20 =	sshll.u32 s6, $0x1;
	s6 =	sadd.s32 s21, s4  }
0xa3: {  	[timem:s8], [sflag:s22] =	dma.local [hbm:s6], s20  }
0xa4: {  	_ =	swait.ge [sflag:s22], s20  }
0xa5: {  	s5 =	ssub.s32 $0x0, s20;
	[sflag:s22] =	ssyncset.done $0x0  }
0xa6: {  	[sflag:s22] =	ssyncadd.s32 s5;
	_ =	sdelay $0x1  }
0xa7: {  	s23 =	simm.s32 $0x1B8B  }
0xa8: {  	_ =	swait.ge [sflag:s23], $0x1  }
0xa9: {  	[sflag:s23] =	ssyncset.done $0x0  }
0xaa: {  	s25 =	simm.s32 $0x1B8E;
	s24 =	sld [smem:$0x3FFE];
	[sflag:s23] =	ssyncadd.s32 $0xFFFFFFFF  }
0xab: {  	s26 =	simm.s32 $execute0_lowered;
	[smem:$0x3FD2] =	sst s25  }
0xac: {  	s6 =	sshll.u32 s26, $0x1;
	_ =	strace $0x80000049;
	[dreg:$0x1] =	wrdreg $0xFFFFFFFF  }
0xad: {  	s28 =	simm.s32 $_size_execute0_lowered;
	s4 =	sadd.s32 s4, s6;
	[dreg:$0x0] =	wrdreg $0x0  }
0xae: {  	s6 =	sshll.u32 s28, $0x1;
	[dreg:$0x2] =	wrdreg s4  }
0xaf: {  	[dreg:$0x3] =	wrdreg s6  }
0xb0: {  	[dreg:$0x4] =	wrdreg $0xC0  }
0xb1: {  	_ =	task [dreg:s8], $0x5FFFF  }
0xb2: {  	[dreg:$0x1] =	wrdreg $0xFFFFFFFF  }
0xb3: {  	[dreg:$0x0] =	wrdreg $0x60  }
0xb4: {  	[dreg:$0x2] =	wrdreg s24  }
0xb5: {  	[dreg:$0x3] =	wrdreg s16  }
0xb6: {  	[dreg:$0x4] =	wrdreg s17  }
0xb7: {  	[dreg:$0x5] =	wrdreg $0xB0000  }
0xb8: {  	[dreg:$0x6] =	wrdreg $0x9  }
0xb9: {  	_ =	task.clear_ibuf [dreg:s8], $0x7FFFF;
	_ =	strace $0x90000049  }
0xba: {  	s29 =	simm.s32 $0x9;
	_ =	strace $0x8000004B  }
0xbb: {  	_ =	swait.ge [sflag:s29], $0x1  }
0xbc: {  	[sflag:s29] =	ssyncadd.s32 $0xFFFFFFFF  }
0xbd: {  	_ =	strace $0x9000004B  }
0xbe: {  	_ =	sfence  }
0xbf: {  	s30 =	sld [smem:$0x0];
	_ =	sdelay $0x2  }
0xc0: {  	s31 =	sshll.u32 s1, $0xD;
	s1 =	sshrl.u32 s1, $0x2  }
0xc1: {  	s3 =	sand.u32 $0x4000, s31;
	s1 =	sadd.s32 s1, s30  }
0xc2: {  	s0 =	sor.u32 s3, s0;
	s1 =	sshll.u32 s1, $0x11  }
0xc3: {  	s0 =	sor.u32 s1, s0  }
0xc4: {  	s0 =	sadd.s32 $0x8F2B, s0  }
0xc5: {  	[sflag:s0] =	ssyncadd.remote.s32 $0x1  }
0xc6: {  	_ =	sfence.sel $0xFFFF  }
0xc7: {  	[dreg:$0x0] =	wrdreg $0xFFFFFFFF;
	(pc) =	sbr.abs _section_cstart, $3  }
0xc8: {  	[dreg:$0x1] =	wrdreg $0xFFFFFFFF  }
0xc9: {  	_ =	task.clear_ibuf [dreg:s8], $0x2FFFF;
	_ =	strace $0x9FFFFFFF  }
0xca: {  	(tm) =	ssettm $0x7FFFFFFF  }
0xcb: {  	_ =	shalt  }
tec
execute0_lowered:
.L_overlay_start_1:
0x0: {  	(tag) =	ssettag $0x1  }
0x1: {  	s5 =	rddreg [dreg:$0x0]  }
0x2: {  	s6 =	rddreg [dreg:$0x1]  }
0x3: {  	s9 =	rddreg [dreg:$0x2]  }
0x4: {  	s2 =	rddreg [dreg:$0x3]  }
0x5: {  	s3 =	simm.s32 $0x0;
	s0 =	stileid.u32;
	s4 =	srdreg.scid  }
0x6: {  	s24 =	simm.s32 $0x2880;
	s25 =	simm.s32 $0x2900;
	s26 =	simm.s32 $0x2980  }
0x7: {  	s28 =	simm.s32 $0x2A00;
	s16 =	simm.s32 $0x2A80;
	[smem:$0x7FF] =	sst s3  }
0x8: {  	s30 =	simm.s32 $0x2B00;
	_ =	strace $0x8000004A;
	[dreg:$0x5] =	wrdreg s24  }
0x9: {  	s31 =	simm.s32 $0x2B80;
	s17 =	simm.s32 $0x2C80;
	[dreg:$0x6] =	wrdreg s25  }
0xa: {  	s7 =	smul.u32 $0x14000, s0;
	s8 =	sand.u32 $0x1, s4;
	[dreg:$0x7] =	wrdreg s26  }
0xb: {  	s11 =	sshll.u32 s0, $0x1;
	s14 =	smul.u32 $0x50000, s0;
	[dreg:$0x8] =	wrdreg s28  }
0xc: {  	s4 =	sadd.s32 $0x52800, s5;
	s20 =	smul.u32 $0xA00, s0;
	[dreg:$0x9] =	wrdreg s16  }
0xd: {  	s29 =	sshll.u32 s0, $0x6;
	s10 =	smul.u32 $0x140000, s8;
	[dreg:$0xa] =	wrdreg s30  }
0xe: {  	s11 =	sor.u32 s8, s11;
	s18 =	ssub.s32 $0x2, s8;
	[dreg:$0xb] =	wrdreg s31  }
0xf: {  	s21 =	smul.u32 $0x500, s8;
	s16 =	simm.s32 $0x3000;
	[dreg:$0xc] =	wrdreg s17  }
0x10: {  	s17 =	simm.s32 $0x7000;
	s12 =	sshrl.u32 s7, $0x3;
	s11 =	smul.u32 $0x500, s11  }
0x11: {  	s13 =	sshrl.u32 s18, $0x1;
	s19 =	sshrl.u32 s14, $0x2;
	s22 =	sadd.s32 s20, s9  }
0x12: {  	s20 =	simm.s32 $0x2E00;
	s7 =	sadd.s32 s7, s10;
	s12 =	sadd.s32 s12, s5  }
0x13: {  	s10 =	ssub.s32 s18, s13;
	s14 =	sadd.s32 s19, s2;
	s23 =	sadd.s32 s21, s22  }
0x14: {  	s13 =	sor.u32 $0x1C05, s29;
	s18 =	simm.s32 $0x2D00;
	s19 =	simm.s32 $0x2D80  }
0x15: {  	[dreg:$0xf] =	wrdreg s20;
	s21 =	simm.s32 $0x2E80;
	s20 =	simm.s32 $0x3  }
0x16: {  	s22 =	simm.s32 $0x2F00;
	s7 =	sshrl.u32 s7, $0x3;
	[dreg:$0xd] =	wrdreg s18  }
0x17: {  	s14 =	sshrl.u32 s14, $0x3;
	s18 =	simm.s32 $0x1;
	[dreg:$0xe] =	wrdreg s19  }
0x18: {  	s19 =	simm.s32 $0x2C00;
	[dreg:$0x10] =	wrdreg s21;
	s21 =	simm.s32 $0x2  }
0x19: {  	[dreg:$0x11] =	wrdreg s22;
	s22 =	simm.s32 $0x4;
	s15 =	sadd.s32 s7, s5  }
0x1a: {  	s5 =	sadd.s32 s6, s11;
	s6 =	sadd.s32 s9, s11;
	s7 =	sadd.s32 $0x79A00, s12  }
0x1b: {  	s9 =	smax.u32 s10, $0x1;
	s10 =	sadd.s32 $0x100, s23;
	s11 =	simm.s32 $0x5  }
0x1c: {  	s12 =	simm.s32 $0x2800;
	s23 =	simm.s32 $0x2F80;
	s8 =	sadd.s32 $0xA1A00, s15  }
0x1d: {  	s15 =	simm.s32 $0x80;
	[dreg:$0x12] =	wrdreg s23;
	s23 =	simm.s32 $0x0  }
.LBB2_1:
0x1e: {  	[tilespmem:s3], [sflag:$0x5] =	stream.linear.gather [hbm4b:s5+s3], $0x2800, $0x38;
	[tilespmem:$0x1F000] =	vst v63  }
0x1f: {  	_ =	swait.ge [sflag:s11], $0x2800  }
0x20: {  	[sflag:s11] =	ssyncset.done $0x0  }
0x21: {  	[sflag:s11] =	ssyncadd.s32 $0xFFFFD800  }
0x22: {  	[tilespmem:s12], [sflag:$0x5] =	stream.linear.gather [hbm4b:s6+s3], $0x400, $0x38;
	[tilespmem:$0x1F000] =	vst v63  }
0x23: {  	_ =	swait.ge [sflag:s11], $0x400  }
0x24: {  	[sflag:s11] =	ssyncset.done $0x0  }
0x25: {  	[sflag:s11] =	ssyncadd.s32 $0xFFFFFC00  }
0x26: {  	[spmem:s14], [sflag:s13] =	dma.local [hbm:s7], $0x2800  }
0x27: {  	_ =	swait.ge [sflag:s11], $0x2800  }
0x28: {  	p0 =	por $0x1, $0x1;
	[sflag:s11] =	ssyncset.done $0x0  }
0x29: {  	p0 =	por p0, p0;
	[sflag:s11] =	ssyncadd.s32 $0xFFFFD800  }
0x2a: {  	s24 =	simm.s32 @!p0 $0x4;
	[bflag:$0x0] =	sbarrier.arrive $0xFFFF  }
0x2b: {  	[tilespmem:s16], [sflag:$0x1] =	stream.indirect.gather [hbm4b:s4+s15], $0x80, s3, s15, $0xb8;
	[tilespmem:$0x1F000] =	vst v63  }
0x2c: {  	_ =	swait.ge @!p0 [sflag:s24], $0x4000  }
0x2d: {  	[sflag:s24] =	ssyncset.done @!p0 $0x0  }
0x2e: {  	s31 =	simm.s32 $0x80;
	[sflag:s24] =	ssyncadd.s32 @!p0 $0xFFFFC000  }
0x2f: {  	[tilespmem:s17], [sflag:$0x2] =	stream.indirect.gather [hbm4b:s4+s15], $0x80, s31, s15, $0xb8;
	[tilespmem:$0x1F000] =	vst v63  }
0x30: {  	_ =	swait.ge [sflag:s18], $0x4000  }
0x31: {  	[sflag:s18] =	ssyncset.done $0x0  }
0x32: {  	[sflag:s18] =	ssyncadd.s32 $0xFFFFC000  }
0x33: {  	[spmem:s2] =	stream.indirect.scatter.add.f32 [tilespmem:s16], [sflag:$0x3], $0x80, s12, s15, $0xb8;
	[tilespmem:$0x1F000] =	vst v63  }
0x34: {  	s0 =	sadd.s32 $0xFFFFFF80, s10  }
0x35: {  	[tilespmem:s19], [sflag:$0x5] =	stream.linear.gather [hbm4b:s0+s3], $0x400, $0x38;
	[tilespmem:$0x1F000] =	vst v63  }
0x36: {  	_ =	swait.ge [sflag:s11], $0x400  }
0x37: {  	[sflag:s11] =	ssyncset.done $0x0  }
0x38: {  	[sflag:s11] =	ssyncadd.s32 $0xFFFFFC00  }
0x39: {  	_ =	swait.ge [sflag:s20], $0x4000  }
0x3a: {  	[sflag:s20] =	ssyncset.done $0x0  }
0x3b: {  	s1 =	simm.s32 $0x100;
	[sflag:s20] =	ssyncadd.s32 $0xFFFFC000  }
0x3c: {  	[tilespmem:s16], [sflag:$0x1] =	stream.indirect.gather [hbm4b:s4+s15], $0x80, s1, s15, $0xb8;
	[tilespmem:$0x1F000] =	vst v63  }
0x3d: {  	_ =	swait.ge [sflag:s21], $0x4000  }
0x3e: {  	[sflag:s21] =	ssyncset.done $0x0  }
0x3f: {  	s25 =	rddreg [dreg:$0x5];
	[sflag:s21] =	ssyncadd.s32 $0xFFFFC000  }
0x40: {  	[spmem:s2] =	stream.indirect.scatter.add.f32 [tilespmem:s17], [sflag:$0x4], $0x80, s25, s15, $0xb8;
	[tilespmem:$0x1F000] =	vst v63  }
0x41: {  	_ =	swait.ge [sflag:s22], $0x4000  }
0x42: {  	[sflag:s22] =	ssyncset.done $0x0  }
0x43: {  	s26 =	simm.s32 $0x180;
	[sflag:s22] =	ssyncadd.s32 $0xFFFFC000  }
0x44: {  	[tilespmem:s17], [sflag:$0x2] =	stream.indirect.gather [hbm4b:s4+s15], $0x80, s26, s15, $0xb8;
	[tilespmem:$0x1F000] =	vst v63  }
0x45: {  	_ =	swait.ge [sflag:s18], $0x4000  }
0x46: {  	[sflag:s18] =	ssyncset.done $0x0  }
0x47: {  	s29 =	rddreg [dreg:$0x6];
	[sflag:s18] =	ssyncadd.s32 $0xFFFFC000  }
0x48: {  	[spmem:s2] =	stream.indirect.scatter.add.f32 [tilespmem:s16], [sflag:$0x3], $0x80, s29, s15, $0xb8;
	[tilespmem:$0x1F000] =	vst v63  }
0x49: {  	_ =	swait.ge [sflag:s20], $0x4000  }
0x4a: {  	[sflag:s20] =	ssyncset.done $0x0  }
0x4b: {  	s30 =	simm.s32 $0x200;
	[sflag:s20] =	ssyncadd.s32 $0xFFFFC000  }
0x4c: {  	[tilespmem:s16], [sflag:$0x1] =	stream.indirect.gather [hbm4b:s4+s15], $0x80, s30, s15, $0xb8;
	[tilespmem:$0x1F000] =	vst v63  }
0x4d: {  	_ =	swait.ge [sflag:s21], $0x4000  }
0x4e: {  	[sflag:s21] =	ssyncset.done $0x0  }
0x4f: {  	s31 =	rddreg [dreg:$0x7];
	[sflag:s21] =	ssyncadd.s32 $0xFFFFC000  }
0x50: {  	[spmem:s2] =	stream.indirect.scatter.add.f32 [tilespmem:s17], [sflag:$0x4], $0x80, s31, s15, $0xb8;
	[tilespmem:$0x1F000] =	vst v63  }
0x51: {  	_ =	swait.ge [sflag:s22], $0x4000  }
0x52: {  	[sflag:s22] =	ssyncset.done $0x0  }
0x53: {  	s0 =	simm.s32 $0x280;
	[sflag:s22] =	ssyncadd.s32 $0xFFFFC000  }
0x54: {  	[tilespmem:s17], [sflag:$0x2] =	stream.indirect.gather [hbm4b:s4+s15], $0x80, s0, s15, $0xb8;
	[tilespmem:$0x1F000] =	vst v63  }
0x55: {  	_ =	swait.ge [sflag:s18], $0x4000  }
0x56: {  	[sflag:s18] =	ssyncset.done $0x0  }
0x57: {  	s1 =	rddreg [dreg:$0x8];
	[sflag:s18] =	ssyncadd.s32 $0xFFFFC000  }
0x58: {  	[spmem:s2] =	stream.indirect.scatter.add.f32 [tilespmem:s16], [sflag:$0x3], $0x80, s1, s15, $0xb8;
	[tilespmem:$0x1F000] =	vst v63  }
0x59: {  	_ =	swait.ge [sflag:s20], $0x4000  }
0x5a: {  	[sflag:s20] =	ssyncset.done $0x0  }
0x5b: {  	s25 =	simm.s32 $0x300;
	[sflag:s20] =	ssyncadd.s32 $0xFFFFC000  }
0x5c: {  	[tilespmem:s16], [sflag:$0x1] =	stream.indirect.gather [hbm4b:s4+s15], $0x80, s25, s15, $0xb8;
	[tilespmem:$0x1F000] =	vst v63  }
0x5d: {  	_ =	swait.ge [sflag:s21], $0x4000  }
0x5e: {  	[sflag:s21] =	ssyncset.done $0x0  }
0x5f: {  	s26 =	rddreg [dreg:$0x9];
	[sflag:s21] =	ssyncadd.s32 $0xFFFFC000  }
0x60: {  	[spmem:s2] =	stream.indirect.scatter.add.f32 [tilespmem:s17], [sflag:$0x4], $0x80, s26, s15, $0xb8;
	[tilespmem:$0x1F000] =	vst v63  }
0x61: {  	_ =	swait.ge [sflag:s22], $0x4000  }
0x62: {  	[sflag:s22] =	ssyncset.done $0x0  }
0x63: {  	s29 =	simm.s32 $0x380;
	[sflag:s22] =	ssyncadd.s32 $0xFFFFC000  }
0x64: {  	[tilespmem:s17], [sflag:$0x2] =	stream.indirect.gather [hbm4b:s4+s15], $0x80, s29, s15, $0xb8;
	[tilespmem:$0x1F000] =	vst v63  }
0x65: {  	_ =	swait.ge [sflag:s18], $0x4000  }
0x66: {  	[sflag:s18] =	ssyncset.done $0x0  }
0x67: {  	s30 =	rddreg [dreg:$0xa];
	[sflag:s18] =	ssyncadd.s32 $0xFFFFC000  }
0x68: {  	[spmem:s2] =	stream.indirect.scatter.add.f32 [tilespmem:s16], [sflag:$0x3], $0x80, s30, s15, $0xb8;
	[tilespmem:$0x1F000] =	vst v63  }
0x69: {  	_ =	swait.ge [sflag:s20], $0x4000  }
0x6a: {  	[sflag:s20] =	ssyncset.done $0x0  }
0x6b: {  	s31 =	simm.s32 $0x400;
	[sflag:s20] =	ssyncadd.s32 $0xFFFFC000  }
0x6c: {  	[tilespmem:s16], [sflag:$0x1] =	stream.indirect.gather [hbm4b:s4+s15], $0x80, s31, s15, $0xb8;
	[tilespmem:$0x1F000] =	vst v63  }
0x6d: {  	_ =	swait.ge [sflag:s21], $0x4000  }
0x6e: {  	[sflag:s21] =	ssyncset.done $0x0  }
0x6f: {  	s0 =	rddreg [dreg:$0xb];
	[sflag:s21] =	ssyncadd.s32 $0xFFFFC000  }
0x70: {  	[spmem:s2] =	stream.indirect.scatter.add.f32 [tilespmem:s17], [sflag:$0x4], $0x80, s0, s15, $0xb8;
	[tilespmem:$0x1F000] =	vst v63  }
0x71: {  	_ =	swait.ge [sflag:s22], $0x4000  }
0x72: {  	[sflag:s22] =	ssyncset.done $0x0  }
0x73: {  	s1 =	simm.s32 $0x480;
	[sflag:s22] =	ssyncadd.s32 $0xFFFFC000  }
0x74: {  	[tilespmem:s17], [sflag:$0x2] =	stream.indirect.gather [hbm4b:s4+s15], $0x80, s1, s15, $0xb8;
	[tilespmem:$0x1F000] =	vst v63  }
0x75: {  	_ =	swait.ge [sflag:s18], $0x4000  }
0x76: {  	[sflag:s18] =	ssyncset.done $0x0  }
0x77: {  	p0 =	por $0x0, $0x0;
	[sflag:s18] =	ssyncadd.s32 $0xFFFFC000  }
0x78: {  	[spmem:s2] =	stream.indirect.scatter.add.f32 [tilespmem:s16], [sflag:$0x3], $0x80, s19, s15, $0xb8;
	[tilespmem:$0x1F000] =	vst v63  }
0x79: {  	s24 =	simm.s32 @!p0 $0x0;
	s25 =	simm.s32 @!p0 $0x2800;
	s26 =	simm.s32 @!p0 $0x5  }
0x7a: {  	[tilespmem:s25], [sflag:$0x5] =	stream.linear.gather @!p0 [hbm4b:s10+s24], $0x400, $0x38;
	[tilespmem:$0x1F000] =	vst v63  }
0x7b: {  	_ =	swait.ge @!p0 [sflag:s26], $0x400  }
0x7c: {  	[sflag:s26] =	ssyncset.done @!p0 $0x0  }
0x7d: {  	[sflag:s26] =	ssyncadd.s32 @!p0 $0xFFFFFC00  }
0x7e: {  	_ =	swait.ge [sflag:s20], $0x4000  }
0x7f: {  	[sflag:s20] =	ssyncset.done $0x0  }
0x80: {  	s25 =	simm.s32 $0x500;
	[sflag:s20] =	ssyncadd.s32 $0xFFFFC000  }
0x81: {  	[tilespmem:s16], [sflag:$0x1] =	stream.indirect.gather [hbm4b:s4+s15], $0x80, s25, s15, $0xb8;
	[tilespmem:$0x1F000] =	vst v63  }
0x82: {  	_ =	swait.ge [sflag:s21], $0x4000  }
0x83: {  	[sflag:s21] =	ssyncset.done $0x0  }
0x84: {  	s26 =	rddreg [dreg:$0xc];
	[sflag:s21] =	ssyncadd.s32 $0xFFFFC000  }
0x85: {  	[spmem:s2] =	stream.indirect.scatter.add.f32 [tilespmem:s17], [sflag:$0x4], $0x80, s26, s15, $0xb8;
	[tilespmem:$0x1F000] =	vst v63  }
0x86: {  	_ =	swait.ge [sflag:s22], $0x4000  }
0x87: {  	[sflag:s22] =	ssyncset.done $0x0  }
0x88: {  	s29 =	simm.s32 $0x580;
	[sflag:s22] =	ssyncadd.s32 $0xFFFFC000  }
0x89: {  	[tilespmem:s17], [sflag:$0x2] =	stream.indirect.gather [hbm4b:s4+s15], $0x80, s29, s15, $0xb8;
	[tilespmem:$0x1F000] =	vst v63  }
0x8a: {  	_ =	swait.ge [sflag:s18], $0x4000  }
0x8b: {  	[sflag:s18] =	ssyncset.done $0x0  }
0x8c: {  	s30 =	rddreg [dreg:$0xd];
	[sflag:s18] =	ssyncadd.s32 $0xFFFFC000  }
0x8d: {  	[spmem:s2] =	stream.indirect.scatter.add.f32 [tilespmem:s16], [sflag:$0x3], $0x80, s30, s15, $0xb8;
	[tilespmem:$0x1F000] =	vst v63  }
0x8e: {  	_ =	swait.ge [sflag:s20], $0x4000  }
0x8f: {  	[sflag:s20] =	ssyncset.done $0x0  }
0x90: {  	s31 =	simm.s32 $0x600;
	[sflag:s20] =	ssyncadd.s32 $0xFFFFC000  }
0x91: {  	[tilespmem:s16], [sflag:$0x1] =	stream.indirect.gather [hbm4b:s4+s15], $0x80, s31, s15, $0xb8;
	[tilespmem:$0x1F000] =	vst v63  }
0x92: {  	_ =	swait.ge [sflag:s21], $0x4000  }
0x93: {  	[sflag:s21] =	ssyncset.done $0x0  }
0x94: {  	s0 =	rddreg [dreg:$0xe];
	[sflag:s21] =	ssyncadd.s32 $0xFFFFC000  }
0x95: {  	[spmem:s2] =	stream.indirect.scatter.add.f32 [tilespmem:s17], [sflag:$0x4], $0x80, s0, s15, $0xb8;
	[tilespmem:$0x1F000] =	vst v63  }
0x96: {  	_ =	swait.ge [sflag:s22], $0x4000  }
0x97: {  	[sflag:s22] =	ssyncset.done $0x0  }
0x98: {  	s1 =	simm.s32 $0x680;
	[sflag:s22] =	ssyncadd.s32 $0xFFFFC000  }
0x99: {  	[tilespmem:s17], [sflag:$0x2] =	stream.indirect.gather [hbm4b:s4+s15], $0x80, s1, s15, $0xb8;
	[tilespmem:$0x1F000] =	vst v63  }
0x9a: {  	_ =	swait.ge [sflag:s18], $0x4000  }
0x9b: {  	[sflag:s18] =	ssyncset.done $0x0  }
0x9c: {  	s25 =	rddreg [dreg:$0xf];
	[sflag:s18] =	ssyncadd.s32 $0xFFFFC000  }
0x9d: {  	[spmem:s2] =	stream.indirect.scatter.add.f32 [tilespmem:s16], [sflag:$0x3], $0x80, s25, s15, $0xb8;
	[tilespmem:$0x1F000] =	vst v63  }
0x9e: {  	_ =	swait.ge [sflag:s20], $0x4000  }
0x9f: {  	[sflag:s20] =	ssyncset.done $0x0  }
0xa0: {  	s26 =	simm.s32 $0x700;
	[sflag:s20] =	ssyncadd.s32 $0xFFFFC000  }
0xa1: {  	[tilespmem:s16], [sflag:$0x1] =	stream.indirect.gather [hbm4b:s4+s15], $0x80, s26, s15, $0xb8;
	[tilespmem:$0x1F000] =	vst v63  }
0xa2: {  	_ =	swait.ge [sflag:s21], $0x4000  }
0xa3: {  	[sflag:s21] =	ssyncset.done $0x0  }
0xa4: {  	s29 =	rddreg [dreg:$0x10];
	[sflag:s21] =	ssyncadd.s32 $0xFFFFC000  }
0xa5: {  	[spmem:s2] =	stream.indirect.scatter.add.f32 [tilespmem:s17], [sflag:$0x4], $0x80, s29, s15, $0xb8;
	[tilespmem:$0x1F000] =	vst v63  }
0xa6: {  	_ =	swait.ge [sflag:s22], $0x4000  }
0xa7: {  	[sflag:s22] =	ssyncset.done $0x0  }
0xa8: {  	s30 =	simm.s32 $0x780;
	[sflag:s22] =	ssyncadd.s32 $0xFFFFC000  }
0xa9: {  	[tilespmem:s17], [sflag:$0x2] =	stream.indirect.gather [hbm4b:s4+s15], $0x80, s30, s15, $0xb8;
	[tilespmem:$0x1F000] =	vst v63  }
0xaa: {  	_ =	swait.ge [sflag:s18], $0x4000  }
0xab: {  	[sflag:s18] =	ssyncset.done $0x0  }
0xac: {  	s31 =	rddreg [dreg:$0x11];
	[sflag:s18] =	ssyncadd.s32 $0xFFFFC000  }
0xad: {  	[spmem:s2] =	stream.indirect.scatter.add.f32 [tilespmem:s16], [sflag:$0x3], $0x80, s31, s15, $0xb8;
	[tilespmem:$0x1F000] =	vst v63  }
0xae: {  	_ =	swait.ge [sflag:s20], $0x4000  }
0xaf: {  	s24 =	simm.s32 @!p0 $0x800;
	[sflag:s20] =	ssyncset.done $0x0  }
0xb0: {  	s25 =	simm.s32 @!p0 $0x80;
	s26 =	simm.s32 @!p0 $0x3000;
	[sflag:s20] =	ssyncadd.s32 $0xFFFFC000  }
0xb1: {  	[tilespmem:s26], [sflag:$0x1] =	stream.indirect.gather @!p0 [hbm4b:s4+s25], $0x80, s24, s25, $0xb8;
	[tilespmem:$0x1F000] =	vst v63  }
0xb2: {  	p6 =	por $0x0, $0x0;
	s24 =	simm.s32 $0x2000;
	_ =	swait.ge [sflag:s21], $0x4000  }
0xb3: {  	s26 =	simm.s32 $0x4000;
	p0 =	por p6, p6;
	[sflag:s21] =	ssyncset.done $0x0  }
0xb4: {  	s25 =	sadd.s32 $0x100, s10;
	s28 =	rddreg [dreg:$0x12];
	[sflag:s21] =	ssyncadd.s32 $0xFFFFC000  }
.LBB2_2:
0xb5: {  	s30 =	simm.s32 @!p0 $0x4  }
0xb6: {  	[spmem:s2] =	stream.indirect.scatter.add.f32 [tilespmem:s17], [sflag:$0x4], $0x80, s28, s15, $0xb8;
	[tilespmem:$0x1F000] =	vst v63  }
0xb7: {  	_ =	swait.ge @!p0 [sflag:s30], $0x4000  }
0xb8: {  	s28 =	sshra.s32 s24, $0x2;
	[sflag:s30] =	ssyncset.done @!p0 $0x0  }
0xb9: {  	s31 =	sadd.s32 $0x80, s28;
	[sflag:s30] =	ssyncadd.s32 @!p0 $0xFFFFC000  }
0xba: {  	[tilespmem:s17], [sflag:$0x2] =	stream.indirect.gather [hbm4b:s4+s15], $0x80, s31, s15, $0xb8;
	[tilespmem:$0x1F000] =	vst v63  }
0xbb: {  	_ =	swait.ge [sflag:s18], $0x4000  }
0xbc: {  	[sflag:s18] =	ssyncset.done $0x0  }
0xbd: {  	[sflag:s18] =	ssyncadd.s32 $0xFFFFC000  }
0xbe: {  	[spmem:s2] =	stream.indirect.scatter.add.f32 [tilespmem:s16], [sflag:$0x3], $0x80, s12, s15, $0xb8;
	[tilespmem:$0x1F000] =	vst v63  }
0xbf: {  	s0 =	sadd.s32 $0xFFFFFF80, s25  }
0xc0: {  	[tilespmem:s19], [sflag:$0x5] =	stream.linear.gather [hbm4b:s0+s3], $0x400, $0x38;
	[tilespmem:$0x1F000] =	vst v63  }
0xc1: {  	_ =	swait.ge [sflag:s11], $0x400  }
0xc2: {  	[sflag:s11] =	ssyncset.done $0x0  }
0xc3: {  	[sflag:s11] =	ssyncadd.s32 $0xFFFFFC00  }
0xc4: {  	_ =	swait.ge [sflag:s20], $0x4000  }
0xc5: {  	[sflag:s20] =	ssyncset.done $0x0  }
0xc6: {  	s1 =	sadd.s32 $0x100, s28;
	[sflag:s20] =	ssyncadd.s32 $0xFFFFC000  }
0xc7: {  	[tilespmem:s16], [sflag:$0x1] =	stream.indirect.gather [hbm4b:s4+s15], $0x80, s1, s15, $0xb8;
	[tilespmem:$0x1F000] =	vst v63  }
0xc8: {  	_ =	swait.ge [sflag:s21], $0x4000  }
0xc9: {  	[sflag:s21] =	ssyncset.done $0x0  }
0xca: {  	s31 =	rddreg [dreg:$0x5];
	[sflag:s21] =	ssyncadd.s32 $0xFFFFC000  }
0xcb: {  	[spmem:s2] =	stream.indirect.scatter.add.f32 [tilespmem:s17], [sflag:$0x4], $0x80, s31, s15, $0xb8;
	[tilespmem:$0x1F000] =	vst v63  }
0xcc: {  	_ =	swait.ge [sflag:s22], $0x4000  }
0xcd: {  	[sflag:s22] =	ssyncset.done $0x0  }
0xce: {  	s0 =	sadd.s32 $0x180, s28;
	[sflag:s22] =	ssyncadd.s32 $0xFFFFC000  }
0xcf: {  	[tilespmem:s17], [sflag:$0x2] =	stream.indirect.gather [hbm4b:s4+s15], $0x80, s0, s15, $0xb8;
	[tilespmem:$0x1F000] =	vst v63  }
0xd0: {  	_ =	swait.ge [sflag:s18], $0x4000  }
0xd1: {  	[sflag:s18] =	ssyncset.done $0x0  }
0xd2: {  	s1 =	rddreg [dreg:$0x6];
	[sflag:s18] =	ssyncadd.s32 $0xFFFFC000  }
0xd3: {  	[spmem:s2] =	stream.indirect.scatter.add.f32 [tilespmem:s16], [sflag:$0x3], $0x80, s1, s15, $0xb8;
	[tilespmem:$0x1F000] =	vst v63  }
0xd4: {  	_ =	swait.ge [sflag:s20], $0x4000  }
0xd5: {  	[sflag:s20] =	ssyncset.done $0x0  }
0xd6: {  	s31 =	sadd.s32 $0x200, s28;
	[sflag:s20] =	ssyncadd.s32 $0xFFFFC000  }
0xd7: {  	[tilespmem:s16], [sflag:$0x1] =	stream.indirect.gather [hbm4b:s4+s15], $0x80, s31, s15, $0xb8;
	[tilespmem:$0x1F000] =	vst v63  }
0xd8: {  	_ =	swait.ge [sflag:s21], $0x4000  }
0xd9: {  	[sflag:s21] =	ssyncset.done $0x0  }
0xda: {  	s0 =	rddreg [dreg:$0x7];
	[sflag:s21] =	ssyncadd.s32 $0xFFFFC000  }
0xdb: {  	[spmem:s2] =	stream.indirect.scatter.add.f32 [tilespmem:s17], [sflag:$0x4], $0x80, s0, s15, $0xb8;
	[tilespmem:$0x1F000] =	vst v63  }
0xdc: {  	_ =	swait.ge [sflag:s22], $0x4000  }
0xdd: {  	[sflag:s22] =	ssyncset.done $0x0  }
0xde: {  	s1 =	sadd.s32 $0x280, s28;
	[sflag:s22] =	ssyncadd.s32 $0xFFFFC000  }
0xdf: {  	[tilespmem:s17], [sflag:$0x2] =	stream.indirect.gather [hbm4b:s4+s15], $0x80, s1, s15, $0xb8;
	[tilespmem:$0x1F000] =	vst v63  }
0xe0: {  	_ =	swait.ge [sflag:s18], $0x4000  }
0xe1: {  	[sflag:s18] =	ssyncset.done $0x0  }
0xe2: {  	s31 =	rddreg [dreg:$0x8];
	[sflag:s18] =	ssyncadd.s32 $0xFFFFC000  }
0xe3: {  	[spmem:s2] =	stream.indirect.scatter.add.f32 [tilespmem:s16], [sflag:$0x3], $0x80, s31, s15, $0xb8;
	[tilespmem:$0x1F000] =	vst v63  }
0xe4: {  	_ =	swait.ge [sflag:s20], $0x4000  }
0xe5: {  	[sflag:s20] =	ssyncset.done $0x0  }
0xe6: {  	s0 =	sadd.s32 $0x300, s28;
	[sflag:s20] =	ssyncadd.s32 $0xFFFFC000  }
0xe7: {  	[tilespmem:s16], [sflag:$0x1] =	stream.indirect.gather [hbm4b:s4+s15], $0x80, s0, s15, $0xb8;
	[tilespmem:$0x1F000] =	vst v63  }
0xe8: {  	_ =	swait.ge [sflag:s21], $0x4000  }
0xe9: {  	[sflag:s21] =	ssyncset.done $0x0  }
0xea: {  	s1 =	rddreg [dreg:$0x9];
	[sflag:s21] =	ssyncadd.s32 $0xFFFFC000  }
0xeb: {  	[spmem:s2] =	stream.indirect.scatter.add.f32 [tilespmem:s17], [sflag:$0x4], $0x80, s1, s15, $0xb8;
	[tilespmem:$0x1F000] =	vst v63  }
0xec: {  	_ =	swait.ge [sflag:s22], $0x4000  }
0xed: {  	[sflag:s22] =	ssyncset.done $0x0  }
0xee: {  	s31 =	sadd.s32 $0x380, s28;
	[sflag:s22] =	ssyncadd.s32 $0xFFFFC000  }
0xef: {  	[tilespmem:s17], [sflag:$0x2] =	stream.indirect.gather [hbm4b:s4+s15], $0x80, s31, s15, $0xb8;
	[tilespmem:$0x1F000] =	vst v63  }
0xf0: {  	_ =	swait.ge [sflag:s18], $0x4000  }
0xf1: {  	[sflag:s18] =	ssyncset.done $0x0  }
0xf2: {  	s0 =	rddreg [dreg:$0xa];
	[sflag:s18] =	ssyncadd.s32 $0xFFFFC000  }
0xf3: {  	[spmem:s2] =	stream.indirect.scatter.add.f32 [tilespmem:s16], [sflag:$0x3], $0x80, s0, s15, $0xb8;
	[tilespmem:$0x1F000] =	vst v63  }
0xf4: {  	_ =	swait.ge [sflag:s20], $0x4000  }
0xf5: {  	[sflag:s20] =	ssyncset.done $0x0  }
0xf6: {  	s1 =	sadd.s32 $0x400, s28;
	[sflag:s20] =	ssyncadd.s32 $0xFFFFC000  }
0xf7: {  	[tilespmem:s16], [sflag:$0x1] =	stream.indirect.gather [hbm4b:s4+s15], $0x80, s1, s15, $0xb8;
	[tilespmem:$0x1F000] =	vst v63  }
0xf8: {  	_ =	swait.ge [sflag:s21], $0x4000  }
0xf9: {  	[sflag:s21] =	ssyncset.done $0x0  }
0xfa: {  	s31 =	rddreg [dreg:$0xb];
	[sflag:s21] =	ssyncadd.s32 $0xFFFFC000  }
0xfb: {  	[spmem:s2] =	stream.indirect.scatter.add.f32 [tilespmem:s17], [sflag:$0x4], $0x80, s31, s15, $0xb8;
	[tilespmem:$0x1F000] =	vst v63  }
0xfc: {  	_ =	swait.ge [sflag:s22], $0x4000  }
0xfd: {  	[sflag:s22] =	ssyncset.done $0x0  }
0xfe: {  	s0 =	sadd.s32 $0x480, s28;
	[sflag:s22] =	ssyncadd.s32 $0xFFFFC000  }
0xff: {  	[tilespmem:s17], [sflag:$0x2] =	stream.indirect.gather [hbm4b:s4+s15], $0x80, s0, s15, $0xb8;
	[tilespmem:$0x1F000] =	vst v63  }
0x100: {  	_ =	swait.ge [sflag:s18], $0x4000  }
0x101: {  	p2 =	seq.s32 s26, $0x0;
	[sflag:s18] =	ssyncset.done $0x0  }
0x102: {  	p0 =	por p2, p2;
	p2 =	seq.s32 s24, $0x8000;
	[sflag:s18] =	ssyncadd.s32 $0xFFFFC000  }
0x103: {  	[spmem:s2] =	stream.indirect.scatter.add.f32 [tilespmem:s16], [sflag:$0x3], $0x80, s19, s15, $0xb8;
	[tilespmem:$0x1F000] =	vst v63  }
0x104: {  	s1 =	simm.s32 @!p2 $0x5;
	s31 =	simm.s32 @!p2 $0x0;
	s0 =	simm.s32 @!p2 $0x2800  }
0x105: {  	[tilespmem:s0], [sflag:$0x5] =	stream.linear.gather @!p2 [hbm4b:s25+s31], $0x400, $0x38;
	[tilespmem:$0x1F000] =	vst v63  }
0x106: {  	_ =	swait.ge @!p2 [sflag:s1], $0x400  }
0x107: {  	[sflag:s1] =	ssyncset.done @!p2 $0x0  }
0x108: {  	[sflag:s1] =	ssyncadd.s32 @!p2 $0xFFFFFC00  }
0x109: {  	_ =	swait.ge [sflag:s20], $0x4000  }
0x10a: {  	[sflag:s20] =	ssyncset.done $0x0  }
0x10b: {  	s1 =	sadd.s32 $0x500, s28;
	[sflag:s20] =	ssyncadd.s32 $0xFFFFC000  }
0x10c: {  	[tilespmem:s16], [sflag:$0x1] =	stream.indirect.gather [hbm4b:s4+s15], $0x80, s1, s15, $0xb8;
	[tilespmem:$0x1F000] =	vst v63  }
0x10d: {  	s24 =	sshra.s32 @!p2 s24, $0x2;
	_ =	swait.ge [sflag:s21], $0x4000  }
0x10e: {  	s29 =	smov.u32 s26;
	s30 =	sadd.s32 @!p2 $0x800, s24;
	[sflag:s21] =	ssyncset.done $0x0  }
0x10f: {  	s24 =	smov.u32 s29;
	s29 =	rddreg [dreg:$0xc];
	[sflag:s21] =	ssyncadd.s32 $0xFFFFC000  }
0x110: {  	[spmem:s2] =	stream.indirect.scatter.add.f32 [tilespmem:s17], [sflag:$0x4], $0x80, s29, s15, $0xb8;
	[tilespmem:$0x1F000] =	vst v63  }
0x111: {  	_ =	swait.ge [sflag:s22], $0x4000  }
0x112: {  	[sflag:s22] =	ssyncset.done $0x0  }
0x113: {  	s31 =	sadd.s32 $0x580, s28;
	[sflag:s22] =	ssyncadd.s32 $0xFFFFC000  }
0x114: {  	[tilespmem:s17], [sflag:$0x2] =	stream.indirect.gather [hbm4b:s4+s15], $0x80, s31, s15, $0xb8;
	[tilespmem:$0x1F000] =	vst v63  }
0x115: {  	_ =	swait.ge [sflag:s18], $0x4000  }
0x116: {  	[sflag:s18] =	ssyncset.done $0x0  }
0x117: {  	s1 =	rddreg [dreg:$0xd];
	[sflag:s18] =	ssyncadd.s32 $0xFFFFC000  }
0x118: {  	[spmem:s2] =	stream.indirect.scatter.add.f32 [tilespmem:s16], [sflag:$0x3], $0x80, s1, s15, $0xb8;
	[tilespmem:$0x1F000] =	vst v63  }
0x119: {  	_ =	swait.ge [sflag:s20], $0x4000  }
0x11a: {  	[sflag:s20] =	ssyncset.done $0x0  }
0x11b: {  	s29 =	sadd.s32 $0x600, s28;
	[sflag:s20] =	ssyncadd.s32 $0xFFFFC000  }
0x11c: {  	[tilespmem:s16], [sflag:$0x1] =	stream.indirect.gather [hbm4b:s4+s15], $0x80, s29, s15, $0xb8;
	[tilespmem:$0x1F000] =	vst v63  }
0x11d: {  	_ =	swait.ge [sflag:s21], $0x4000  }
0x11e: {  	[sflag:s21] =	ssyncset.done $0x0  }
0x11f: {  	s31 =	rddreg [dreg:$0xe];
	[sflag:s21] =	ssyncadd.s32 $0xFFFFC000  }
0x120: {  	[spmem:s2] =	stream.indirect.scatter.add.f32 [tilespmem:s17], [sflag:$0x4], $0x80, s31, s15, $0xb8;
	[tilespmem:$0x1F000] =	vst v63  }
0x121: {  	_ =	swait.ge [sflag:s22], $0x4000  }
0x122: {  	[sflag:s22] =	ssyncset.done $0x0  }
0x123: {  	s1 =	sadd.s32 $0x680, s28;
	[sflag:s22] =	ssyncadd.s32 $0xFFFFC000  }
0x124: {  	[tilespmem:s17], [sflag:$0x2] =	stream.indirect.gather [hbm4b:s4+s15], $0x80, s1, s15, $0xb8;
	[tilespmem:$0x1F000] =	vst v63  }
0x125: {  	_ =	swait.ge [sflag:s18], $0x4000  }
0x126: {  	[sflag:s18] =	ssyncset.done $0x0  }
0x127: {  	s29 =	rddreg [dreg:$0xf];
	[sflag:s18] =	ssyncadd.s32 $0xFFFFC000  }
0x128: {  	[spmem:s2] =	stream.indirect.scatter.add.f32 [tilespmem:s16], [sflag:$0x3], $0x80, s29, s15, $0xb8;
	[tilespmem:$0x1F000] =	vst v63  }
0x129: {  	_ =	swait.ge [sflag:s20], $0x4000  }
0x12a: {  	[sflag:s20] =	ssyncset.done $0x0  }
0x12b: {  	s31 =	sadd.s32 $0x700, s28;
	[sflag:s20] =	ssyncadd.s32 $0xFFFFC000  }
0x12c: {  	[tilespmem:s16], [sflag:$0x1] =	stream.indirect.gather [hbm4b:s4+s15], $0x80, s31, s15, $0xb8;
	[tilespmem:$0x1F000] =	vst v63  }
0x12d: {  	_ =	swait.ge [sflag:s21], $0x4000  }
0x12e: {  	[sflag:s21] =	ssyncset.done $0x0  }
0x12f: {  	s1 =	rddreg [dreg:$0x10];
	[sflag:s21] =	ssyncadd.s32 $0xFFFFC000  }
0x130: {  	[spmem:s2] =	stream.indirect.scatter.add.f32 [tilespmem:s17], [sflag:$0x4], $0x80, s1, s15, $0xb8;
	[tilespmem:$0x1F000] =	vst v63  }
0x131: {  	_ =	swait.ge [sflag:s22], $0x4000  }
0x132: {  	[sflag:s22] =	ssyncset.done $0x0  }
0x133: {  	s29 =	sadd.s32 $0x780, s28;
	[sflag:s22] =	ssyncadd.s32 $0xFFFFC000  }
0x134: {  	[tilespmem:s17], [sflag:$0x2] =	stream.indirect.gather [hbm4b:s4+s15], $0x80, s29, s15, $0xb8;
	[tilespmem:$0x1F000] =	vst v63  }
0x135: {  	_ =	swait.ge [sflag:s18], $0x4000  }
0x136: {  	[sflag:s18] =	ssyncset.done $0x0  }
0x137: {  	s31 =	rddreg [dreg:$0x11];
	[sflag:s18] =	ssyncadd.s32 $0xFFFFC000  }
0x138: {  	[spmem:s2] =	stream.indirect.scatter.add.f32 [tilespmem:s16], [sflag:$0x3], $0x80, s31, s15, $0xb8;
	[tilespmem:$0x1F000] =	vst v63  }
0x139: {  	s26 =	sadd.s32 $0x2000, s26;
	_ =	swait.ge [sflag:s20], $0x4000  }
0x13a: {  	p1 =	sne.s32 s26, $0xA000;
	s0 =	simm.s32 @!p2 $0x80;
	[sflag:s20] =	ssyncset.done $0x0  }
.Ltmp0:
0x13b: {  	s1 =	simm.s32 @!p2 $0x3000;
	[sflag:s20] =	ssyncadd.s32 $0xFFFFC000;
	(pc) =	sbr.rel @p1 .LBB2_2-.Ltmp0, $4  }
0x13c: {  	[tilespmem:s1], [sflag:$0x1] =	stream.indirect.gather @!p2 [hbm4b:s4+s0], $0x80, s30, s0, $0xb8;
	[tilespmem:$0x1F000] =	vst v63  }
0x13d: {  	_ =	swait.ge [sflag:s21], $0x4000  }
0x13e: {  	[sflag:s21] =	ssyncset.done $0x0  }
0x13f: {  	s25 =	sadd.s32 $0x100, s25;
	s28 =	rddreg [dreg:$0x12];
	[sflag:s21] =	ssyncadd.s32 $0xFFFFC000  }
0x140: {  	s0 =	simm.s32 @!p0 $0x4  }
0x141: {  	[spmem:s2] =	stream.indirect.scatter.add.f32 [tilespmem:s17], [sflag:$0x4], $0x80, s28, s15, $0xb8;
	[tilespmem:$0x1F000] =	vst v63  }
0x142: {  	_ =	swait.ge @!p0 [sflag:s0], $0x4000  }
0x143: {  	s26 =	sshra.s32 s24, $0x2;
	[sflag:s0] =	ssyncset.done @!p0 $0x0  }
0x144: {  	s29 =	sadd.s32 $0x80, s26;
	[sflag:s0] =	ssyncadd.s32 @!p0 $0xFFFFC000  }
0x145: {  	[tilespmem:s17], [sflag:$0x2] =	stream.indirect.gather [hbm4b:s4+s15], $0x80, s29, s15, $0xb8;
	[tilespmem:$0x1F000] =	vst v63  }
0x146: {  	_ =	swait.ge [sflag:s18], $0x4000  }
0x147: {  	[sflag:s18] =	ssyncset.done $0x0  }
0x148: {  	[sflag:s18] =	ssyncadd.s32 $0xFFFFC000  }
0x149: {  	[spmem:s2] =	stream.indirect.scatter.add.f32 [tilespmem:s16], [sflag:$0x3], $0x80, s12, s15, $0xb8;
	[tilespmem:$0x1F000] =	vst v63  }
0x14a: {  	s30 =	sadd.s32 $0xFFFFFF80, s25  }
0x14b: {  	[tilespmem:s19], [sflag:$0x5] =	stream.linear.gather [hbm4b:s30+s3], $0x400, $0x38;
	[tilespmem:$0x1F000] =	vst v63  }
0x14c: {  	_ =	swait.ge [sflag:s11], $0x400  }
0x14d: {  	[sflag:s11] =	ssyncset.done $0x0  }
0x14e: {  	[sflag:s11] =	ssyncadd.s32 $0xFFFFFC00  }
0x14f: {  	_ =	swait.ge [sflag:s20], $0x4000  }
0x150: {  	[sflag:s20] =	ssyncset.done $0x0  }
0x151: {  	s31 =	sadd.s32 $0x100, s26;
	[sflag:s20] =	ssyncadd.s32 $0xFFFFC000  }
0x152: {  	[tilespmem:s16], [sflag:$0x1] =	stream.indirect.gather [hbm4b:s4+s15], $0x80, s31, s15, $0xb8;
	[tilespmem:$0x1F000] =	vst v63  }
0x153: {  	_ =	swait.ge [sflag:s21], $0x4000  }
0x154: {  	[sflag:s21] =	ssyncset.done $0x0  }
0x155: {  	s1 =	rddreg [dreg:$0x5];
	[sflag:s21] =	ssyncadd.s32 $0xFFFFC000  }
0x156: {  	[spmem:s2] =	stream.indirect.scatter.add.f32 [tilespmem:s17], [sflag:$0x4], $0x80, s1, s15, $0xb8;
	[tilespmem:$0x1F000] =	vst v63  }
0x157: {  	_ =	swait.ge [sflag:s22], $0x4000  }
0x158: {  	[sflag:s22] =	ssyncset.done $0x0  }
0x159: {  	s28 =	sadd.s32 $0x180, s26;
	[sflag:s22] =	ssyncadd.s32 $0xFFFFC000  }
0x15a: {  	[tilespmem:s17], [sflag:$0x2] =	stream.indirect.gather [hbm4b:s4+s15], $0x80, s28, s15, $0xb8;
	[tilespmem:$0x1F000] =	vst v63  }
0x15b: {  	_ =	swait.ge [sflag:s18], $0x4000  }
0x15c: {  	[sflag:s18] =	ssyncset.done $0x0  }
0x15d: {  	s29 =	rddreg [dreg:$0x6];
	[sflag:s18] =	ssyncadd.s32 $0xFFFFC000  }
0x15e: {  	[spmem:s2] =	stream.indirect.scatter.add.f32 [tilespmem:s16], [sflag:$0x3], $0x80, s29, s15, $0xb8;
	[tilespmem:$0x1F000] =	vst v63  }
0x15f: {  	_ =	swait.ge [sflag:s20], $0x4000  }
0x160: {  	[sflag:s20] =	ssyncset.done $0x0  }
0x161: {  	s30 =	sadd.s32 $0x200, s26;
	[sflag:s20] =	ssyncadd.s32 $0xFFFFC000  }
0x162: {  	[tilespmem:s16], [sflag:$0x1] =	stream.indirect.gather [hbm4b:s4+s15], $0x80, s30, s15, $0xb8;
	[tilespmem:$0x1F000] =	vst v63  }
0x163: {  	_ =	swait.ge [sflag:s21], $0x4000  }
0x164: {  	[sflag:s21] =	ssyncset.done $0x0  }
0x165: {  	s31 =	rddreg [dreg:$0x7];
	[sflag:s21] =	ssyncadd.s32 $0xFFFFC000  }
0x166: {  	[spmem:s2] =	stream.indirect.scatter.add.f32 [tilespmem:s17], [sflag:$0x4], $0x80, s31, s15, $0xb8;
	[tilespmem:$0x1F000] =	vst v63  }
0x167: {  	_ =	swait.ge [sflag:s22], $0x4000  }
0x168: {  	[sflag:s22] =	ssyncset.done $0x0  }
0x169: {  	s1 =	sadd.s32 $0x280, s26;
	[sflag:s22] =	ssyncadd.s32 $0xFFFFC000  }
0x16a: {  	[tilespmem:s17], [sflag:$0x2] =	stream.indirect.gather [hbm4b:s4+s15], $0x80, s1, s15, $0xb8;
	[tilespmem:$0x1F000] =	vst v63  }
0x16b: {  	_ =	swait.ge [sflag:s18], $0x4000  }
0x16c: {  	[sflag:s18] =	ssyncset.done $0x0  }
0x16d: {  	s28 =	rddreg [dreg:$0x8];
	[sflag:s18] =	ssyncadd.s32 $0xFFFFC000  }
0x16e: {  	[spmem:s2] =	stream.indirect.scatter.add.f32 [tilespmem:s16], [sflag:$0x3], $0x80, s28, s15, $0xb8;
	[tilespmem:$0x1F000] =	vst v63  }
0x16f: {  	_ =	swait.ge [sflag:s20], $0x4000  }
0x170: {  	[sflag:s20] =	ssyncset.done $0x0  }
0x171: {  	s29 =	sadd.s32 $0x300, s26;
	[sflag:s20] =	ssyncadd.s32 $0xFFFFC000  }
0x172: {  	[tilespmem:s16], [sflag:$0x1] =	stream.indirect.gather [hbm4b:s4+s15], $0x80, s29, s15, $0xb8;
	[tilespmem:$0x1F000] =	vst v63  }
0x173: {  	_ =	swait.ge [sflag:s21], $0x4000  }
0x174: {  	[sflag:s21] =	ssyncset.done $0x0  }
0x175: {  	s30 =	rddreg [dreg:$0x9];
	[sflag:s21] =	ssyncadd.s32 $0xFFFFC000  }
0x176: {  	[spmem:s2] =	stream.indirect.scatter.add.f32 [tilespmem:s17], [sflag:$0x4], $0x80, s30, s15, $0xb8;
	[tilespmem:$0x1F000] =	vst v63  }
0x177: {  	_ =	swait.ge [sflag:s22], $0x4000  }
0x178: {  	[sflag:s22] =	ssyncset.done $0x0  }
0x179: {  	s31 =	sadd.s32 $0x380, s26;
	[sflag:s22] =	ssyncadd.s32 $0xFFFFC000  }
0x17a: {  	[tilespmem:s17], [sflag:$0x2] =	stream.indirect.gather [hbm4b:s4+s15], $0x80, s31, s15, $0xb8;
	[tilespmem:$0x1F000] =	vst v63  }
0x17b: {  	_ =	swait.ge [sflag:s18], $0x4000  }
0x17c: {  	[sflag:s18] =	ssyncset.done $0x0  }
0x17d: {  	s1 =	rddreg [dreg:$0xa];
	[sflag:s18] =	ssyncadd.s32 $0xFFFFC000  }
0x17e: {  	[spmem:s2] =	stream.indirect.scatter.add.f32 [tilespmem:s16], [sflag:$0x3], $0x80, s1, s15, $0xb8;
	[tilespmem:$0x1F000] =	vst v63  }
0x17f: {  	_ =	swait.ge [sflag:s20], $0x4000  }
0x180: {  	[sflag:s20] =	ssyncset.done $0x0  }
0x181: {  	s28 =	sadd.s32 $0x400, s26;
	[sflag:s20] =	ssyncadd.s32 $0xFFFFC000  }
0x182: {  	[tilespmem:s16], [sflag:$0x1] =	stream.indirect.gather [hbm4b:s4+s15], $0x80, s28, s15, $0xb8;
	[tilespmem:$0x1F000] =	vst v63  }
0x183: {  	_ =	swait.ge [sflag:s21], $0x4000  }
0x184: {  	[sflag:s21] =	ssyncset.done $0x0  }
0x185: {  	s29 =	rddreg [dreg:$0xb];
	[sflag:s21] =	ssyncadd.s32 $0xFFFFC000  }
0x186: {  	[spmem:s2] =	stream.indirect.scatter.add.f32 [tilespmem:s17], [sflag:$0x4], $0x80, s29, s15, $0xb8;
	[tilespmem:$0x1F000] =	vst v63  }
0x187: {  	_ =	swait.ge [sflag:s22], $0x4000  }
0x188: {  	[sflag:s22] =	ssyncset.done $0x0  }
0x189: {  	s30 =	sadd.s32 $0x480, s26;
	[sflag:s22] =	ssyncadd.s32 $0xFFFFC000  }
0x18a: {  	[tilespmem:s17], [sflag:$0x2] =	stream.indirect.gather [hbm4b:s4+s15], $0x80, s30, s15, $0xb8;
	[tilespmem:$0x1F000] =	vst v63  }
0x18b: {  	_ =	swait.ge [sflag:s18], $0x4000  }
0x18c: {  	[sflag:s18] =	ssyncset.done $0x0  }
0x18d: {  	p0 =	seq.s32 s24, $0x8000;
	[sflag:s18] =	ssyncadd.s32 $0xFFFFC000  }
0x18e: {  	[spmem:s2] =	stream.indirect.scatter.add.f32 [tilespmem:s16], [sflag:$0x3], $0x80, s19, s15, $0xb8;
	[tilespmem:$0x1F000] =	vst v63  }
0x18f: {  	s0 =	simm.s32 @!p0 $0x0;
	s1 =	simm.s32 @!p0 $0x2800;
	s28 =	simm.s32 @!p0 $0x5  }
0x190: {  	[tilespmem:s1], [sflag:$0x5] =	stream.linear.gather @!p0 [hbm4b:s25+s0], $0x400, $0x38;
	[tilespmem:$0x1F000] =	vst v63  }
0x191: {  	_ =	swait.ge @!p0 [sflag:s28], $0x400  }
0x192: {  	[sflag:s28] =	ssyncset.done @!p0 $0x0  }
0x193: {  	[sflag:s28] =	ssyncadd.s32 @!p0 $0xFFFFFC00  }
0x194: {  	_ =	swait.ge [sflag:s20], $0x4000  }
0x195: {  	[sflag:s20] =	ssyncset.done $0x0  }
0x196: {  	s31 =	sadd.s32 $0x500, s26;
	[sflag:s20] =	ssyncadd.s32 $0xFFFFC000  }
0x197: {  	[tilespmem:s16], [sflag:$0x1] =	stream.indirect.gather [hbm4b:s4+s15], $0x80, s31, s15, $0xb8;
	[tilespmem:$0x1F000] =	vst v63  }
0x198: {  	_ =	swait.ge [sflag:s21], $0x4000  }
0x199: {  	[sflag:s21] =	ssyncset.done $0x0  }
0x19a: {  	s1 =	rddreg [dreg:$0xc];
	[sflag:s21] =	ssyncadd.s32 $0xFFFFC000  }
0x19b: {  	[spmem:s2] =	stream.indirect.scatter.add.f32 [tilespmem:s17], [sflag:$0x4], $0x80, s1, s15, $0xb8;
	[tilespmem:$0x1F000] =	vst v63  }
0x19c: {  	_ =	swait.ge [sflag:s22], $0x4000  }
0x19d: {  	[sflag:s22] =	ssyncset.done $0x0  }
0x19e: {  	s25 =	sadd.s32 $0x580, s26;
	[sflag:s22] =	ssyncadd.s32 $0xFFFFC000  }
0x19f: {  	[tilespmem:s17], [sflag:$0x2] =	stream.indirect.gather [hbm4b:s4+s15], $0x80, s25, s15, $0xb8;
	[tilespmem:$0x1F000] =	vst v63  }
0x1a0: {  	_ =	swait.ge [sflag:s18], $0x4000  }
0x1a1: {  	[sflag:s18] =	ssyncset.done $0x0  }
0x1a2: {  	s28 =	rddreg [dreg:$0xd];
	[sflag:s18] =	ssyncadd.s32 $0xFFFFC000  }
0x1a3: {  	[spmem:s2] =	stream.indirect.scatter.add.f32 [tilespmem:s16], [sflag:$0x3], $0x80, s28, s15, $0xb8;
	[tilespmem:$0x1F000] =	vst v63  }
0x1a4: {  	_ =	swait.ge [sflag:s20], $0x4000  }
0x1a5: {  	[sflag:s20] =	ssyncset.done $0x0  }
0x1a6: {  	s29 =	sadd.s32 $0x600, s26;
	[sflag:s20] =	ssyncadd.s32 $0xFFFFC000  }
0x1a7: {  	[tilespmem:s16], [sflag:$0x1] =	stream.indirect.gather [hbm4b:s4+s15], $0x80, s29, s15, $0xb8;
	[tilespmem:$0x1F000] =	vst v63  }
0x1a8: {  	_ =	swait.ge [sflag:s21], $0x4000  }
0x1a9: {  	[sflag:s21] =	ssyncset.done $0x0  }
0x1aa: {  	s30 =	rddreg [dreg:$0xe];
	[sflag:s21] =	ssyncadd.s32 $0xFFFFC000  }
0x1ab: {  	[spmem:s2] =	stream.indirect.scatter.add.f32 [tilespmem:s17], [sflag:$0x4], $0x80, s30, s15, $0xb8;
	[tilespmem:$0x1F000] =	vst v63  }
0x1ac: {  	_ =	swait.ge [sflag:s22], $0x4000  }
0x1ad: {  	[sflag:s22] =	ssyncset.done $0x0  }
0x1ae: {  	s31 =	sadd.s32 $0x680, s26;
	[sflag:s22] =	ssyncadd.s32 $0xFFFFC000  }
0x1af: {  	[tilespmem:s17], [sflag:$0x2] =	stream.indirect.gather [hbm4b:s4+s15], $0x80, s31, s15, $0xb8;
	[tilespmem:$0x1F000] =	vst v63  }
0x1b0: {  	_ =	swait.ge [sflag:s18], $0x4000  }
0x1b1: {  	[sflag:s18] =	ssyncset.done $0x0  }
0x1b2: {  	s1 =	rddreg [dreg:$0xf];
	[sflag:s18] =	ssyncadd.s32 $0xFFFFC000  }
0x1b3: {  	[spmem:s2] =	stream.indirect.scatter.add.f32 [tilespmem:s16], [sflag:$0x3], $0x80, s1, s15, $0xb8;
	[tilespmem:$0x1F000] =	vst v63  }
0x1b4: {  	_ =	swait.ge [sflag:s20], $0x4000  }
0x1b5: {  	[sflag:s20] =	ssyncset.done $0x0  }
0x1b6: {  	s25 =	sadd.s32 $0x700, s26;
	[sflag:s20] =	ssyncadd.s32 $0xFFFFC000  }
0x1b7: {  	[tilespmem:s16], [sflag:$0x1] =	stream.indirect.gather [hbm4b:s4+s15], $0x80, s25, s15, $0xb8;
	[tilespmem:$0x1F000] =	vst v63  }
0x1b8: {  	_ =	swait.ge [sflag:s21], $0x4000  }
0x1b9: {  	[sflag:s21] =	ssyncset.done $0x0  }
0x1ba: {  	s28 =	rddreg [dreg:$0x10];
	[sflag:s21] =	ssyncadd.s32 $0xFFFFC000  }
0x1bb: {  	[spmem:s2] =	stream.indirect.scatter.add.f32 [tilespmem:s17], [sflag:$0x4], $0x80, s28, s15, $0xb8;
	[tilespmem:$0x1F000] =	vst v63  }
0x1bc: {  	_ =	swait.ge [sflag:s22], $0x4000  }
0x1bd: {  	[sflag:s22] =	ssyncset.done $0x0  }
0x1be: {  	s29 =	sadd.s32 $0x780, s26;
	[sflag:s22] =	ssyncadd.s32 $0xFFFFC000  }
0x1bf: {  	[tilespmem:s17], [sflag:$0x2] =	stream.indirect.gather [hbm4b:s4+s15], $0x80, s29, s15, $0xb8;
	[tilespmem:$0x1F000] =	vst v63  }
0x1c0: {  	_ =	swait.ge [sflag:s18], $0x4000  }
0x1c1: {  	[sflag:s18] =	ssyncset.done $0x0  }
0x1c2: {  	s30 =	rddreg [dreg:$0x11];
	[sflag:s18] =	ssyncadd.s32 $0xFFFFC000  }
0x1c3: {  	[spmem:s2] =	stream.indirect.scatter.add.f32 [tilespmem:s16], [sflag:$0x3], $0x80, s30, s15, $0xb8;
	[tilespmem:$0x1F000] =	vst v63  }
0x1c4: {  	_ =	swait.ge [sflag:s20], $0x4000  }
0x1c5: {  	s0 =	sshra.s32 @!p0 s24, $0x2;
	s24 =	simm.s32 @!p0 $0x3000;
	[sflag:s20] =	ssyncset.done $0x0  }
0x1c6: {  	s0 =	sadd.s32 @!p0 $0x800, s0;
	s1 =	simm.s32 @!p0 $0x80;
	[sflag:s20] =	ssyncadd.s32 $0xFFFFC000  }
0x1c7: {  	[tilespmem:s24], [sflag:$0x1] =	stream.indirect.gather @!p0 [hbm4b:s4+s1], $0x80, s0, s1, $0xb8;
	[tilespmem:$0x1F000] =	vst v63  }
0x1c8: {  	_ =	swait.ge [sflag:s21], $0x4000  }
0x1c9: {  	[sflag:s21] =	ssyncset.done $0x0  }
0x1ca: {  	s31 =	rddreg [dreg:$0x12];
	[sflag:s21] =	ssyncadd.s32 $0xFFFFC000  }
0x1cb: {  	[spmem:s2] =	stream.indirect.scatter.add.f32 [tilespmem:s17], [sflag:$0x4], $0x80, s31, s15, $0xb8;
	[tilespmem:$0x1F000] =	vst v63  }
0x1cc: {  	_ =	swait.ge [sflag:s22], $0x4000  }
0x1cd: {  	s23 =	sadd.s32 $0x1, s23;
	[sflag:s22] =	ssyncset.done $0x0  }
0x1ce: {  	p0 =	sne.s32 s23, s9;
	[sflag:s22] =	ssyncadd.s32 $0xFFFFC000  }
.Ltmp1:
0x1cf: {  	[bflag:$0x0] =	sbarrier.arrive $0xFFFF;
	(pc) =	sbr.rel @p0 .LBB2_1-.Ltmp1, $4  }
0x1d0: {  	[hbm:s8], [sflag:s13] =	dma.local [spmem:s14], $0x2800  }
0x1d1: {  	_ =	swait.ge [sflag:s11], $0x2800  }
0x1d2: {  	[sflag:s11] =	ssyncset.done $0x0  }
0x1d3: {  	[sflag:s11] =	ssyncadd.s32 $0xFFFFD800  }
0x1d4: {  	_ =	sfence.sel $0x180000  }
0x1d5: {  	[bflag:$0x0] =	sbarrier.arrive $0xFFFF  }
0x1d6: {  	_ =	strace $0x9000004A  }
0x1d7: {  	s0 =	stileid.u32;
	[bflag:$0x2] =	sbarrier.arrive $0xFFFF  }
0x1d8: {  	p0 =	sne.s32 s0, $0x0;
	s0 =	rddreg [dreg:$0x4]  }
0x1d9: {  	s0 =	sadd.s32 @!p0 $0x100000, s0  }
0x1da: {  	[sflag:s0] =	ssyncadd.tile.s32 @!p0 $0x1;
	_ =	shalt  }
.Lfunc_end2:
_tile_overlayer_lowered:
.L_overlay_start_2:
0x1db: {  	(tag) =	ssettag $0x2  }
0x1dc: {  	s0 =	rddreg [dreg:$0x0];
	s2 =	stileid.u32  }
0x1dd: {  	s1 =	rddreg [dreg:$0x1];
	p0 =	sne.s32 s2, $0x0  }
0x1de: {  	s3 =	rddreg [dreg:$0x2];
	[bflag:$0x3] =	sbarrier.arrive $0xFFFF;
	s2 =	simm.s32 @!p0 $0x1C05  }
0x1df: {  	[timem:s3], [sflag:s2] =	dma.local @!p0 [hbm:s0], s1  }
0x1e0: {  	s0 =	simm.s32 @!p0 $0x5  }
0x1e1: {  	_ =	swait.ge @!p0 [sflag:s0], s1  }
0x1e2: {  	s1 =	ssub.s32 @!p0 $0x0, s1;
	[sflag:s0] =	ssyncset.done @!p0 $0x0  }
0x1e3: {  	[sflag:s0] =	ssyncadd.s32 @!p0 s1  }
0x1e4: {  	[bflag:$0x3] =	sbarrier.arrive $0xFFFF  }
0x1e5: {  	_ =	shalt  }

// kernel: kernel.14.cloned.1.call-start
scs
__scs_entry_jumppad:
0x0: {  	(pc) =	sbr.rel $0x88, $3  }
0x1: {  	(tag) =	ssettag $0x0;
	lr =	simm.s32 $0x1  }
0x2: {  	[smem:$0x3F99] =	sst lr;
	_ =	strace $0xD0000000  }
0x3: {  	_ = 	snop  }
0x4: {  	_ = 	snop  }
0x5: {  	_ = 	snop  }
0x6: {  	_ = 	snop  }
0x7: {  	_ = 	snop  }
__scs_overlays_trampoline_lowered:
0x8: {  	[smem:$0x3FA8] =	sst s0  }
0x9: {  	[smem:$0x3FA9] =	sst s1  }
0xa: {  	[smem:$0x3FAA] =	sst s2  }
0xb: {  	[smem:$0x3FAB] =	sst s3  }
0xc: {  	[smem:$0x3FAC] =	sst s4  }
0xd: {  	[smem:$0x3FAD] =	sst s5  }
0xe: {  	[smem:$0x3FAE] =	sst s6  }
0xf: {  	[smem:$0x3FAF] =	sst s7  }
0x10: {  	[smem:$0x3FB0] =	sst s8  }
0x11: {  	[smem:$0x3FB1] =	sst s9;
	s0 =	simm.s32 @!p0 $0x0  }
0x12: {  	s1 =	sld [smem:$0x3F97];
	s0 =	simm.s32 @p0 $0x1  }
0x13: {  	[smem:$0x3FB2] =	sst s0;
	s0 =	simm.s32 @!p1 $0x0  }
0x14: {  	s2 =	sld [smem:$0x3F96];
	s0 =	simm.s32 @p1 $0x1  }
0x15: {  	[smem:$0x3FB3] =	sst s0;
	s0 =	simm.s32 @!p2 $0x0  }
0x16: {  	s3 =	sld [smem:$0x3FDB];
	s0 =	simm.s32 @p2 $0x1  }
0x17: {  	s4 =	simm.s32 $0x1BF5;
	[smem:$0x3FB5] =	sst s0  }
0x18: {  	s0 =	sld [smem:$0x3F98];
	_ =	swait.ge [sflag:s4], $0x0  }
0x19: {  	s7 =	sld [smem:$0x3F99]  }
0x1a: {  	s8 =	sadd.s32 $0xFFFFE003, lr  }
0x1b: {  	s9 =	sadd.s32 $0xFFFFFEF7, lr;
	s5 =	simm.s32 $0xFFFFFFFF;
	p2 =	slt.u32 s8, $0xFFFFF086  }
0x1c: {  	p1 =	slt.u32 s9, $0xF7A;
	s5 =	simm.s32 @!p2 $0x0  }
0x1d: {  	s5 =	simm.s32 @p1 $0x1;
	p0 =	seq.s32 s7, s2  }
0x1e: {  	s7 =	smul.u32 @!p0 $0xF7A, s2;
	p2 =	seq.s32 @!p0 s5, $0x0  }
0x1f: {  	s9 =	smul.u32 $0xF7A, s1;
	s8 =	simm.s32 @!p0 $0x1BF5;
	p2 =	por !p2, p0  }
0x20: {  	[sflag:s8] =	ssyncset.s32 @!p0 $0xFFFFF086;
	s6 =	sadd.s32 @!p0 s3, s7;
	s7 =	simm.s32 @!p0 $0x108  }
0x21: {  	s3 =	sadd.s32 s3, s9;
	s6 =	sadd.s32 @!p0 $0x88, s6;
	s7 =	simm.s32 @p2 $0x1082  }
0x22: {  	[simem:s7], [sflag:s8] =	dma.local @!p0 [hbm:s6], $0xF7A  }
0x23: {  	s9 =	sor.u32 $0xD0000000, s2;
	s6 =	simm.s32 $0x108;
	_ =	swait.ge @!p0 [sflag:s8], $0x0  }
0x24: {  	s3 =	sadd.s32 $0x88, s3;
	s6 =	simm.s32 @!p1 $0x1082;
	[sflag:s4] =	ssyncset.s32 $0xFFFFF086  }
0x25: {  	[simem:s6], [sflag:s4] =	dma.local [hbm:s3], $0xF7A  }
0x26: {  	[smem:$0x3F99] =	sst s1;
	(tag) =	ssettag s2;
	_ =	strace s9  }
0x27: {  	s1 =	sld [smem:$0x3FA9]  }
0x28: {  	s2 =	sld [smem:$0x3FAA]  }
0x29: {  	s4 =	sld [smem:$0x3FAC]  }
0x2a: {  	p0 =	seq.s32 s5, $0x0;
	s5 =	sld [smem:$0x3FAD]  }
0x2b: {  	s6 =	sld [smem:$0x3FAE]  }
0x2c: {  	s7 =	sld [smem:$0x3FAF]  }
0x2d: {  	s3 =	simm.s32 $0x108;
	s8 =	sld [smem:$0x3FB0]  }
0x2e: {  	s3 =	simm.s32 @!p0 $0x1082;
	s9 =	sld [smem:$0x3FB1]  }
0x2f: {  	lr =	sadd.s32 s0, s3;
	s0 =	sld [smem:$0x3FA8]  }
0x30: {  	s3 =	sld [smem:$0x3FAB]  }
0x31: {  	[smem:$0x3FB4] =	sst s10  }
0x32: {  	s10 =	sld [smem:$0x3FB2];
	_ =	sdelay $0x3  }
0x33: {  	p0 =	seq.s32 s10, $0x1;
	s10 =	sld [smem:$0x3FB4];
	_ =	sdelay $0x3  }
0x34: {  	[smem:$0x3FB4] =	sst s10  }
0x35: {  	s10 =	sld [smem:$0x3FB3];
	_ =	sdelay $0x3  }
0x36: {  	p1 =	seq.s32 s10, $0x1;
	s10 =	sld [smem:$0x3FB4];
	_ =	sdelay $0x3  }
0x37: {  	[smem:$0x3FB4] =	sst s10  }
0x38: {  	s10 =	sld [smem:$0x3FB5]  }
0x39: {  	_ = 	snop;
	(pc) =	sbr.ind lr, $3  }
0x3a: {  	_ = 	snop  }
0x3b: {  	_ = 	snop  }
0x3c: {  	p2 =	seq.s32 s10, $0x1;
	s10 =	sld [smem:$0x3FB4]  }
0x3d: {  	_ =	shalt  }
0x3e: {  	_ =	shalt  }
0x3f: {  	_ =	shalt  }
0x40: {  	_ =	shalt  }
0x41: {  	_ =	shalt  }
0x42: {  	_ =	shalt  }
0x43: {  	_ =	shalt  }
0x44: {  	_ =	shalt  }
0x45: {  	_ =	shalt  }
0x46: {  	_ =	shalt  }
0x47: {  	_ =	shalt  }
0x48: {  	_ =	shalt  }
0x49: {  	_ =	shalt  }
0x4a: {  	_ =	shalt  }
0x4b: {  	_ =	shalt  }
0x4c: {  	_ =	shalt  }
0x4d: {  	_ =	shalt  }
0x4e: {  	_ =	shalt  }
0x4f: {  	_ =	shalt  }
0x50: {  	_ =	shalt  }
0x51: {  	_ =	shalt  }
0x52: {  	_ =	shalt  }
0x53: {  	_ =	shalt  }
0x54: {  	_ =	shalt  }
0x55: {  	_ =	shalt  }
0x56: {  	_ =	shalt  }
0x57: {  	_ =	shalt  }
0x58: {  	_ =	shalt  }
0x59: {  	_ =	shalt  }
0x5a: {  	_ =	shalt  }
0x5b: {  	_ =	shalt  }
0x5c: {  	_ =	shalt  }
0x5d: {  	_ =	shalt  }
0x5e: {  	_ =	shalt  }
0x5f: {  	_ =	shalt  }
0x60: {  	_ =	shalt  }
0x61: {  	_ =	shalt  }
0x62: {  	_ =	shalt  }
0x63: {  	_ =	shalt  }
0x64: {  	_ =	shalt  }
0x65: {  	_ =	shalt  }
0x66: {  	_ =	shalt  }
0x67: {  	_ =	shalt  }
0x68: {  	_ =	shalt  }
0x69: {  	_ =	shalt  }
0x6a: {  	_ =	shalt  }
0x6b: {  	_ =	shalt  }
0x6c: {  	_ =	shalt  }
0x6d: {  	_ =	shalt  }
0x6e: {  	_ =	shalt  }
0x6f: {  	_ =	shalt  }
0x70: {  	_ =	shalt  }
0x71: {  	_ =	shalt  }
0x72: {  	_ =	shalt  }
0x73: {  	_ =	shalt  }
0x74: {  	_ =	shalt  }
0x75: {  	_ =	shalt  }
0x76: {  	_ =	shalt  }
0x77: {  	_ =	shalt  }
0x78: {  	_ =	shalt  }
0x79: {  	_ =	shalt  }
0x7a: {  	_ =	shalt  }
0x7b: {  	_ =	shalt  }
0x7c: {  	_ =	shalt  }
0x7d: {  	_ =	shalt  }
0x7e: {  	_ =	shalt  }
0x7f: {  	_ =	shalt  }
0x80: {  	_ =	shalt  }
0x81: {  	_ =	shalt  }
0x82: {  	_ =	shalt  }
0x83: {  	_ =	shalt  }
0x84: {  	_ =	shalt  }
0x85: {  	_ =	shalt  }
0x86: {  	_ =	shalt  }
0x87: {  	_ =	shalt  }
.Lfunc_end0:
.L_simem_size_0:
called_computation.2_lowered:
.L_overlay_start_0:
0x88: {  	s2 =	sld [smem:$0x3FD9]  }
0x89: {  	s3 =	sld [smem:$0x3FFE];
	_ =	sdelay $0x1  }
0x8a: {  	s1 =	srdreg.scid  }
0x8b: {  	s0 =	sand.u32 $0x1, s1  }
0x8c: {  	s14 =	sshll.u32 s0, $0xA;
	s2 =	sadd.s32 s3, s2  }
0x8d: {  	s2 =	sadd.s32 s2, s14  }
0x8e: {  	[smem:$0x3FC0] =	sst s2  }
0x8f: {  	_ = 	snop  }
0x90: {  	s2 =	sld [smem:$0x3FD0];
	_ =	sdelay $0x2  }
0x91: {  	s15 =	simm.s32 $0xA;
	s4 =	simm.s32 $0x10  }
0x92: {  	[smem:s4], [sflag:s15] =	dma.local [hbm:s2], $0x1  }
0x93: {  	_ =	swait.eq [sflag:s15], $0x1  }
0x94: {  	[sflag:s15] =	ssyncset.done $0x0  }
0x95: {  	s16 =	sld [smem:$0x11];
	[sflag:s15] =	ssyncadd.s32 $0xFFFFFFFF  }
0x96: {  	s17 =	sld [smem:$0x12];
	(tm) =	ssettm $0x1  }
0x97: {  	s18 =	sld [smem:$0x3FFB];
	_ =	sdelay $0x3  }
0x98: {  	_ =	strace s18  }
0x99: {  	s4 =	sld [smem:$0x3FFC];
	_ =	sdelay $0x3  }
0x9a: {  	_ =	strace s4  }
0x9b: {  	s4 =	sld [smem:$0x3FFD];
	_ =	sdelay $0x3  }
0x9c: {  	_ =	strace s4  }
0x9d: {  	_ =	strace $0x8FFFFFFF  }
0x9e: {  	s19 =	sld [smem:$0x3FDB];
	_ =	sdelay $0x1  }
0x9f: {  	s5 =	simm.s32 $_scs_section_size  }
0xa0: {  	s6 =	simm.s32 $_size__tile_overlayer_lowered;
	s7 =	simm.s32 $_tile_overlayer_lowered  }
0xa1: {  	s22 =	simm.s32 $0x1BFF;
	s21 =	sshll.u32 s7, $0x1;
	s4 =	sadd.s32 s5, s19  }
0xa2: {  	s8 =	simm.s32 $0x0;
	s20 =	sshll.u32 s6, $0x1;
	s6 =	sadd.s32 s21, s4  }
0xa3: {  	[timem:s8], [sflag:s22] =	dma.local [hbm:s6], s20  }
0xa4: {  	_ =	swait.ge [sflag:s22], s20  }
0xa5: {  	s5 =	ssub.s32 $0x0, s20;
	[sflag:s22] =	ssyncset.done $0x0  }
0xa6: {  	[sflag:s22] =	ssyncadd.s32 s5;
	_ =	sdelay $0x1  }
0xa7: {  	s23 =	simm.s32 $0x1B8B  }
0xa8: {  	_ =	swait.ge [sflag:s23], $0x1  }
0xa9: {  	[sflag:s23] =	ssyncset.done $0x0  }
0xaa: {  	s25 =	simm.s32 $0x1B8E;
	s24 =	sld [smem:$0x3FFE];
	[sflag:s23] =	ssyncadd.s32 $0xFFFFFFFF  }
0xab: {  	s26 =	simm.s32 $execute0_lowered;
	[smem:$0x3FD2] =	sst s25  }
0xac: {  	s6 =	sshll.u32 s26, $0x1;
	_ =	strace $0x8000004C;
	[dreg:$0x1] =	wrdreg $0xFFFFFFFF  }
0xad: {  	s28 =	simm.s32 $_size_execute0_lowered;
	s4 =	sadd.s32 s4, s6;
	[dreg:$0x0] =	wrdreg $0x0  }
0xae: {  	s6 =	sshll.u32 s28, $0x1;
	[dreg:$0x2] =	wrdreg s4  }
0xaf: {  	[dreg:$0x3] =	wrdreg s6  }
0xb0: {  	[dreg:$0x4] =	wrdreg $0xC0  }
0xb1: {  	_ =	task [dreg:s8], $0x5FFFF  }
0xb2: {  	[dreg:$0x1] =	wrdreg $0xFFFFFFFF  }
0xb3: {  	[dreg:$0x0] =	wrdreg $0x60  }
0xb4: {  	[dreg:$0x2] =	wrdreg s24  }
0xb5: {  	[dreg:$0x3] =	wrdreg s16  }
0xb6: {  	[dreg:$0x4] =	wrdreg s17  }
0xb7: {  	[dreg:$0x5] =	wrdreg $0xB0000  }
0xb8: {  	[dreg:$0x6] =	wrdreg $0x9  }
0xb9: {  	_ =	task.clear_ibuf [dreg:s8], $0x7FFFF;
	_ =	strace $0x9000004C  }
0xba: {  	s29 =	simm.s32 $0x9;
	_ =	strace $0x8000004E  }
0xbb: {  	_ =	swait.ge [sflag:s29], $0x1  }
0xbc: {  	[sflag:s29] =	ssyncadd.s32 $0xFFFFFFFF  }
0xbd: {  	_ =	strace $0x9000004E  }
0xbe: {  	_ =	sfence  }
0xbf: {  	s30 =	sld [smem:$0x0];
	_ =	sdelay $0x2  }
0xc0: {  	s31 =	sshll.u32 s1, $0xD;
	s1 =	sshrl.u32 s1, $0x2  }
0xc1: {  	s3 =	sand.u32 $0x4000, s31;
	s1 =	sadd.s32 s1, s30  }
0xc2: {  	s0 =	sor.u32 s3, s0;
	s1 =	sshll.u32 s1, $0x11  }
0xc3: {  	s0 =	sor.u32 s1, s0  }
0xc4: {  	s0 =	sadd.s32 $0x8F2B, s0  }
0xc5: {  	[sflag:s0] =	ssyncadd.remote.s32 $0x1  }
0xc6: {  	_ =	sfence.sel $0xFFFF  }
0xc7: {  	[dreg:$0x0] =	wrdreg $0xFFFFFFFF;
	(pc) =	sbr.abs _section_cstart, $3  }
0xc8: {  	[dreg:$0x1] =	wrdreg $0xFFFFFFFF  }
0xc9: {  	_ =	task.clear_ibuf [dreg:s8], $0x2FFFF;
	_ =	strace $0x9FFFFFFF  }
0xca: {  	(tm) =	ssettm $0x7FFFFFFF  }
0xcb: {  	_ =	shalt  }
tec
execute0_lowered:
.L_overlay_start_1:
0x0: {  	(tag) =	ssettag $0x1  }
0x1: {  	s5 =	rddreg [dreg:$0x0]  }
0x2: {  	s6 =	rddreg [dreg:$0x1]  }
0x3: {  	s9 =	rddreg [dreg:$0x2]  }
0x4: {  	s2 =	rddreg [dreg:$0x3]  }
0x5: {  	s3 =	simm.s32 $0x0;
	s0 =	stileid.u32;
	s4 =	srdreg.scid  }
0x6: {  	s24 =	simm.s32 $0x2880;
	s25 =	simm.s32 $0x2900;
	s26 =	simm.s32 $0x2980  }
0x7: {  	s28 =	simm.s32 $0x2A00;
	s16 =	simm.s32 $0x2A80;
	[smem:$0x7FF] =	sst s3  }
0x8: {  	s30 =	simm.s32 $0x2B00;
	_ =	strace $0x8000004D;
	[dreg:$0x5] =	wrdreg s24  }
0x9: {  	s31 =	simm.s32 $0x2B80;
	s17 =	simm.s32 $0x2C80;
	[dreg:$0x6] =	wrdreg s25  }
0xa: {  	s7 =	smul.u32 $0x14000, s0;
	s8 =	sand.u32 $0x1, s4;
	[dreg:$0x7] =	wrdreg s26  }
0xb: {  	s11 =	sshll.u32 s0, $0x1;
	s14 =	smul.u32 $0x50000, s0;
	[dreg:$0x8] =	wrdreg s28  }
0xc: {  	s4 =	sadd.s32 $0x52800, s5;
	s20 =	smul.u32 $0xA00, s0;
	[dreg:$0x9] =	wrdreg s16  }
0xd: {  	s29 =	sshll.u32 s0, $0x6;
	s10 =	smul.u32 $0x140000, s8;
	[dreg:$0xa] =	wrdreg s30  }
0xe: {  	s11 =	sor.u32 s8, s11;
	s18 =	ssub.s32 $0x2, s8;
	[dreg:$0xb] =	wrdreg s31  }
0xf: {  	s21 =	smul.u32 $0x500, s8;
	s16 =	simm.s32 $0x3000;
	[dreg:$0xc] =	wrdreg s17  }
0x10: {  	s17 =	simm.s32 $0x7000;
	s12 =	sshrl.u32 s7, $0x3;
	s11 =	smul.u32 $0x500, s11  }
0x11: {  	s13 =	sshrl.u32 s18, $0x1;
	s19 =	sshrl.u32 s14, $0x2;
	s22 =	sadd.s32 s20, s9  }
0x12: {  	s20 =	simm.s32 $0x2E00;
	s7 =	sadd.s32 s7, s10;
	s12 =	sadd.s32 s12, s5  }
0x13: {  	s10 =	ssub.s32 s18, s13;
	s14 =	sadd.s32 s19, s2;
	s23 =	sadd.s32 s21, s22  }
0x14: {  	s13 =	sor.u32 $0x1C05, s29;
	s18 =	simm.s32 $0x2D00;
	s19 =	simm.s32 $0x2D80  }
0x15: {  	[dreg:$0xf] =	wrdreg s20;
	s21 =	simm.s32 $0x2E80;
	s20 =	simm.s32 $0x3  }
0x16: {  	s22 =	simm.s32 $0x2F00;
	s7 =	sshrl.u32 s7, $0x3;
	[dreg:$0xd] =	wrdreg s18  }
0x17: {  	s14 =	sshrl.u32 s14, $0x3;
	s18 =	simm.s32 $0x1;
	[dreg:$0xe] =	wrdreg s19  }
0x18: {  	s19 =	simm.s32 $0x2C00;
	[dreg:$0x10] =	wrdreg s21;
	s21 =	simm.s32 $0x2  }
0x19: {  	[dreg:$0x11] =	wrdreg s22;
	s22 =	simm.s32 $0x4;
	s15 =	sadd.s32 s7, s5  }
0x1a: {  	s5 =	sadd.s32 s6, s11;
	s6 =	sadd.s32 s9, s11;
	s7 =	sadd.s32 $0x79A00, s12  }
0x1b: {  	s9 =	smax.u32 s10, $0x1;
	s10 =	sadd.s32 $0x100, s23;
	s11 =	simm.s32 $0x5  }
0x1c: {  	s12 =	simm.s32 $0x2800;
	s23 =	simm.s32 $0x2F80;
	s8 =	sadd.s32 $0xA1A00, s15  }
0x1d: {  	s15 =	simm.s32 $0x80;
	[dreg:$0x12] =	wrdreg s23;
	s23 =	simm.s32 $0x0  }
.LBB2_1:
0x1e: {  	[tilespmem:s3], [sflag:$0x5] =	stream.linear.gather [hbm4b:s5+s3], $0x2800, $0x38;
	[tilespmem:$0x1F000] =	vst v63  }
0x1f: {  	_ =	swait.ge [sflag:s11], $0x2800  }
0x20: {  	[sflag:s11] =	ssyncset.done $0x0  }
0x21: {  	[sflag:s11] =	ssyncadd.s32 $0xFFFFD800  }
0x22: {  	[tilespmem:s12], [sflag:$0x5] =	stream.linear.gather [hbm4b:s6+s3], $0x400, $0x38;
	[tilespmem:$0x1F000] =	vst v63  }
0x23: {  	_ =	swait.ge [sflag:s11], $0x400  }
0x24: {  	[sflag:s11] =	ssyncset.done $0x0  }
0x25: {  	[sflag:s11] =	ssyncadd.s32 $0xFFFFFC00  }
0x26: {  	[spmem:s14], [sflag:s13] =	dma.local [hbm:s7], $0x2800  }
0x27: {  	_ =	swait.ge [sflag:s11], $0x2800  }
0x28: {  	p0 =	por $0x1, $0x1;
	[sflag:s11] =	ssyncset.done $0x0  }
0x29: {  	p0 =	por p0, p0;
	[sflag:s11] =	ssyncadd.s32 $0xFFFFD800  }
0x2a: {  	s24 =	simm.s32 @!p0 $0x4;
	[bflag:$0x0] =	sbarrier.arrive $0xFFFF  }
0x2b: {  	[tilespmem:s16], [sflag:$0x1] =	stream.indirect.gather [hbm4b:s4+s15], $0x80, s3, s15, $0xb8;
	[tilespmem:$0x1F000] =	vst v63  }
0x2c: {  	_ =	swait.ge @!p0 [sflag:s24], $0x4000  }
0x2d: {  	[sflag:s24] =	ssyncset.done @!p0 $0x0  }
0x2e: {  	s31 =	simm.s32 $0x80;
	[sflag:s24] =	ssyncadd.s32 @!p0 $0xFFFFC000  }
0x2f: {  	[tilespmem:s17], [sflag:$0x2] =	stream.indirect.gather [hbm4b:s4+s15], $0x80, s31, s15, $0xb8;
	[tilespmem:$0x1F000] =	vst v63  }
0x30: {  	_ =	swait.ge [sflag:s18], $0x4000  }
0x31: {  	[sflag:s18] =	ssyncset.done $0x0  }
0x32: {  	[sflag:s18] =	ssyncadd.s32 $0xFFFFC000  }
0x33: {  	[spmem:s2] =	stream.indirect.scatter.add.f32 [tilespmem:s16], [sflag:$0x3], $0x80, s12, s15, $0xb8;
	[tilespmem:$0x1F000] =	vst v63  }
0x34: {  	s0 =	sadd.s32 $0xFFFFFF80, s10  }
0x35: {  	[tilespmem:s19], [sflag:$0x5] =	stream.linear.gather [hbm4b:s0+s3], $0x400, $0x38;
	[tilespmem:$0x1F000] =	vst v63  }
0x36: {  	_ =	swait.ge [sflag:s11], $0x400  }
0x37: {  	[sflag:s11] =	ssyncset.done $0x0  }
0x38: {  	[sflag:s11] =	ssyncadd.s32 $0xFFFFFC00  }
0x39: {  	_ =	swait.ge [sflag:s20], $0x4000  }
0x3a: {  	[sflag:s20] =	ssyncset.done $0x0  }
0x3b: {  	s1 =	simm.s32 $0x100;
	[sflag:s20] =	ssyncadd.s32 $0xFFFFC000  }
0x3c: {  	[tilespmem:s16], [sflag:$0x1] =	stream.indirect.gather [hbm4b:s4+s15], $0x80, s1, s15, $0xb8;
	[tilespmem:$0x1F000] =	vst v63  }
0x3d: {  	_ =	swait.ge [sflag:s21], $0x4000  }
0x3e: {  	[sflag:s21] =	ssyncset.done $0x0  }
0x3f: {  	s25 =	rddreg [dreg:$0x5];
	[sflag:s21] =	ssyncadd.s32 $0xFFFFC000  }
0x40: {  	[spmem:s2] =	stream.indirect.scatter.add.f32 [tilespmem:s17], [sflag:$0x4], $0x80, s25, s15, $0xb8;
	[tilespmem:$0x1F000] =	vst v63  }
0x41: {  	_ =	swait.ge [sflag:s22], $0x4000  }
0x42: {  	[sflag:s22] =	ssyncset.done $0x0  }
0x43: {  	s26 =	simm.s32 $0x180;
	[sflag:s22] =	ssyncadd.s32 $0xFFFFC000  }
0x44: {  	[tilespmem:s17], [sflag:$0x2] =	stream.indirect.gather [hbm4b:s4+s15], $0x80, s26, s15, $0xb8;
	[tilespmem:$0x1F000] =	vst v63  }
0x45: {  	_ =	swait.ge [sflag:s18], $0x4000  }
0x46: {  	[sflag:s18] =	ssyncset.done $0x0  }
0x47: {  	s29 =	rddreg [dreg:$0x6];
	[sflag:s18] =	ssyncadd.s32 $0xFFFFC000  }
0x48: {  	[spmem:s2] =	stream.indirect.scatter.add.f32 [tilespmem:s16], [sflag:$0x3], $0x80, s29, s15, $0xb8;
	[tilespmem:$0x1F000] =	vst v63  }
0x49: {  	_ =	swait.ge [sflag:s20], $0x4000  }
0x4a: {  	[sflag:s20] =	ssyncset.done $0x0  }
0x4b: {  	s30 =	simm.s32 $0x200;
	[sflag:s20] =	ssyncadd.s32 $0xFFFFC000  }
0x4c: {  	[tilespmem:s16], [sflag:$0x1] =	stream.indirect.gather [hbm4b:s4+s15], $0x80, s30, s15, $0xb8;
	[tilespmem:$0x1F000] =	vst v63  }
0x4d: {  	_ =	swait.ge [sflag:s21], $0x4000  }
0x4e: {  	[sflag:s21] =	ssyncset.done $0x0  }
0x4f: {  	s31 =	rddreg [dreg:$0x7];
	[sflag:s21] =	ssyncadd.s32 $0xFFFFC000  }
0x50: {  	[spmem:s2] =	stream.indirect.scatter.add.f32 [tilespmem:s17], [sflag:$0x4], $0x80, s31, s15, $0xb8;
	[tilespmem:$0x1F000] =	vst v63  }
0x51: {  	_ =	swait.ge [sflag:s22], $0x4000  }
0x52: {  	[sflag:s22] =	ssyncset.done $0x0  }
0x53: {  	s0 =	simm.s32 $0x280;
	[sflag:s22] =	ssyncadd.s32 $0xFFFFC000  }
0x54: {  	[tilespmem:s17], [sflag:$0x2] =	stream.indirect.gather [hbm4b:s4+s15], $0x80, s0, s15, $0xb8;
	[tilespmem:$0x1F000] =	vst v63  }
0x55: {  	_ =	swait.ge [sflag:s18], $0x4000  }
0x56: {  	[sflag:s18] =	ssyncset.done $0x0  }
0x57: {  	s1 =	rddreg [dreg:$0x8];
	[sflag:s18] =	ssyncadd.s32 $0xFFFFC000  }
0x58: {  	[spmem:s2] =	stream.indirect.scatter.add.f32 [tilespmem:s16], [sflag:$0x3], $0x80, s1, s15, $0xb8;
	[tilespmem:$0x1F000] =	vst v63  }
0x59: {  	_ =	swait.ge [sflag:s20], $0x4000  }
0x5a: {  	[sflag:s20] =	ssyncset.done $0x0  }
0x5b: {  	s25 =	simm.s32 $0x300;
	[sflag:s20] =	ssyncadd.s32 $0xFFFFC000  }
0x5c: {  	[tilespmem:s16], [sflag:$0x1] =	stream.indirect.gather [hbm4b:s4+s15], $0x80, s25, s15, $0xb8;
	[tilespmem:$0x1F000] =	vst v63  }
0x5d: {  	_ =	swait.ge [sflag:s21], $0x4000  }
0x5e: {  	[sflag:s21] =	ssyncset.done $0x0  }
0x5f: {  	s26 =	rddreg [dreg:$0x9];
	[sflag:s21] =	ssyncadd.s32 $0xFFFFC000  }
0x60: {  	[spmem:s2] =	stream.indirect.scatter.add.f32 [tilespmem:s17], [sflag:$0x4], $0x80, s26, s15, $0xb8;
	[tilespmem:$0x1F000] =	vst v63  }
0x61: {  	_ =	swait.ge [sflag:s22], $0x4000  }
0x62: {  	[sflag:s22] =	ssyncset.done $0x0  }
0x63: {  	s29 =	simm.s32 $0x380;
	[sflag:s22] =	ssyncadd.s32 $0xFFFFC000  }
0x64: {  	[tilespmem:s17], [sflag:$0x2] =	stream.indirect.gather [hbm4b:s4+s15], $0x80, s29, s15, $0xb8;
	[tilespmem:$0x1F000] =	vst v63  }
0x65: {  	_ =	swait.ge [sflag:s18], $0x4000  }
0x66: {  	[sflag:s18] =	ssyncset.done $0x0  }
0x67: {  	s30 =	rddreg [dreg:$0xa];
	[sflag:s18] =	ssyncadd.s32 $0xFFFFC000  }
0x68: {  	[spmem:s2] =	stream.indirect.scatter.add.f32 [tilespmem:s16], [sflag:$0x3], $0x80, s30, s15, $0xb8;
	[tilespmem:$0x1F000] =	vst v63  }
0x69: {  	_ =	swait.ge [sflag:s20], $0x4000  }
0x6a: {  	[sflag:s20] =	ssyncset.done $0x0  }
0x6b: {  	s31 =	simm.s32 $0x400;
	[sflag:s20] =	ssyncadd.s32 $0xFFFFC000  }
0x6c: {  	[tilespmem:s16], [sflag:$0x1] =	stream.indirect.gather [hbm4b:s4+s15], $0x80, s31, s15, $0xb8;
	[tilespmem:$0x1F000] =	vst v63  }
0x6d: {  	_ =	swait.ge [sflag:s21], $0x4000  }
0x6e: {  	[sflag:s21] =	ssyncset.done $0x0  }
0x6f: {  	s0 =	rddreg [dreg:$0xb];
	[sflag:s21] =	ssyncadd.s32 $0xFFFFC000  }
0x70: {  	[spmem:s2] =	stream.indirect.scatter.add.f32 [tilespmem:s17], [sflag:$0x4], $0x80, s0, s15, $0xb8;
	[tilespmem:$0x1F000] =	vst v63  }
0x71: {  	_ =	swait.ge [sflag:s22], $0x4000  }
0x72: {  	[sflag:s22] =	ssyncset.done $0x0  }
0x73: {  	s1 =	simm.s32 $0x480;
	[sflag:s22] =	ssyncadd.s32 $0xFFFFC000  }
0x74: {  	[tilespmem:s17], [sflag:$0x2] =	stream.indirect.gather [hbm4b:s4+s15], $0x80, s1, s15, $0xb8;
	[tilespmem:$0x1F000] =	vst v63  }
0x75: {  	_ =	swait.ge [sflag:s18], $0x4000  }
0x76: {  	[sflag:s18] =	ssyncset.done $0x0  }
0x77: {  	p0 =	por $0x0, $0x0;
	[sflag:s18] =	ssyncadd.s32 $0xFFFFC000  }
0x78: {  	[spmem:s2] =	stream.indirect.scatter.add.f32 [tilespmem:s16], [sflag:$0x3], $0x80, s19, s15, $0xb8;
	[tilespmem:$0x1F000] =	vst v63  }
0x79: {  	s24 =	simm.s32 @!p0 $0x0;
	s25 =	simm.s32 @!p0 $0x2800;
	s26 =	simm.s32 @!p0 $0x5  }
0x7a: {  	[tilespmem:s25], [sflag:$0x5] =	stream.linear.gather @!p0 [hbm4b:s10+s24], $0x400, $0x38;
	[tilespmem:$0x1F000] =	vst v63  }
0x7b: {  	_ =	swait.ge @!p0 [sflag:s26], $0x400  }
0x7c: {  	[sflag:s26] =	ssyncset.done @!p0 $0x0  }
0x7d: {  	[sflag:s26] =	ssyncadd.s32 @!p0 $0xFFFFFC00  }
0x7e: {  	_ =	swait.ge [sflag:s20], $0x4000  }
0x7f: {  	[sflag:s20] =	ssyncset.done $0x0  }
0x80: {  	s25 =	simm.s32 $0x500;
	[sflag:s20] =	ssyncadd.s32 $0xFFFFC000  }
0x81: {  	[tilespmem:s16], [sflag:$0x1] =	stream.indirect.gather [hbm4b:s4+s15], $0x80, s25, s15, $0xb8;
	[tilespmem:$0x1F000] =	vst v63  }
0x82: {  	_ =	swait.ge [sflag:s21], $0x4000  }
0x83: {  	[sflag:s21] =	ssyncset.done $0x0  }
0x84: {  	s26 =	rddreg [dreg:$0xc];
	[sflag:s21] =	ssyncadd.s32 $0xFFFFC000  }
0x85: {  	[spmem:s2] =	stream.indirect.scatter.add.f32 [tilespmem:s17], [sflag:$0x4], $0x80, s26, s15, $0xb8;
	[tilespmem:$0x1F000] =	vst v63  }
0x86: {  	_ =	swait.ge [sflag:s22], $0x4000  }
0x87: {  	[sflag:s22] =	ssyncset.done $0x0  }
0x88: {  	s29 =	simm.s32 $0x580;
	[sflag:s22] =	ssyncadd.s32 $0xFFFFC000  }
0x89: {  	[tilespmem:s17], [sflag:$0x2] =	stream.indirect.gather [hbm4b:s4+s15], $0x80, s29, s15, $0xb8;
	[tilespmem:$0x1F000] =	vst v63  }
0x8a: {  	_ =	swait.ge [sflag:s18], $0x4000  }
0x8b: {  	[sflag:s18] =	ssyncset.done $0x0  }
0x8c: {  	s30 =	rddreg [dreg:$0xd];
	[sflag:s18] =	ssyncadd.s32 $0xFFFFC000  }
0x8d: {  	[spmem:s2] =	stream.indirect.scatter.add.f32 [tilespmem:s16], [sflag:$0x3], $0x80, s30, s15, $0xb8;
	[tilespmem:$0x1F000] =	vst v63  }
0x8e: {  	_ =	swait.ge [sflag:s20], $0x4000  }
0x8f: {  	[sflag:s20] =	ssyncset.done $0x0  }
0x90: {  	s31 =	simm.s32 $0x600;
	[sflag:s20] =	ssyncadd.s32 $0xFFFFC000  }
0x91: {  	[tilespmem:s16], [sflag:$0x1] =	stream.indirect.gather [hbm4b:s4+s15], $0x80, s31, s15, $0xb8;
	[tilespmem:$0x1F000] =	vst v63  }
0x92: {  	_ =	swait.ge [sflag:s21], $0x4000  }
0x93: {  	[sflag:s21] =	ssyncset.done $0x0  }
0x94: {  	s0 =	rddreg [dreg:$0xe];
	[sflag:s21] =	ssyncadd.s32 $0xFFFFC000  }
0x95: {  	[spmem:s2] =	stream.indirect.scatter.add.f32 [tilespmem:s17], [sflag:$0x4], $0x80, s0, s15, $0xb8;
	[tilespmem:$0x1F000] =	vst v63  }
0x96: {  	_ =	swait.ge [sflag:s22], $0x4000  }
0x97: {  	[sflag:s22] =	ssyncset.done $0x0  }
0x98: {  	s1 =	simm.s32 $0x680;
	[sflag:s22] =	ssyncadd.s32 $0xFFFFC000  }
0x99: {  	[tilespmem:s17], [sflag:$0x2] =	stream.indirect.gather [hbm4b:s4+s15], $0x80, s1, s15, $0xb8;
	[tilespmem:$0x1F000] =	vst v63  }
0x9a: {  	_ =	swait.ge [sflag:s18], $0x4000  }
0x9b: {  	[sflag:s18] =	ssyncset.done $0x0  }
0x9c: {  	s25 =	rddreg [dreg:$0xf];
	[sflag:s18] =	ssyncadd.s32 $0xFFFFC000  }
0x9d: {  	[spmem:s2] =	stream.indirect.scatter.add.f32 [tilespmem:s16], [sflag:$0x3], $0x80, s25, s15, $0xb8;
	[tilespmem:$0x1F000] =	vst v63  }
0x9e: {  	_ =	swait.ge [sflag:s20], $0x4000  }
0x9f: {  	[sflag:s20] =	ssyncset.done $0x0  }
0xa0: {  	s26 =	simm.s32 $0x700;
	[sflag:s20] =	ssyncadd.s32 $0xFFFFC000  }
0xa1: {  	[tilespmem:s16], [sflag:$0x1] =	stream.indirect.gather [hbm4b:s4+s15], $0x80, s26, s15, $0xb8;
	[tilespmem:$0x1F000] =	vst v63  }
0xa2: {  	_ =	swait.ge [sflag:s21], $0x4000  }
0xa3: {  	[sflag:s21] =	ssyncset.done $0x0  }
0xa4: {  	s29 =	rddreg [dreg:$0x10];
	[sflag:s21] =	ssyncadd.s32 $0xFFFFC000  }
0xa5: {  	[spmem:s2] =	stream.indirect.scatter.add.f32 [tilespmem:s17], [sflag:$0x4], $0x80, s29, s15, $0xb8;
	[tilespmem:$0x1F000] =	vst v63  }
0xa6: {  	_ =	swait.ge [sflag:s22], $0x4000  }
0xa7: {  	[sflag:s22] =	ssyncset.done $0x0  }
0xa8: {  	s30 =	simm.s32 $0x780;
	[sflag:s22] =	ssyncadd.s32 $0xFFFFC000  }
0xa9: {  	[tilespmem:s17], [sflag:$0x2] =	stream.indirect.gather [hbm4b:s4+s15], $0x80, s30, s15, $0xb8;
	[tilespmem:$0x1F000] =	vst v63  }
0xaa: {  	_ =	swait.ge [sflag:s18], $0x4000  }
0xab: {  	[sflag:s18] =	ssyncset.done $0x0  }
0xac: {  	s31 =	rddreg [dreg:$0x11];
	[sflag:s18] =	ssyncadd.s32 $0xFFFFC000  }
0xad: {  	[spmem:s2] =	stream.indirect.scatter.add.f32 [tilespmem:s16], [sflag:$0x3], $0x80, s31, s15, $0xb8;
	[tilespmem:$0x1F000] =	vst v63  }
0xae: {  	_ =	swait.ge [sflag:s20], $0x4000  }
0xaf: {  	s24 =	simm.s32 @!p0 $0x800;
	[sflag:s20] =	ssyncset.done $0x0  }
0xb0: {  	s25 =	simm.s32 @!p0 $0x80;
	s26 =	simm.s32 @!p0 $0x3000;
	[sflag:s20] =	ssyncadd.s32 $0xFFFFC000  }
0xb1: {  	[tilespmem:s26], [sflag:$0x1] =	stream.indirect.gather @!p0 [hbm4b:s4+s25], $0x80, s24, s25, $0xb8;
	[tilespmem:$0x1F000] =	vst v63  }
0xb2: {  	p6 =	por $0x0, $0x0;
	s24 =	simm.s32 $0x2000;
	_ =	swait.ge [sflag:s21], $0x4000  }
0xb3: {  	s26 =	simm.s32 $0x4000;
	p0 =	por p6, p6;
	[sflag:s21] =	ssyncset.done $0x0  }
0xb4: {  	s25 =	sadd.s32 $0x100, s10;
	s28 =	rddreg [dreg:$0x12];
	[sflag:s21] =	ssyncadd.s32 $0xFFFFC000  }
.LBB2_2:
0xb5: {  	s30 =	simm.s32 @!p0 $0x4  }
0xb6: {  	[spmem:s2] =	stream.indirect.scatter.add.f32 [tilespmem:s17], [sflag:$0x4], $0x80, s28, s15, $0xb8;
	[tilespmem:$0x1F000] =	vst v63  }
0xb7: {  	_ =	swait.ge @!p0 [sflag:s30], $0x4000  }
0xb8: {  	s28 =	sshra.s32 s24, $0x2;
	[sflag:s30] =	ssyncset.done @!p0 $0x0  }
0xb9: {  	s31 =	sadd.s32 $0x80, s28;
	[sflag:s30] =	ssyncadd.s32 @!p0 $0xFFFFC000  }
0xba: {  	[tilespmem:s17], [sflag:$0x2] =	stream.indirect.gather [hbm4b:s4+s15], $0x80, s31, s15, $0xb8;
	[tilespmem:$0x1F000] =	vst v63  }
0xbb: {  	_ =	swait.ge [sflag:s18], $0x4000  }
0xbc: {  	[sflag:s18] =	ssyncset.done $0x0  }
0xbd: {  	[sflag:s18] =	ssyncadd.s32 $0xFFFFC000  }
0xbe: {  	[spmem:s2] =	stream.indirect.scatter.add.f32 [tilespmem:s16], [sflag:$0x3], $0x80, s12, s15, $0xb8;
	[tilespmem:$0x1F000] =	vst v63  }
0xbf: {  	s0 =	sadd.s32 $0xFFFFFF80, s25  }
0xc0: {  	[tilespmem:s19], [sflag:$0x5] =	stream.linear.gather [hbm4b:s0+s3], $0x400, $0x38;
	[tilespmem:$0x1F000] =	vst v63  }
0xc1: {  	_ =	swait.ge [sflag:s11], $0x400  }
0xc2: {  	[sflag:s11] =	ssyncset.done $0x0  }
0xc3: {  	[sflag:s11] =	ssyncadd.s32 $0xFFFFFC00  }
0xc4: {  	_ =	swait.ge [sflag:s20], $0x4000  }
0xc5: {  	[sflag:s20] =	ssyncset.done $0x0  }
0xc6: {  	s1 =	sadd.s32 $0x100, s28;
	[sflag:s20] =	ssyncadd.s32 $0xFFFFC000  }
0xc7: {  	[tilespmem:s16], [sflag:$0x1] =	stream.indirect.gather [hbm4b:s4+s15], $0x80, s1, s15, $0xb8;
	[tilespmem:$0x1F000] =	vst v63  }
0xc8: {  	_ =	swait.ge [sflag:s21], $0x4000  }
0xc9: {  	[sflag:s21] =	ssyncset.done $0x0  }
0xca: {  	s31 =	rddreg [dreg:$0x5];
	[sflag:s21] =	ssyncadd.s32 $0xFFFFC000  }
0xcb: {  	[spmem:s2] =	stream.indirect.scatter.add.f32 [tilespmem:s17], [sflag:$0x4], $0x80, s31, s15, $0xb8;
	[tilespmem:$0x1F000] =	vst v63  }
0xcc: {  	_ =	swait.ge [sflag:s22], $0x4000  }
0xcd: {  	[sflag:s22] =	ssyncset.done $0x0  }
0xce: {  	s0 =	sadd.s32 $0x180, s28;
	[sflag:s22] =	ssyncadd.s32 $0xFFFFC000  }
0xcf: {  	[tilespmem:s17], [sflag:$0x2] =	stream.indirect.gather [hbm4b:s4+s15], $0x80, s0, s15, $0xb8;
	[tilespmem:$0x1F000] =	vst v63  }
0xd0: {  	_ =	swait.ge [sflag:s18], $0x4000  }
0xd1: {  	[sflag:s18] =	ssyncset.done $0x0  }
0xd2: {  	s1 =	rddreg [dreg:$0x6];
	[sflag:s18] =	ssyncadd.s32 $0xFFFFC000  }
0xd3: {  	[spmem:s2] =	stream.indirect.scatter.add.f32 [tilespmem:s16], [sflag:$0x3], $0x80, s1, s15, $0xb8;
	[tilespmem:$0x1F000] =	vst v63  }
0xd4: {  	_ =	swait.ge [sflag:s20], $0x4000  }
0xd5: {  	[sflag:s20] =	ssyncset.done $0x0  }
0xd6: {  	s31 =	sadd.s32 $0x200, s28;
	[sflag:s20] =	ssyncadd.s32 $0xFFFFC000  }
0xd7: {  	[tilespmem:s16], [sflag:$0x1] =	stream.indirect.gather [hbm4b:s4+s15], $0x80, s31, s15, $0xb8;
	[tilespmem:$0x1F000] =	vst v63  }
0xd8: {  	_ =	swait.ge [sflag:s21], $0x4000  }
0xd9: {  	[sflag:s21] =	ssyncset.done $0x0  }
0xda: {  	s0 =	rddreg [dreg:$0x7];
	[sflag:s21] =	ssyncadd.s32 $0xFFFFC000  }
0xdb: {  	[spmem:s2] =	stream.indirect.scatter.add.f32 [tilespmem:s17], [sflag:$0x4], $0x80, s0, s15, $0xb8;
	[tilespmem:$0x1F000] =	vst v63  }
0xdc: {  	_ =	swait.ge [sflag:s22], $0x4000  }
0xdd: {  	[sflag:s22] =	ssyncset.done $0x0  }
0xde: {  	s1 =	sadd.s32 $0x280, s28;
	[sflag:s22] =	ssyncadd.s32 $0xFFFFC000  }
0xdf: {  	[tilespmem:s17], [sflag:$0x2] =	stream.indirect.gather [hbm4b:s4+s15], $0x80, s1, s15, $0xb8;
	[tilespmem:$0x1F000] =	vst v63  }
0xe0: {  	_ =	swait.ge [sflag:s18], $0x4000  }
0xe1: {  	[sflag:s18] =	ssyncset.done $0x0  }
0xe2: {  	s31 =	rddreg [dreg:$0x8];
	[sflag:s18] =	ssyncadd.s32 $0xFFFFC000  }
0xe3: {  	[spmem:s2] =	stream.indirect.scatter.add.f32 [tilespmem:s16], [sflag:$0x3], $0x80, s31, s15, $0xb8;
	[tilespmem:$0x1F000] =	vst v63  }
0xe4: {  	_ =	swait.ge [sflag:s20], $0x4000  }
0xe5: {  	[sflag:s20] =	ssyncset.done $0x0  }
0xe6: {  	s0 =	sadd.s32 $0x300, s28;
	[sflag:s20] =	ssyncadd.s32 $0xFFFFC000  }
0xe7: {  	[tilespmem:s16], [sflag:$0x1] =	stream.indirect.gather [hbm4b:s4+s15], $0x80, s0, s15, $0xb8;
	[tilespmem:$0x1F000] =	vst v63  }
0xe8: {  	_ =	swait.ge [sflag:s21], $0x4000  }
0xe9: {  	[sflag:s21] =	ssyncset.done $0x0  }
0xea: {  	s1 =	rddreg [dreg:$0x9];
	[sflag:s21] =	ssyncadd.s32 $0xFFFFC000  }
0xeb: {  	[spmem:s2] =	stream.indirect.scatter.add.f32 [tilespmem:s17], [sflag:$0x4], $0x80, s1, s15, $0xb8;
	[tilespmem:$0x1F000] =	vst v63  }
0xec: {  	_ =	swait.ge [sflag:s22], $0x4000  }
0xed: {  	[sflag:s22] =	ssyncset.done $0x0  }
0xee: {  	s31 =	sadd.s32 $0x380, s28;
	[sflag:s22] =	ssyncadd.s32 $0xFFFFC000  }
0xef: {  	[tilespmem:s17], [sflag:$0x2] =	stream.indirect.gather [hbm4b:s4+s15], $0x80, s31, s15, $0xb8;
	[tilespmem:$0x1F000] =	vst v63  }
0xf0: {  	_ =	swait.ge [sflag:s18], $0x4000  }
0xf1: {  	[sflag:s18] =	ssyncset.done $0x0  }
0xf2: {  	s0 =	rddreg [dreg:$0xa];
	[sflag:s18] =	ssyncadd.s32 $0xFFFFC000  }
0xf3: {  	[spmem:s2] =	stream.indirect.scatter.add.f32 [tilespmem:s16], [sflag:$0x3], $0x80, s0, s15, $0xb8;
	[tilespmem:$0x1F000] =	vst v63  }
0xf4: {  	_ =	swait.ge [sflag:s20], $0x4000  }
0xf5: {  	[sflag:s20] =	ssyncset.done $0x0  }
0xf6: {  	s1 =	sadd.s32 $0x400, s28;
	[sflag:s20] =	ssyncadd.s32 $0xFFFFC000  }
0xf7: {  	[tilespmem:s16], [sflag:$0x1] =	stream.indirect.gather [hbm4b:s4+s15], $0x80, s1, s15, $0xb8;
	[tilespmem:$0x1F000] =	vst v63  }
0xf8: {  	_ =	swait.ge [sflag:s21], $0x4000  }
0xf9: {  	[sflag:s21] =	ssyncset.done $0x0  }
0xfa: {  	s31 =	rddreg [dreg:$0xb];
	[sflag:s21] =	ssyncadd.s32 $0xFFFFC000  }
0xfb: {  	[spmem:s2] =	stream.indirect.scatter.add.f32 [tilespmem:s17], [sflag:$0x4], $0x80, s31, s15, $0xb8;
	[tilespmem:$0x1F000] =	vst v63  }
0xfc: {  	_ =	swait.ge [sflag:s22], $0x4000  }
0xfd: {  	[sflag:s22] =	ssyncset.done $0x0  }
0xfe: {  	s0 =	sadd.s32 $0x480, s28;
	[sflag:s22] =	ssyncadd.s32 $0xFFFFC000  }
0xff: {  	[tilespmem:s17], [sflag:$0x2] =	stream.indirect.gather [hbm4b:s4+s15], $0x80, s0, s15, $0xb8;
	[tilespmem:$0x1F000] =	vst v63  }
0x100: {  	_ =	swait.ge [sflag:s18], $0x4000  }
0x101: {  	p2 =	seq.s32 s26, $0x0;
	[sflag:s18] =	ssyncset.done $0x0  }
0x102: {  	p0 =	por p2, p2;
	p2 =	seq.s32 s24, $0x8000;
	[sflag:s18] =	ssyncadd.s32 $0xFFFFC000  }
0x103: {  	[spmem:s2] =	stream.indirect.scatter.add.f32 [tilespmem:s16], [sflag:$0x3], $0x80, s19, s15, $0xb8;
	[tilespmem:$0x1F000] =	vst v63  }
0x104: {  	s1 =	simm.s32 @!p2 $0x5;
	s31 =	simm.s32 @!p2 $0x0;
	s0 =	simm.s32 @!p2 $0x2800  }
0x105: {  	[tilespmem:s0], [sflag:$0x5] =	stream.linear.gather @!p2 [hbm4b:s25+s31], $0x400, $0x38;
	[tilespmem:$0x1F000] =	vst v63  }
0x106: {  	_ =	swait.ge @!p2 [sflag:s1], $0x400  }
0x107: {  	[sflag:s1] =	ssyncset.done @!p2 $0x0  }
0x108: {  	[sflag:s1] =	ssyncadd.s32 @!p2 $0xFFFFFC00  }
0x109: {  	_ =	swait.ge [sflag:s20], $0x4000  }
0x10a: {  	[sflag:s20] =	ssyncset.done $0x0  }
0x10b: {  	s1 =	sadd.s32 $0x500, s28;
	[sflag:s20] =	ssyncadd.s32 $0xFFFFC000  }
0x10c: {  	[tilespmem:s16], [sflag:$0x1] =	stream.indirect.gather [hbm4b:s4+s15], $0x80, s1, s15, $0xb8;
	[tilespmem:$0x1F000] =	vst v63  }
0x10d: {  	s24 =	sshra.s32 @!p2 s24, $0x2;
	_ =	swait.ge [sflag:s21], $0x4000  }
0x10e: {  	s29 =	smov.u32 s26;
	s30 =	sadd.s32 @!p2 $0x800, s24;
	[sflag:s21] =	ssyncset.done $0x0  }
0x10f: {  	s24 =	smov.u32 s29;
	s29 =	rddreg [dreg:$0xc];
	[sflag:s21] =	ssyncadd.s32 $0xFFFFC000  }
0x110: {  	[spmem:s2] =	stream.indirect.scatter.add.f32 [tilespmem:s17], [sflag:$0x4], $0x80, s29, s15, $0xb8;
	[tilespmem:$0x1F000] =	vst v63  }
0x111: {  	_ =	swait.ge [sflag:s22], $0x4000  }
0x112: {  	[sflag:s22] =	ssyncset.done $0x0  }
0x113: {  	s31 =	sadd.s32 $0x580, s28;
	[sflag:s22] =	ssyncadd.s32 $0xFFFFC000  }
0x114: {  	[tilespmem:s17], [sflag:$0x2] =	stream.indirect.gather [hbm4b:s4+s15], $0x80, s31, s15, $0xb8;
	[tilespmem:$0x1F000] =	vst v63  }
0x115: {  	_ =	swait.ge [sflag:s18], $0x4000  }
0x116: {  	[sflag:s18] =	ssyncset.done $0x0  }
0x117: {  	s1 =	rddreg [dreg:$0xd];
	[sflag:s18] =	ssyncadd.s32 $0xFFFFC000  }
0x118: {  	[spmem:s2] =	stream.indirect.scatter.add.f32 [tilespmem:s16], [sflag:$0x3], $0x80, s1, s15, $0xb8;
	[tilespmem:$0x1F000] =	vst v63  }
0x119: {  	_ =	swait.ge [sflag:s20], $0x4000  }
0x11a: {  	[sflag:s20] =	ssyncset.done $0x0  }
0x11b: {  	s29 =	sadd.s32 $0x600, s28;
	[sflag:s20] =	ssyncadd.s32 $0xFFFFC000  }
0x11c: {  	[tilespmem:s16], [sflag:$0x1] =	stream.indirect.gather [hbm4b:s4+s15], $0x80, s29, s15, $0xb8;
	[tilespmem:$0x1F000] =	vst v63  }
0x11d: {  	_ =	swait.ge [sflag:s21], $0x4000  }
0x11e: {  	[sflag:s21] =	ssyncset.done $0x0  }
0x11f: {  	s31 =	rddreg [dreg:$0xe];
	[sflag:s21] =	ssyncadd.s32 $0xFFFFC000  }
0x120: {  	[spmem:s2] =	stream.indirect.scatter.add.f32 [tilespmem:s17], [sflag:$0x4], $0x80, s31, s15, $0xb8;
	[tilespmem:$0x1F000] =	vst v63  }
0x121: {  	_ =	swait.ge [sflag:s22], $0x4000  }
0x122: {  	[sflag:s22] =	ssyncset.done $0x0  }
0x123: {  	s1 =	sadd.s32 $0x680, s28;
	[sflag:s22] =	ssyncadd.s32 $0xFFFFC000  }
0x124: {  	[tilespmem:s17], [sflag:$0x2] =	stream.indirect.gather [hbm4b:s4+s15], $0x80, s1, s15, $0xb8;
	[tilespmem:$0x1F000] =	vst v63  }
0x125: {  	_ =	swait.ge [sflag:s18], $0x4000  }
0x126: {  	[sflag:s18] =	ssyncset.done $0x0  }
0x127: {  	s29 =	rddreg [dreg:$0xf];
	[sflag:s18] =	ssyncadd.s32 $0xFFFFC000  }
0x128: {  	[spmem:s2] =	stream.indirect.scatter.add.f32 [tilespmem:s16], [sflag:$0x3], $0x80, s29, s15, $0xb8;
	[tilespmem:$0x1F000] =	vst v63  }
0x129: {  	_ =	swait.ge [sflag:s20], $0x4000  }
0x12a: {  	[sflag:s20] =	ssyncset.done $0x0  }
0x12b: {  	s31 =	sadd.s32 $0x700, s28;
	[sflag:s20] =	ssyncadd.s32 $0xFFFFC000  }
0x12c: {  	[tilespmem:s16], [sflag:$0x1] =	stream.indirect.gather [hbm4b:s4+s15], $0x80, s31, s15, $0xb8;
	[tilespmem:$0x1F000] =	vst v63  }
0x12d: {  	_ =	swait.ge [sflag:s21], $0x4000  }
0x12e: {  	[sflag:s21] =	ssyncset.done $0x0  }
0x12f: {  	s1 =	rddreg [dreg:$0x10];
	[sflag:s21] =	ssyncadd.s32 $0xFFFFC000  }
0x130: {  	[spmem:s2] =	stream.indirect.scatter.add.f32 [tilespmem:s17], [sflag:$0x4], $0x80, s1, s15, $0xb8;
	[tilespmem:$0x1F000] =	vst v63  }
0x131: {  	_ =	swait.ge [sflag:s22], $0x4000  }
0x132: {  	[sflag:s22] =	ssyncset.done $0x0  }
0x133: {  	s29 =	sadd.s32 $0x780, s28;
	[sflag:s22] =	ssyncadd.s32 $0xFFFFC000  }
0x134: {  	[tilespmem:s17], [sflag:$0x2] =	stream.indirect.gather [hbm4b:s4+s15], $0x80, s29, s15, $0xb8;
	[tilespmem:$0x1F000] =	vst v63  }
0x135: {  	_ =	swait.ge [sflag:s18], $0x4000  }
0x136: {  	[sflag:s18] =	ssyncset.done $0x0  }
0x137: {  	s31 =	rddreg [dreg:$0x11];
	[sflag:s18] =	ssyncadd.s32 $0xFFFFC000  }
0x138: {  	[spmem:s2] =	stream.indirect.scatter.add.f32 [tilespmem:s16], [sflag:$0x3], $0x80, s31, s15, $0xb8;
	[tilespmem:$0x1F000] =	vst v63  }
0x139: {  	s26 =	sadd.s32 $0x2000, s26;
	_ =	swait.ge [sflag:s20], $0x4000  }
0x13a: {  	p1 =	sne.s32 s26, $0xA000;
	s0 =	simm.s32 @!p2 $0x80;
	[sflag:s20] =	ssyncset.done $0x0  }
.Ltmp0:
0x13b: {  	s1 =	simm.s32 @!p2 $0x3000;
	[sflag:s20] =	ssyncadd.s32 $0xFFFFC000;
	(pc) =	sbr.rel @p1 .LBB2_2-.Ltmp0, $4  }
0x13c: {  	[tilespmem:s1], [sflag:$0x1] =	stream.indirect.gather @!p2 [hbm4b:s4+s0], $0x80, s30, s0, $0xb8;
	[tilespmem:$0x1F000] =	vst v63  }
0x13d: {  	_ =	swait.ge [sflag:s21], $0x4000  }
0x13e: {  	[sflag:s21] =	ssyncset.done $0x0  }
0x13f: {  	s25 =	sadd.s32 $0x100, s25;
	s28 =	rddreg [dreg:$0x12];
	[sflag:s21] =	ssyncadd.s32 $0xFFFFC000  }
0x140: {  	s0 =	simm.s32 @!p0 $0x4  }
0x141: {  	[spmem:s2] =	stream.indirect.scatter.add.f32 [tilespmem:s17], [sflag:$0x4], $0x80, s28, s15, $0xb8;
	[tilespmem:$0x1F000] =	vst v63  }
0x142: {  	_ =	swait.ge @!p0 [sflag:s0], $0x4000  }
0x143: {  	s26 =	sshra.s32 s24, $0x2;
	[sflag:s0] =	ssyncset.done @!p0 $0x0  }
0x144: {  	s29 =	sadd.s32 $0x80, s26;
	[sflag:s0] =	ssyncadd.s32 @!p0 $0xFFFFC000  }
0x145: {  	[tilespmem:s17], [sflag:$0x2] =	stream.indirect.gather [hbm4b:s4+s15], $0x80, s29, s15, $0xb8;
	[tilespmem:$0x1F000] =	vst v63  }
0x146: {  	_ =	swait.ge [sflag:s18], $0x4000  }
0x147: {  	[sflag:s18] =	ssyncset.done $0x0  }
0x148: {  	[sflag:s18] =	ssyncadd.s32 $0xFFFFC000  }
0x149: {  	[spmem:s2] =	stream.indirect.scatter.add.f32 [tilespmem:s16], [sflag:$0x3], $0x80, s12, s15, $0xb8;
	[tilespmem:$0x1F000] =	vst v63  }
0x14a: {  	s30 =	sadd.s32 $0xFFFFFF80, s25  }
0x14b: {  	[tilespmem:s19], [sflag:$0x5] =	stream.linear.gather [hbm4b:s30+s3], $0x400, $0x38;
	[tilespmem:$0x1F000] =	vst v63  }
0x14c: {  	_ =	swait.ge [sflag:s11], $0x400  }
0x14d: {  	[sflag:s11] =	ssyncset.done $0x0  }
0x14e: {  	[sflag:s11] =	ssyncadd.s32 $0xFFFFFC00  }
0x14f: {  	_ =	swait.ge [sflag:s20], $0x4000  }
0x150: {  	[sflag:s20] =	ssyncset.done $0x0  }
0x151: {  	s31 =	sadd.s32 $0x100, s26;
	[sflag:s20] =	ssyncadd.s32 $0xFFFFC000  }
0x152: {  	[tilespmem:s16], [sflag:$0x1] =	stream.indirect.gather [hbm4b:s4+s15], $0x80, s31, s15, $0xb8;
	[tilespmem:$0x1F000] =	vst v63  }
0x153: {  	_ =	swait.ge [sflag:s21], $0x4000  }
0x154: {  	[sflag:s21] =	ssyncset.done $0x0  }
0x155: {  	s1 =	rddreg [dreg:$0x5];
	[sflag:s21] =	ssyncadd.s32 $0xFFFFC000  }
0x156: {  	[spmem:s2] =	stream.indirect.scatter.add.f32 [tilespmem:s17], [sflag:$0x4], $0x80, s1, s15, $0xb8;
	[tilespmem:$0x1F000] =	vst v63  }
0x157: {  	_ =	swait.ge [sflag:s22], $0x4000  }
0x158: {  	[sflag:s22] =	ssyncset.done $0x0  }
0x159: {  	s28 =	sadd.s32 $0x180, s26;
	[sflag:s22] =	ssyncadd.s32 $0xFFFFC000  }
0x15a: {  	[tilespmem:s17], [sflag:$0x2] =	stream.indirect.gather [hbm4b:s4+s15], $0x80, s28, s15, $0xb8;
	[tilespmem:$0x1F000] =	vst v63  }
0x15b: {  	_ =	swait.ge [sflag:s18], $0x4000  }
0x15c: {  	[sflag:s18] =	ssyncset.done $0x0  }
0x15d: {  	s29 =	rddreg [dreg:$0x6];
	[sflag:s18] =	ssyncadd.s32 $0xFFFFC000  }
0x15e: {  	[spmem:s2] =	stream.indirect.scatter.add.f32 [tilespmem:s16], [sflag:$0x3], $0x80, s29, s15, $0xb8;
	[tilespmem:$0x1F000] =	vst v63  }
0x15f: {  	_ =	swait.ge [sflag:s20], $0x4000  }
0x160: {  	[sflag:s20] =	ssyncset.done $0x0  }
0x161: {  	s30 =	sadd.s32 $0x200, s26;
	[sflag:s20] =	ssyncadd.s32 $0xFFFFC000  }
0x162: {  	[tilespmem:s16], [sflag:$0x1] =	stream.indirect.gather [hbm4b:s4+s15], $0x80, s30, s15, $0xb8;
	[tilespmem:$0x1F000] =	vst v63  }
0x163: {  	_ =	swait.ge [sflag:s21], $0x4000  }
0x164: {  	[sflag:s21] =	ssyncset.done $0x0  }
0x165: {  	s31 =	rddreg [dreg:$0x7];
	[sflag:s21] =	ssyncadd.s32 $0xFFFFC000  }
0x166: {  	[spmem:s2] =	stream.indirect.scatter.add.f32 [tilespmem:s17], [sflag:$0x4], $0x80, s31, s15, $0xb8;
	[tilespmem:$0x1F000] =	vst v63  }
0x167: {  	_ =	swait.ge [sflag:s22], $0x4000  }
0x168: {  	[sflag:s22] =	ssyncset.done $0x0  }
0x169: {  	s1 =	sadd.s32 $0x280, s26;
	[sflag:s22] =	ssyncadd.s32 $0xFFFFC000  }
0x16a: {  	[tilespmem:s17], [sflag:$0x2] =	stream.indirect.gather [hbm4b:s4+s15], $0x80, s1, s15, $0xb8;
	[tilespmem:$0x1F000] =	vst v63  }
0x16b: {  	_ =	swait.ge [sflag:s18], $0x4000  }
0x16c: {  	[sflag:s18] =	ssyncset.done $0x0  }
0x16d: {  	s28 =	rddreg [dreg:$0x8];
	[sflag:s18] =	ssyncadd.s32 $0xFFFFC000  }
0x16e: {  	[spmem:s2] =	stream.indirect.scatter.add.f32 [tilespmem:s16], [sflag:$0x3], $0x80, s28, s15, $0xb8;
	[tilespmem:$0x1F000] =	vst v63  }
0x16f: {  	_ =	swait.ge [sflag:s20], $0x4000  }
0x170: {  	[sflag:s20] =	ssyncset.done $0x0  }
0x171: {  	s29 =	sadd.s32 $0x300, s26;
	[sflag:s20] =	ssyncadd.s32 $0xFFFFC000  }
0x172: {  	[tilespmem:s16], [sflag:$0x1] =	stream.indirect.gather [hbm4b:s4+s15], $0x80, s29, s15, $0xb8;
	[tilespmem:$0x1F000] =	vst v63  }
0x173: {  	_ =	swait.ge [sflag:s21], $0x4000  }
0x174: {  	[sflag:s21] =	ssyncset.done $0x0  }
0x175: {  	s30 =	rddreg [dreg:$0x9];
	[sflag:s21] =	ssyncadd.s32 $0xFFFFC000  }
0x176: {  	[spmem:s2] =	stream.indirect.scatter.add.f32 [tilespmem:s17], [sflag:$0x4], $0x80, s30, s15, $0xb8;
	[tilespmem:$0x1F000] =	vst v63  }
0x177: {  	_ =	swait.ge [sflag:s22], $0x4000  }
0x178: {  	[sflag:s22] =	ssyncset.done $0x0  }
0x179: {  	s31 =	sadd.s32 $0x380, s26;
	[sflag:s22] =	ssyncadd.s32 $0xFFFFC000  }
0x17a: {  	[tilespmem:s17], [sflag:$0x2] =	stream.indirect.gather [hbm4b:s4+s15], $0x80, s31, s15, $0xb8;
	[tilespmem:$0x1F000] =	vst v63  }
0x17b: {  	_ =	swait.ge [sflag:s18], $0x4000  }
0x17c: {  	[sflag:s18] =	ssyncset.done $0x0  }
0x17d: {  	s1 =	rddreg [dreg:$0xa];
	[sflag:s18] =	ssyncadd.s32 $0xFFFFC000  }
0x17e: {  	[spmem:s2] =	stream.indirect.scatter.add.f32 [tilespmem:s16], [sflag:$0x3], $0x80, s1, s15, $0xb8;
	[tilespmem:$0x1F000] =	vst v63  }
0x17f: {  	_ =	swait.ge [sflag:s20], $0x4000  }
0x180: {  	[sflag:s20] =	ssyncset.done $0x0  }
0x181: {  	s28 =	sadd.s32 $0x400, s26;
	[sflag:s20] =	ssyncadd.s32 $0xFFFFC000  }
0x182: {  	[tilespmem:s16], [sflag:$0x1] =	stream.indirect.gather [hbm4b:s4+s15], $0x80, s28, s15, $0xb8;
	[tilespmem:$0x1F000] =	vst v63  }
0x183: {  	_ =	swait.ge [sflag:s21], $0x4000  }
0x184: {  	[sflag:s21] =	ssyncset.done $0x0  }
0x185: {  	s29 =	rddreg [dreg:$0xb];
	[sflag:s21] =	ssyncadd.s32 $0xFFFFC000  }
0x186: {  	[spmem:s2] =	stream.indirect.scatter.add.f32 [tilespmem:s17], [sflag:$0x4], $0x80, s29, s15, $0xb8;
	[tilespmem:$0x1F000] =	vst v63  }
0x187: {  	_ =	swait.ge [sflag:s22], $0x4000  }
0x188: {  	[sflag:s22] =	ssyncset.done $0x0  }
0x189: {  	s30 =	sadd.s32 $0x480, s26;
	[sflag:s22] =	ssyncadd.s32 $0xFFFFC000  }
0x18a: {  	[tilespmem:s17], [sflag:$0x2] =	stream.indirect.gather [hbm4b:s4+s15], $0x80, s30, s15, $0xb8;
	[tilespmem:$0x1F000] =	vst v63  }
0x18b: {  	_ =	swait.ge [sflag:s18], $0x4000  }
0x18c: {  	[sflag:s18] =	ssyncset.done $0x0  }
0x18d: {  	p0 =	seq.s32 s24, $0x8000;
	[sflag:s18] =	ssyncadd.s32 $0xFFFFC000  }
0x18e: {  	[spmem:s2] =	stream.indirect.scatter.add.f32 [tilespmem:s16], [sflag:$0x3], $0x80, s19, s15, $0xb8;
	[tilespmem:$0x1F000] =	vst v63  }
0x18f: {  	s0 =	simm.s32 @!p0 $0x0;
	s1 =	simm.s32 @!p0 $0x2800;
	s28 =	simm.s32 @!p0 $0x5  }
0x190: {  	[tilespmem:s1], [sflag:$0x5] =	stream.linear.gather @!p0 [hbm4b:s25+s0], $0x400, $0x38;
	[tilespmem:$0x1F000] =	vst v63  }
0x191: {  	_ =	swait.ge @!p0 [sflag:s28], $0x400  }
0x192: {  	[sflag:s28] =	ssyncset.done @!p0 $0x0  }
0x193: {  	[sflag:s28] =	ssyncadd.s32 @!p0 $0xFFFFFC00  }
0x194: {  	_ =	swait.ge [sflag:s20], $0x4000  }
0x195: {  	[sflag:s20] =	ssyncset.done $0x0  }
0x196: {  	s31 =	sadd.s32 $0x500, s26;
	[sflag:s20] =	ssyncadd.s32 $0xFFFFC000  }
0x197: {  	[tilespmem:s16], [sflag:$0x1] =	stream.indirect.gather [hbm4b:s4+s15], $0x80, s31, s15, $0xb8;
	[tilespmem:$0x1F000] =	vst v63  }
0x198: {  	_ =	swait.ge [sflag:s21], $0x4000  }
0x199: {  	[sflag:s21] =	ssyncset.done $0x0  }
0x19a: {  	s1 =	rddreg [dreg:$0xc];
	[sflag:s21] =	ssyncadd.s32 $0xFFFFC000  }
0x19b: {  	[spmem:s2] =	stream.indirect.scatter.add.f32 [tilespmem:s17], [sflag:$0x4], $0x80, s1, s15, $0xb8;
	[tilespmem:$0x1F000] =	vst v63  }
0x19c: {  	_ =	swait.ge [sflag:s22], $0x4000  }
0x19d: {  	[sflag:s22] =	ssyncset.done $0x0  }
0x19e: {  	s25 =	sadd.s32 $0x580, s26;
	[sflag:s22] =	ssyncadd.s32 $0xFFFFC000  }
0x19f: {  	[tilespmem:s17], [sflag:$0x2] =	stream.indirect.gather [hbm4b:s4+s15], $0x80, s25, s15, $0xb8;
	[tilespmem:$0x1F000] =	vst v63  }
0x1a0: {  	_ =	swait.ge [sflag:s18], $0x4000  }
0x1a1: {  	[sflag:s18] =	ssyncset.done $0x0  }
0x1a2: {  	s28 =	rddreg [dreg:$0xd];
	[sflag:s18] =	ssyncadd.s32 $0xFFFFC000  }
0x1a3: {  	[spmem:s2] =	stream.indirect.scatter.add.f32 [tilespmem:s16], [sflag:$0x3], $0x80, s28, s15, $0xb8;
	[tilespmem:$0x1F000] =	vst v63  }
0x1a4: {  	_ =	swait.ge [sflag:s20], $0x4000  }
0x1a5: {  	[sflag:s20] =	ssyncset.done $0x0  }
0x1a6: {  	s29 =	sadd.s32 $0x600, s26;
	[sflag:s20] =	ssyncadd.s32 $0xFFFFC000  }
0x1a7: {  	[tilespmem:s16], [sflag:$0x1] =	stream.indirect.gather [hbm4b:s4+s15], $0x80, s29, s15, $0xb8;
	[tilespmem:$0x1F000] =	vst v63  }
0x1a8: {  	_ =	swait.ge [sflag:s21], $0x4000  }
0x1a9: {  	[sflag:s21] =	ssyncset.done $0x0  }
0x1aa: {  	s30 =	rddreg [dreg:$0xe];
	[sflag:s21] =	ssyncadd.s32 $0xFFFFC000  }
0x1ab: {  	[spmem:s2] =	stream.indirect.scatter.add.f32 [tilespmem:s17], [sflag:$0x4], $0x80, s30, s15, $0xb8;
	[tilespmem:$0x1F000] =	vst v63  }
0x1ac: {  	_ =	swait.ge [sflag:s22], $0x4000  }
0x1ad: {  	[sflag:s22] =	ssyncset.done $0x0  }
0x1ae: {  	s31 =	sadd.s32 $0x680, s26;
	[sflag:s22] =	ssyncadd.s32 $0xFFFFC000  }
0x1af: {  	[tilespmem:s17], [sflag:$0x2] =	stream.indirect.gather [hbm4b:s4+s15], $0x80, s31, s15, $0xb8;
	[tilespmem:$0x1F000] =	vst v63  }
0x1b0: {  	_ =	swait.ge [sflag:s18], $0x4000  }
0x1b1: {  	[sflag:s18] =	ssyncset.done $0x0  }
0x1b2: {  	s1 =	rddreg [dreg:$0xf];
	[sflag:s18] =	ssyncadd.s32 $0xFFFFC000  }
0x1b3: {  	[spmem:s2] =	stream.indirect.scatter.add.f32 [tilespmem:s16], [sflag:$0x3], $0x80, s1, s15, $0xb8;
	[tilespmem:$0x1F000] =	vst v63  }
0x1b4: {  	_ =	swait.ge [sflag:s20], $0x4000  }
0x1b5: {  	[sflag:s20] =	ssyncset.done $0x0  }
0x1b6: {  	s25 =	sadd.s32 $0x700, s26;
	[sflag:s20] =	ssyncadd.s32 $0xFFFFC000  }
0x1b7: {  	[tilespmem:s16], [sflag:$0x1] =	stream.indirect.gather [hbm4b:s4+s15], $0x80, s25, s15, $0xb8;
	[tilespmem:$0x1F000] =	vst v63  }
0x1b8: {  	_ =	swait.ge [sflag:s21], $0x4000  }
0x1b9: {  	[sflag:s21] =	ssyncset.done $0x0  }
0x1ba: {  	s28 =	rddreg [dreg:$0x10];
	[sflag:s21] =	ssyncadd.s32 $0xFFFFC000  }
0x1bb: {  	[spmem:s2] =	stream.indirect.scatter.add.f32 [tilespmem:s17], [sflag:$0x4], $0x80, s28, s15, $0xb8;
	[tilespmem:$0x1F000] =	vst v63  }
0x1bc: {  	_ =	swait.ge [sflag:s22], $0x4000  }
0x1bd: {  	[sflag:s22] =	ssyncset.done $0x0  }
0x1be: {  	s29 =	sadd.s32 $0x780, s26;
	[sflag:s22] =	ssyncadd.s32 $0xFFFFC000  }
0x1bf: {  	[tilespmem:s17], [sflag:$0x2] =	stream.indirect.gather [hbm4b:s4+s15], $0x80, s29, s15, $0xb8;
	[tilespmem:$0x1F000] =	vst v63  }
0x1c0: {  	_ =	swait.ge [sflag:s18], $0x4000  }
0x1c1: {  	[sflag:s18] =	ssyncset.done $0x0  }
0x1c2: {  	s30 =	rddreg [dreg:$0x11];
	[sflag:s18] =	ssyncadd.s32 $0xFFFFC000  }
0x1c3: {  	[spmem:s2] =	stream.indirect.scatter.add.f32 [tilespmem:s16], [sflag:$0x3], $0x80, s30, s15, $0xb8;
	[tilespmem:$0x1F000] =	vst v63  }
0x1c4: {  	_ =	swait.ge [sflag:s20], $0x4000  }
0x1c5: {  	s0 =	sshra.s32 @!p0 s24, $0x2;
	s24 =	simm.s32 @!p0 $0x3000;
	[sflag:s20] =	ssyncset.done $0x0  }
0x1c6: {  	s0 =	sadd.s32 @!p0 $0x800, s0;
	s1 =	simm.s32 @!p0 $0x80;
	[sflag:s20] =	ssyncadd.s32 $0xFFFFC000  }
0x1c7: {  	[tilespmem:s24], [sflag:$0x1] =	stream.indirect.gather @!p0 [hbm4b:s4+s1], $0x80, s0, s1, $0xb8;
	[tilespmem:$0x1F000] =	vst v63  }
0x1c8: {  	_ =	swait.ge [sflag:s21], $0x4000  }
0x1c9: {  	[sflag:s21] =	ssyncset.done $0x0  }
0x1ca: {  	s31 =	rddreg [dreg:$0x12];
	[sflag:s21] =	ssyncadd.s32 $0xFFFFC000  }
0x1cb: {  	[spmem:s2] =	stream.indirect.scatter.add.f32 [tilespmem:s17], [sflag:$0x4], $0x80, s31, s15, $0xb8;
	[tilespmem:$0x1F000] =	vst v63  }
0x1cc: {  	_ =	swait.ge [sflag:s22], $0x4000  }
0x1cd: {  	s23 =	sadd.s32 $0x1, s23;
	[sflag:s22] =	ssyncset.done $0x0  }
0x1ce: {  	p0 =	sne.s32 s23, s9;
	[sflag:s22] =	ssyncadd.s32 $0xFFFFC000  }
.Ltmp1:
0x1cf: {  	[bflag:$0x0] =	sbarrier.arrive $0xFFFF;
	(pc) =	sbr.rel @p0 .LBB2_1-.Ltmp1, $4  }
0x1d0: {  	[hbm:s8], [sflag:s13] =	dma.local [spmem:s14], $0x2800  }
0x1d1: {  	_ =	swait.ge [sflag:s11], $0x2800  }
0x1d2: {  	[sflag:s11] =	ssyncset.done $0x0  }
0x1d3: {  	[sflag:s11] =	ssyncadd.s32 $0xFFFFD800  }
0x1d4: {  	_ =	sfence.sel $0x180000  }
0x1d5: {  	[bflag:$0x0] =	sbarrier.arrive $0xFFFF  }
0x1d6: {  	_ =	strace $0x9000004D  }
0x1d7: {  	s0 =	stileid.u32;
	[bflag:$0x2] =	sbarrier.arrive $0xFFFF  }
0x1d8: {  	p0 =	sne.s32 s0, $0x0;
	s0 =	rddreg [dreg:$0x4]  }
0x1d9: {  	s0 =	sadd.s32 @!p0 $0x100000, s0  }
0x1da: {  	[sflag:s0] =	ssyncadd.tile.s32 @!p0 $0x1;
	_ =	shalt  }
.Lfunc_end2:
_tile_overlayer_lowered:
.L_overlay_start_2:
0x1db: {  	(tag) =	ssettag $0x2  }
0x1dc: {  	s0 =	rddreg [dreg:$0x0];
	s2 =	stileid.u32  }
0x1dd: {  	s1 =	rddreg [dreg:$0x1];
	p0 =	sne.s32 s2, $0x0  }
0x1de: {  	s3 =	rddreg [dreg:$0x2];
	[bflag:$0x3] =	sbarrier.arrive $0xFFFF;
	s2 =	simm.s32 @!p0 $0x1C05  }
0x1df: {  	[timem:s3], [sflag:s2] =	dma.local @!p0 [hbm:s0], s1  }
0x1e0: {  	s0 =	simm.s32 @!p0 $0x5  }
0x1e1: {  	_ =	swait.ge @!p0 [sflag:s0], s1  }
0x1e2: {  	s1 =	ssub.s32 @!p0 $0x0, s1;
	[sflag:s0] =	ssyncset.done @!p0 $0x0  }
0x1e3: {  	[sflag:s0] =	ssyncadd.s32 @!p0 s1  }
0x1e4: {  	[bflag:$0x3] =	sbarrier.arrive $0xFFFF  }
0x1e5: {  	_ =	shalt  }

// kernel: kernel.8.cloned.1.call-start
scs
__scs_entry_jumppad:
0x0: {  	(pc) =	sbr.rel $0x88, $3  }
0x1: {  	(tag) =	ssettag $0x0;
	lr =	simm.s32 $0x1  }
0x2: {  	[smem:$0x3F99] =	sst lr;
	_ =	strace $0xD0000000  }
0x3: {  	_ = 	snop  }
0x4: {  	_ = 	snop  }
0x5: {  	_ = 	snop  }
0x6: {  	_ = 	snop  }
0x7: {  	_ = 	snop  }
__scs_overlays_trampoline_lowered:
0x8: {  	[smem:$0x3FA8] =	sst s0  }
0x9: {  	[smem:$0x3FA9] =	sst s1  }
0xa: {  	[smem:$0x3FAA] =	sst s2  }
0xb: {  	[smem:$0x3FAB] =	sst s3  }
0xc: {  	[smem:$0x3FAC] =	sst s4  }
0xd: {  	[smem:$0x3FAD] =	sst s5  }
0xe: {  	[smem:$0x3FAE] =	sst s6  }
0xf: {  	[smem:$0x3FAF] =	sst s7  }
0x10: {  	[smem:$0x3FB0] =	sst s8  }
0x11: {  	[smem:$0x3FB1] =	sst s9;
	s0 =	simm.s32 @!p0 $0x0  }
0x12: {  	s1 =	sld [smem:$0x3F97];
	s0 =	simm.s32 @p0 $0x1  }
0x13: {  	[smem:$0x3FB2] =	sst s0;
	s0 =	simm.s32 @!p1 $0x0  }
0x14: {  	s2 =	sld [smem:$0x3F96];
	s0 =	simm.s32 @p1 $0x1  }
0x15: {  	[smem:$0x3FB3] =	sst s0;
	s0 =	simm.s32 @!p2 $0x0  }
0x16: {  	s3 =	sld [smem:$0x3FDB];
	s0 =	simm.s32 @p2 $0x1  }
0x17: {  	s4 =	simm.s32 $0x1BF5;
	[smem:$0x3FB5] =	sst s0  }
0x18: {  	s0 =	sld [smem:$0x3F98];
	_ =	swait.ge [sflag:s4], $0x0  }
0x19: {  	s7 =	sld [smem:$0x3F99]  }
0x1a: {  	s8 =	sadd.s32 $0xFFFFE003, lr  }
0x1b: {  	s9 =	sadd.s32 $0xFFFFFEF7, lr;
	s5 =	simm.s32 $0xFFFFFFFF;
	p2 =	slt.u32 s8, $0xFFFFF086  }
0x1c: {  	p1 =	slt.u32 s9, $0xF7A;
	s5 =	simm.s32 @!p2 $0x0  }
0x1d: {  	s5 =	simm.s32 @p1 $0x1;
	p0 =	seq.s32 s7, s2  }
0x1e: {  	s7 =	smul.u32 @!p0 $0xF7A, s2;
	p2 =	seq.s32 @!p0 s5, $0x0  }
0x1f: {  	s9 =	smul.u32 $0xF7A, s1;
	s8 =	simm.s32 @!p0 $0x1BF5;
	p2 =	por !p2, p0  }
0x20: {  	[sflag:s8] =	ssyncset.s32 @!p0 $0xFFFFF086;
	s6 =	sadd.s32 @!p0 s3, s7;
	s7 =	simm.s32 @!p0 $0x108  }
0x21: {  	s3 =	sadd.s32 s3, s9;
	s6 =	sadd.s32 @!p0 $0x88, s6;
	s7 =	simm.s32 @p2 $0x1082  }
0x22: {  	[simem:s7], [sflag:s8] =	dma.local @!p0 [hbm:s6], $0xF7A  }
0x23: {  	s9 =	sor.u32 $0xD0000000, s2;
	s6 =	simm.s32 $0x108;
	_ =	swait.ge @!p0 [sflag:s8], $0x0  }
0x24: {  	s3 =	sadd.s32 $0x88, s3;
	s6 =	simm.s32 @!p1 $0x1082;
	[sflag:s4] =	ssyncset.s32 $0xFFFFF086  }
0x25: {  	[simem:s6], [sflag:s4] =	dma.local [hbm:s3], $0xF7A  }
0x26: {  	[smem:$0x3F99] =	sst s1;
	(tag) =	ssettag s2;
	_ =	strace s9  }
0x27: {  	s1 =	sld [smem:$0x3FA9]  }
0x28: {  	s2 =	sld [smem:$0x3FAA]  }
0x29: {  	s4 =	sld [smem:$0x3FAC]  }
0x2a: {  	p0 =	seq.s32 s5, $0x0;
	s5 =	sld [smem:$0x3FAD]  }
0x2b: {  	s6 =	sld [smem:$0x3FAE]  }
0x2c: {  	s7 =	sld [smem:$0x3FAF]  }
0x2d: {  	s3 =	simm.s32 $0x108;
	s8 =	sld [smem:$0x3FB0]  }
0x2e: {  	s3 =	simm.s32 @!p0 $0x1082;
	s9 =	sld [smem:$0x3FB1]  }
0x2f: {  	lr =	sadd.s32 s0, s3;
	s0 =	sld [smem:$0x3FA8]  }
0x30: {  	s3 =	sld [smem:$0x3FAB]  }
0x31: {  	[smem:$0x3FB4] =	sst s10  }
0x32: {  	s10 =	sld [smem:$0x3FB2];
	_ =	sdelay $0x3  }
0x33: {  	p0 =	seq.s32 s10, $0x1;
	s10 =	sld [smem:$0x3FB4];
	_ =	sdelay $0x3  }
0x34: {  	[smem:$0x3FB4] =	sst s10  }
0x35: {  	s10 =	sld [smem:$0x3FB3];
	_ =	sdelay $0x3  }
0x36: {  	p1 =	seq.s32 s10, $0x1;
	s10 =	sld [smem:$0x3FB4];
	_ =	sdelay $0x3  }
0x37: {  	[smem:$0x3FB4] =	sst s10  }
0x38: {  	s10 =	sld [smem:$0x3FB5]  }
0x39: {  	_ = 	snop;
	(pc) =	sbr.ind lr, $3  }
0x3a: {  	_ = 	snop  }
0x3b: {  	_ = 	snop  }
0x3c: {  	p2 =	seq.s32 s10, $0x1;
	s10 =	sld [smem:$0x3FB4]  }
0x3d: {  	_ =	shalt  }
0x3e: {  	_ =	shalt  }
0x3f: {  	_ =	shalt  }
0x40: {  	_ =	shalt  }
0x41: {  	_ =	shalt  }
0x42: {  	_ =	shalt  }
0x43: {  	_ =	shalt  }
0x44: {  	_ =	shalt  }
0x45: {  	_ =	shalt  }
0x46: {  	_ =	shalt  }
0x47: {  	_ =	shalt  }
0x48: {  	_ =	shalt  }
0x49: {  	_ =	shalt  }
0x4a: {  	_ =	shalt  }
0x4b: {  	_ =	shalt  }
0x4c: {  	_ =	shalt  }
0x4d: {  	_ =	shalt  }
0x4e: {  	_ =	shalt  }
0x4f: {  	_ =	shalt  }
0x50: {  	_ =	shalt  }
0x51: {  	_ =	shalt  }
0x52: {  	_ =	shalt  }
0x53: {  	_ =	shalt  }
0x54: {  	_ =	shalt  }
0x55: {  	_ =	shalt  }
0x56: {  	_ =	shalt  }
0x57: {  	_ =	shalt  }
0x58: {  	_ =	shalt  }
0x59: {  	_ =	shalt  }
0x5a: {  	_ =	shalt  }
0x5b: {  	_ =	shalt  }
0x5c: {  	_ =	shalt  }
0x5d: {  	_ =	shalt  }
0x5e: {  	_ =	shalt  }
0x5f: {  	_ =	shalt  }
0x60: {  	_ =	shalt  }
0x61: {  	_ =	shalt  }
0x62: {  	_ =	shalt  }
0x63: {  	_ =	shalt  }
0x64: {  	_ =	shalt  }
0x65: {  	_ =	shalt  }
0x66: {  	_ =	shalt  }
0x67: {  	_ =	shalt  }
0x68: {  	_ =	shalt  }
0x69: {  	_ =	shalt  }
0x6a: {  	_ =	shalt  }
0x6b: {  	_ =	shalt  }
0x6c: {  	_ =	shalt  }
0x6d: {  	_ =	shalt  }
0x6e: {  	_ =	shalt  }
0x6f: {  	_ =	shalt  }
0x70: {  	_ =	shalt  }
0x71: {  	_ =	shalt  }
0x72: {  	_ =	shalt  }
0x73: {  	_ =	shalt  }
0x74: {  	_ =	shalt  }
0x75: {  	_ =	shalt  }
0x76: {  	_ =	shalt  }
0x77: {  	_ =	shalt  }
0x78: {  	_ =	shalt  }
0x79: {  	_ =	shalt  }
0x7a: {  	_ =	shalt  }
0x7b: {  	_ =	shalt  }
0x7c: {  	_ =	shalt  }
0x7d: {  	_ =	shalt  }
0x7e: {  	_ =	shalt  }
0x7f: {  	_ =	shalt  }
0x80: {  	_ =	shalt  }
0x81: {  	_ =	shalt  }
0x82: {  	_ =	shalt  }
0x83: {  	_ =	shalt  }
0x84: {  	_ =	shalt  }
0x85: {  	_ =	shalt  }
0x86: {  	_ =	shalt  }
0x87: {  	_ =	shalt  }
.Lfunc_end0:
.L_simem_size_0:
called_computation_lowered:
.L_overlay_start_0:
0x88: {  	s2 =	sld [smem:$0x3FD9]  }
0x89: {  	s3 =	sld [smem:$0x3FFE];
	_ =	sdelay $0x1  }
0x8a: {  	s1 =	srdreg.scid  }
0x8b: {  	s0 =	sand.u32 $0x1, s1  }
0x8c: {  	s14 =	sshll.u32 s0, $0xA;
	s2 =	sadd.s32 s3, s2  }
0x8d: {  	s2 =	sadd.s32 s2, s14  }
0x8e: {  	[smem:$0x3FC0] =	sst s2  }
0x8f: {  	_ = 	snop  }
0x90: {  	s2 =	sld [smem:$0x3FD0];
	_ =	sdelay $0x2  }
0x91: {  	s15 =	simm.s32 $0xA;
	s4 =	simm.s32 $0x10  }
0x92: {  	[smem:s4], [sflag:s15] =	dma.local [hbm:s2], $0x1  }
0x93: {  	_ =	swait.eq [sflag:s15], $0x1  }
0x94: {  	[sflag:s15] =	ssyncset.done $0x0  }
0x95: {  	s16 =	sld [smem:$0x10];
	[sflag:s15] =	ssyncadd.s32 $0xFFFFFFFF  }
0x96: {  	s17 =	sld [smem:$0x12];
	(tm) =	ssettm $0x1  }
0x97: {  	s18 =	sld [smem:$0x3FFB];
	_ =	sdelay $0x3  }
0x98: {  	_ =	strace s18  }
0x99: {  	s4 =	sld [smem:$0x3FFC];
	_ =	sdelay $0x3  }
0x9a: {  	_ =	strace s4  }
0x9b: {  	s4 =	sld [smem:$0x3FFD];
	_ =	sdelay $0x3  }
0x9c: {  	_ =	strace s4  }
0x9d: {  	_ =	strace $0x8FFFFFFF  }
0x9e: {  	s19 =	sld [smem:$0x3FDB];
	_ =	sdelay $0x1  }
0x9f: {  	s5 =	simm.s32 $_scs_section_size  }
0xa0: {  	s6 =	simm.s32 $_size__tile_overlayer_lowered;
	s7 =	simm.s32 $_tile_overlayer_lowered  }
0xa1: {  	s22 =	simm.s32 $0x1BFF;
	s21 =	sshll.u32 s7, $0x1;
	s4 =	sadd.s32 s5, s19  }
0xa2: {  	s8 =	simm.s32 $0x0;
	s20 =	sshll.u32 s6, $0x1;
	s6 =	sadd.s32 s21, s4  }
0xa3: {  	[timem:s8], [sflag:s22] =	dma.local [hbm:s6], s20  }
0xa4: {  	_ =	swait.ge [sflag:s22], s20  }
0xa5: {  	s5 =	ssub.s32 $0x0, s20;
	[sflag:s22] =	ssyncset.done $0x0  }
0xa6: {  	[sflag:s22] =	ssyncadd.s32 s5;
	_ =	sdelay $0x1  }
0xa7: {  	s23 =	simm.s32 $0x1B8B  }
0xa8: {  	_ =	swait.ge [sflag:s23], $0x1  }
0xa9: {  	[sflag:s23] =	ssyncset.done $0x0  }
0xaa: {  	s25 =	simm.s32 $0x1B8E;
	s24 =	sld [smem:$0x3FFE];
	[sflag:s23] =	ssyncadd.s32 $0xFFFFFFFF  }
0xab: {  	s26 =	simm.s32 $execute0_lowered;
	[smem:$0x3FD2] =	sst s25  }
0xac: {  	s6 =	sshll.u32 s26, $0x1;
	_ =	strace $0x80000046;
	[dreg:$0x1] =	wrdreg $0xFFFFFFFF  }
0xad: {  	s28 =	simm.s32 $_size_execute0_lowered;
	s4 =	sadd.s32 s4, s6;
	[dreg:$0x0] =	wrdreg $0x0  }
0xae: {  	s6 =	sshll.u32 s28, $0x1;
	[dreg:$0x2] =	wrdreg s4  }
0xaf: {  	[dreg:$0x3] =	wrdreg s6  }
0xb0: {  	[dreg:$0x4] =	wrdreg $0xC0  }
0xb1: {  	_ =	task [dreg:s8], $0x5FFFF  }
0xb2: {  	[dreg:$0x1] =	wrdreg $0xFFFFFFFF  }
0xb3: {  	[dreg:$0x0] =	wrdreg $0x60  }
0xb4: {  	[dreg:$0x2] =	wrdreg s17  }
0xb5: {  	[dreg:$0x3] =	wrdreg s24  }
0xb6: {  	[dreg:$0x4] =	wrdreg s16  }
0xb7: {  	[dreg:$0x5] =	wrdreg $0x28800  }
0xb8: {  	[dreg:$0x6] =	wrdreg $0x9  }
0xb9: {  	_ =	task.clear_ibuf [dreg:s8], $0x7FFFF;
	_ =	strace $0x90000046  }
0xba: {  	s29 =	simm.s32 $0x9;
	_ =	strace $0x80000048  }
0xbb: {  	_ =	swait.ge [sflag:s29], $0x1  }
0xbc: {  	[sflag:s29] =	ssyncadd.s32 $0xFFFFFFFF  }
0xbd: {  	_ =	strace $0x90000048  }
0xbe: {  	_ =	sfence  }
0xbf: {  	s30 =	sld [smem:$0x0];
	_ =	sdelay $0x2  }
0xc0: {  	s31 =	sshll.u32 s1, $0xD;
	s1 =	sshrl.u32 s1, $0x2  }
0xc1: {  	s3 =	sand.u32 $0x4000, s31;
	s1 =	sadd.s32 s1, s30  }
0xc2: {  	s0 =	sor.u32 s3, s0;
	s1 =	sshll.u32 s1, $0x11  }
0xc3: {  	s0 =	sor.u32 s1, s0  }
0xc4: {  	s0 =	sadd.s32 $0x8F2B, s0  }
0xc5: {  	[sflag:s0] =	ssyncadd.remote.s32 $0x1  }
0xc6: {  	_ =	sfence.sel $0xFFFF  }
0xc7: {  	[dreg:$0x0] =	wrdreg $0xFFFFFFFF;
	(pc) =	sbr.abs _section_cstart, $3  }
0xc8: {  	[dreg:$0x1] =	wrdreg $0xFFFFFFFF  }
0xc9: {  	_ =	task.clear_ibuf [dreg:s8], $0x2FFFF;
	_ =	strace $0x9FFFFFFF  }
0xca: {  	(tm) =	ssettm $0x7FFFFFFF  }
0xcb: {  	_ =	shalt  }
tec
execute0_lowered:
.L_overlay_start_1:
0x0: {  	(tag) =	ssettag $0x1  }
0x1: {  	s4 =	rddreg [dreg:$0x0]  }
0x2: {  	s5 =	rddreg [dreg:$0x1]  }
0x3: {  	s6 =	rddreg [dreg:$0x2]  }
0x4: {  	s2 =	rddreg [dreg:$0x3]  }
0x5: {  	s0 =	rddreg [dreg:$0x4];
	s1 =	stileid.u32  }
0x6: {  	s7 =	srdreg.scid;
	s3 =	simm.s32 $0x0;
	s13 =	simm.s32 $0x1  }
0x7: {  	s14 =	simm.s32 $0x20;
	s15 =	simm.s32 $0x10;
	s16 =	simm.s32 $0x0  }
0x8: {  	s7 =	sand.u32 $0x1, s7;
	s8 =	sshll.u32 s1, $0x1;
	s9 =	smul.u32 $0x280, s1  }
0x9: {  	[smem:$0x7FF] =	sst s3;
	s12 =	smul.u32 $0x500, s1;
	s31 =	sshll.u32 s1, $0x6  }
0xa: {  	s8 =	sor.u32 s7, s8;
	_ =	strace $0x80000047;
	s11 =	ssub.s32 $0x2, s7  }
0xb: {  	s7 =	sshll.u32 s7, $0x7;
	s8 =	smul.u32 $0x500, s8;
	s10 =	sshrl.u32 s9, $0x3  }
0xc: {  	s29 =	sshrl.u32 s11, $0x1;
	s7 =	sor.u32 s7, s12;
	s30 =	sadd.s32 s9, s2  }
0xd: {  	s9 =	sor.u32 $0x1C02, s31;
	s12 =	simm.s32 $0x2800;
	s5 =	sadd.s32 s10, s5  }
0xe: {  	s10 =	ssub.s32 s11, s29;
	s7 =	sshrl.u32 s7, $0x3;
	s11 =	simm.s32 $0x80  }
0xf: {  	s4 =	sadd.s32 s4, s8;
	s5 =	sadd.s32 $0x2800, s5;
	s6 =	sadd.s32 s6, s7  }
0x10: {  	v0 =	vimm.f32 $1.000000000e+00;
	s7 =	smax.u32 s10, $0x1;
	s8 =	simm.s32 $0x2;
	s10 =	sshrl.u32 s30, $0x3  }
.LBB2_1:
0x11: {  	[tilespmem:$0x2800] =	vst v0  }
0x12: {  	[tilespmem:$0x2810] =	vst v0  }
0x13: {  	[tilespmem:$0x2820] =	vst v0  }
0x14: {  	[tilespmem:$0x2830] =	vst v0  }
0x15: {  	[tilespmem:$0x2840] =	vst v0  }
0x16: {  	[tilespmem:$0x2850] =	vst v0  }
0x17: {  	[tilespmem:$0x2860] =	vst v0  }
0x18: {  	[tilespmem:$0x2870] =	vst v0  }
0x19: {  	[tilespmem:s3], [sflag:$0x2] =	stream.linear.gather [hbm4b:s4+s3], $0x2800, $0x38;
	[tilespmem:$0x2B00] =	vst v63  }
0x1a: {  	_ =	swait.ge [sflag:s8], $0x2800  }
0x1b: {  	[sflag:s8] =	ssyncset.done $0x0  }
0x1c: {  	[sflag:s8] =	ssyncadd.s32 $0xFFFFD800  }
0x1d: {  	[spmem:s10], [sflag:s9] =	dma.local [hbm:s5], $0x50  }
0x1e: {  	_ =	swait.ge [sflag:s8], $0x50  }
0x1f: {  	[sflag:s8] =	ssyncset.done $0x0  }
0x20: {  	p0 =	por $0x1, $0x1;
	[sflag:s8] =	ssyncadd.s32 $0xFFFFFFB0  }
0x21: {  	s19 =	simm.s32 @!p0 $0x1;
	[bflag:$0x0] =	sbarrier.arrive $0xFFFF  }
0x22: {  	[spmem:s2] =	stream.indirect.scatter.add.f32 [tilespmem:s12], [sflag:$0x1], $0x1, s3, s11, $0xb8;
	[tilespmem:$0x2B00] =	vst v63  }
0x23: {  	_ =	swait.ge @!p0 [sflag:s19], $0x80  }
0x24: {  	s17 =	simm.s32 $0x1;
	s18 =	simm.s32 $0x0;
	[sflag:s19] =	ssyncset.done @!p0 $0x0  }
.LBB2_2:
0x25: {  	[sflag:s19] =	ssyncadd.s32 @!p0 $0xFFFFFF80  }
0x26: {  	s18 =	sadd.s32 $0x80, s18;
	s19 =	smov.u32 s17;
	s17 =	sadd.s32 $0x1, s17  }
0x27: {  	p1 =	sne.s32 s17, $0x50  }
0x28: {  	[spmem:s2] =	stream.indirect.scatter.add.f32 [tilespmem:s12], [sflag:$0x1], $0x1, s18, s11, $0xb8;
	[tilespmem:$0x2B00] =	vst v63  }
.Ltmp0:
0x29: {  	_ = 	snop;
	(pc) =	sbr.rel @p1 .LBB2_2-.Ltmp0, $4  }
0x2a: {  	p0 =	slt.u32 s19, $0x8  }
0x2b: {  	s19 =	simm.s32 @!p0 $0x1  }
0x2c: {  	_ =	swait.ge @!p0 [sflag:s19], $0x80  }
0x2d: {  	[sflag:s19] =	ssyncset.done @!p0 $0x0  }
0x2e: {  	[sflag:s19] =	ssyncadd.s32 @!p0 $0xFFFFFF80  }
0x2f: {  	_ =	swait.ge [sflag:s13], $0x80  }
0x30: {  	[sflag:s13] =	ssyncset.done $0x0  }
0x31: {  	[sflag:s13] =	ssyncadd.s32 $0xFFFFFF80  }
0x32: {  	_ =	swait.ge [sflag:s13], $0x80  }
0x33: {  	[sflag:s13] =	ssyncset.done $0x0  }
0x34: {  	[sflag:s13] =	ssyncadd.s32 $0xFFFFFF80  }
0x35: {  	_ =	swait.ge [sflag:s13], $0x80  }
0x36: {  	[sflag:s13] =	ssyncset.done $0x0  }
0x37: {  	[sflag:s13] =	ssyncadd.s32 $0xFFFFFF80  }
0x38: {  	_ =	swait.ge [sflag:s13], $0x80  }
0x39: {  	[sflag:s13] =	ssyncset.done $0x0  }
0x3a: {  	[sflag:s13] =	ssyncadd.s32 $0xFFFFFF80  }
0x3b: {  	_ =	swait.ge [sflag:s13], $0x80  }
0x3c: {  	[sflag:s13] =	ssyncset.done $0x0  }
0x3d: {  	[sflag:s13] =	ssyncadd.s32 $0xFFFFFF80  }
0x3e: {  	_ =	swait.ge [sflag:s13], $0x80  }
0x3f: {  	[sflag:s13] =	ssyncset.done $0x0  }
0x40: {  	[sflag:s13] =	ssyncadd.s32 $0xFFFFFF80  }
0x41: {  	_ =	swait.ge [sflag:s13], $0x80  }
0x42: {  	[sflag:s13] =	ssyncset.done $0x0  }
0x43: {  	[sflag:s13] =	ssyncadd.s32 $0xFFFFFF80  }
0x44: {  	_ =	swait.ge [sflag:s13], $0x80  }
0x45: {  	s16 =	sadd.s32 $0x1, s16;
	[sflag:s13] =	ssyncset.done $0x0  }
0x46: {  	p0 =	sne.s32 s16, s7;
	[sflag:s13] =	ssyncadd.s32 $0xFFFFFF80  }
.Ltmp1:
0x47: {  	[bflag:$0x0] =	sbarrier.arrive $0xFFFF;
	(pc) =	sbr.rel @p0 .LBB2_1-.Ltmp1, $4  }
0x48: {  	[hbm:s6@s14], [sflag:s9] =	dma.strided [spmem:s10@s15], $0x50, s13, $0x10   }
0x49: {  	_ =	swait.ge [sflag:s8], $0x50  }
0x4a: {  	[sflag:s8] =	ssyncset.done $0x0  }
0x4b: {  	[sflag:s8] =	ssyncadd.s32 $0xFFFFFFB0  }
0x4c: {  	_ =	sfence.sel $0x180000  }
0x4d: {  	[bflag:$0x0] =	sbarrier.arrive $0xFFFF  }
0x4e: {  	p0 =	sne.s32 s1, $0x0;
	_ =	strace $0x90000047  }
0x4f: {  	s0 =	sadd.s32 @!p0 $0x100000, s0;
	[bflag:$0x2] =	sbarrier.arrive $0xFFFF  }
0x50: {  	[sflag:s0] =	ssyncadd.tile.s32 @!p0 $0x1;
	_ =	shalt  }
.Lfunc_end2:
_tile_overlayer_lowered:
.L_overlay_start_2:
0x51: {  	(tag) =	ssettag $0x2  }
0x52: {  	s0 =	rddreg [dreg:$0x0];
	s2 =	stileid.u32  }
0x53: {  	s1 =	rddreg [dreg:$0x1];
	p0 =	sne.s32 s2, $0x0  }
0x54: {  	s3 =	rddreg [dreg:$0x2];
	[bflag:$0x3] =	sbarrier.arrive $0xFFFF;
	s2 =	simm.s32 @!p0 $0x1C02  }
0x55: {  	[timem:s3], [sflag:s2] =	dma.local @!p0 [hbm:s0], s1  }
0x56: {  	s0 =	simm.s32 @!p0 $0x2  }
0x57: {  	_ =	swait.ge @!p0 [sflag:s0], s1  }
0x58: {  	s1 =	ssub.s32 @!p0 $0x0, s1;
	[sflag:s0] =	ssyncset.done @!p0 $0x0  }
0x59: {  	[sflag:s0] =	ssyncadd.s32 @!p0 s1  }
0x5a: {  	[bflag:$0x3] =	sbarrier.arrive $0xFFFF  }
0x5b: {  	_ =	shalt  }

</sc_bundles>
